<compile_context>
chip_gen: v7x
topology: tpu7x:2x2x1
jax: 0.10.2.dev20260603
libtpu: 0.0.44.dev20260713+nightly
codegen_flags: <defaults>
</compile_context>

<pallas_src>
import functools
import jax
import jax.numpy as jnp
from jax import lax
from jax.experimental import pallas as pl
from jax.experimental.pallas import tpu as pltpu
from jax.experimental.pallas import tpu_sc as plsc

_ORDER = 10
_N = 10000
_E = 320000
_RANK = 128

_NSUB = 16
_NCORE = 2
_HALF = _RANK // _NCORE
_CH = 128
_EPT = -(-_E // _NSUB)
_NCHUNK = -(-_EPT // _CH)
_EPAD = _NSUB * _NCHUNK * _CH
_NACC = ((_N + _NSUB + _NSUB - 1) // _NSUB) * _NSUB
_RPT = _N // _NSUB
_RSC = 125
_NSC = _RPT // _RSC
_NB = 5
_NI = 7


def _body(xin, edg, alph, out, acc, xsp, rows, idxb, alpha_all,
          isem, gsem, whbm, wsp, ssem):
    c = lax.axis_index("c")
    s = lax.axis_index("s")
    f0 = c * _HALF

    pltpu.sync_copy(alph.at[:, pl.ds(f0, _HALF)], alpha_all)

    zvec = jnp.zeros((16,), jnp.float32)

    def zero_rows0():
        def zrow(r, carry):
            for fg in range(_HALF // 16):
                rows[0, r, pl.ds(fg * 16, 16)] = zvec
            return carry

        lax.fori_loop(0, _CH, zrow, 0)

    zero_rows0()

    def scale_emit(i, read_cp):
        a = [alpha_all[i, pl.ds(fg * 16, 16)] for fg in range(_HALF // 16)]

        def bref(k):
            return rows.at[1 + (k % 2)]

        def row0(k):
            return s * _RPT + k * _RSC

        def writes(k):
            src = bref(k).at[pl.ds(0, _RSC)]
            r0 = row0(k)
            return (
                pltpu.make_async_copy(
                    src, out.at[pl.ds(r0, _RSC), i, pl.ds(f0, _HALF)], whbm),
                pltpu.make_async_copy(src, xsp.at[pl.ds(r0, _RSC)], wsp),
                pltpu.make_async_copy(
                    rows.at[0].at[pl.ds(0, _RSC)], acc.at[pl.ds(r0, _RSC)],
                    wsp),
            )

        read_cp(0, bref(0).at[pl.ds(0, _RSC)]).start()
        for k in range(_NSC):
            read_cp(k, bref(k).at[pl.ds(0, _RSC)]).wait()
            if k >= 1:
                for w in writes(k - 1):
                    w.wait()
            if k + 1 < _NSC:
                read_cp(k + 1, bref(k + 1).at[pl.ds(0, _RSC)]).start()

            ref = bref(k)

            def srow(r, carry):
                for fg in range(_HALF // 16):
                    sl = pl.ds(fg * 16, 16)
                    ref[r, sl] = ref[r, sl] * a[fg]
                return carry

            lax.fori_loop(0, _RSC, srow, 0)
            for w in writes(k):
                w.start()
        pltpu.make_async_copy(
            rows.at[0].at[pl.ds(0, 1)], acc.at[pl.ds(_N + s, 1)], wsp).start()
        for w in writes(_NSC - 1):
            w.wait()
        pltpu.make_async_copy(
            rows.at[0].at[pl.ds(0, 1)], acc.at[pl.ds(_N + s, 1)], wsp).wait()

    def read_xin(k, dst):
        r0 = s * _RPT + k * _RSC
        return pltpu.make_async_copy(
            xin.at[pl.ds(r0, _RSC), pl.ds(f0, _HALF)], dst, isem)

    scale_emit(0, read_xin)
    plsc.subcore_barrier()

    def idx_cp(j, bi):
        return pltpu.make_async_copy(edg.at[s, j], idxb.at[bi], isem)

    def gather_cp(b, bi):
        return pltpu.make_async_copy(
            xsp.at[idxb.at[bi, 0]], rows.at[b], gsem)

    def scatter_cp(j, b, bi):
        del j
        return pltpu.make_async_copy(
            rows.at[b], acc.at[idxb.at[bi, 1]], ssem)

    def edge_loop():
        for j0 in range(5):
            idx_cp(j0, j0).start()
        for j0 in range(3):
            idx_cp(j0, j0).wait()
            gather_cp(j0, j0).start()

        def chunk(j, carry2):
            @pl.when(j >= 2)
            def _():
                scatter_cp(j - 2, lax.rem(j - 2, _NB),
                           lax.rem(j - 2, _NI)).wait()

            @pl.when(j + 3 < _NCHUNK)
            def _():
                idx_cp(j + 3, lax.rem(j + 3, _NI)).wait()
                gather_cp(lax.rem(j + 3, _NB), lax.rem(j + 3, _NI)).start()

            @pl.when(j + 5 < _NCHUNK)
            def _():
                idx_cp(j + 5, lax.rem(j + 5, _NI)).start()

            b = lax.rem(j, _NB)
            bi = lax.rem(j, _NI)
            gather_cp(b, bi).wait()
            pltpu.async_copy(rows.at[b], acc.at[idxb.at[bi, 1]], ssem,
                             add=True)
            return carry2

        lax.fori_loop(0, _NCHUNK, chunk, 0)
        for jl in range(_NCHUNK - 2, _NCHUNK):
            scatter_cp(jl, jl % _NB, jl % _NI).wait()

    def read_acc(k, dst):
        r0 = s * _RPT + k * _RSC
        return pltpu.make_async_copy(acc.at[pl.ds(r0, _RSC)], dst, gsem)

    def iteration(i, carry):
        edge_loop()
        plsc.subcore_barrier()
        zero_rows0()
        scale_emit(i, read_acc)
        plsc.subcore_barrier()
        return carry

    lax.fori_loop(1, _ORDER + 1, iteration, 0)


@jax.jit
def _poly_conv(xin, edg, alph):
    mesh = plsc.VectorSubcoreMesh(core_axis_name="c", subcore_axis_name="s")
    f = pl.kernel(
        _body,
        out_type=jax.ShapeDtypeStruct((_N, _ORDER + 1, _RANK), jnp.float32),
        mesh=mesh,
        scratch_types=[
            pltpu.VMEM_SHARED((_NACC, _HALF), jnp.float32),
            pltpu.VMEM_SHARED((_N, _HALF), jnp.float32),
            pltpu.VMEM((_NB, _CH, _HALF), jnp.float32),
            pltpu.VMEM((_NI, 2, _CH), jnp.int32),
            pltpu.VMEM((_ORDER + 1, _HALF), jnp.float32),
            pltpu.SemaphoreType.DMA,
            pltpu.SemaphoreType.DMA,
            pltpu.SemaphoreType.DMA,
            pltpu.SemaphoreType.DMA,
            pltpu.SemaphoreType.DMA,
        ],
        compiler_params=pltpu.CompilerParams(use_tc_tiling_on_sc=False),
    )
    return f(xin, edg, alph)


def kernel(inputs, edge_index, weight):
    alphas = weight * jnp.tanh(1.0 / (weight + 1e-05))
    alph = alphas.reshape(_ORDER + 1, _RANK)

    src = edge_index[0]
    dst = edge_index[1]
    pad = _EPAD - _E
    srcp = jnp.concatenate(
        [src, jnp.zeros((pad,), jnp.int32)]).reshape(_NSUB, _NCHUNK, _CH)
    dstp = jnp.concatenate(
        [dst, _N + (jnp.arange(pad, dtype=jnp.int32) % _NSUB)]
    ).reshape(_NSUB, _NCHUNK, _CH)
    edg = jnp.stack([srcp, dstp], axis=2)

    return _poly_conv(inputs, edg, alph)

# --- scband reference (transcript-rebuilt; emitter-appended) ---
"""Pipeline reference for scband-poly-conv-11081015624278 (READ-ONLY COPY).

The authoritative reference and input builder live on the scoring server;
editing this copy changes nothing except your own understanding.
"""

import jax, jax.numpy as jnp
import numpy as np

ORDER = 10
N = 10000
E = 320000
RANK = 128


def setup_inputs(seed: int = 0) -> dict:
    key = jax.random.key(seed)
    k1, k2 = jax.random.split(key)
    inputs = jax.random.normal(k1, (N, RANK), dtype=jnp.float32)
    edge_index = jax.random.randint(k2, (2, E), 0, N, dtype=jnp.int32)
    # learned parameter: weight of shape (order+1, 1, rank), initialized to ones as in torch
    weight = jnp.ones((ORDER + 1, 1, RANK), dtype=jnp.float32)
    return {"inputs": inputs, "edge_index": edge_index, "weight": weight}


def reference(inputs, edge_index, weight):
    # decom_D=True branch: alphas = w * tanh(1/(w+1e-5))
    alphas = weight * jnp.tanh(1.0 / (weight + 1e-05))
    src = edge_index[0]
    dst = edge_index[1]

    def spmm(x):
        # sparse adjacency matmul: gather source features, scatter-add into dst nodes
        msgs = jnp.take(x, src, axis=0)
        return jax.ops.segment_sum(msgs, dst, num_segments=N)

    # Monomial polynomial basis conv: x_0 = alpha_0 * x; x_i = alpha_i * (A @ x_{i-1})
    xs = [alphas[0] * inputs]
    for i in range(1, ORDER + 1):
        xs.append(alphas[i] * spmm(xs[-1]))
    # cat of unsqueezed hops -> [N, order+1, rank]
    return jnp.stack(xs, axis=1)

if __name__ == "__main__":
    import jax
    _d = setup_inputs()
    print(jax.jit(kernel)(*tuple(_d.values())))

</pallas_src>

<mosaic_0001>
#map = affine_map<(d0, d1) -> (0, 0)>
#map1 = affine_map<(d0, d1) -> (0, 0, 0, 0)>
#map2 = affine_map<(d0, d1) -> (0, 0, 0)>
module attributes {stable_mosaic.version = 14 : i64} {
  func.func @_body(%arg0: i32, %arg1: i32, %arg2: memref<10000x128xf32, #tpu.memory_space<hbm>>, %arg3: memref<16x157x2x128xi32, #tpu.memory_space<hbm>>, %arg4: memref<11x128xf32, #tpu.memory_space<hbm>>, %arg5: memref<10000x11x128xf32, #tpu.memory_space<hbm>>, %arg6: memref<10016x64xf32, #tpu.memory_space<vmem_shared>>, %arg7: memref<10000x64xf32, #tpu.memory_space<vmem_shared>>, %arg8: memref<5x128x64xf32, #tpu.memory_space<vmem>>, %arg9: memref<7x2x128xi32, #tpu.memory_space<vmem>>, %arg10: memref<11x64xf32, #tpu.memory_space<vmem>>, %arg11: memref<!tpu.dma_semaphore, #tpu.memory_space<semaphore_mem>>, %arg12: memref<!tpu.dma_semaphore, #tpu.memory_space<semaphore_mem>>, %arg13: memref<!tpu.dma_semaphore, #tpu.memory_space<semaphore_mem>>, %arg14: memref<!tpu.dma_semaphore, #tpu.memory_space<semaphore_mem>>, %arg15: memref<!tpu.dma_semaphore, #tpu.memory_space<semaphore_mem>>) attributes {dimension_semantics = [#tpu.dimension_semantics<core_parallel>, #tpu.dimension_semantics<subcore_parallel>], iteration_bounds = array<i64: 2, 16>, scalar_prefetch = 0 : i64, scratch_operands = 10 : i64, tpu.core_type = #tpu.core_type<sc_vector_subcore>, window_params = [{transform_indices = #map}, {transform_indices = #map1}, {transform_indices = #map}, {transform_indices = #map2}]} {
    %mul3A = arith.constant 64 : i32
    %mul3A_0 = arith.muli %arg0, %mul3A : i32
    "tpu.region"() ({
      %run_scoped3A = tpu.sem_alloc : memref<!tpu.dma_semaphore, #tpu.memory_space<semaphore_mem>>
      %dma_start3A_936 = arith.constant 0 : i32
      %dma_start3A_937 = tpu.memref_slice %arg4[%dma_start3A_936, %mul3A_0] : memref<11x128xf32, #tpu.memory_space<hbm>> -> memref<11x64xf32, #tpu.memory_space<hbm>>
      %dma_start3A_938 = arith.constant 0 : i32
      %dma_start3A_939 = tpu.memref_slice %arg4[%dma_start3A_938, %mul3A_0] : memref<11x128xf32, #tpu.memory_space<hbm>> -> memref<11x64xf32, #tpu.memory_space<hbm>>
      tpu.enqueue_dma source(%dma_start3A_939 : memref<11x64xf32, #tpu.memory_space<hbm>>) target(%arg10 : memref<11x64xf32, #tpu.memory_space<vmem>>) target_semaphore(%run_scoped3A : memref<!tpu.dma_semaphore, #tpu.memory_space<semaphore_mem>>)
      %dma_wait3A_940 = arith.constant 0 : i32
      %dma_wait3A_941 = tpu.memref_slice %arg4[%dma_wait3A_940, %mul3A_0] : memref<11x128xf32, #tpu.memory_space<hbm>> -> memref<11x64xf32, #tpu.memory_space<hbm>>
      %dma_wait3A_942 = arith.constant 0 : i32
      %dma_wait3A_943 = tpu.memref_slice %arg4[%dma_wait3A_942, %mul3A_0] : memref<11x128xf32, #tpu.memory_space<hbm>> -> memref<11x64xf32, #tpu.memory_space<hbm>>
      tpu.wait_dma2 semaphore(%run_scoped3A : memref<!tpu.dma_semaphore, #tpu.memory_space<semaphore_mem>>) src(%dma_wait3A_943 : memref<11x64xf32, #tpu.memory_space<hbm>>) dst(%arg10 : memref<11x64xf32, #tpu.memory_space<vmem>>)
      tpu.yield
    }) : () -> ()
    %broadcast_in_dim3A = arith.constant 0.000000e+00 : f32
    %broadcast_in_dim3A_1 = vector.broadcast %broadcast_in_dim3A : f32 to vector<16xf32>
    %scan3A = arith.constant 0 : i32
    %scan3A_2 = arith.constant 0 : i32
    %scan3A_3 = arith.constant 128 : i32
    %scan3A_4 = arith.addi %scan3A_2, %scan3A_3 : i32
    %scan3A_5 = arith.constant 1 : i32
    scf.for %scan3A_936 = %scan3A_2 to %scan3A_4 step %scan3A_5  : i32 {
      %swap3A = arith.constant 0 : i32
      %swap3A_937 = arith.index_cast %swap3A : i32 to index
      %swap3A_938 = arith.index_cast %scan3A_936 : i32 to index
      %swap3A_939 = arith.constant 0 : index
      %swap3A_940 = tpu.vector_load %arg8[%swap3A_937, %swap3A_938, %swap3A_939] {strides = array<i32>} : memref<5x128x64xf32, #tpu.memory_space<vmem>>, vector<1x1x16xf32>,
      %swap3A_941 = vector.shape_cast %swap3A_940 : vector<1x1x16xf32> to vector<16xf32>
      %swap3A_942 = vector.shape_cast %broadcast_in_dim3A_1 : vector<16xf32> to vector<1x1x16xf32>
      tpu.vector_store %arg8[%swap3A_937, %swap3A_938, %swap3A_939], %swap3A_942 {strides = array<i32>} : memref<5x128x64xf32, #tpu.memory_space<vmem>>, vector<1x1x16xf32>,
      %swap3A_943 = arith.constant 0 : i32
      %swap3A_944 = arith.index_cast %swap3A_943 : i32 to index
      %swap3A_945 = arith.index_cast %scan3A_936 : i32 to index
      %swap3A_946 = arith.constant 16 : index
      %swap3A_947 = tpu.vector_load %arg8[%swap3A_944, %swap3A_945, %swap3A_946] {strides = array<i32>} : memref<5x128x64xf32, #tpu.memory_space<vmem>>, vector<1x1x16xf32>,
      %swap3A_948 = vector.shape_cast %swap3A_947 : vector<1x1x16xf32> to vector<16xf32>
      %swap3A_949 = vector.shape_cast %broadcast_in_dim3A_1 : vector<16xf32> to vector<1x1x16xf32>
      tpu.vector_store %arg8[%swap3A_944, %swap3A_945, %swap3A_946], %swap3A_949 {strides = array<i32>} : memref<5x128x64xf32, #tpu.memory_space<vmem>>, vector<1x1x16xf32>,
      %swap3A_950 = arith.constant 0 : i32
      %swap3A_951 = arith.index_cast %swap3A_950 : i32 to index
      %swap3A_952 = arith.index_cast %scan3A_936 : i32 to index
      %swap3A_953 = arith.constant 32 : index
      %swap3A_954 = tpu.vector_load %arg8[%swap3A_951, %swap3A_952, %swap3A_953] {strides = array<i32>} : memref<5x128x64xf32, #tpu.memory_space<vmem>>, vector<1x1x16xf32>,
      %swap3A_955 = vector.shape_cast %swap3A_954 : vector<1x1x16xf32> to vector<16xf32>
      %swap3A_956 = vector.shape_cast %broadcast_in_dim3A_1 : vector<16xf32> to vector<1x1x16xf32>
      tpu.vector_store %arg8[%swap3A_951, %swap3A_952, %swap3A_953], %swap3A_956 {strides = array<i32>} : memref<5x128x64xf32, #tpu.memory_space<vmem>>, vector<1x1x16xf32>,
      %swap3A_957 = arith.constant 0 : i32
      %swap3A_958 = arith.index_cast %swap3A_957 : i32 to index
      %swap3A_959 = arith.index_cast %scan3A_936 : i32 to index
      %swap3A_960 = arith.constant 48 : index
      %swap3A_961 = tpu.vector_load %arg8[%swap3A_958, %swap3A_959, %swap3A_960] {strides = array<i32>} : memref<5x128x64xf32, #tpu.memory_space<vmem>>, vector<1x1x16xf32>,
      %swap3A_962 = vector.shape_cast %swap3A_961 : vector<1x1x16xf32> to vector<16xf32>
      %swap3A_963 = vector.shape_cast %broadcast_in_dim3A_1 : vector<16xf32> to vector<1x1x16xf32>
      tpu.vector_store %arg8[%swap3A_958, %swap3A_959, %swap3A_960], %swap3A_963 {strides = array<i32>} : memref<5x128x64xf32, #tpu.memory_space<vmem>>, vector<1x1x16xf32>,
    }
    %scan3A_6 = arith.constant 128 : i32
    %get3A = arith.constant 0 : i32
    %get3A_7 = arith.index_cast %get3A : i32 to index
    %get3A_8 = arith.constant 0 : index
    %get3A_9 = tpu.vector_load %arg10[%get3A_7, %get3A_8] {strides = array<i32>} : memref<11x64xf32, #tpu.memory_space<vmem>>, vector<1x16xf32>,
    %get3A_10 = vector.shape_cast %get3A_9 : vector<1x16xf32> to vector<16xf32>
    %get3A_11 = arith.constant 0 : i32
    %get3A_12 = arith.index_cast %get3A_11 : i32 to index
    %get3A_13 = arith.constant 16 : index
    %get3A_14 = tpu.vector_load %arg10[%get3A_12, %get3A_13] {strides = array<i32>} : memref<11x64xf32, #tpu.memory_space<vmem>>, vector<1x16xf32>,
    %get3A_15 = vector.shape_cast %get3A_14 : vector<1x16xf32> to vector<16xf32>
    %get3A_16 = arith.constant 0 : i32
    %get3A_17 = arith.index_cast %get3A_16 : i32 to index
    %get3A_18 = arith.constant 32 : index
    %get3A_19 = tpu.vector_load %arg10[%get3A_17, %get3A_18] {strides = array<i32>} : memref<11x64xf32, #tpu.memory_space<vmem>>, vector<1x16xf32>,
    %get3A_20 = vector.shape_cast %get3A_19 : vector<1x16xf32> to vector<16xf32>
    %get3A_21 = arith.constant 0 : i32
    %get3A_22 = arith.index_cast %get3A_21 : i32 to index
    %get3A_23 = arith.constant 48 : index
    %get3A_24 = tpu.vector_load %arg10[%get3A_22, %get3A_23] {strides = array<i32>} : memref<11x64xf32, #tpu.memory_space<vmem>>, vector<1x16xf32>,
    %get3A_25 = vector.shape_cast %get3A_24 : vector<1x16xf32> to vector<16xf32>
    %mul3A_26 = arith.constant 625 : i32
    %mul3A_27 = arith.muli %arg1, %mul3A_26 : i32
    %add3A = arith.constant 0 : i32
    %add3A_28 = arith.addi %mul3A_27, %add3A : i32
    %dma_start3A = arith.constant 1 : i32
    %dma_start3A_29 = arith.constant 0 : i32
    %dma_start3A_30 = arith.constant 0 : i32
    %dma_start3A_31 = tpu.memref_slice %arg8[%dma_start3A, %dma_start3A_29, %dma_start3A_30] : memref<5x128x64xf32, #tpu.memory_space<vmem>> -> memref<1x128x64xf32, #tpu.memory_space<vmem>>
    %dma_start3A_32 = tpu.memref_squeeze %dma_start3A_31 : memref<1x128x64xf32, #tpu.memory_space<vmem>> -> memref<128x64xf32, #tpu.memory_space<vmem>>
    %dma_start3A_33 = arith.constant 0 : i32
    %dma_start3A_34 = arith.constant 0 : i32
    %dma_start3A_35 = tpu.memref_slice %dma_start3A_32[%dma_start3A_33, %dma_start3A_34] : memref<128x64xf32, #tpu.memory_space<vmem>> -> memref<125x64xf32, #tpu.memory_space<vmem>>
    %dma_start3A_36 = tpu.memref_slice %arg2[%add3A_28, %mul3A_0] : memref<10000x128xf32, #tpu.memory_space<hbm>> -> memref<125x64xf32, #tpu.memory_space<hbm>>
    %dma_start3A_37 = arith.constant 0 : i32
    %dma_start3A_38 = arith.constant 0 : i32
    %dma_start3A_39 = tpu.memref_slice %arg8[%dma_start3A, %dma_start3A_37, %dma_start3A_38] : memref<5x128x64xf32, #tpu.memory_space<vmem>> -> memref<1x128x64xf32, #tpu.memory_space<vmem>>
    %dma_start3A_40 = tpu.memref_squeeze %dma_start3A_39 : memref<1x128x64xf32, #tpu.memory_space<vmem>> -> memref<128x64xf32, #tpu.memory_space<vmem>>
    %dma_start3A_41 = arith.constant 0 : i32
    %dma_start3A_42 = arith.constant 0 : i32
    %dma_start3A_43 = tpu.memref_slice %dma_start3A_40[%dma_start3A_41, %dma_start3A_42] : memref<128x64xf32, #tpu.memory_space<vmem>> -> memref<125x64xf32, #tpu.memory_space<vmem>>
    %dma_start3A_44 = tpu.memref_slice %arg2[%add3A_28, %mul3A_0] : memref<10000x128xf32, #tpu.memory_space<hbm>> -> memref<125x64xf32, #tpu.memory_space<hbm>>
    tpu.enqueue_dma source(%dma_start3A_44 : memref<125x64xf32, #tpu.memory_space<hbm>>) target(%dma_start3A_43 : memref<125x64xf32, #tpu.memory_space<vmem>>) target_semaphore(%arg11 : memref<!tpu.dma_semaphore, #tpu.memory_space<semaphore_mem>>)
    %mul3A_45 = arith.constant 625 : i32
    %mul3A_46 = arith.muli %arg1, %mul3A_45 : i32
    %add3A_47 = arith.constant 0 : i32
    %add3A_48 = arith.addi %mul3A_46, %add3A_47 : i32
    %dma_wait3A = arith.constant 1 : i32
    %dma_wait3A_49 = arith.constant 0 : i32
    %dma_wait3A_50 = arith.constant 0 : i32
    %dma_wait3A_51 = tpu.memref_slice %arg8[%dma_wait3A, %dma_wait3A_49, %dma_wait3A_50] : memref<5x128x64xf32, #tpu.memory_space<vmem>> -> memref<1x128x64xf32, #tpu.memory_space<vmem>>
    %dma_wait3A_52 = tpu.memref_squeeze %dma_wait3A_51 : memref<1x128x64xf32, #tpu.memory_space<vmem>> -> memref<128x64xf32, #tpu.memory_space<vmem>>
    %dma_wait3A_53 = arith.constant 0 : i32
    %dma_wait3A_54 = arith.constant 0 : i32
    %dma_wait3A_55 = tpu.memref_slice %dma_wait3A_52[%dma_wait3A_53, %dma_wait3A_54] : memref<128x64xf32, #tpu.memory_space<vmem>> -> memref<125x64xf32, #tpu.memory_space<vmem>>
    %dma_wait3A_56 = tpu.memref_slice %arg2[%add3A_48, %mul3A_0] : memref<10000x128xf32, #tpu.memory_space<hbm>> -> memref<125x64xf32, #tpu.memory_space<hbm>>
    %dma_wait3A_57 = arith.constant 0 : i32
    %dma_wait3A_58 = arith.constant 0 : i32
    %dma_wait3A_59 = tpu.memref_slice %arg8[%dma_wait3A, %dma_wait3A_57, %dma_wait3A_58] : memref<5x128x64xf32, #tpu.memory_space<vmem>> -> memref<1x128x64xf32, #tpu.memory_space<vmem>>
    %dma_wait3A_60 = tpu.memref_squeeze %dma_wait3A_59 : memref<1x128x64xf32, #tpu.memory_space<vmem>> -> memref<128x64xf32, #tpu.memory_space<vmem>>
    %dma_wait3A_61 = arith.constant 0 : i32
    %dma_wait3A_62 = arith.constant 0 : i32
    %dma_wait3A_63 = tpu.memref_slice %dma_wait3A_60[%dma_wait3A_61, %dma_wait3A_62] : memref<128x64xf32, #tpu.memory_space<vmem>> -> memref<125x64xf32, #tpu.memory_space<vmem>>
    %dma_wait3A_64 = tpu.memref_slice %arg2[%add3A_48, %mul3A_0] : memref<10000x128xf32, #tpu.memory_space<hbm>> -> memref<125x64xf32, #tpu.memory_space<hbm>>
    tpu.wait_dma2 semaphore(%arg11 : memref<!tpu.dma_semaphore, #tpu.memory_space<semaphore_mem>>) src(%dma_wait3A_64 : memref<125x64xf32, #tpu.memory_space<hbm>>) dst(%dma_wait3A_63 : memref<125x64xf32, #tpu.memory_space<vmem>>)
    %mul3A_65 = arith.constant 625 : i32
    %mul3A_66 = arith.muli %arg1, %mul3A_65 : i32
    %add3A_67 = arith.constant 125 : i32
    %add3A_68 = arith.addi %mul3A_66, %add3A_67 : i32
    %dma_start3A_69 = arith.constant 2 : i32
    %dma_start3A_70 = arith.constant 0 : i32
    %dma_start3A_71 = arith.constant 0 : i32
    %dma_start3A_72 = tpu.memref_slice %arg8[%dma_start3A_69, %dma_start3A_70, %dma_start3A_71] : memref<5x128x64xf32, #tpu.memory_space<vmem>> -> memref<1x128x64xf32, #tpu.memory_space<vmem>>
    %dma_start3A_73 = tpu.memref_squeeze %dma_start3A_72 : memref<1x128x64xf32, #tpu.memory_space<vmem>> -> memref<128x64xf32, #tpu.memory_space<vmem>>
    %dma_start3A_74 = arith.constant 0 : i32
    %dma_start3A_75 = arith.constant 0 : i32
    %dma_start3A_76 = tpu.memref_slice %dma_start3A_73[%dma_start3A_74, %dma_start3A_75] : memref<128x64xf32, #tpu.memory_space<vmem>> -> memref<125x64xf32, #tpu.memory_space<vmem>>
    %dma_start3A_77 = tpu.memref_slice %arg2[%add3A_68, %mul3A_0] : memref<10000x128xf32, #tpu.memory_space<hbm>> -> memref<125x64xf32, #tpu.memory_space<hbm>>
    %dma_start3A_78 = arith.constant 0 : i32
    %dma_start3A_79 = arith.constant 0 : i32
    %dma_start3A_80 = tpu.memref_slice %arg8[%dma_start3A_69, %dma_start3A_78, %dma_start3A_79] : memref<5x128x64xf32, #tpu.memory_space<vmem>> -> memref<1x128x64xf32, #tpu.memory_space<vmem>>
    %dma_start3A_81 = tpu.memref_squeeze %dma_start3A_80 : memref<1x128x64xf32, #tpu.memory_space<vmem>> -> memref<128x64xf32, #tpu.memory_space<vmem>>
    %dma_start3A_82 = arith.constant 0 : i32
    %dma_start3A_83 = arith.constant 0 : i32
    %dma_start3A_84 = tpu.memref_slice %dma_start3A_81[%dma_start3A_82, %dma_start3A_83] : memref<128x64xf32, #tpu.memory_space<vmem>> -> memref<125x64xf32, #tpu.memory_space<vmem>>
    %dma_start3A_85 = tpu.memref_slice %arg2[%add3A_68, %mul3A_0] : memref<10000x128xf32, #tpu.memory_space<hbm>> -> memref<125x64xf32, #tpu.memory_space<hbm>>
    tpu.enqueue_dma source(%dma_start3A_85 : memref<125x64xf32, #tpu.memory_space<hbm>>) target(%dma_start3A_84 : memref<125x64xf32, #tpu.memory_space<vmem>>) target_semaphore(%arg11 : memref<!tpu.dma_semaphore, #tpu.memory_space<semaphore_mem>>)
    %scan3A_86 = arith.constant 0 : i32
    %scan3A_87 = arith.constant 1 : i32
    %scan3A_88 = arith.constant 0 : i32
    %scan3A_89 = arith.constant 125 : i32
    %scan3A_90 = arith.addi %scan3A_88, %scan3A_89 : i32
    %scan3A_91 = arith.constant 1 : i32
    scf.for %scan3A_936 = %scan3A_88 to %scan3A_90 step %scan3A_91  : i32 {
      %get3A_937 = arith.constant 0 : i32
      %get3A_938 = arith.constant 0 : i32
      %get3A_939 = tpu.memref_slice %arg8[%scan3A_87, %get3A_937, %get3A_938] : memref<5x128x64xf32, #tpu.memory_space<vmem>> -> memref<1x128x64xf32, #tpu.memory_space<vmem>>
      %get3A_940 = tpu.memref_squeeze %get3A_939 : memref<1x128x64xf32, #tpu.memory_space<vmem>> -> memref<128x64xf32, #tpu.memory_space<vmem>>
      %get3A_941 = arith.index_cast %scan3A_936 : i32 to index
      %get3A_942 = arith.constant 0 : index
      %get3A_943 = tpu.vector_load %get3A_940[%get3A_941, %get3A_942] {strides = array<i32>} : memref<128x64xf32, #tpu.memory_space<vmem>>, vector<1x16xf32>,
      %get3A_944 = vector.shape_cast %get3A_943 : vector<1x16xf32> to vector<16xf32>
      %mul3A_945 = arith.mulf %get3A_944, %get3A_10 : vector<16xf32>
      %swap3A = arith.constant 0 : i32
      %swap3A_946 = arith.constant 0 : i32
      %swap3A_947 = tpu.memref_slice %arg8[%scan3A_87, %swap3A, %swap3A_946] : memref<5x128x64xf32, #tpu.memory_space<vmem>> -> memref<1x128x64xf32, #tpu.memory_space<vmem>>
      %swap3A_948 = tpu.memref_squeeze %swap3A_947 : memref<1x128x64xf32, #tpu.memory_space<vmem>> -> memref<128x64xf32, #tpu.memory_space<vmem>>
      %swap3A_949 = arith.index_cast %scan3A_936 : i32 to index
      %swap3A_950 = arith.constant 0 : index
      %swap3A_951 = tpu.vector_load %swap3A_948[%swap3A_949, %swap3A_950] {strides = array<i32>} : memref<128x64xf32, #tpu.memory_space<vmem>>, vector<1x16xf32>,
      %swap3A_952 = vector.shape_cast %swap3A_951 : vector<1x16xf32> to vector<16xf32>
      %swap3A_953 = vector.shape_cast %mul3A_945 : vector<16xf32> to vector<1x16xf32>
      tpu.vector_store %swap3A_948[%swap3A_949, %swap3A_950], %swap3A_953 {strides = array<i32>} : memref<128x64xf32, #tpu.memory_space<vmem>>, vector<1x16xf32>,
      %get3A_954 = arith.constant 0 : i32
      %get3A_955 = arith.constant 0 : i32
      %get3A_956 = tpu.memref_slice %arg8[%scan3A_87, %get3A_954, %get3A_955] : memref<5x128x64xf32, #tpu.memory_space<vmem>> -> memref<1x128x64xf32, #tpu.memory_space<vmem>>
      %get3A_957 = tpu.memref_squeeze %get3A_956 : memref<1x128x64xf32, #tpu.memory_space<vmem>> -> memref<128x64xf32, #tpu.memory_space<vmem>>
      %get3A_958 = arith.index_cast %scan3A_936 : i32 to index
      %get3A_959 = arith.constant 16 : index
      %get3A_960 = tpu.vector_load %get3A_957[%get3A_958, %get3A_959] {strides = array<i32>} : memref<128x64xf32, #tpu.memory_space<vmem>>, vector<1x16xf32>,
      %get3A_961 = vector.shape_cast %get3A_960 : vector<1x16xf32> to vector<16xf32>
      %mul3A_962 = arith.mulf %get3A_961, %get3A_15 : vector<16xf32>
      %swap3A_963 = arith.constant 0 : i32
      %swap3A_964 = arith.constant 0 : i32
      %swap3A_965 = tpu.memref_slice %arg8[%scan3A_87, %swap3A_963, %swap3A_964] : memref<5x128x64xf32, #tpu.memory_space<vmem>> -> memref<1x128x64xf32, #tpu.memory_space<vmem>>
      %swap3A_966 = tpu.memref_squeeze %swap3A_965 : memref<1x128x64xf32, #tpu.memory_space<vmem>> -> memref<128x64xf32, #tpu.memory_space<vmem>>
      %swap3A_967 = arith.index_cast %scan3A_936 : i32 to index
      %swap3A_968 = arith.constant 16 : index
      %swap3A_969 = tpu.vector_load %swap3A_966[%swap3A_967, %swap3A_968] {strides = array<i32>} : memref<128x64xf32, #tpu.memory_space<vmem>>, vector<1x16xf32>,
      %swap3A_970 = vector.shape_cast %swap3A_969 : vector<1x16xf32> to vector<16xf32>
      %swap3A_971 = vector.shape_cast %mul3A_962 : vector<16xf32> to vector<1x16xf32>
      tpu.vector_store %swap3A_966[%swap3A_967, %swap3A_968], %swap3A_971 {strides = array<i32>} : memref<128x64xf32, #tpu.memory_space<vmem>>, vector<1x16xf32>,
      %get3A_972 = arith.constant 0 : i32
      %get3A_973 = arith.constant 0 : i32
      %get3A_974 = tpu.memref_slice %arg8[%scan3A_87, %get3A_972, %get3A_973] : memref<5x128x64xf32, #tpu.memory_space<vmem>> -> memref<1x128x64xf32, #tpu.memory_space<vmem>>
      %get3A_975 = tpu.memref_squeeze %get3A_974 : memref<1x128x64xf32, #tpu.memory_space<vmem>> -> memref<128x64xf32, #tpu.memory_space<vmem>>
      %get3A_976 = arith.index_cast %scan3A_936 : i32 to index
      %get3A_977 = arith.constant 32 : index
      %get3A_978 = tpu.vector_load %get3A_975[%get3A_976, %get3A_977] {strides = array<i32>} : memref<128x64xf32, #tpu.memory_space<vmem>>, vector<1x16xf32>,
      %get3A_979 = vector.shape_cast %get3A_978 : vector<1x16xf32> to vector<16xf32>
      %mul3A_980 = arith.mulf %get3A_979, %get3A_20 : vector<16xf32>
      %swap3A_981 = arith.constant 0 : i32
      %swap3A_982 = arith.constant 0 : i32
      %swap3A_983 = tpu.memref_slice %arg8[%scan3A_87, %swap3A_981, %swap3A_982] : memref<5x128x64xf32, #tpu.memory_space<vmem>> -> memref<1x128x64xf32, #tpu.memory_space<vmem>>
      %swap3A_984 = tpu.memref_squeeze %swap3A_983 : memref<1x128x64xf32, #tpu.memory_space<vmem>> -> memref<128x64xf32, #tpu.memory_space<vmem>>
      %swap3A_985 = arith.index_cast %scan3A_936 : i32 to index
      %swap3A_986 = arith.constant 32 : index
      %swap3A_987 = tpu.vector_load %swap3A_984[%swap3A_985, %swap3A_986] {strides = array<i32>} : memref<128x64xf32, #tpu.memory_space<vmem>>, vector<1x16xf32>,
      %swap3A_988 = vector.shape_cast %swap3A_987 : vector<1x16xf32> to vector<16xf32>
      %swap3A_989 = vector.shape_cast %mul3A_980 : vector<16xf32> to vector<1x16xf32>
      tpu.vector_store %swap3A_984[%swap3A_985, %swap3A_986], %swap3A_989 {strides = array<i32>} : memref<128x64xf32, #tpu.memory_space<vmem>>, vector<1x16xf32>,
      %get3A_990 = arith.constant 0 : i32
      %get3A_991 = arith.constant 0 : i32
      %get3A_992 = tpu.memref_slice %arg8[%scan3A_87, %get3A_990, %get3A_991] : memref<5x128x64xf32, #tpu.memory_space<vmem>> -> memref<1x128x64xf32, #tpu.memory_space<vmem>>
      %get3A_993 = tpu.memref_squeeze %get3A_992 : memref<1x128x64xf32, #tpu.memory_space<vmem>> -> memref<128x64xf32, #tpu.memory_space<vmem>>
      %get3A_994 = arith.index_cast %scan3A_936 : i32 to index
      %get3A_995 = arith.constant 48 : index
      %get3A_996 = tpu.vector_load %get3A_993[%get3A_994, %get3A_995] {strides = array<i32>} : memref<128x64xf32, #tpu.memory_space<vmem>>, vector<1x16xf32>,
      %get3A_997 = vector.shape_cast %get3A_996 : vector<1x16xf32> to vector<16xf32>
      %mul3A_998 = arith.mulf %get3A_997, %get3A_25 : vector<16xf32>
      %swap3A_999 = arith.constant 0 : i32
      %swap3A_1000 = arith.constant 0 : i32
      %swap3A_1001 = tpu.memref_slice %arg8[%scan3A_87, %swap3A_999, %swap3A_1000] : memref<5x128x64xf32, #tpu.memory_space<vmem>> -> memref<1x128x64xf32, #tpu.memory_space<vmem>>
      %swap3A_1002 = tpu.memref_squeeze %swap3A_1001 : memref<1x128x64xf32, #tpu.memory_space<vmem>> -> memref<128x64xf32, #tpu.memory_space<vmem>>
      %swap3A_1003 = arith.index_cast %scan3A_936 : i32 to index
      %swap3A_1004 = arith.constant 48 : index
      %swap3A_1005 = tpu.vector_load %swap3A_1002[%swap3A_1003, %swap3A_1004] {strides = array<i32>} : memref<128x64xf32, #tpu.memory_space<vmem>>, vector<1x16xf32>,
      %swap3A_1006 = vector.shape_cast %swap3A_1005 : vector<1x16xf32> to vector<16xf32>
      %swap3A_1007 = vector.shape_cast %mul3A_998 : vector<16xf32> to vector<1x16xf32>
      tpu.vector_store %swap3A_1002[%swap3A_1003, %swap3A_1004], %swap3A_1007 {strides = array<i32>} : memref<128x64xf32, #tpu.memory_space<vmem>>, vector<1x16xf32>,
    }
    %scan3A_92 = arith.constant 125 : i32
    %mul3A_93 = arith.constant 625 : i32
    %mul3A_94 = arith.muli %arg1, %mul3A_93 : i32
    %add3A_95 = arith.constant 0 : i32
    %add3A_96 = arith.addi %mul3A_94, %add3A_95 : i32
    %dma_start3A_97 = arith.constant 1 : i32
    %dma_start3A_98 = arith.constant 0 : i32
    %dma_start3A_99 = arith.constant 0 : i32
    %dma_start3A_100 = arith.constant 0 : i32
    %dma_start3A_101 = tpu.memref_slice %arg8[%dma_start3A_97, %dma_start3A_99, %dma_start3A_100] : memref<5x128x64xf32, #tpu.memory_space<vmem>> -> memref<1x128x64xf32, #tpu.memory_space<vmem>>
    %dma_start3A_102 = tpu.memref_squeeze %dma_start3A_101 : memref<1x128x64xf32, #tpu.memory_space<vmem>> -> memref<128x64xf32, #tpu.memory_space<vmem>>
    %dma_start3A_103 = arith.constant 0 : i32
    %dma_start3A_104 = arith.constant 0 : i32
    %dma_start3A_105 = tpu.memref_slice %dma_start3A_102[%dma_start3A_103, %dma_start3A_104] : memref<128x64xf32, #tpu.memory_space<vmem>> -> memref<125x64xf32, #tpu.memory_space<vmem>>
    %dma_start3A_106 = tpu.memref_slice %arg5[%add3A_96, %dma_start3A_98, %mul3A_0] : memref<10000x11x128xf32, #tpu.memory_space<hbm>> -> memref<125x1x64xf32, #tpu.memory_space<hbm>>
    %dma_start3A_107 = tpu.memref_squeeze %dma_start3A_106 : memref<125x1x64xf32, #tpu.memory_space<hbm>> -> memref<125x64xf32, #tpu.memory_space<hbm>>
    %dma_start3A_108 = tpu.memref_slice %arg5[%add3A_96, %dma_start3A_98, %mul3A_0] : memref<10000x11x128xf32, #tpu.memory_space<hbm>> -> memref<125x1x64xf32, #tpu.memory_space<hbm>>
    %dma_start3A_109 = tpu.memref_squeeze %dma_start3A_108 : memref<125x1x64xf32, #tpu.memory_space<hbm>> -> memref<125x64xf32, #tpu.memory_space<hbm>>
    %dma_start3A_110 = arith.constant 0 : i32
    %dma_start3A_111 = arith.constant 0 : i32
    %dma_start3A_112 = tpu.memref_slice %arg8[%dma_start3A_97, %dma_start3A_110, %dma_start3A_111] : memref<5x128x64xf32, #tpu.memory_space<vmem>> -> memref<1x128x64xf32, #tpu.memory_space<vmem>>
    %dma_start3A_113 = tpu.memref_squeeze %dma_start3A_112 : memref<1x128x64xf32, #tpu.memory_space<vmem>> -> memref<128x64xf32, #tpu.memory_space<vmem>>
    %dma_start3A_114 = arith.constant 0 : i32
    %dma_start3A_115 = arith.constant 0 : i32
    %dma_start3A_116 = tpu.memref_slice %dma_start3A_113[%dma_start3A_114, %dma_start3A_115] : memref<128x64xf32, #tpu.memory_space<vmem>> -> memref<125x64xf32, #tpu.memory_space<vmem>>
    tpu.enqueue_dma source(%dma_start3A_116 : memref<125x64xf32, #tpu.memory_space<vmem>>) target(%dma_start3A_109 : memref<125x64xf32, #tpu.memory_space<hbm>>) target_semaphore(%arg13 : memref<!tpu.dma_semaphore, #tpu.memory_space<semaphore_mem>>)
    %dma_start3A_117 = arith.constant 1 : i32
    %dma_start3A_118 = arith.constant 0 : i32
    %dma_start3A_119 = arith.constant 0 : i32
    %dma_start3A_120 = tpu.memref_slice %arg8[%dma_start3A_117, %dma_start3A_118, %dma_start3A_119] : memref<5x128x64xf32, #tpu.memory_space<vmem>> -> memref<1x128x64xf32, #tpu.memory_space<vmem>>
    %dma_start3A_121 = tpu.memref_squeeze %dma_start3A_120 : memref<1x128x64xf32, #tpu.memory_space<vmem>> -> memref<128x64xf32, #tpu.memory_space<vmem>>
    %dma_start3A_122 = arith.constant 0 : i32
    %dma_start3A_123 = arith.constant 0 : i32
    %dma_start3A_124 = tpu.memref_slice %dma_start3A_121[%dma_start3A_122, %dma_start3A_123] : memref<128x64xf32, #tpu.memory_space<vmem>> -> memref<125x64xf32, #tpu.memory_space<vmem>>
    %dma_start3A_125 = arith.constant 0 : i32
    %dma_start3A_126 = tpu.memref_slice %arg7[%add3A_96, %dma_start3A_125] : memref<10000x64xf32, #tpu.memory_space<vmem_shared>> -> memref<125x64xf32, #tpu.memory_space<vmem_shared>>
    %dma_start3A_127 = arith.constant 0 : i32
    %dma_start3A_128 = tpu.memref_slice %arg7[%add3A_96, %dma_start3A_127] : memref<10000x64xf32, #tpu.memory_space<vmem_shared>> -> memref<125x64xf32, #tpu.memory_space<vmem_shared>>
    %dma_start3A_129 = arith.constant 0 : i32
    %dma_start3A_130 = arith.constant 0 : i32
    %dma_start3A_131 = tpu.memref_slice %arg8[%dma_start3A_117, %dma_start3A_129, %dma_start3A_130] : memref<5x128x64xf32, #tpu.memory_space<vmem>> -> memref<1x128x64xf32, #tpu.memory_space<vmem>>
    %dma_start3A_132 = tpu.memref_squeeze %dma_start3A_131 : memref<1x128x64xf32, #tpu.memory_space<vmem>> -> memref<128x64xf32, #tpu.memory_space<vmem>>
    %dma_start3A_133 = arith.constant 0 : i32
    %dma_start3A_134 = arith.constant 0 : i32
    %dma_start3A_135 = tpu.memref_slice %dma_start3A_132[%dma_start3A_133, %dma_start3A_134] : memref<128x64xf32, #tpu.memory_space<vmem>> -> memref<125x64xf32, #tpu.memory_space<vmem>>
    tpu.enqueue_dma source(%dma_start3A_135 : memref<125x64xf32, #tpu.memory_space<vmem>>) target(%dma_start3A_128 : memref<125x64xf32, #tpu.memory_space<vmem_shared>>) target_semaphore(%arg14 : memref<!tpu.dma_semaphore, #tpu.memory_space<semaphore_mem>>)
    %dma_start3A_136 = arith.constant 0 : i32
    %dma_start3A_137 = arith.constant 0 : i32
    %dma_start3A_138 = arith.constant 0 : i32
    %dma_start3A_139 = tpu.memref_slice %arg8[%dma_start3A_136, %dma_start3A_137, %dma_start3A_138] : memref<5x128x64xf32, #tpu.memory_space<vmem>> -> memref<1x128x64xf32, #tpu.memory_space<vmem>>
    %dma_start3A_140 = tpu.memref_squeeze %dma_start3A_139 : memref<1x128x64xf32, #tpu.memory_space<vmem>> -> memref<128x64xf32, #tpu.memory_space<vmem>>
    %dma_start3A_141 = arith.constant 0 : i32
    %dma_start3A_142 = arith.constant 0 : i32
    %dma_start3A_143 = tpu.memref_slice %dma_start3A_140[%dma_start3A_141, %dma_start3A_142] : memref<128x64xf32, #tpu.memory_space<vmem>> -> memref<125x64xf32, #tpu.memory_space<vmem>>
    %dma_start3A_144 = arith.constant 0 : i32
    %dma_start3A_145 = tpu.memref_slice %arg6[%add3A_96, %dma_start3A_144] : memref<10016x64xf32, #tpu.memory_space<vmem_shared>> -> memref<125x64xf32, #tpu.memory_space<vmem_shared>>
    %dma_start3A_146 = arith.constant 0 : i32
    %dma_start3A_147 = tpu.memref_slice %arg6[%add3A_96, %dma_start3A_146] : memref<10016x64xf32, #tpu.memory_space<vmem_shared>> -> memref<125x64xf32, #tpu.memory_space<vmem_shared>>
    %dma_start3A_148 = arith.constant 0 : i32
    %dma_start3A_149 = arith.constant 0 : i32
    %dma_start3A_150 = tpu.memref_slice %arg8[%dma_start3A_136, %dma_start3A_148, %dma_start3A_149] : memref<5x128x64xf32, #tpu.memory_space<vmem>> -> memref<1x128x64xf32, #tpu.memory_space<vmem>>
    %dma_start3A_151 = tpu.memref_squeeze %dma_start3A_150 : memref<1x128x64xf32, #tpu.memory_space<vmem>> -> memref<128x64xf32, #tpu.memory_space<vmem>>
    %dma_start3A_152 = arith.constant 0 : i32
    %dma_start3A_153 = arith.constant 0 : i32
    %dma_start3A_154 = tpu.memref_slice %dma_start3A_151[%dma_start3A_152, %dma_start3A_153] : memref<128x64xf32, #tpu.memory_space<vmem>> -> memref<125x64xf32, #tpu.memory_space<vmem>>
    tpu.enqueue_dma source(%dma_start3A_154 : memref<125x64xf32, #tpu.memory_space<vmem>>) target(%dma_start3A_147 : memref<125x64xf32, #tpu.memory_space<vmem_shared>>) target_semaphore(%arg14 : memref<!tpu.dma_semaphore, #tpu.memory_space<semaphore_mem>>)
    %mul3A_155 = arith.constant 625 : i32
    %mul3A_156 = arith.muli %arg1, %mul3A_155 : i32
    %add3A_157 = arith.constant 125 : i32
    %add3A_158 = arith.addi %mul3A_156, %add3A_157 : i32
    %dma_wait3A_159 = arith.constant 2 : i32
    %dma_wait3A_160 = arith.constant 0 : i32
    %dma_wait3A_161 = arith.constant 0 : i32
    %dma_wait3A_162 = tpu.memref_slice %arg8[%dma_wait3A_159, %dma_wait3A_160, %dma_wait3A_161] : memref<5x128x64xf32, #tpu.memory_space<vmem>> -> memref<1x128x64xf32, #tpu.memory_space<vmem>>
    %dma_wait3A_163 = tpu.memref_squeeze %dma_wait3A_162 : memref<1x128x64xf32, #tpu.memory_space<vmem>> -> memref<128x64xf32, #tpu.memory_space<vmem>>
    %dma_wait3A_164 = arith.constant 0 : i32
    %dma_wait3A_165 = arith.constant 0 : i32
    %dma_wait3A_166 = tpu.memref_slice %dma_wait3A_163[%dma_wait3A_164, %dma_wait3A_165] : memref<128x64xf32, #tpu.memory_space<vmem>> -> memref<125x64xf32, #tpu.memory_space<vmem>>
    %dma_wait3A_167 = tpu.memref_slice %arg2[%add3A_158, %mul3A_0] : memref<10000x128xf32, #tpu.memory_space<hbm>> -> memref<125x64xf32, #tpu.memory_space<hbm>>
    %dma_wait3A_168 = arith.constant 0 : i32
    %dma_wait3A_169 = arith.constant 0 : i32
    %dma_wait3A_170 = tpu.memref_slice %arg8[%dma_wait3A_159, %dma_wait3A_168, %dma_wait3A_169] : memref<5x128x64xf32, #tpu.memory_space<vmem>> -> memref<1x128x64xf32, #tpu.memory_space<vmem>>
    %dma_wait3A_171 = tpu.memref_squeeze %dma_wait3A_170 : memref<1x128x64xf32, #tpu.memory_space<vmem>> -> memref<128x64xf32, #tpu.memory_space<vmem>>
    %dma_wait3A_172 = arith.constant 0 : i32
    %dma_wait3A_173 = arith.constant 0 : i32
    %dma_wait3A_174 = tpu.memref_slice %dma_wait3A_171[%dma_wait3A_172, %dma_wait3A_173] : memref<128x64xf32, #tpu.memory_space<vmem>> -> memref<125x64xf32, #tpu.memory_space<vmem>>
    %dma_wait3A_175 = tpu.memref_slice %arg2[%add3A_158, %mul3A_0] : memref<10000x128xf32, #tpu.memory_space<hbm>> -> memref<125x64xf32, #tpu.memory_space<hbm>>
    tpu.wait_dma2 semaphore(%arg11 : memref<!tpu.dma_semaphore, #tpu.memory_space<semaphore_mem>>) src(%dma_wait3A_175 : memref<125x64xf32, #tpu.memory_space<hbm>>) dst(%dma_wait3A_174 : memref<125x64xf32, #tpu.memory_space<vmem>>)
    %mul3A_176 = arith.constant 625 : i32
    %mul3A_177 = arith.muli %arg1, %mul3A_176 : i32
    %add3A_178 = arith.constant 0 : i32
    %add3A_179 = arith.addi %mul3A_177, %add3A_178 : i32
    %dma_wait3A_180 = arith.constant 1 : i32
    %dma_wait3A_181 = arith.constant 0 : i32
    %dma_wait3A_182 = arith.constant 0 : i32
    %dma_wait3A_183 = arith.constant 0 : i32
    %dma_wait3A_184 = tpu.memref_slice %arg8[%dma_wait3A_180, %dma_wait3A_182, %dma_wait3A_183] : memref<5x128x64xf32, #tpu.memory_space<vmem>> -> memref<1x128x64xf32, #tpu.memory_space<vmem>>
    %dma_wait3A_185 = tpu.memref_squeeze %dma_wait3A_184 : memref<1x128x64xf32, #tpu.memory_space<vmem>> -> memref<128x64xf32, #tpu.memory_space<vmem>>
    %dma_wait3A_186 = arith.constant 0 : i32
    %dma_wait3A_187 = arith.constant 0 : i32
    %dma_wait3A_188 = tpu.memref_slice %dma_wait3A_185[%dma_wait3A_186, %dma_wait3A_187] : memref<128x64xf32, #tpu.memory_space<vmem>> -> memref<125x64xf32, #tpu.memory_space<vmem>>
    %dma_wait3A_189 = tpu.memref_slice %arg5[%add3A_179, %dma_wait3A_181, %mul3A_0] : memref<10000x11x128xf32, #tpu.memory_space<hbm>> -> memref<125x1x64xf32, #tpu.memory_space<hbm>>
    %dma_wait3A_190 = tpu.memref_squeeze %dma_wait3A_189 : memref<125x1x64xf32, #tpu.memory_space<hbm>> -> memref<125x64xf32, #tpu.memory_space<hbm>>
    %dma_wait3A_191 = tpu.memref_slice %arg5[%add3A_179, %dma_wait3A_181, %mul3A_0] : memref<10000x11x128xf32, #tpu.memory_space<hbm>> -> memref<125x1x64xf32, #tpu.memory_space<hbm>>
    %dma_wait3A_192 = tpu.memref_squeeze %dma_wait3A_191 : memref<125x1x64xf32, #tpu.memory_space<hbm>> -> memref<125x64xf32, #tpu.memory_space<hbm>>
    %dma_wait3A_193 = arith.constant 0 : i32
    %dma_wait3A_194 = arith.constant 0 : i32
    %dma_wait3A_195 = tpu.memref_slice %arg8[%dma_wait3A_180, %dma_wait3A_193, %dma_wait3A_194] : memref<5x128x64xf32, #tpu.memory_space<vmem>> -> memref<1x128x64xf32, #tpu.memory_space<vmem>>
    %dma_wait3A_196 = tpu.memref_squeeze %dma_wait3A_195 : memref<1x128x64xf32, #tpu.memory_space<vmem>> -> memref<128x64xf32, #tpu.memory_space<vmem>>
    %dma_wait3A_197 = arith.constant 0 : i32
    %dma_wait3A_198 = arith.constant 0 : i32
    %dma_wait3A_199 = tpu.memref_slice %dma_wait3A_196[%dma_wait3A_197, %dma_wait3A_198] : memref<128x64xf32, #tpu.memory_space<vmem>> -> memref<125x64xf32, #tpu.memory_space<vmem>>
    tpu.wait_dma2 semaphore(%arg13 : memref<!tpu.dma_semaphore, #tpu.memory_space<semaphore_mem>>) src(%dma_wait3A_199 : memref<125x64xf32, #tpu.memory_space<vmem>>) dst(%dma_wait3A_192 : memref<125x64xf32, #tpu.memory_space<hbm>>)
    %dma_wait3A_200 = arith.constant 1 : i32
    %dma_wait3A_201 = arith.constant 0 : i32
    %dma_wait3A_202 = arith.constant 0 : i32
    %dma_wait3A_203 = tpu.memref_slice %arg8[%dma_wait3A_200, %dma_wait3A_201, %dma_wait3A_202] : memref<5x128x64xf32, #tpu.memory_space<vmem>> -> memref<1x128x64xf32, #tpu.memory_space<vmem>>
    %dma_wait3A_204 = tpu.memref_squeeze %dma_wait3A_203 : memref<1x128x64xf32, #tpu.memory_space<vmem>> -> memref<128x64xf32, #tpu.memory_space<vmem>>
    %dma_wait3A_205 = arith.constant 0 : i32
    %dma_wait3A_206 = arith.constant 0 : i32
    %dma_wait3A_207 = tpu.memref_slice %dma_wait3A_204[%dma_wait3A_205, %dma_wait3A_206] : memref<128x64xf32, #tpu.memory_space<vmem>> -> memref<125x64xf32, #tpu.memory_space<vmem>>
    %dma_wait3A_208 = arith.constant 0 : i32
    %dma_wait3A_209 = tpu.memref_slice %arg7[%add3A_179, %dma_wait3A_208] : memref<10000x64xf32, #tpu.memory_space<vmem_shared>> -> memref<125x64xf32, #tpu.memory_space<vmem_shared>>
    %dma_wait3A_210 = arith.constant 0 : i32
    %dma_wait3A_211 = tpu.memref_slice %arg7[%add3A_179, %dma_wait3A_210] : memref<10000x64xf32, #tpu.memory_space<vmem_shared>> -> memref<125x64xf32, #tpu.memory_space<vmem_shared>>
    %dma_wait3A_212 = arith.constant 0 : i32
    %dma_wait3A_213 = arith.constant 0 : i32
    %dma_wait3A_214 = tpu.memref_slice %arg8[%dma_wait3A_200, %dma_wait3A_212, %dma_wait3A_213] : memref<5x128x64xf32, #tpu.memory_space<vmem>> -> memref<1x128x64xf32, #tpu.memory_space<vmem>>
    %dma_wait3A_215 = tpu.memref_squeeze %dma_wait3A_214 : memref<1x128x64xf32, #tpu.memory_space<vmem>> -> memref<128x64xf32, #tpu.memory_space<vmem>>
    %dma_wait3A_216 = arith.constant 0 : i32
    %dma_wait3A_217 = arith.constant 0 : i32
    %dma_wait3A_218 = tpu.memref_slice %dma_wait3A_215[%dma_wait3A_216, %dma_wait3A_217] : memref<128x64xf32, #tpu.memory_space<vmem>> -> memref<125x64xf32, #tpu.memory_space<vmem>>
    tpu.wait_dma2 semaphore(%arg14 : memref<!tpu.dma_semaphore, #tpu.memory_space<semaphore_mem>>) src(%dma_wait3A_218 : memref<125x64xf32, #tpu.memory_space<vmem>>) dst(%dma_wait3A_211 : memref<125x64xf32, #tpu.memory_space<vmem_shared>>)
    %dma_wait3A_219 = arith.constant 0 : i32
    %dma_wait3A_220 = arith.constant 0 : i32
    %dma_wait3A_221 = arith.constant 0 : i32
    %dma_wait3A_222 = tpu.memref_slice %arg8[%dma_wait3A_219, %dma_wait3A_220, %dma_wait3A_221] : memref<5x128x64xf32, #tpu.memory_space<vmem>> -> memref<1x128x64xf32, #tpu.memory_space<vmem>>
    %dma_wait3A_223 = tpu.memref_squeeze %dma_wait3A_222 : memref<1x128x64xf32, #tpu.memory_space<vmem>> -> memref<128x64xf32, #tpu.memory_space<vmem>>
    %dma_wait3A_224 = arith.constant 0 : i32
    %dma_wait3A_225 = arith.constant 0 : i32
    %dma_wait3A_226 = tpu.memref_slice %dma_wait3A_223[%dma_wait3A_224, %dma_wait3A_225] : memref<128x64xf32, #tpu.memory_space<vmem>> -> memref<125x64xf32, #tpu.memory_space<vmem>>
    %dma_wait3A_227 = arith.constant 0 : i32
    %dma_wait3A_228 = tpu.memref_slice %arg6[%add3A_179, %dma_wait3A_227] : memref<10016x64xf32, #tpu.memory_space<vmem_shared>> -> memref<125x64xf32, #tpu.memory_space<vmem_shared>>
    %dma_wait3A_229 = arith.constant 0 : i32
    %dma_wait3A_230 = tpu.memref_slice %arg6[%add3A_179, %dma_wait3A_229] : memref<10016x64xf32, #tpu.memory_space<vmem_shared>> -> memref<125x64xf32, #tpu.memory_space<vmem_shared>>
    %dma_wait3A_231 = arith.constant 0 : i32
    %dma_wait3A_232 = arith.constant 0 : i32
    %dma_wait3A_233 = tpu.memref_slice %arg8[%dma_wait3A_219, %dma_wait3A_231, %dma_wait3A_232] : memref<5x128x64xf32, #tpu.memory_space<vmem>> -> memref<1x128x64xf32, #tpu.memory_space<vmem>>
    %dma_wait3A_234 = tpu.memref_squeeze %dma_wait3A_233 : memref<1x128x64xf32, #tpu.memory_space<vmem>> -> memref<128x64xf32, #tpu.memory_space<vmem>>
    %dma_wait3A_235 = arith.constant 0 : i32
    %dma_wait3A_236 = arith.constant 0 : i32
    %dma_wait3A_237 = tpu.memref_slice %dma_wait3A_234[%dma_wait3A_235, %dma_wait3A_236] : memref<128x64xf32, #tpu.memory_space<vmem>> -> memref<125x64xf32, #tpu.memory_space<vmem>>
    tpu.wait_dma2 semaphore(%arg14 : memref<!tpu.dma_semaphore, #tpu.memory_space<semaphore_mem>>) src(%dma_wait3A_237 : memref<125x64xf32, #tpu.memory_space<vmem>>) dst(%dma_wait3A_230 : memref<125x64xf32, #tpu.memory_space<vmem_shared>>)
    %mul3A_238 = arith.constant 625 : i32
    %mul3A_239 = arith.muli %arg1, %mul3A_238 : i32
    %add3A_240 = arith.constant 250 : i32
    %add3A_241 = arith.addi %mul3A_239, %add3A_240 : i32
    %dma_start3A_242 = arith.constant 1 : i32
    %dma_start3A_243 = arith.constant 0 : i32
    %dma_start3A_244 = arith.constant 0 : i32
    %dma_start3A_245 = tpu.memref_slice %arg8[%dma_start3A_242, %dma_start3A_243, %dma_start3A_244] : memref<5x128x64xf32, #tpu.memory_space<vmem>> -> memref<1x128x64xf32, #tpu.memory_space<vmem>>
    %dma_start3A_246 = tpu.memref_squeeze %dma_start3A_245 : memref<1x128x64xf32, #tpu.memory_space<vmem>> -> memref<128x64xf32, #tpu.memory_space<vmem>>
    %dma_start3A_247 = arith.constant 0 : i32
    %dma_start3A_248 = arith.constant 0 : i32
    %dma_start3A_249 = tpu.memref_slice %dma_start3A_246[%dma_start3A_247, %dma_start3A_248] : memref<128x64xf32, #tpu.memory_space<vmem>> -> memref<125x64xf32, #tpu.memory_space<vmem>>
    %dma_start3A_250 = tpu.memref_slice %arg2[%add3A_241, %mul3A_0] : memref<10000x128xf32, #tpu.memory_space<hbm>> -> memref<125x64xf32, #tpu.memory_space<hbm>>
    %dma_start3A_251 = arith.constant 0 : i32
    %dma_start3A_252 = arith.constant 0 : i32
    %dma_start3A_253 = tpu.memref_slice %arg8[%dma_start3A_242, %dma_start3A_251, %dma_start3A_252] : memref<5x128x64xf32, #tpu.memory_space<vmem>> -> memref<1x128x64xf32, #tpu.memory_space<vmem>>
    %dma_start3A_254 = tpu.memref_squeeze %dma_start3A_253 : memref<1x128x64xf32, #tpu.memory_space<vmem>> -> memref<128x64xf32, #tpu.memory_space<vmem>>
    %dma_start3A_255 = arith.constant 0 : i32
    %dma_start3A_256 = arith.constant 0 : i32
    %dma_start3A_257 = tpu.memref_slice %dma_start3A_254[%dma_start3A_255, %dma_start3A_256] : memref<128x64xf32, #tpu.memory_space<vmem>> -> memref<125x64xf32, #tpu.memory_space<vmem>>
    %dma_start3A_258 = tpu.memref_slice %arg2[%add3A_241, %mul3A_0] : memref<10000x128xf32, #tpu.memory_space<hbm>> -> memref<125x64xf32, #tpu.memory_space<hbm>>
    tpu.enqueue_dma source(%dma_start3A_258 : memref<125x64xf32, #tpu.memory_space<hbm>>) target(%dma_start3A_257 : memref<125x64xf32, #tpu.memory_space<vmem>>) target_semaphore(%arg11 : memref<!tpu.dma_semaphore, #tpu.memory_space<semaphore_mem>>)
    %scan3A_259 = arith.constant 0 : i32
    %scan3A_260 = arith.constant 2 : i32
    %scan3A_261 = arith.constant 0 : i32
    %scan3A_262 = arith.constant 125 : i32
    %scan3A_263 = arith.addi %scan3A_261, %scan3A_262 : i32
    %scan3A_264 = arith.constant 1 : i32
    scf.for %scan3A_936 = %scan3A_261 to %scan3A_263 step %scan3A_264  : i32 {
      %get3A_937 = arith.constant 0 : i32
      %get3A_938 = arith.constant 0 : i32
      %get3A_939 = tpu.memref_slice %arg8[%scan3A_260, %get3A_937, %get3A_938] : memref<5x128x64xf32, #tpu.memory_space<vmem>> -> memref<1x128x64xf32, #tpu.memory_space<vmem>>
      %get3A_940 = tpu.memref_squeeze %get3A_939 : memref<1x128x64xf32, #tpu.memory_space<vmem>> -> memref<128x64xf32, #tpu.memory_space<vmem>>
      %get3A_941 = arith.index_cast %scan3A_936 : i32 to index
      %get3A_942 = arith.constant 0 : index
      %get3A_943 = tpu.vector_load %get3A_940[%get3A_941, %get3A_942] {strides = array<i32>} : memref<128x64xf32, #tpu.memory_space<vmem>>, vector<1x16xf32>,
      %get3A_944 = vector.shape_cast %get3A_943 : vector<1x16xf32> to vector<16xf32>
      %mul3A_945 = arith.mulf %get3A_944, %get3A_10 : vector<16xf32>
      %swap3A = arith.constant 0 : i32
      %swap3A_946 = arith.constant 0 : i32
      %swap3A_947 = tpu.memref_slice %arg8[%scan3A_260, %swap3A, %swap3A_946] : memref<5x128x64xf32, #tpu.memory_space<vmem>> -> memref<1x128x64xf32, #tpu.memory_space<vmem>>
      %swap3A_948 = tpu.memref_squeeze %swap3A_947 : memref<1x128x64xf32, #tpu.memory_space<vmem>> -> memref<128x64xf32, #tpu.memory_space<vmem>>
      %swap3A_949 = arith.index_cast %scan3A_936 : i32 to index
      %swap3A_950 = arith.constant 0 : index
      %swap3A_951 = tpu.vector_load %swap3A_948[%swap3A_949, %swap3A_950] {strides = array<i32>} : memref<128x64xf32, #tpu.memory_space<vmem>>, vector<1x16xf32>,
      %swap3A_952 = vector.shape_cast %swap3A_951 : vector<1x16xf32> to vector<16xf32>
      %swap3A_953 = vector.shape_cast %mul3A_945 : vector<16xf32> to vector<1x16xf32>
      tpu.vector_store %swap3A_948[%swap3A_949, %swap3A_950], %swap3A_953 {strides = array<i32>} : memref<128x64xf32, #tpu.memory_space<vmem>>, vector<1x16xf32>,
      %get3A_954 = arith.constant 0 : i32
      %get3A_955 = arith.constant 0 : i32
      %get3A_956 = tpu.memref_slice %arg8[%scan3A_260, %get3A_954, %get3A_955] : memref<5x128x64xf32, #tpu.memory_space<vmem>> -> memref<1x128x64xf32, #tpu.memory_space<vmem>>
      %get3A_957 = tpu.memref_squeeze %get3A_956 : memref<1x128x64xf32, #tpu.memory_space<vmem>> -> memref<128x64xf32, #tpu.memory_space<vmem>>
      %get3A_958 = arith.index_cast %scan3A_936 : i32 to index
      %get3A_959 = arith.constant 16 : index
      %get3A_960 = tpu.vector_load %get3A_957[%get3A_958, %get3A_959] {strides = array<i32>} : memref<128x64xf32, #tpu.memory_space<vmem>>, vector<1x16xf32>,
      %get3A_961 = vector.shape_cast %get3A_960 : vector<1x16xf32> to vector<16xf32>
      %mul3A_962 = arith.mulf %get3A_961, %get3A_15 : vector<16xf32>
      %swap3A_963 = arith.constant 0 : i32
      %swap3A_964 = arith.constant 0 : i32
      %swap3A_965 = tpu.memref_slice %arg8[%scan3A_260, %swap3A_963, %swap3A_964] : memref<5x128x64xf32, #tpu.memory_space<vmem>> -> memref<1x128x64xf32, #tpu.memory_space<vmem>>
      %swap3A_966 = tpu.memref_squeeze %swap3A_965 : memref<1x128x64xf32, #tpu.memory_space<vmem>> -> memref<128x64xf32, #tpu.memory_space<vmem>>
      %swap3A_967 = arith.index_cast %scan3A_936 : i32 to index
      %swap3A_968 = arith.constant 16 : index
      %swap3A_969 = tpu.vector_load %swap3A_966[%swap3A_967, %swap3A_968] {strides = array<i32>} : memref<128x64xf32, #tpu.memory_space<vmem>>, vector<1x16xf32>,
      %swap3A_970 = vector.shape_cast %swap3A_969 : vector<1x16xf32> to vector<16xf32>
      %swap3A_971 = vector.shape_cast %mul3A_962 : vector<16xf32> to vector<1x16xf32>
      tpu.vector_store %swap3A_966[%swap3A_967, %swap3A_968], %swap3A_971 {strides = array<i32>} : memref<128x64xf32, #tpu.memory_space<vmem>>, vector<1x16xf32>,
      %get3A_972 = arith.constant 0 : i32
      %get3A_973 = arith.constant 0 : i32
      %get3A_974 = tpu.memref_slice %arg8[%scan3A_260, %get3A_972, %get3A_973] : memref<5x128x64xf32, #tpu.memory_space<vmem>> -> memref<1x128x64xf32, #tpu.memory_space<vmem>>
      %get3A_975 = tpu.memref_squeeze %get3A_974 : memref<1x128x64xf32, #tpu.memory_space<vmem>> -> memref<128x64xf32, #tpu.memory_space<vmem>>
      %get3A_976 = arith.index_cast %scan3A_936 : i32 to index
      %get3A_977 = arith.constant 32 : index
      %get3A_978 = tpu.vector_load %get3A_975[%get3A_976, %get3A_977] {strides = array<i32>} : memref<128x64xf32, #tpu.memory_space<vmem>>, vector<1x16xf32>,
      %get3A_979 = vector.shape_cast %get3A_978 : vector<1x16xf32> to vector<16xf32>
      %mul3A_980 = arith.mulf %get3A_979, %get3A_20 : vector<16xf32>
      %swap3A_981 = arith.constant 0 : i32
      %swap3A_982 = arith.constant 0 : i32
      %swap3A_983 = tpu.memref_slice %arg8[%scan3A_260, %swap3A_981, %swap3A_982] : memref<5x128x64xf32, #tpu.memory_space<vmem>> -> memref<1x128x64xf32, #tpu.memory_space<vmem>>
      %swap3A_984 = tpu.memref_squeeze %swap3A_983 : memref<1x128x64xf32, #tpu.memory_space<vmem>> -> memref<128x64xf32, #tpu.memory_space<vmem>>
      %swap3A_985 = arith.index_cast %scan3A_936 : i32 to index
      %swap3A_986 = arith.constant 32 : index
      %swap3A_987 = tpu.vector_load %swap3A_984[%swap3A_985, %swap3A_986] {strides = array<i32>} : memref<128x64xf32, #tpu.memory_space<vmem>>, vector<1x16xf32>,
      %swap3A_988 = vector.shape_cast %swap3A_987 : vector<1x16xf32> to vector<16xf32>
      %swap3A_989 = vector.shape_cast %mul3A_980 : vector<16xf32> to vector<1x16xf32>
      tpu.vector_store %swap3A_984[%swap3A_985, %swap3A_986], %swap3A_989 {strides = array<i32>} : memref<128x64xf32, #tpu.memory_space<vmem>>, vector<1x16xf32>,
      %get3A_990 = arith.constant 0 : i32
      %get3A_991 = arith.constant 0 : i32
      %get3A_992 = tpu.memref_slice %arg8[%scan3A_260, %get3A_990, %get3A_991] : memref<5x128x64xf32, #tpu.memory_space<vmem>> -> memref<1x128x64xf32, #tpu.memory_space<vmem>>
      %get3A_993 = tpu.memref_squeeze %get3A_992 : memref<1x128x64xf32, #tpu.memory_space<vmem>> -> memref<128x64xf32, #tpu.memory_space<vmem>>
      %get3A_994 = arith.index_cast %scan3A_936 : i32 to index
      %get3A_995 = arith.constant 48 : index
      %get3A_996 = tpu.vector_load %get3A_993[%get3A_994, %get3A_995] {strides = array<i32>} : memref<128x64xf32, #tpu.memory_space<vmem>>, vector<1x16xf32>,
      %get3A_997 = vector.shape_cast %get3A_996 : vector<1x16xf32> to vector<16xf32>
      %mul3A_998 = arith.mulf %get3A_997, %get3A_25 : vector<16xf32>
      %swap3A_999 = arith.constant 0 : i32
      %swap3A_1000 = arith.constant 0 : i32
      %swap3A_1001 = tpu.memref_slice %arg8[%scan3A_260, %swap3A_999, %swap3A_1000] : memref<5x128x64xf32, #tpu.memory_space<vmem>> -> memref<1x128x64xf32, #tpu.memory_space<vmem>>
      %swap3A_1002 = tpu.memref_squeeze %swap3A_1001 : memref<1x128x64xf32, #tpu.memory_space<vmem>> -> memref<128x64xf32, #tpu.memory_space<vmem>>
      %swap3A_1003 = arith.index_cast %scan3A_936 : i32 to index
      %swap3A_1004 = arith.constant 48 : index
      %swap3A_1005 = tpu.vector_load %swap3A_1002[%swap3A_1003, %swap3A_1004] {strides = array<i32>} : memref<128x64xf32, #tpu.memory_space<vmem>>, vector<1x16xf32>,
      %swap3A_1006 = vector.shape_cast %swap3A_1005 : vector<1x16xf32> to vector<16xf32>
      %swap3A_1007 = vector.shape_cast %mul3A_998 : vector<16xf32> to vector<1x16xf32>
      tpu.vector_store %swap3A_1002[%swap3A_1003, %swap3A_1004], %swap3A_1007 {strides = array<i32>} : memref<128x64xf32, #tpu.memory_space<vmem>>, vector<1x16xf32>,
    }
    %scan3A_265 = arith.constant 125 : i32
    %mul3A_266 = arith.constant 625 : i32
    %mul3A_267 = arith.muli %arg1, %mul3A_266 : i32
    %add3A_268 = arith.constant 125 : i32
    %add3A_269 = arith.addi %mul3A_267, %add3A_268 : i32
    %dma_start3A_270 = arith.constant 2 : i32
    %dma_start3A_271 = arith.constant 0 : i32
    %dma_start3A_272 = arith.constant 0 : i32
    %dma_start3A_273 = arith.constant 0 : i32
    %dma_start3A_274 = tpu.memref_slice %arg8[%dma_start3A_270, %dma_start3A_272, %dma_start3A_273] : memref<5x128x64xf32, #tpu.memory_space<vmem>> -> memref<1x128x64xf32, #tpu.memory_space<vmem>>
    %dma_start3A_275 = tpu.memref_squeeze %dma_start3A_274 : memref<1x128x64xf32, #tpu.memory_space<vmem>> -> memref<128x64xf32, #tpu.memory_space<vmem>>
    %dma_start3A_276 = arith.constant 0 : i32
    %dma_start3A_277 = arith.constant 0 : i32
    %dma_start3A_278 = tpu.memref_slice %dma_start3A_275[%dma_start3A_276, %dma_start3A_277] : memref<128x64xf32, #tpu.memory_space<vmem>> -> memref<125x64xf32, #tpu.memory_space<vmem>>
    %dma_start3A_279 = tpu.memref_slice %arg5[%add3A_269, %dma_start3A_271, %mul3A_0] : memref<10000x11x128xf32, #tpu.memory_space<hbm>> -> memref<125x1x64xf32, #tpu.memory_space<hbm>>
    %dma_start3A_280 = tpu.memref_squeeze %dma_start3A_279 : memref<125x1x64xf32, #tpu.memory_space<hbm>> -> memref<125x64xf32, #tpu.memory_space<hbm>>
    %dma_start3A_281 = tpu.memref_slice %arg5[%add3A_269, %dma_start3A_271, %mul3A_0] : memref<10000x11x128xf32, #tpu.memory_space<hbm>> -> memref<125x1x64xf32, #tpu.memory_space<hbm>>
    %dma_start3A_282 = tpu.memref_squeeze %dma_start3A_281 : memref<125x1x64xf32, #tpu.memory_space<hbm>> -> memref<125x64xf32, #tpu.memory_space<hbm>>
    %dma_start3A_283 = arith.constant 0 : i32
    %dma_start3A_284 = arith.constant 0 : i32
    %dma_start3A_285 = tpu.memref_slice %arg8[%dma_start3A_270, %dma_start3A_283, %dma_start3A_284] : memref<5x128x64xf32, #tpu.memory_space<vmem>> -> memref<1x128x64xf32, #tpu.memory_space<vmem>>
    %dma_start3A_286 = tpu.memref_squeeze %dma_start3A_285 : memref<1x128x64xf32, #tpu.memory_space<vmem>> -> memref<128x64xf32, #tpu.memory_space<vmem>>
    %dma_start3A_287 = arith.constant 0 : i32
    %dma_start3A_288 = arith.constant 0 : i32
    %dma_start3A_289 = tpu.memref_slice %dma_start3A_286[%dma_start3A_287, %dma_start3A_288] : memref<128x64xf32, #tpu.memory_space<vmem>> -> memref<125x64xf32, #tpu.memory_space<vmem>>
    tpu.enqueue_dma source(%dma_start3A_289 : memref<125x64xf32, #tpu.memory_space<vmem>>) target(%dma_start3A_282 : memref<125x64xf32, #tpu.memory_space<hbm>>) target_semaphore(%arg13 : memref<!tpu.dma_semaphore, #tpu.memory_space<semaphore_mem>>)
    %dma_start3A_290 = arith.constant 2 : i32
    %dma_start3A_291 = arith.constant 0 : i32
    %dma_start3A_292 = arith.constant 0 : i32
    %dma_start3A_293 = tpu.memref_slice %arg8[%dma_start3A_290, %dma_start3A_291, %dma_start3A_292] : memref<5x128x64xf32, #tpu.memory_space<vmem>> -> memref<1x128x64xf32, #tpu.memory_space<vmem>>
    %dma_start3A_294 = tpu.memref_squeeze %dma_start3A_293 : memref<1x128x64xf32, #tpu.memory_space<vmem>> -> memref<128x64xf32, #tpu.memory_space<vmem>>
    %dma_start3A_295 = arith.constant 0 : i32
    %dma_start3A_296 = arith.constant 0 : i32
    %dma_start3A_297 = tpu.memref_slice %dma_start3A_294[%dma_start3A_295, %dma_start3A_296] : memref<128x64xf32, #tpu.memory_space<vmem>> -> memref<125x64xf32, #tpu.memory_space<vmem>>
    %dma_start3A_298 = arith.constant 0 : i32
    %dma_start3A_299 = tpu.memref_slice %arg7[%add3A_269, %dma_start3A_298] : memref<10000x64xf32, #tpu.memory_space<vmem_shared>> -> memref<125x64xf32, #tpu.memory_space<vmem_shared>>
    %dma_start3A_300 = arith.constant 0 : i32
    %dma_start3A_301 = tpu.memref_slice %arg7[%add3A_269, %dma_start3A_300] : memref<10000x64xf32, #tpu.memory_space<vmem_shared>> -> memref<125x64xf32, #tpu.memory_space<vmem_shared>>
    %dma_start3A_302 = arith.constant 0 : i32
    %dma_start3A_303 = arith.constant 0 : i32
    %dma_start3A_304 = tpu.memref_slice %arg8[%dma_start3A_290, %dma_start3A_302, %dma_start3A_303] : memref<5x128x64xf32, #tpu.memory_space<vmem>> -> memref<1x128x64xf32, #tpu.memory_space<vmem>>
    %dma_start3A_305 = tpu.memref_squeeze %dma_start3A_304 : memref<1x128x64xf32, #tpu.memory_space<vmem>> -> memref<128x64xf32, #tpu.memory_space<vmem>>
    %dma_start3A_306 = arith.constant 0 : i32
    %dma_start3A_307 = arith.constant 0 : i32
    %dma_start3A_308 = tpu.memref_slice %dma_start3A_305[%dma_start3A_306, %dma_start3A_307] : memref<128x64xf32, #tpu.memory_space<vmem>> -> memref<125x64xf32, #tpu.memory_space<vmem>>
    tpu.enqueue_dma source(%dma_start3A_308 : memref<125x64xf32, #tpu.memory_space<vmem>>) target(%dma_start3A_301 : memref<125x64xf32, #tpu.memory_space<vmem_shared>>) target_semaphore(%arg14 : memref<!tpu.dma_semaphore, #tpu.memory_space<semaphore_mem>>)
    %dma_start3A_309 = arith.constant 0 : i32
    %dma_start3A_310 = arith.constant 0 : i32
    %dma_start3A_311 = arith.constant 0 : i32
    %dma_start3A_312 = tpu.memref_slice %arg8[%dma_start3A_309, %dma_start3A_310, %dma_start3A_311] : memref<5x128x64xf32, #tpu.memory_space<vmem>> -> memref<1x128x64xf32, #tpu.memory_space<vmem>>
    %dma_start3A_313 = tpu.memref_squeeze %dma_start3A_312 : memref<1x128x64xf32, #tpu.memory_space<vmem>> -> memref<128x64xf32, #tpu.memory_space<vmem>>
    %dma_start3A_314 = arith.constant 0 : i32
    %dma_start3A_315 = arith.constant 0 : i32
    %dma_start3A_316 = tpu.memref_slice %dma_start3A_313[%dma_start3A_314, %dma_start3A_315] : memref<128x64xf32, #tpu.memory_space<vmem>> -> memref<125x64xf32, #tpu.memory_space<vmem>>
    %dma_start3A_317 = arith.constant 0 : i32
    %dma_start3A_318 = tpu.memref_slice %arg6[%add3A_269, %dma_start3A_317] : memref<10016x64xf32, #tpu.memory_space<vmem_shared>> -> memref<125x64xf32, #tpu.memory_space<vmem_shared>>
    %dma_start3A_319 = arith.constant 0 : i32
    %dma_start3A_320 = tpu.memref_slice %arg6[%add3A_269, %dma_start3A_319] : memref<10016x64xf32, #tpu.memory_space<vmem_shared>> -> memref<125x64xf32, #tpu.memory_space<vmem_shared>>
    %dma_start3A_321 = arith.constant 0 : i32
    %dma_start3A_322 = arith.constant 0 : i32
    %dma_start3A_323 = tpu.memref_slice %arg8[%dma_start3A_309, %dma_start3A_321, %dma_start3A_322] : memref<5x128x64xf32, #tpu.memory_space<vmem>> -> memref<1x128x64xf32, #tpu.memory_space<vmem>>
    %dma_start3A_324 = tpu.memref_squeeze %dma_start3A_323 : memref<1x128x64xf32, #tpu.memory_space<vmem>> -> memref<128x64xf32, #tpu.memory_space<vmem>>
    %dma_start3A_325 = arith.constant 0 : i32
    %dma_start3A_326 = arith.constant 0 : i32
    %dma_start3A_327 = tpu.memref_slice %dma_start3A_324[%dma_start3A_325, %dma_start3A_326] : memref<128x64xf32, #tpu.memory_space<vmem>> -> memref<125x64xf32, #tpu.memory_space<vmem>>
    tpu.enqueue_dma source(%dma_start3A_327 : memref<125x64xf32, #tpu.memory_space<vmem>>) target(%dma_start3A_320 : memref<125x64xf32, #tpu.memory_space<vmem_shared>>) target_semaphore(%arg14 : memref<!tpu.dma_semaphore, #tpu.memory_space<semaphore_mem>>)
    %mul3A_328 = arith.constant 625 : i32
    %mul3A_329 = arith.muli %arg1, %mul3A_328 : i32
    %add3A_330 = arith.constant 250 : i32
    %add3A_331 = arith.addi %mul3A_329, %add3A_330 : i32
    %dma_wait3A_332 = arith.constant 1 : i32
    %dma_wait3A_333 = arith.constant 0 : i32
    %dma_wait3A_334 = arith.constant 0 : i32
    %dma_wait3A_335 = tpu.memref_slice %arg8[%dma_wait3A_332, %dma_wait3A_333, %dma_wait3A_334] : memref<5x128x64xf32, #tpu.memory_space<vmem>> -> memref<1x128x64xf32, #tpu.memory_space<vmem>>
    %dma_wait3A_336 = tpu.memref_squeeze %dma_wait3A_335 : memref<1x128x64xf32, #tpu.memory_space<vmem>> -> memref<128x64xf32, #tpu.memory_space<vmem>>
    %dma_wait3A_337 = arith.constant 0 : i32
    %dma_wait3A_338 = arith.constant 0 : i32
    %dma_wait3A_339 = tpu.memref_slice %dma_wait3A_336[%dma_wait3A_337, %dma_wait3A_338] : memref<128x64xf32, #tpu.memory_space<vmem>> -> memref<125x64xf32, #tpu.memory_space<vmem>>
    %dma_wait3A_340 = tpu.memref_slice %arg2[%add3A_331, %mul3A_0] : memref<10000x128xf32, #tpu.memory_space<hbm>> -> memref<125x64xf32, #tpu.memory_space<hbm>>
    %dma_wait3A_341 = arith.constant 0 : i32
    %dma_wait3A_342 = arith.constant 0 : i32
    %dma_wait3A_343 = tpu.memref_slice %arg8[%dma_wait3A_332, %dma_wait3A_341, %dma_wait3A_342] : memref<5x128x64xf32, #tpu.memory_space<vmem>> -> memref<1x128x64xf32, #tpu.memory_space<vmem>>
    %dma_wait3A_344 = tpu.memref_squeeze %dma_wait3A_343 : memref<1x128x64xf32, #tpu.memory_space<vmem>> -> memref<128x64xf32, #tpu.memory_space<vmem>>
    %dma_wait3A_345 = arith.constant 0 : i32
    %dma_wait3A_346 = arith.constant 0 : i32
    %dma_wait3A_347 = tpu.memref_slice %dma_wait3A_344[%dma_wait3A_345, %dma_wait3A_346] : memref<128x64xf32, #tpu.memory_space<vmem>> -> memref<125x64xf32, #tpu.memory_space<vmem>>
    %dma_wait3A_348 = tpu.memref_slice %arg2[%add3A_331, %mul3A_0] : memref<10000x128xf32, #tpu.memory_space<hbm>> -> memref<125x64xf32, #tpu.memory_space<hbm>>
    tpu.wait_dma2 semaphore(%arg11 : memref<!tpu.dma_semaphore, #tpu.memory_space<semaphore_mem>>) src(%dma_wait3A_348 : memref<125x64xf32, #tpu.memory_space<hbm>>) dst(%dma_wait3A_347 : memref<125x64xf32, #tpu.memory_space<vmem>>)
    %mul3A_349 = arith.constant 625 : i32
    %mul3A_350 = arith.muli %arg1, %mul3A_349 : i32
    %add3A_351 = arith.constant 125 : i32
    %add3A_352 = arith.addi %mul3A_350, %add3A_351 : i32
    %dma_wait3A_353 = arith.constant 2 : i32
    %dma_wait3A_354 = arith.constant 0 : i32
    %dma_wait3A_355 = arith.constant 0 : i32
    %dma_wait3A_356 = arith.constant 0 : i32
    %dma_wait3A_357 = tpu.memref_slice %arg8[%dma_wait3A_353, %dma_wait3A_355, %dma_wait3A_356] : memref<5x128x64xf32, #tpu.memory_space<vmem>> -> memref<1x128x64xf32, #tpu.memory_space<vmem>>
    %dma_wait3A_358 = tpu.memref_squeeze %dma_wait3A_357 : memref<1x128x64xf32, #tpu.memory_space<vmem>> -> memref<128x64xf32, #tpu.memory_space<vmem>>
    %dma_wait3A_359 = arith.constant 0 : i32
    %dma_wait3A_360 = arith.constant 0 : i32
    %dma_wait3A_361 = tpu.memref_slice %dma_wait3A_358[%dma_wait3A_359, %dma_wait3A_360] : memref<128x64xf32, #tpu.memory_space<vmem>> -> memref<125x64xf32, #tpu.memory_space<vmem>>
    %dma_wait3A_362 = tpu.memref_slice %arg5[%add3A_352, %dma_wait3A_354, %mul3A_0] : memref<10000x11x128xf32, #tpu.memory_space<hbm>> -> memref<125x1x64xf32, #tpu.memory_space<hbm>>
    %dma_wait3A_363 = tpu.memref_squeeze %dma_wait3A_362 : memref<125x1x64xf32, #tpu.memory_space<hbm>> -> memref<125x64xf32, #tpu.memory_space<hbm>>
    %dma_wait3A_364 = tpu.memref_slice %arg5[%add3A_352, %dma_wait3A_354, %mul3A_0] : memref<10000x11x128xf32, #tpu.memory_space<hbm>> -> memref<125x1x64xf32, #tpu.memory_space<hbm>>
    %dma_wait3A_365 = tpu.memref_squeeze %dma_wait3A_364 : memref<125x1x64xf32, #tpu.memory_space<hbm>> -> memref<125x64xf32, #tpu.memory_space<hbm>>
    %dma_wait3A_366 = arith.constant 0 : i32
    %dma_wait3A_367 = arith.constant 0 : i32
    %dma_wait3A_368 = tpu.memref_slice %arg8[%dma_wait3A_353, %dma_wait3A_366, %dma_wait3A_367] : memref<5x128x64xf32, #tpu.memory_space<vmem>> -> memref<1x128x64xf32, #tpu.memory_space<vmem>>
    %dma_wait3A_369 = tpu.memref_squeeze %dma_wait3A_368 : memref<1x128x64xf32, #tpu.memory_space<vmem>> -> memref<128x64xf32, #tpu.memory_space<vmem>>
    %dma_wait3A_370 = arith.constant 0 : i32
    %dma_wait3A_371 = arith.constant 0 : i32
    %dma_wait3A_372 = tpu.memref_slice %dma_wait3A_369[%dma_wait3A_370, %dma_wait3A_371] : memref<128x64xf32, #tpu.memory_space<vmem>> -> memref<125x64xf32, #tpu.memory_space<vmem>>
    tpu.wait_dma2 semaphore(%arg13 : memref<!tpu.dma_semaphore, #tpu.memory_space<semaphore_mem>>) src(%dma_wait3A_372 : memref<125x64xf32, #tpu.memory_space<vmem>>) dst(%dma_wait3A_365 : memref<125x64xf32, #tpu.memory_space<hbm>>)
    %dma_wait3A_373 = arith.constant 2 : i32
    %dma_wait3A_374 = arith.constant 0 : i32
    %dma_wait3A_375 = arith.constant 0 : i32
    %dma_wait3A_376 = tpu.memref_slice %arg8[%dma_wait3A_373, %dma_wait3A_374, %dma_wait3A_375] : memref<5x128x64xf32, #tpu.memory_space<vmem>> -> memref<1x128x64xf32, #tpu.memory_space<vmem>>
    %dma_wait3A_377 = tpu.memref_squeeze %dma_wait3A_376 : memref<1x128x64xf32, #tpu.memory_space<vmem>> -> memref<128x64xf32, #tpu.memory_space<vmem>>
    %dma_wait3A_378 = arith.constant 0 : i32
    %dma_wait3A_379 = arith.constant 0 : i32
    %dma_wait3A_380 = tpu.memref_slice %dma_wait3A_377[%dma_wait3A_378, %dma_wait3A_379] : memref<128x64xf32, #tpu.memory_space<vmem>> -> memref<125x64xf32, #tpu.memory_space<vmem>>
    %dma_wait3A_381 = arith.constant 0 : i32
    %dma_wait3A_382 = tpu.memref_slice %arg7[%add3A_352, %dma_wait3A_381] : memref<10000x64xf32, #tpu.memory_space<vmem_shared>> -> memref<125x64xf32, #tpu.memory_space<vmem_shared>>
    %dma_wait3A_383 = arith.constant 0 : i32
    %dma_wait3A_384 = tpu.memref_slice %arg7[%add3A_352, %dma_wait3A_383] : memref<10000x64xf32, #tpu.memory_space<vmem_shared>> -> memref<125x64xf32, #tpu.memory_space<vmem_shared>>
    %dma_wait3A_385 = arith.constant 0 : i32
    %dma_wait3A_386 = arith.constant 0 : i32
    %dma_wait3A_387 = tpu.memref_slice %arg8[%dma_wait3A_373, %dma_wait3A_385, %dma_wait3A_386] : memref<5x128x64xf32, #tpu.memory_space<vmem>> -> memref<1x128x64xf32, #tpu.memory_space<vmem>>
    %dma_wait3A_388 = tpu.memref_squeeze %dma_wait3A_387 : memref<1x128x64xf32, #tpu.memory_space<vmem>> -> memref<128x64xf32, #tpu.memory_space<vmem>>
    %dma_wait3A_389 = arith.constant 0 : i32
    %dma_wait3A_390 = arith.constant 0 : i32
    %dma_wait3A_391 = tpu.memref_slice %dma_wait3A_388[%dma_wait3A_389, %dma_wait3A_390] : memref<128x64xf32, #tpu.memory_space<vmem>> -> memref<125x64xf32, #tpu.memory_space<vmem>>
    tpu.wait_dma2 semaphore(%arg14 : memref<!tpu.dma_semaphore, #tpu.memory_space<semaphore_mem>>) src(%dma_wait3A_391 : memref<125x64xf32, #tpu.memory_space<vmem>>) dst(%dma_wait3A_384 : memref<125x64xf32, #tpu.memory_space<vmem_shared>>)
    %dma_wait3A_392 = arith.constant 0 : i32
    %dma_wait3A_393 = arith.constant 0 : i32
    %dma_wait3A_394 = arith.constant 0 : i32
    %dma_wait3A_395 = tpu.memref_slice %arg8[%dma_wait3A_392, %dma_wait3A_393, %dma_wait3A_394] : memref<5x128x64xf32, #tpu.memory_space<vmem>> -> memref<1x128x64xf32, #tpu.memory_space<vmem>>
    %dma_wait3A_396 = tpu.memref_squeeze %dma_wait3A_395 : memref<1x128x64xf32, #tpu.memory_space<vmem>> -> memref<128x64xf32, #tpu.memory_space<vmem>>
    %dma_wait3A_397 = arith.constant 0 : i32
    %dma_wait3A_398 = arith.constant 0 : i32
    %dma_wait3A_399 = tpu.memref_slice %dma_wait3A_396[%dma_wait3A_397, %dma_wait3A_398] : memref<128x64xf32, #tpu.memory_space<vmem>> -> memref<125x64xf32, #tpu.memory_space<vmem>>
    %dma_wait3A_400 = arith.constant 0 : i32
    %dma_wait3A_401 = tpu.memref_slice %arg6[%add3A_352, %dma_wait3A_400] : memref<10016x64xf32, #tpu.memory_space<vmem_shared>> -> memref<125x64xf32, #tpu.memory_space<vmem_shared>>
    %dma_wait3A_402 = arith.constant 0 : i32
    %dma_wait3A_403 = tpu.memref_slice %arg6[%add3A_352, %dma_wait3A_402] : memref<10016x64xf32, #tpu.memory_space<vmem_shared>> -> memref<125x64xf32, #tpu.memory_space<vmem_shared>>
    %dma_wait3A_404 = arith.constant 0 : i32
    %dma_wait3A_405 = arith.constant 0 : i32
    %dma_wait3A_406 = tpu.memref_slice %arg8[%dma_wait3A_392, %dma_wait3A_404, %dma_wait3A_405] : memref<5x128x64xf32, #tpu.memory_space<vmem>> -> memref<1x128x64xf32, #tpu.memory_space<vmem>>
    %dma_wait3A_407 = tpu.memref_squeeze %dma_wait3A_406 : memref<1x128x64xf32, #tpu.memory_space<vmem>> -> memref<128x64xf32, #tpu.memory_space<vmem>>
    %dma_wait3A_408 = arith.constant 0 : i32
    %dma_wait3A_409 = arith.constant 0 : i32
    %dma_wait3A_410 = tpu.memref_slice %dma_wait3A_407[%dma_wait3A_408, %dma_wait3A_409] : memref<128x64xf32, #tpu.memory_space<vmem>> -> memref<125x64xf32, #tpu.memory_space<vmem>>
    tpu.wait_dma2 semaphore(%arg14 : memref<!tpu.dma_semaphore, #tpu.memory_space<semaphore_mem>>) src(%dma_wait3A_410 : memref<125x64xf32, #tpu.memory_space<vmem>>) dst(%dma_wait3A_403 : memref<125x64xf32, #tpu.memory_space<vmem_shared>>)
    %mul3A_411 = arith.constant 625 : i32
    %mul3A_412 = arith.muli %arg1, %mul3A_411 : i32
    %add3A_413 = arith.constant 375 : i32
    %add3A_414 = arith.addi %mul3A_412, %add3A_413 : i32
    %dma_start3A_415 = arith.constant 2 : i32
    %dma_start3A_416 = arith.constant 0 : i32
    %dma_start3A_417 = arith.constant 0 : i32
    %dma_start3A_418 = tpu.memref_slice %arg8[%dma_start3A_415, %dma_start3A_416, %dma_start3A_417] : memref<5x128x64xf32, #tpu.memory_space<vmem>> -> memref<1x128x64xf32, #tpu.memory_space<vmem>>
    %dma_start3A_419 = tpu.memref_squeeze %dma_start3A_418 : memref<1x128x64xf32, #tpu.memory_space<vmem>> -> memref<128x64xf32, #tpu.memory_space<vmem>>
    %dma_start3A_420 = arith.constant 0 : i32
    %dma_start3A_421 = arith.constant 0 : i32
    %dma_start3A_422 = tpu.memref_slice %dma_start3A_419[%dma_start3A_420, %dma_start3A_421] : memref<128x64xf32, #tpu.memory_space<vmem>> -> memref<125x64xf32, #tpu.memory_space<vmem>>
    %dma_start3A_423 = tpu.memref_slice %arg2[%add3A_414, %mul3A_0] : memref<10000x128xf32, #tpu.memory_space<hbm>> -> memref<125x64xf32, #tpu.memory_space<hbm>>
    %dma_start3A_424 = arith.constant 0 : i32
    %dma_start3A_425 = arith.constant 0 : i32
    %dma_start3A_426 = tpu.memref_slice %arg8[%dma_start3A_415, %dma_start3A_424, %dma_start3A_425] : memref<5x128x64xf32, #tpu.memory_space<vmem>> -> memref<1x128x64xf32, #tpu.memory_space<vmem>>
    %dma_start3A_427 = tpu.memref_squeeze %dma_start3A_426 : memref<1x128x64xf32, #tpu.memory_space<vmem>> -> memref<128x64xf32, #tpu.memory_space<vmem>>
    %dma_start3A_428 = arith.constant 0 : i32
    %dma_start3A_429 = arith.constant 0 : i32
    %dma_start3A_430 = tpu.memref_slice %dma_start3A_427[%dma_start3A_428, %dma_start3A_429] : memref<128x64xf32, #tpu.memory_space<vmem>> -> memref<125x64xf32, #tpu.memory_space<vmem>>
    %dma_start3A_431 = tpu.memref_slice %arg2[%add3A_414, %mul3A_0] : memref<10000x128xf32, #tpu.memory_space<hbm>> -> memref<125x64xf32, #tpu.memory_space<hbm>>
    tpu.enqueue_dma source(%dma_start3A_431 : memref<125x64xf32, #tpu.memory_space<hbm>>) target(%dma_start3A_430 : memref<125x64xf32, #tpu.memory_space<vmem>>) target_semaphore(%arg11 : memref<!tpu.dma_semaphore, #tpu.memory_space<semaphore_mem>>)
    %scan3A_432 = arith.constant 0 : i32
    %scan3A_433 = arith.constant 1 : i32
    %scan3A_434 = arith.constant 0 : i32
    %scan3A_435 = arith.constant 125 : i32
    %scan3A_436 = arith.addi %scan3A_434, %scan3A_435 : i32
    %scan3A_437 = arith.constant 1 : i32
    scf.for %scan3A_936 = %scan3A_434 to %scan3A_436 step %scan3A_437  : i32 {
      %get3A_937 = arith.constant 0 : i32
      %get3A_938 = arith.constant 0 : i32
      %get3A_939 = tpu.memref_slice %arg8[%scan3A_433, %get3A_937, %get3A_938] : memref<5x128x64xf32, #tpu.memory_space<vmem>> -> memref<1x128x64xf32, #tpu.memory_space<vmem>>
      %get3A_940 = tpu.memref_squeeze %get3A_939 : memref<1x128x64xf32, #tpu.memory_space<vmem>> -> memref<128x64xf32, #tpu.memory_space<vmem>>
      %get3A_941 = arith.index_cast %scan3A_936 : i32 to index
      %get3A_942 = arith.constant 0 : index
      %get3A_943 = tpu.vector_load %get3A_940[%get3A_941, %get3A_942] {strides = array<i32>} : memref<128x64xf32, #tpu.memory_space<vmem>>, vector<1x16xf32>,
      %get3A_944 = vector.shape_cast %get3A_943 : vector<1x16xf32> to vector<16xf32>
      %mul3A_945 = arith.mulf %get3A_944, %get3A_10 : vector<16xf32>
      %swap3A = arith.constant 0 : i32
      %swap3A_946 = arith.constant 0 : i32
      %swap3A_947 = tpu.memref_slice %arg8[%scan3A_433, %swap3A, %swap3A_946] : memref<5x128x64xf32, #tpu.memory_space<vmem>> -> memref<1x128x64xf32, #tpu.memory_space<vmem>>
      %swap3A_948 = tpu.memref_squeeze %swap3A_947 : memref<1x128x64xf32, #tpu.memory_space<vmem>> -> memref<128x64xf32, #tpu.memory_space<vmem>>
      %swap3A_949 = arith.index_cast %scan3A_936 : i32 to index
      %swap3A_950 = arith.constant 0 : index
      %swap3A_951 = tpu.vector_load %swap3A_948[%swap3A_949, %swap3A_950] {strides = array<i32>} : memref<128x64xf32, #tpu.memory_space<vmem>>, vector<1x16xf32>,
      %swap3A_952 = vector.shape_cast %swap3A_951 : vector<1x16xf32> to vector<16xf32>
      %swap3A_953 = vector.shape_cast %mul3A_945 : vector<16xf32> to vector<1x16xf32>
      tpu.vector_store %swap3A_948[%swap3A_949, %swap3A_950], %swap3A_953 {strides = array<i32>} : memref<128x64xf32, #tpu.memory_space<vmem>>, vector<1x16xf32>,
      %get3A_954 = arith.constant 0 : i32
      %get3A_955 = arith.constant 0 : i32
      %get3A_956 = tpu.memref_slice %arg8[%scan3A_433, %get3A_954, %get3A_955] : memref<5x128x64xf32, #tpu.memory_space<vmem>> -> memref<1x128x64xf32, #tpu.memory_space<vmem>>
      %get3A_957 = tpu.memref_squeeze %get3A_956 : memref<1x128x64xf32, #tpu.memory_space<vmem>> -> memref<128x64xf32, #tpu.memory_space<vmem>>
      %get3A_958 = arith.index_cast %scan3A_936 : i32 to index
      %get3A_959 = arith.constant 16 : index
      %get3A_960 = tpu.vector_load %get3A_957[%get3A_958, %get3A_959] {strides = array<i32>} : memref<128x64xf32, #tpu.memory_space<vmem>>, vector<1x16xf32>,
      %get3A_961 = vector.shape_cast %get3A_960 : vector<1x16xf32> to vector<16xf32>
      %mul3A_962 = arith.mulf %get3A_961, %get3A_15 : vector<16xf32>
      %swap3A_963 = arith.constant 0 : i32
      %swap3A_964 = arith.constant 0 : i32
      %swap3A_965 = tpu.memref_slice %arg8[%scan3A_433, %swap3A_963, %swap3A_964] : memref<5x128x64xf32, #tpu.memory_space<vmem>> -> memref<1x128x64xf32, #tpu.memory_space<vmem>>
      %swap3A_966 = tpu.memref_squeeze %swap3A_965 : memref<1x128x64xf32, #tpu.memory_space<vmem>> -> memref<128x64xf32, #tpu.memory_space<vmem>>
      %swap3A_967 = arith.index_cast %scan3A_936 : i32 to index
      %swap3A_968 = arith.constant 16 : index
      %swap3A_969 = tpu.vector_load %swap3A_966[%swap3A_967, %swap3A_968] {strides = array<i32>} : memref<128x64xf32, #tpu.memory_space<vmem>>, vector<1x16xf32>,
      %swap3A_970 = vector.shape_cast %swap3A_969 : vector<1x16xf32> to vector<16xf32>
      %swap3A_971 = vector.shape_cast %mul3A_962 : vector<16xf32> to vector<1x16xf32>
      tpu.vector_store %swap3A_966[%swap3A_967, %swap3A_968], %swap3A_971 {strides = array<i32>} : memref<128x64xf32, #tpu.memory_space<vmem>>, vector<1x16xf32>,
      %get3A_972 = arith.constant 0 : i32
      %get3A_973 = arith.constant 0 : i32
      %get3A_974 = tpu.memref_slice %arg8[%scan3A_433, %get3A_972, %get3A_973] : memref<5x128x64xf32, #tpu.memory_space<vmem>> -> memref<1x128x64xf32, #tpu.memory_space<vmem>>
      %get3A_975 = tpu.memref_squeeze %get3A_974 : memref<1x128x64xf32, #tpu.memory_space<vmem>> -> memref<128x64xf32, #tpu.memory_space<vmem>>
      %get3A_976 = arith.index_cast %scan3A_936 : i32 to index
      %get3A_977 = arith.constant 32 : index
      %get3A_978 = tpu.vector_load %get3A_975[%get3A_976, %get3A_977] {strides = array<i32>} : memref<128x64xf32, #tpu.memory_space<vmem>>, vector<1x16xf32>,
      %get3A_979 = vector.shape_cast %get3A_978 : vector<1x16xf32> to vector<16xf32>
      %mul3A_980 = arith.mulf %get3A_979, %get3A_20 : vector<16xf32>
      %swap3A_981 = arith.constant 0 : i32
      %swap3A_982 = arith.constant 0 : i32
      %swap3A_983 = tpu.memref_slice %arg8[%scan3A_433, %swap3A_981, %swap3A_982] : memref<5x128x64xf32, #tpu.memory_space<vmem>> -> memref<1x128x64xf32, #tpu.memory_space<vmem>>
      %swap3A_984 = tpu.memref_squeeze %swap3A_983 : memref<1x128x64xf32, #tpu.memory_space<vmem>> -> memref<128x64xf32, #tpu.memory_space<vmem>>
      %swap3A_985 = arith.index_cast %scan3A_936 : i32 to index
      %swap3A_986 = arith.constant 32 : index
      %swap3A_987 = tpu.vector_load %swap3A_984[%swap3A_985, %swap3A_986] {strides = array<i32>} : memref<128x64xf32, #tpu.memory_space<vmem>>, vector<1x16xf32>,
      %swap3A_988 = vector.shape_cast %swap3A_987 : vector<1x16xf32> to vector<16xf32>
      %swap3A_989 = vector.shape_cast %mul3A_980 : vector<16xf32> to vector<1x16xf32>
      tpu.vector_store %swap3A_984[%swap3A_985, %swap3A_986], %swap3A_989 {strides = array<i32>} : memref<128x64xf32, #tpu.memory_space<vmem>>, vector<1x16xf32>,
      %get3A_990 = arith.constant 0 : i32
      %get3A_991 = arith.constant 0 : i32
      %get3A_992 = tpu.memref_slice %arg8[%scan3A_433, %get3A_990, %get3A_991] : memref<5x128x64xf32, #tpu.memory_space<vmem>> -> memref<1x128x64xf32, #tpu.memory_space<vmem>>
      %get3A_993 = tpu.memref_squeeze %get3A_992 : memref<1x128x64xf32, #tpu.memory_space<vmem>> -> memref<128x64xf32, #tpu.memory_space<vmem>>
      %get3A_994 = arith.index_cast %scan3A_936 : i32 to index
      %get3A_995 = arith.constant 48 : index
      %get3A_996 = tpu.vector_load %get3A_993[%get3A_994, %get3A_995] {strides = array<i32>} : memref<128x64xf32, #tpu.memory_space<vmem>>, vector<1x16xf32>,
      %get3A_997 = vector.shape_cast %get3A_996 : vector<1x16xf32> to vector<16xf32>
      %mul3A_998 = arith.mulf %get3A_997, %get3A_25 : vector<16xf32>
      %swap3A_999 = arith.constant 0 : i32
      %swap3A_1000 = arith.constant 0 : i32
      %swap3A_1001 = tpu.memref_slice %arg8[%scan3A_433, %swap3A_999, %swap3A_1000] : memref<5x128x64xf32, #tpu.memory_space<vmem>> -> memref<1x128x64xf32, #tpu.memory_space<vmem>>
      %swap3A_1002 = tpu.memref_squeeze %swap3A_1001 : memref<1x128x64xf32, #tpu.memory_space<vmem>> -> memref<128x64xf32, #tpu.memory_space<vmem>>
      %swap3A_1003 = arith.index_cast %scan3A_936 : i32 to index
      %swap3A_1004 = arith.constant 48 : index
      %swap3A_1005 = tpu.vector_load %swap3A_1002[%swap3A_1003, %swap3A_1004] {strides = array<i32>} : memref<128x64xf32, #tpu.memory_space<vmem>>, vector<1x16xf32>,
      %swap3A_1006 = vector.shape_cast %swap3A_1005 : vector<1x16xf32> to vector<16xf32>
      %swap3A_1007 = vector.shape_cast %mul3A_998 : vector<16xf32> to vector<1x16xf32>
      tpu.vector_store %swap3A_1002[%swap3A_1003, %swap3A_1004], %swap3A_1007 {strides = array<i32>} : memref<128x64xf32, #tpu.memory_space<vmem>>, vector<1x16xf32>,
    }
    %scan3A_438 = arith.constant 125 : i32
    %mul3A_439 = arith.constant 625 : i32
    %mul3A_440 = arith.muli %arg1, %mul3A_439 : i32
    %add3A_441 = arith.constant 250 : i32
    %add3A_442 = arith.addi %mul3A_440, %add3A_441 : i32
    %dma_start3A_443 = arith.constant 1 : i32
    %dma_start3A_444 = arith.constant 0 : i32
    %dma_start3A_445 = arith.constant 0 : i32
    %dma_start3A_446 = arith.constant 0 : i32
    %dma_start3A_447 = tpu.memref_slice %arg8[%dma_start3A_443, %dma_start3A_445, %dma_start3A_446] : memref<5x128x64xf32, #tpu.memory_space<vmem>> -> memref<1x128x64xf32, #tpu.memory_space<vmem>>
    %dma_start3A_448 = tpu.memref_squeeze %dma_start3A_447 : memref<1x128x64xf32, #tpu.memory_space<vmem>> -> memref<128x64xf32, #tpu.memory_space<vmem>>
    %dma_start3A_449 = arith.constant 0 : i32
    %dma_start3A_450 = arith.constant 0 : i32
    %dma_start3A_451 = tpu.memref_slice %dma_start3A_448[%dma_start3A_449, %dma_start3A_450] : memref<128x64xf32, #tpu.memory_space<vmem>> -> memref<125x64xf32, #tpu.memory_space<vmem>>
    %dma_start3A_452 = tpu.memref_slice %arg5[%add3A_442, %dma_start3A_444, %mul3A_0] : memref<10000x11x128xf32, #tpu.memory_space<hbm>> -> memref<125x1x64xf32, #tpu.memory_space<hbm>>
    %dma_start3A_453 = tpu.memref_squeeze %dma_start3A_452 : memref<125x1x64xf32, #tpu.memory_space<hbm>> -> memref<125x64xf32, #tpu.memory_space<hbm>>
    %dma_start3A_454 = tpu.memref_slice %arg5[%add3A_442, %dma_start3A_444, %mul3A_0] : memref<10000x11x128xf32, #tpu.memory_space<hbm>> -> memref<125x1x64xf32, #tpu.memory_space<hbm>>
    %dma_start3A_455 = tpu.memref_squeeze %dma_start3A_454 : memref<125x1x64xf32, #tpu.memory_space<hbm>> -> memref<125x64xf32, #tpu.memory_space<hbm>>
    %dma_start3A_456 = arith.constant 0 : i32
    %dma_start3A_457 = arith.constant 0 : i32
    %dma_start3A_458 = tpu.memref_slice %arg8[%dma_start3A_443, %dma_start3A_456, %dma_start3A_457] : memref<5x128x64xf32, #tpu.memory_space<vmem>> -> memref<1x128x64xf32, #tpu.memory_space<vmem>>
    %dma_start3A_459 = tpu.memref_squeeze %dma_start3A_458 : memref<1x128x64xf32, #tpu.memory_space<vmem>> -> memref<128x64xf32, #tpu.memory_space<vmem>>
    %dma_start3A_460 = arith.constant 0 : i32
    %dma_start3A_461 = arith.constant 0 : i32
    %dma_start3A_462 = tpu.memref_slice %dma_start3A_459[%dma_start3A_460, %dma_start3A_461] : memref<128x64xf32, #tpu.memory_space<vmem>> -> memref<125x64xf32, #tpu.memory_space<vmem>>
    tpu.enqueue_dma source(%dma_start3A_462 : memref<125x64xf32, #tpu.memory_space<vmem>>) target(%dma_start3A_455 : memref<125x64xf32, #tpu.memory_space<hbm>>) target_semaphore(%arg13 : memref<!tpu.dma_semaphore, #tpu.memory_space<semaphore_mem>>)
    %dma_start3A_463 = arith.constant 1 : i32
    %dma_start3A_464 = arith.constant 0 : i32
    %dma_start3A_465 = arith.constant 0 : i32
    %dma_start3A_466 = tpu.memref_slice %arg8[%dma_start3A_463, %dma_start3A_464, %dma_start3A_465] : memref<5x128x64xf32, #tpu.memory_space<vmem>> -> memref<1x128x64xf32, #tpu.memory_space<vmem>>
    %dma_start3A_467 = tpu.memref_squeeze %dma_start3A_466 : memref<1x128x64xf32, #tpu.memory_space<vmem>> -> memref<128x64xf32, #tpu.memory_space<vmem>>
    %dma_start3A_468 = arith.constant 0 : i32
    %dma_start3A_469 = arith.constant 0 : i32
    %dma_start3A_470 = tpu.memref_slice %dma_start3A_467[%dma_start3A_468, %dma_start3A_469] : memref<128x64xf32, #tpu.memory_space<vmem>> -> memref<125x64xf32, #tpu.memory_space<vmem>>
    %dma_start3A_471 = arith.constant 0 : i32
    %dma_start3A_472 = tpu.memref_slice %arg7[%add3A_442, %dma_start3A_471] : memref<10000x64xf32, #tpu.memory_space<vmem_shared>> -> memref<125x64xf32, #tpu.memory_space<vmem_shared>>
    %dma_start3A_473 = arith.constant 0 : i32
    %dma_start3A_474 = tpu.memref_slice %arg7[%add3A_442, %dma_start3A_473] : memref<10000x64xf32, #tpu.memory_space<vmem_shared>> -> memref<125x64xf32, #tpu.memory_space<vmem_shared>>
    %dma_start3A_475 = arith.constant 0 : i32
    %dma_start3A_476 = arith.constant 0 : i32
    %dma_start3A_477 = tpu.memref_slice %arg8[%dma_start3A_463, %dma_start3A_475, %dma_start3A_476] : memref<5x128x64xf32, #tpu.memory_space<vmem>> -> memref<1x128x64xf32, #tpu.memory_space<vmem>>
    %dma_start3A_478 = tpu.memref_squeeze %dma_start3A_477 : memref<1x128x64xf32, #tpu.memory_space<vmem>> -> memref<128x64xf32, #tpu.memory_space<vmem>>
    %dma_start3A_479 = arith.constant 0 : i32
    %dma_start3A_480 = arith.constant 0 : i32
    %dma_start3A_481 = tpu.memref_slice %dma_start3A_478[%dma_start3A_479, %dma_start3A_480] : memref<128x64xf32, #tpu.memory_space<vmem>> -> memref<125x64xf32, #tpu.memory_space<vmem>>
    tpu.enqueue_dma source(%dma_start3A_481 : memref<125x64xf32, #tpu.memory_space<vmem>>) target(%dma_start3A_474 : memref<125x64xf32, #tpu.memory_space<vmem_shared>>) target_semaphore(%arg14 : memref<!tpu.dma_semaphore, #tpu.memory_space<semaphore_mem>>)
    %dma_start3A_482 = arith.constant 0 : i32
    %dma_start3A_483 = arith.constant 0 : i32
    %dma_start3A_484 = arith.constant 0 : i32
    %dma_start3A_485 = tpu.memref_slice %arg8[%dma_start3A_482, %dma_start3A_483, %dma_start3A_484] : memref<5x128x64xf32, #tpu.memory_space<vmem>> -> memref<1x128x64xf32, #tpu.memory_space<vmem>>
    %dma_start3A_486 = tpu.memref_squeeze %dma_start3A_485 : memref<1x128x64xf32, #tpu.memory_space<vmem>> -> memref<128x64xf32, #tpu.memory_space<vmem>>
    %dma_start3A_487 = arith.constant 0 : i32
    %dma_start3A_488 = arith.constant 0 : i32
    %dma_start3A_489 = tpu.memref_slice %dma_start3A_486[%dma_start3A_487, %dma_start3A_488] : memref<128x64xf32, #tpu.memory_space<vmem>> -> memref<125x64xf32, #tpu.memory_space<vmem>>
    %dma_start3A_490 = arith.constant 0 : i32
    %dma_start3A_491 = tpu.memref_slice %arg6[%add3A_442, %dma_start3A_490] : memref<10016x64xf32, #tpu.memory_space<vmem_shared>> -> memref<125x64xf32, #tpu.memory_space<vmem_shared>>
    %dma_start3A_492 = arith.constant 0 : i32
    %dma_start3A_493 = tpu.memref_slice %arg6[%add3A_442, %dma_start3A_492] : memref<10016x64xf32, #tpu.memory_space<vmem_shared>> -> memref<125x64xf32, #tpu.memory_space<vmem_shared>>
    %dma_start3A_494 = arith.constant 0 : i32
    %dma_start3A_495 = arith.constant 0 : i32
    %dma_start3A_496 = tpu.memref_slice %arg8[%dma_start3A_482, %dma_start3A_494, %dma_start3A_495] : memref<5x128x64xf32, #tpu.memory_space<vmem>> -> memref<1x128x64xf32, #tpu.memory_space<vmem>>
    %dma_start3A_497 = tpu.memref_squeeze %dma_start3A_496 : memref<1x128x64xf32, #tpu.memory_space<vmem>> -> memref<128x64xf32, #tpu.memory_space<vmem>>
    %dma_start3A_498 = arith.constant 0 : i32
    %dma_start3A_499 = arith.constant 0 : i32
    %dma_start3A_500 = tpu.memref_slice %dma_start3A_497[%dma_start3A_498, %dma_start3A_499] : memref<128x64xf32, #tpu.memory_space<vmem>> -> memref<125x64xf32, #tpu.memory_space<vmem>>
    tpu.enqueue_dma source(%dma_start3A_500 : memref<125x64xf32, #tpu.memory_space<vmem>>) target(%dma_start3A_493 : memref<125x64xf32, #tpu.memory_space<vmem_shared>>) target_semaphore(%arg14 : memref<!tpu.dma_semaphore, #tpu.memory_space<semaphore_mem>>)
    %mul3A_501 = arith.constant 625 : i32
    %mul3A_502 = arith.muli %arg1, %mul3A_501 : i32
    %add3A_503 = arith.constant 375 : i32
    %add3A_504 = arith.addi %mul3A_502, %add3A_503 : i32
    %dma_wait3A_505 = arith.constant 2 : i32
    %dma_wait3A_506 = arith.constant 0 : i32
    %dma_wait3A_507 = arith.constant 0 : i32
    %dma_wait3A_508 = tpu.memref_slice %arg8[%dma_wait3A_505, %dma_wait3A_506, %dma_wait3A_507] : memref<5x128x64xf32, #tpu.memory_space<vmem>> -> memref<1x128x64xf32, #tpu.memory_space<vmem>>
    %dma_wait3A_509 = tpu.memref_squeeze %dma_wait3A_508 : memref<1x128x64xf32, #tpu.memory_space<vmem>> -> memref<128x64xf32, #tpu.memory_space<vmem>>
    %dma_wait3A_510 = arith.constant 0 : i32
    %dma_wait3A_511 = arith.constant 0 : i32
    %dma_wait3A_512 = tpu.memref_slice %dma_wait3A_509[%dma_wait3A_510, %dma_wait3A_511] : memref<128x64xf32, #tpu.memory_space<vmem>> -> memref<125x64xf32, #tpu.memory_space<vmem>>
    %dma_wait3A_513 = tpu.memref_slice %arg2[%add3A_504, %mul3A_0] : memref<10000x128xf32, #tpu.memory_space<hbm>> -> memref<125x64xf32, #tpu.memory_space<hbm>>
    %dma_wait3A_514 = arith.constant 0 : i32
    %dma_wait3A_515 = arith.constant 0 : i32
    %dma_wait3A_516 = tpu.memref_slice %arg8[%dma_wait3A_505, %dma_wait3A_514, %dma_wait3A_515] : memref<5x128x64xf32, #tpu.memory_space<vmem>> -> memref<1x128x64xf32, #tpu.memory_space<vmem>>
    %dma_wait3A_517 = tpu.memref_squeeze %dma_wait3A_516 : memref<1x128x64xf32, #tpu.memory_space<vmem>> -> memref<128x64xf32, #tpu.memory_space<vmem>>
    %dma_wait3A_518 = arith.constant 0 : i32
    %dma_wait3A_519 = arith.constant 0 : i32
    %dma_wait3A_520 = tpu.memref_slice %dma_wait3A_517[%dma_wait3A_518, %dma_wait3A_519] : memref<128x64xf32, #tpu.memory_space<vmem>> -> memref<125x64xf32, #tpu.memory_space<vmem>>
    %dma_wait3A_521 = tpu.memref_slice %arg2[%add3A_504, %mul3A_0] : memref<10000x128xf32, #tpu.memory_space<hbm>> -> memref<125x64xf32, #tpu.memory_space<hbm>>
    tpu.wait_dma2 semaphore(%arg11 : memref<!tpu.dma_semaphore, #tpu.memory_space<semaphore_mem>>) src(%dma_wait3A_521 : memref<125x64xf32, #tpu.memory_space<hbm>>) dst(%dma_wait3A_520 : memref<125x64xf32, #tpu.memory_space<vmem>>)
    %mul3A_522 = arith.constant 625 : i32
    %mul3A_523 = arith.muli %arg1, %mul3A_522 : i32
    %add3A_524 = arith.constant 250 : i32
    %add3A_525 = arith.addi %mul3A_523, %add3A_524 : i32
    %dma_wait3A_526 = arith.constant 1 : i32
    %dma_wait3A_527 = arith.constant 0 : i32
    %dma_wait3A_528 = arith.constant 0 : i32
    %dma_wait3A_529 = arith.constant 0 : i32
    %dma_wait3A_530 = tpu.memref_slice %arg8[%dma_wait3A_526, %dma_wait3A_528, %dma_wait3A_529] : memref<5x128x64xf32, #tpu.memory_space<vmem>> -> memref<1x128x64xf32, #tpu.memory_space<vmem>>
    %dma_wait3A_531 = tpu.memref_squeeze %dma_wait3A_530 : memref<1x128x64xf32, #tpu.memory_space<vmem>> -> memref<128x64xf32, #tpu.memory_space<vmem>>
    %dma_wait3A_532 = arith.constant 0 : i32
    %dma_wait3A_533 = arith.constant 0 : i32
    %dma_wait3A_534 = tpu.memref_slice %dma_wait3A_531[%dma_wait3A_532, %dma_wait3A_533] : memref<128x64xf32, #tpu.memory_space<vmem>> -> memref<125x64xf32, #tpu.memory_space<vmem>>
    %dma_wait3A_535 = tpu.memref_slice %arg5[%add3A_525, %dma_wait3A_527, %mul3A_0] : memref<10000x11x128xf32, #tpu.memory_space<hbm>> -> memref<125x1x64xf32, #tpu.memory_space<hbm>>
    %dma_wait3A_536 = tpu.memref_squeeze %dma_wait3A_535 : memref<125x1x64xf32, #tpu.memory_space<hbm>> -> memref<125x64xf32, #tpu.memory_space<hbm>>
    %dma_wait3A_537 = tpu.memref_slice %arg5[%add3A_525, %dma_wait3A_527, %mul3A_0] : memref<10000x11x128xf32, #tpu.memory_space<hbm>> -> memref<125x1x64xf32, #tpu.memory_space<hbm>>
    %dma_wait3A_538 = tpu.memref_squeeze %dma_wait3A_537 : memref<125x1x64xf32, #tpu.memory_space<hbm>> -> memref<125x64xf32, #tpu.memory_space<hbm>>
    %dma_wait3A_539 = arith.constant 0 : i32
    %dma_wait3A_540 = arith.constant 0 : i32
    %dma_wait3A_541 = tpu.memref_slice %arg8[%dma_wait3A_526, %dma_wait3A_539, %dma_wait3A_540] : memref<5x128x64xf32, #tpu.memory_space<vmem>> -> memref<1x128x64xf32, #tpu.memory_space<vmem>>
    %dma_wait3A_542 = tpu.memref_squeeze %dma_wait3A_541 : memref<1x128x64xf32, #tpu.memory_space<vmem>> -> memref<128x64xf32, #tpu.memory_space<vmem>>
    %dma_wait3A_543 = arith.constant 0 : i32
    %dma_wait3A_544 = arith.constant 0 : i32
    %dma_wait3A_545 = tpu.memref_slice %dma_wait3A_542[%dma_wait3A_543, %dma_wait3A_544] : memref<128x64xf32, #tpu.memory_space<vmem>> -> memref<125x64xf32, #tpu.memory_space<vmem>>
    tpu.wait_dma2 semaphore(%arg13 : memref<!tpu.dma_semaphore, #tpu.memory_space<semaphore_mem>>) src(%dma_wait3A_545 : memref<125x64xf32, #tpu.memory_space<vmem>>) dst(%dma_wait3A_538 : memref<125x64xf32, #tpu.memory_space<hbm>>)
    %dma_wait3A_546 = arith.constant 1 : i32
    %dma_wait3A_547 = arith.constant 0 : i32
    %dma_wait3A_548 = arith.constant 0 : i32
    %dma_wait3A_549 = tpu.memref_slice %arg8[%dma_wait3A_546, %dma_wait3A_547, %dma_wait3A_548] : memref<5x128x64xf32, #tpu.memory_space<vmem>> -> memref<1x128x64xf32, #tpu.memory_space<vmem>>
    %dma_wait3A_550 = tpu.memref_squeeze %dma_wait3A_549 : memref<1x128x64xf32, #tpu.memory_space<vmem>> -> memref<128x64xf32, #tpu.memory_space<vmem>>
    %dma_wait3A_551 = arith.constant 0 : i32
    %dma_wait3A_552 = arith.constant 0 : i32
    %dma_wait3A_553 = tpu.memref_slice %dma_wait3A_550[%dma_wait3A_551, %dma_wait3A_552] : memref<128x64xf32, #tpu.memory_space<vmem>> -> memref<125x64xf32, #tpu.memory_space<vmem>>
    %dma_wait3A_554 = arith.constant 0 : i32
    %dma_wait3A_555 = tpu.memref_slice %arg7[%add3A_525, %dma_wait3A_554] : memref<10000x64xf32, #tpu.memory_space<vmem_shared>> -> memref<125x64xf32, #tpu.memory_space<vmem_shared>>
    %dma_wait3A_556 = arith.constant 0 : i32
    %dma_wait3A_557 = tpu.memref_slice %arg7[%add3A_525, %dma_wait3A_556] : memref<10000x64xf32, #tpu.memory_space<vmem_shared>> -> memref<125x64xf32, #tpu.memory_space<vmem_shared>>
    %dma_wait3A_558 = arith.constant 0 : i32
    %dma_wait3A_559 = arith.constant 0 : i32
    %dma_wait3A_560 = tpu.memref_slice %arg8[%dma_wait3A_546, %dma_wait3A_558, %dma_wait3A_559] : memref<5x128x64xf32, #tpu.memory_space<vmem>> -> memref<1x128x64xf32, #tpu.memory_space<vmem>>
    %dma_wait3A_561 = tpu.memref_squeeze %dma_wait3A_560 : memref<1x128x64xf32, #tpu.memory_space<vmem>> -> memref<128x64xf32, #tpu.memory_space<vmem>>
    %dma_wait3A_562 = arith.constant 0 : i32
    %dma_wait3A_563 = arith.constant 0 : i32
    %dma_wait3A_564 = tpu.memref_slice %dma_wait3A_561[%dma_wait3A_562, %dma_wait3A_563] : memref<128x64xf32, #tpu.memory_space<vmem>> -> memref<125x64xf32, #tpu.memory_space<vmem>>
    tpu.wait_dma2 semaphore(%arg14 : memref<!tpu.dma_semaphore, #tpu.memory_space<semaphore_mem>>) src(%dma_wait3A_564 : memref<125x64xf32, #tpu.memory_space<vmem>>) dst(%dma_wait3A_557 : memref<125x64xf32, #tpu.memory_space<vmem_shared>>)
    %dma_wait3A_565 = arith.constant 0 : i32
    %dma_wait3A_566 = arith.constant 0 : i32
    %dma_wait3A_567 = arith.constant 0 : i32
    %dma_wait3A_568 = tpu.memref_slice %arg8[%dma_wait3A_565, %dma_wait3A_566, %dma_wait3A_567] : memref<5x128x64xf32, #tpu.memory_space<vmem>> -> memref<1x128x64xf32, #tpu.memory_space<vmem>>
    %dma_wait3A_569 = tpu.memref_squeeze %dma_wait3A_568 : memref<1x128x64xf32, #tpu.memory_space<vmem>> -> memref<128x64xf32, #tpu.memory_space<vmem>>
    %dma_wait3A_570 = arith.constant 0 : i32
    %dma_wait3A_571 = arith.constant 0 : i32
    %dma_wait3A_572 = tpu.memref_slice %dma_wait3A_569[%dma_wait3A_570, %dma_wait3A_571] : memref<128x64xf32, #tpu.memory_space<vmem>> -> memref<125x64xf32, #tpu.memory_space<vmem>>
    %dma_wait3A_573 = arith.constant 0 : i32
    %dma_wait3A_574 = tpu.memref_slice %arg6[%add3A_525, %dma_wait3A_573] : memref<10016x64xf32, #tpu.memory_space<vmem_shared>> -> memref<125x64xf32, #tpu.memory_space<vmem_shared>>
    %dma_wait3A_575 = arith.constant 0 : i32
    %dma_wait3A_576 = tpu.memref_slice %arg6[%add3A_525, %dma_wait3A_575] : memref<10016x64xf32, #tpu.memory_space<vmem_shared>> -> memref<125x64xf32, #tpu.memory_space<vmem_shared>>
    %dma_wait3A_577 = arith.constant 0 : i32
    %dma_wait3A_578 = arith.constant 0 : i32
    %dma_wait3A_579 = tpu.memref_slice %arg8[%dma_wait3A_565, %dma_wait3A_577, %dma_wait3A_578] : memref<5x128x64xf32, #tpu.memory_space<vmem>> -> memref<1x128x64xf32, #tpu.memory_space<vmem>>
    %dma_wait3A_580 = tpu.memref_squeeze %dma_wait3A_579 : memref<1x128x64xf32, #tpu.memory_space<vmem>> -> memref<128x64xf32, #tpu.memory_space<vmem>>
    %dma_wait3A_581 = arith.constant 0 : i32
    %dma_wait3A_582 = arith.constant 0 : i32
    %dma_wait3A_583 = tpu.memref_slice %dma_wait3A_580[%dma_wait3A_581, %dma_wait3A_582] : memref<128x64xf32, #tpu.memory_space<vmem>> -> memref<125x64xf32, #tpu.memory_space<vmem>>
    tpu.wait_dma2 semaphore(%arg14 : memref<!tpu.dma_semaphore, #tpu.memory_space<semaphore_mem>>) src(%dma_wait3A_583 : memref<125x64xf32, #tpu.memory_space<vmem>>) dst(%dma_wait3A_576 : memref<125x64xf32, #tpu.memory_space<vmem_shared>>)
    %mul3A_584 = arith.constant 625 : i32
    %mul3A_585 = arith.muli %arg1, %mul3A_584 : i32
    %add3A_586 = arith.constant 500 : i32
    %add3A_587 = arith.addi %mul3A_585, %add3A_586 : i32
    %dma_start3A_588 = arith.constant 1 : i32
    %dma_start3A_589 = arith.constant 0 : i32
    %dma_start3A_590 = arith.constant 0 : i32
    %dma_start3A_591 = tpu.memref_slice %arg8[%dma_start3A_588, %dma_start3A_589, %dma_start3A_590] : memref<5x128x64xf32, #tpu.memory_space<vmem>> -> memref<1x128x64xf32, #tpu.memory_space<vmem>>
    %dma_start3A_592 = tpu.memref_squeeze %dma_start3A_591 : memref<1x128x64xf32, #tpu.memory_space<vmem>> -> memref<128x64xf32, #tpu.memory_space<vmem>>
    %dma_start3A_593 = arith.constant 0 : i32
    %dma_start3A_594 = arith.constant 0 : i32
    %dma_start3A_595 = tpu.memref_slice %dma_start3A_592[%dma_start3A_593, %dma_start3A_594] : memref<128x64xf32, #tpu.memory_space<vmem>> -> memref<125x64xf32, #tpu.memory_space<vmem>>
    %dma_start3A_596 = tpu.memref_slice %arg2[%add3A_587, %mul3A_0] : memref<10000x128xf32, #tpu.memory_space<hbm>> -> memref<125x64xf32, #tpu.memory_space<hbm>>
    %dma_start3A_597 = arith.constant 0 : i32
    %dma_start3A_598 = arith.constant 0 : i32
    %dma_start3A_599 = tpu.memref_slice %arg8[%dma_start3A_588, %dma_start3A_597, %dma_start3A_598] : memref<5x128x64xf32, #tpu.memory_space<vmem>> -> memref<1x128x64xf32, #tpu.memory_space<vmem>>
    %dma_start3A_600 = tpu.memref_squeeze %dma_start3A_599 : memref<1x128x64xf32, #tpu.memory_space<vmem>> -> memref<128x64xf32, #tpu.memory_space<vmem>>
    %dma_start3A_601 = arith.constant 0 : i32
    %dma_start3A_602 = arith.constant 0 : i32
    %dma_start3A_603 = tpu.memref_slice %dma_start3A_600[%dma_start3A_601, %dma_start3A_602] : memref<128x64xf32, #tpu.memory_space<vmem>> -> memref<125x64xf32, #tpu.memory_space<vmem>>
    %dma_start3A_604 = tpu.memref_slice %arg2[%add3A_587, %mul3A_0] : memref<10000x128xf32, #tpu.memory_space<hbm>> -> memref<125x64xf32, #tpu.memory_space<hbm>>
    tpu.enqueue_dma source(%dma_start3A_604 : memref<125x64xf32, #tpu.memory_space<hbm>>) target(%dma_start3A_603 : memref<125x64xf32, #tpu.memory_space<vmem>>) target_semaphore(%arg11 : memref<!tpu.dma_semaphore, #tpu.memory_space<semaphore_mem>>)
    %scan3A_605 = arith.constant 0 : i32
    %scan3A_606 = arith.constant 2 : i32
    %scan3A_607 = arith.constant 0 : i32
    %scan3A_608 = arith.constant 125 : i32
    %scan3A_609 = arith.addi %scan3A_607, %scan3A_608 : i32
    %scan3A_610 = arith.constant 1 : i32
    scf.for %scan3A_936 = %scan3A_607 to %scan3A_609 step %scan3A_610  : i32 {
      %get3A_937 = arith.constant 0 : i32
      %get3A_938 = arith.constant 0 : i32
      %get3A_939 = tpu.memref_slice %arg8[%scan3A_606, %get3A_937, %get3A_938] : memref<5x128x64xf32, #tpu.memory_space<vmem>> -> memref<1x128x64xf32, #tpu.memory_space<vmem>>
      %get3A_940 = tpu.memref_squeeze %get3A_939 : memref<1x128x64xf32, #tpu.memory_space<vmem>> -> memref<128x64xf32, #tpu.memory_space<vmem>>
      %get3A_941 = arith.index_cast %scan3A_936 : i32 to index
      %get3A_942 = arith.constant 0 : index
      %get3A_943 = tpu.vector_load %get3A_940[%get3A_941, %get3A_942] {strides = array<i32>} : memref<128x64xf32, #tpu.memory_space<vmem>>, vector<1x16xf32>,
      %get3A_944 = vector.shape_cast %get3A_943 : vector<1x16xf32> to vector<16xf32>
      %mul3A_945 = arith.mulf %get3A_944, %get3A_10 : vector<16xf32>
      %swap3A = arith.constant 0 : i32
      %swap3A_946 = arith.constant 0 : i32
      %swap3A_947 = tpu.memref_slice %arg8[%scan3A_606, %swap3A, %swap3A_946] : memref<5x128x64xf32, #tpu.memory_space<vmem>> -> memref<1x128x64xf32, #tpu.memory_space<vmem>>
      %swap3A_948 = tpu.memref_squeeze %swap3A_947 : memref<1x128x64xf32, #tpu.memory_space<vmem>> -> memref<128x64xf32, #tpu.memory_space<vmem>>
      %swap3A_949 = arith.index_cast %scan3A_936 : i32 to index
      %swap3A_950 = arith.constant 0 : index
      %swap3A_951 = tpu.vector_load %swap3A_948[%swap3A_949, %swap3A_950] {strides = array<i32>} : memref<128x64xf32, #tpu.memory_space<vmem>>, vector<1x16xf32>,
      %swap3A_952 = vector.shape_cast %swap3A_951 : vector<1x16xf32> to vector<16xf32>
      %swap3A_953 = vector.shape_cast %mul3A_945 : vector<16xf32> to vector<1x16xf32>
      tpu.vector_store %swap3A_948[%swap3A_949, %swap3A_950], %swap3A_953 {strides = array<i32>} : memref<128x64xf32, #tpu.memory_space<vmem>>, vector<1x16xf32>,
      %get3A_954 = arith.constant 0 : i32
      %get3A_955 = arith.constant 0 : i32
      %get3A_956 = tpu.memref_slice %arg8[%scan3A_606, %get3A_954, %get3A_955] : memref<5x128x64xf32, #tpu.memory_space<vmem>> -> memref<1x128x64xf32, #tpu.memory_space<vmem>>
      %get3A_957 = tpu.memref_squeeze %get3A_956 : memref<1x128x64xf32, #tpu.memory_space<vmem>> -> memref<128x64xf32, #tpu.memory_space<vmem>>
      %get3A_958 = arith.index_cast %scan3A_936 : i32 to index
      %get3A_959 = arith.constant 16 : index
      %get3A_960 = tpu.vector_load %get3A_957[%get3A_958, %get3A_959] {strides = array<i32>} : memref<128x64xf32, #tpu.memory_space<vmem>>, vector<1x16xf32>,
      %get3A_961 = vector.shape_cast %get3A_960 : vector<1x16xf32> to vector<16xf32>
      %mul3A_962 = arith.mulf %get3A_961, %get3A_15 : vector<16xf32>
      %swap3A_963 = arith.constant 0 : i32
      %swap3A_964 = arith.constant 0 : i32
      %swap3A_965 = tpu.memref_slice %arg8[%scan3A_606, %swap3A_963, %swap3A_964] : memref<5x128x64xf32, #tpu.memory_space<vmem>> -> memref<1x128x64xf32, #tpu.memory_space<vmem>>
      %swap3A_966 = tpu.memref_squeeze %swap3A_965 : memref<1x128x64xf32, #tpu.memory_space<vmem>> -> memref<128x64xf32, #tpu.memory_space<vmem>>
      %swap3A_967 = arith.index_cast %scan3A_936 : i32 to index
      %swap3A_968 = arith.constant 16 : index
      %swap3A_969 = tpu.vector_load %swap3A_966[%swap3A_967, %swap3A_968] {strides = array<i32>} : memref<128x64xf32, #tpu.memory_space<vmem>>, vector<1x16xf32>,
      %swap3A_970 = vector.shape_cast %swap3A_969 : vector<1x16xf32> to vector<16xf32>
      %swap3A_971 = vector.shape_cast %mul3A_962 : vector<16xf32> to vector<1x16xf32>
      tpu.vector_store %swap3A_966[%swap3A_967, %swap3A_968], %swap3A_971 {strides = array<i32>} : memref<128x64xf32, #tpu.memory_space<vmem>>, vector<1x16xf32>,
      %get3A_972 = arith.constant 0 : i32
      %get3A_973 = arith.constant 0 : i32
      %get3A_974 = tpu.memref_slice %arg8[%scan3A_606, %get3A_972, %get3A_973] : memref<5x128x64xf32, #tpu.memory_space<vmem>> -> memref<1x128x64xf32, #tpu.memory_space<vmem>>
      %get3A_975 = tpu.memref_squeeze %get3A_974 : memref<1x128x64xf32, #tpu.memory_space<vmem>> -> memref<128x64xf32, #tpu.memory_space<vmem>>
      %get3A_976 = arith.index_cast %scan3A_936 : i32 to index
      %get3A_977 = arith.constant 32 : index
      %get3A_978 = tpu.vector_load %get3A_975[%get3A_976, %get3A_977] {strides = array<i32>} : memref<128x64xf32, #tpu.memory_space<vmem>>, vector<1x16xf32>,
      %get3A_979 = vector.shape_cast %get3A_978 : vector<1x16xf32> to vector<16xf32>
      %mul3A_980 = arith.mulf %get3A_979, %get3A_20 : vector<16xf32>
      %swap3A_981 = arith.constant 0 : i32
      %swap3A_982 = arith.constant 0 : i32
      %swap3A_983 = tpu.memref_slice %arg8[%scan3A_606, %swap3A_981, %swap3A_982] : memref<5x128x64xf32, #tpu.memory_space<vmem>> -> memref<1x128x64xf32, #tpu.memory_space<vmem>>
      %swap3A_984 = tpu.memref_squeeze %swap3A_983 : memref<1x128x64xf32, #tpu.memory_space<vmem>> -> memref<128x64xf32, #tpu.memory_space<vmem>>
      %swap3A_985 = arith.index_cast %scan3A_936 : i32 to index
      %swap3A_986 = arith.constant 32 : index
      %swap3A_987 = tpu.vector_load %swap3A_984[%swap3A_985, %swap3A_986] {strides = array<i32>} : memref<128x64xf32, #tpu.memory_space<vmem>>, vector<1x16xf32>,
      %swap3A_988 = vector.shape_cast %swap3A_987 : vector<1x16xf32> to vector<16xf32>
      %swap3A_989 = vector.shape_cast %mul3A_980 : vector<16xf32> to vector<1x16xf32>
      tpu.vector_store %swap3A_984[%swap3A_985, %swap3A_986], %swap3A_989 {strides = array<i32>} : memref<128x64xf32, #tpu.memory_space<vmem>>, vector<1x16xf32>,
      %get3A_990 = arith.constant 0 : i32
      %get3A_991 = arith.constant 0 : i32
      %get3A_992 = tpu.memref_slice %arg8[%scan3A_606, %get3A_990, %get3A_991] : memref<5x128x64xf32, #tpu.memory_space<vmem>> -> memref<1x128x64xf32, #tpu.memory_space<vmem>>
      %get3A_993 = tpu.memref_squeeze %get3A_992 : memref<1x128x64xf32, #tpu.memory_space<vmem>> -> memref<128x64xf32, #tpu.memory_space<vmem>>
      %get3A_994 = arith.index_cast %scan3A_936 : i32 to index
      %get3A_995 = arith.constant 48 : index
      %get3A_996 = tpu.vector_load %get3A_993[%get3A_994, %get3A_995] {strides = array<i32>} : memref<128x64xf32, #tpu.memory_space<vmem>>, vector<1x16xf32>,
      %get3A_997 = vector.shape_cast %get3A_996 : vector<1x16xf32> to vector<16xf32>
      %mul3A_998 = arith.mulf %get3A_997, %get3A_25 : vector<16xf32>
      %swap3A_999 = arith.constant 0 : i32
      %swap3A_1000 = arith.constant 0 : i32
      %swap3A_1001 = tpu.memref_slice %arg8[%scan3A_606, %swap3A_999, %swap3A_1000] : memref<5x128x64xf32, #tpu.memory_space<vmem>> -> memref<1x128x64xf32, #tpu.memory_space<vmem>>
      %swap3A_1002 = tpu.memref_squeeze %swap3A_1001 : memref<1x128x64xf32, #tpu.memory_space<vmem>> -> memref<128x64xf32, #tpu.memory_space<vmem>>
      %swap3A_1003 = arith.index_cast %scan3A_936 : i32 to index
      %swap3A_1004 = arith.constant 48 : index
      %swap3A_1005 = tpu.vector_load %swap3A_1002[%swap3A_1003, %swap3A_1004] {strides = array<i32>} : memref<128x64xf32, #tpu.memory_space<vmem>>, vector<1x16xf32>,
      %swap3A_1006 = vector.shape_cast %swap3A_1005 : vector<1x16xf32> to vector<16xf32>
      %swap3A_1007 = vector.shape_cast %mul3A_998 : vector<16xf32> to vector<1x16xf32>
      tpu.vector_store %swap3A_1002[%swap3A_1003, %swap3A_1004], %swap3A_1007 {strides = array<i32>} : memref<128x64xf32, #tpu.memory_space<vmem>>, vector<1x16xf32>,
    }
    %scan3A_611 = arith.constant 125 : i32
    %mul3A_612 = arith.constant 625 : i32
    %mul3A_613 = arith.muli %arg1, %mul3A_612 : i32
    %add3A_614 = arith.constant 375 : i32
    %add3A_615 = arith.addi %mul3A_613, %add3A_614 : i32
    %dma_start3A_616 = arith.constant 2 : i32
    %dma_start3A_617 = arith.constant 0 : i32
    %dma_start3A_618 = arith.constant 0 : i32
    %dma_start3A_619 = arith.constant 0 : i32
    %dma_start3A_620 = tpu.memref_slice %arg8[%dma_start3A_616, %dma_start3A_618, %dma_start3A_619] : memref<5x128x64xf32, #tpu.memory_space<vmem>> -> memref<1x128x64xf32, #tpu.memory_space<vmem>>
    %dma_start3A_621 = tpu.memref_squeeze %dma_start3A_620 : memref<1x128x64xf32, #tpu.memory_space<vmem>> -> memref<128x64xf32, #tpu.memory_space<vmem>>
    %dma_start3A_622 = arith.constant 0 : i32
    %dma_start3A_623 = arith.constant 0 : i32
    %dma_start3A_624 = tpu.memref_slice %dma_start3A_621[%dma_start3A_622, %dma_start3A_623] : memref<128x64xf32, #tpu.memory_space<vmem>> -> memref<125x64xf32, #tpu.memory_space<vmem>>
    %dma_start3A_625 = tpu.memref_slice %arg5[%add3A_615, %dma_start3A_617, %mul3A_0] : memref<10000x11x128xf32, #tpu.memory_space<hbm>> -> memref<125x1x64xf32, #tpu.memory_space<hbm>>
    %dma_start3A_626 = tpu.memref_squeeze %dma_start3A_625 : memref<125x1x64xf32, #tpu.memory_space<hbm>> -> memref<125x64xf32, #tpu.memory_space<hbm>>
    %dma_start3A_627 = tpu.memref_slice %arg5[%add3A_615, %dma_start3A_617, %mul3A_0] : memref<10000x11x128xf32, #tpu.memory_space<hbm>> -> memref<125x1x64xf32, #tpu.memory_space<hbm>>
    %dma_start3A_628 = tpu.memref_squeeze %dma_start3A_627 : memref<125x1x64xf32, #tpu.memory_space<hbm>> -> memref<125x64xf32, #tpu.memory_space<hbm>>
    %dma_start3A_629 = arith.constant 0 : i32
    %dma_start3A_630 = arith.constant 0 : i32
    %dma_start3A_631 = tpu.memref_slice %arg8[%dma_start3A_616, %dma_start3A_629, %dma_start3A_630] : memref<5x128x64xf32, #tpu.memory_space<vmem>> -> memref<1x128x64xf32, #tpu.memory_space<vmem>>
    %dma_start3A_632 = tpu.memref_squeeze %dma_start3A_631 : memref<1x128x64xf32, #tpu.memory_space<vmem>> -> memref<128x64xf32, #tpu.memory_space<vmem>>
    %dma_start3A_633 = arith.constant 0 : i32
    %dma_start3A_634 = arith.constant 0 : i32
    %dma_start3A_635 = tpu.memref_slice %dma_start3A_632[%dma_start3A_633, %dma_start3A_634] : memref<128x64xf32, #tpu.memory_space<vmem>> -> memref<125x64xf32, #tpu.memory_space<vmem>>
    tpu.enqueue_dma source(%dma_start3A_635 : memref<125x64xf32, #tpu.memory_space<vmem>>) target(%dma_start3A_628 : memref<125x64xf32, #tpu.memory_space<hbm>>) target_semaphore(%arg13 : memref<!tpu.dma_semaphore, #tpu.memory_space<semaphore_mem>>)
    %dma_start3A_636 = arith.constant 2 : i32
    %dma_start3A_637 = arith.constant 0 : i32
    %dma_start3A_638 = arith.constant 0 : i32
    %dma_start3A_639 = tpu.memref_slice %arg8[%dma_start3A_636, %dma_start3A_637, %dma_start3A_638] : memref<5x128x64xf32, #tpu.memory_space<vmem>> -> memref<1x128x64xf32, #tpu.memory_space<vmem>>
    %dma_start3A_640 = tpu.memref_squeeze %dma_start3A_639 : memref<1x128x64xf32, #tpu.memory_space<vmem>> -> memref<128x64xf32, #tpu.memory_space<vmem>>
    %dma_start3A_641 = arith.constant 0 : i32
    %dma_start3A_642 = arith.constant 0 : i32
    %dma_start3A_643 = tpu.memref_slice %dma_start3A_640[%dma_start3A_641, %dma_start3A_642] : memref<128x64xf32, #tpu.memory_space<vmem>> -> memref<125x64xf32, #tpu.memory_space<vmem>>
    %dma_start3A_644 = arith.constant 0 : i32
    %dma_start3A_645 = tpu.memref_slice %arg7[%add3A_615, %dma_start3A_644] : memref<10000x64xf32, #tpu.memory_space<vmem_shared>> -> memref<125x64xf32, #tpu.memory_space<vmem_shared>>
    %dma_start3A_646 = arith.constant 0 : i32
    %dma_start3A_647 = tpu.memref_slice %arg7[%add3A_615, %dma_start3A_646] : memref<10000x64xf32, #tpu.memory_space<vmem_shared>> -> memref<125x64xf32, #tpu.memory_space<vmem_shared>>
    %dma_start3A_648 = arith.constant 0 : i32
    %dma_start3A_649 = arith.constant 0 : i32
    %dma_start3A_650 = tpu.memref_slice %arg8[%dma_start3A_636, %dma_start3A_648, %dma_start3A_649] : memref<5x128x64xf32, #tpu.memory_space<vmem>> -> memref<1x128x64xf32, #tpu.memory_space<vmem>>
    %dma_start3A_651 = tpu.memref_squeeze %dma_start3A_650 : memref<1x128x64xf32, #tpu.memory_space<vmem>> -> memref<128x64xf32, #tpu.memory_space<vmem>>
    %dma_start3A_652 = arith.constant 0 : i32
    %dma_start3A_653 = arith.constant 0 : i32
    %dma_start3A_654 = tpu.memref_slice %dma_start3A_651[%dma_start3A_652, %dma_start3A_653] : memref<128x64xf32, #tpu.memory_space<vmem>> -> memref<125x64xf32, #tpu.memory_space<vmem>>
    tpu.enqueue_dma source(%dma_start3A_654 : memref<125x64xf32, #tpu.memory_space<vmem>>) target(%dma_start3A_647 : memref<125x64xf32, #tpu.memory_space<vmem_shared>>) target_semaphore(%arg14 : memref<!tpu.dma_semaphore, #tpu.memory_space<semaphore_mem>>)
    %dma_start3A_655 = arith.constant 0 : i32
    %dma_start3A_656 = arith.constant 0 : i32
    %dma_start3A_657 = arith.constant 0 : i32
    %dma_start3A_658 = tpu.memref_slice %arg8[%dma_start3A_655, %dma_start3A_656, %dma_start3A_657] : memref<5x128x64xf32, #tpu.memory_space<vmem>> -> memref<1x128x64xf32, #tpu.memory_space<vmem>>
    %dma_start3A_659 = tpu.memref_squeeze %dma_start3A_658 : memref<1x128x64xf32, #tpu.memory_space<vmem>> -> memref<128x64xf32, #tpu.memory_space<vmem>>
    %dma_start3A_660 = arith.constant 0 : i32
    %dma_start3A_661 = arith.constant 0 : i32
    %dma_start3A_662 = tpu.memref_slice %dma_start3A_659[%dma_start3A_660, %dma_start3A_661] : memref<128x64xf32, #tpu.memory_space<vmem>> -> memref<125x64xf32, #tpu.memory_space<vmem>>
    %dma_start3A_663 = arith.constant 0 : i32
    %dma_start3A_664 = tpu.memref_slice %arg6[%add3A_615, %dma_start3A_663] : memref<10016x64xf32, #tpu.memory_space<vmem_shared>> -> memref<125x64xf32, #tpu.memory_space<vmem_shared>>
    %dma_start3A_665 = arith.constant 0 : i32
    %dma_start3A_666 = tpu.memref_slice %arg6[%add3A_615, %dma_start3A_665] : memref<10016x64xf32, #tpu.memory_space<vmem_shared>> -> memref<125x64xf32, #tpu.memory_space<vmem_shared>>
    %dma_start3A_667 = arith.constant 0 : i32
    %dma_start3A_668 = arith.constant 0 : i32
    %dma_start3A_669 = tpu.memref_slice %arg8[%dma_start3A_655, %dma_start3A_667, %dma_start3A_668] : memref<5x128x64xf32, #tpu.memory_space<vmem>> -> memref<1x128x64xf32, #tpu.memory_space<vmem>>
    %dma_start3A_670 = tpu.memref_squeeze %dma_start3A_669 : memref<1x128x64xf32, #tpu.memory_space<vmem>> -> memref<128x64xf32, #tpu.memory_space<vmem>>
    %dma_start3A_671 = arith.constant 0 : i32
    %dma_start3A_672 = arith.constant 0 : i32
    %dma_start3A_673 = tpu.memref_slice %dma_start3A_670[%dma_start3A_671, %dma_start3A_672] : memref<128x64xf32, #tpu.memory_space<vmem>> -> memref<125x64xf32, #tpu.memory_space<vmem>>
    tpu.enqueue_dma source(%dma_start3A_673 : memref<125x64xf32, #tpu.memory_space<vmem>>) target(%dma_start3A_666 : memref<125x64xf32, #tpu.memory_space<vmem_shared>>) target_semaphore(%arg14 : memref<!tpu.dma_semaphore, #tpu.memory_space<semaphore_mem>>)
    %mul3A_674 = arith.constant 625 : i32
    %mul3A_675 = arith.muli %arg1, %mul3A_674 : i32
    %add3A_676 = arith.constant 500 : i32
    %add3A_677 = arith.addi %mul3A_675, %add3A_676 : i32
    %dma_wait3A_678 = arith.constant 1 : i32
    %dma_wait3A_679 = arith.constant 0 : i32
    %dma_wait3A_680 = arith.constant 0 : i32
    %dma_wait3A_681 = tpu.memref_slice %arg8[%dma_wait3A_678, %dma_wait3A_679, %dma_wait3A_680] : memref<5x128x64xf32, #tpu.memory_space<vmem>> -> memref<1x128x64xf32, #tpu.memory_space<vmem>>
    %dma_wait3A_682 = tpu.memref_squeeze %dma_wait3A_681 : memref<1x128x64xf32, #tpu.memory_space<vmem>> -> memref<128x64xf32, #tpu.memory_space<vmem>>
    %dma_wait3A_683 = arith.constant 0 : i32
    %dma_wait3A_684 = arith.constant 0 : i32
    %dma_wait3A_685 = tpu.memref_slice %dma_wait3A_682[%dma_wait3A_683, %dma_wait3A_684] : memref<128x64xf32, #tpu.memory_space<vmem>> -> memref<125x64xf32, #tpu.memory_space<vmem>>
    %dma_wait3A_686 = tpu.memref_slice %arg2[%add3A_677, %mul3A_0] : memref<10000x128xf32, #tpu.memory_space<hbm>> -> memref<125x64xf32, #tpu.memory_space<hbm>>
    %dma_wait3A_687 = arith.constant 0 : i32
    %dma_wait3A_688 = arith.constant 0 : i32
    %dma_wait3A_689 = tpu.memref_slice %arg8[%dma_wait3A_678, %dma_wait3A_687, %dma_wait3A_688] : memref<5x128x64xf32, #tpu.memory_space<vmem>> -> memref<1x128x64xf32, #tpu.memory_space<vmem>>
    %dma_wait3A_690 = tpu.memref_squeeze %dma_wait3A_689 : memref<1x128x64xf32, #tpu.memory_space<vmem>> -> memref<128x64xf32, #tpu.memory_space<vmem>>
    %dma_wait3A_691 = arith.constant 0 : i32
    %dma_wait3A_692 = arith.constant 0 : i32
    %dma_wait3A_693 = tpu.memref_slice %dma_wait3A_690[%dma_wait3A_691, %dma_wait3A_692] : memref<128x64xf32, #tpu.memory_space<vmem>> -> memref<125x64xf32, #tpu.memory_space<vmem>>
    %dma_wait3A_694 = tpu.memref_slice %arg2[%add3A_677, %mul3A_0] : memref<10000x128xf32, #tpu.memory_space<hbm>> -> memref<125x64xf32, #tpu.memory_space<hbm>>
    tpu.wait_dma2 semaphore(%arg11 : memref<!tpu.dma_semaphore, #tpu.memory_space<semaphore_mem>>) src(%dma_wait3A_694 : memref<125x64xf32, #tpu.memory_space<hbm>>) dst(%dma_wait3A_693 : memref<125x64xf32, #tpu.memory_space<vmem>>)
    %mul3A_695 = arith.constant 625 : i32
    %mul3A_696 = arith.muli %arg1, %mul3A_695 : i32
    %add3A_697 = arith.constant 375 : i32
    %add3A_698 = arith.addi %mul3A_696, %add3A_697 : i32
    %dma_wait3A_699 = arith.constant 2 : i32
    %dma_wait3A_700 = arith.constant 0 : i32
    %dma_wait3A_701 = arith.constant 0 : i32
    %dma_wait3A_702 = arith.constant 0 : i32
    %dma_wait3A_703 = tpu.memref_slice %arg8[%dma_wait3A_699, %dma_wait3A_701, %dma_wait3A_702] : memref<5x128x64xf32, #tpu.memory_space<vmem>> -> memref<1x128x64xf32, #tpu.memory_space<vmem>>
    %dma_wait3A_704 = tpu.memref_squeeze %dma_wait3A_703 : memref<1x128x64xf32, #tpu.memory_space<vmem>> -> memref<128x64xf32, #tpu.memory_space<vmem>>
    %dma_wait3A_705 = arith.constant 0 : i32
    %dma_wait3A_706 = arith.constant 0 : i32
    %dma_wait3A_707 = tpu.memref_slice %dma_wait3A_704[%dma_wait3A_705, %dma_wait3A_706] : memref<128x64xf32, #tpu.memory_space<vmem>> -> memref<125x64xf32, #tpu.memory_space<vmem>>
    %dma_wait3A_708 = tpu.memref_slice %arg5[%add3A_698, %dma_wait3A_700, %mul3A_0] : memref<10000x11x128xf32, #tpu.memory_space<hbm>> -> memref<125x1x64xf32, #tpu.memory_space<hbm>>
    %dma_wait3A_709 = tpu.memref_squeeze %dma_wait3A_708 : memref<125x1x64xf32, #tpu.memory_space<hbm>> -> memref<125x64xf32, #tpu.memory_space<hbm>>
    %dma_wait3A_710 = tpu.memref_slice %arg5[%add3A_698, %dma_wait3A_700, %mul3A_0] : memref<10000x11x128xf32, #tpu.memory_space<hbm>> -> memref<125x1x64xf32, #tpu.memory_space<hbm>>
    %dma_wait3A_711 = tpu.memref_squeeze %dma_wait3A_710 : memref<125x1x64xf32, #tpu.memory_space<hbm>> -> memref<125x64xf32, #tpu.memory_space<hbm>>
    %dma_wait3A_712 = arith.constant 0 : i32
    %dma_wait3A_713 = arith.constant 0 : i32
    %dma_wait3A_714 = tpu.memref_slice %arg8[%dma_wait3A_699, %dma_wait3A_712, %dma_wait3A_713] : memref<5x128x64xf32, #tpu.memory_space<vmem>> -> memref<1x128x64xf32, #tpu.memory_space<vmem>>
    %dma_wait3A_715 = tpu.memref_squeeze %dma_wait3A_714 : memref<1x128x64xf32, #tpu.memory_space<vmem>> -> memref<128x64xf32, #tpu.memory_space<vmem>>
    %dma_wait3A_716 = arith.constant 0 : i32
    %dma_wait3A_717 = arith.constant 0 : i32
    %dma_wait3A_718 = tpu.memref_slice %dma_wait3A_715[%dma_wait3A_716, %dma_wait3A_717] : memref<128x64xf32, #tpu.memory_space<vmem>> -> memref<125x64xf32, #tpu.memory_space<vmem>>
    tpu.wait_dma2 semaphore(%arg13 : memref<!tpu.dma_semaphore, #tpu.memory_space<semaphore_mem>>) src(%dma_wait3A_718 : memref<125x64xf32, #tpu.memory_space<vmem>>) dst(%dma_wait3A_711 : memref<125x64xf32, #tpu.memory_space<hbm>>)
    %dma_wait3A_719 = arith.constant 2 : i32
    %dma_wait3A_720 = arith.constant 0 : i32
    %dma_wait3A_721 = arith.constant 0 : i32
    %dma_wait3A_722 = tpu.memref_slice %arg8[%dma_wait3A_719, %dma_wait3A_720, %dma_wait3A_721] : memref<5x128x64xf32, #tpu.memory_space<vmem>> -> memref<1x128x64xf32, #tpu.memory_space<vmem>>
    %dma_wait3A_723 = tpu.memref_squeeze %dma_wait3A_722 : memref<1x128x64xf32, #tpu.memory_space<vmem>> -> memref<128x64xf32, #tpu.memory_space<vmem>>
    %dma_wait3A_724 = arith.constant 0 : i32
    %dma_wait3A_725 = arith.constant 0 : i32
    %dma_wait3A_726 = tpu.memref_slice %dma_wait3A_723[%dma_wait3A_724, %dma_wait3A_725] : memref<128x64xf32, #tpu.memory_space<vmem>> -> memref<125x64xf32, #tpu.memory_space<vmem>>
    %dma_wait3A_727 = arith.constant 0 : i32
    %dma_wait3A_728 = tpu.memref_slice %arg7[%add3A_698, %dma_wait3A_727] : memref<10000x64xf32, #tpu.memory_space<vmem_shared>> -> memref<125x64xf32, #tpu.memory_space<vmem_shared>>
    %dma_wait3A_729 = arith.constant 0 : i32
    %dma_wait3A_730 = tpu.memref_slice %arg7[%add3A_698, %dma_wait3A_729] : memref<10000x64xf32, #tpu.memory_space<vmem_shared>> -> memref<125x64xf32, #tpu.memory_space<vmem_shared>>
    %dma_wait3A_731 = arith.constant 0 : i32
    %dma_wait3A_732 = arith.constant 0 : i32
    %dma_wait3A_733 = tpu.memref_slice %arg8[%dma_wait3A_719, %dma_wait3A_731, %dma_wait3A_732] : memref<5x128x64xf32, #tpu.memory_space<vmem>> -> memref<1x128x64xf32, #tpu.memory_space<vmem>>
    %dma_wait3A_734 = tpu.memref_squeeze %dma_wait3A_733 : memref<1x128x64xf32, #tpu.memory_space<vmem>> -> memref<128x64xf32, #tpu.memory_space<vmem>>
    %dma_wait3A_735 = arith.constant 0 : i32
    %dma_wait3A_736 = arith.constant 0 : i32
    %dma_wait3A_737 = tpu.memref_slice %dma_wait3A_734[%dma_wait3A_735, %dma_wait3A_736] : memref<128x64xf32, #tpu.memory_space<vmem>> -> memref<125x64xf32, #tpu.memory_space<vmem>>
    tpu.wait_dma2 semaphore(%arg14 : memref<!tpu.dma_semaphore, #tpu.memory_space<semaphore_mem>>) src(%dma_wait3A_737 : memref<125x64xf32, #tpu.memory_space<vmem>>) dst(%dma_wait3A_730 : memref<125x64xf32, #tpu.memory_space<vmem_shared>>)
    %dma_wait3A_738 = arith.constant 0 : i32
    %dma_wait3A_739 = arith.constant 0 : i32
    %dma_wait3A_740 = arith.constant 0 : i32
    %dma_wait3A_741 = tpu.memref_slice %arg8[%dma_wait3A_738, %dma_wait3A_739, %dma_wait3A_740] : memref<5x128x64xf32, #tpu.memory_space<vmem>> -> memref<1x128x64xf32, #tpu.memory_space<vmem>>
    %dma_wait3A_742 = tpu.memref_squeeze %dma_wait3A_741 : memref<1x128x64xf32, #tpu.memory_space<vmem>> -> memref<128x64xf32, #tpu.memory_space<vmem>>
    %dma_wait3A_743 = arith.constant 0 : i32
    %dma_wait3A_744 = arith.constant 0 : i32
    %dma_wait3A_745 = tpu.memref_slice %dma_wait3A_742[%dma_wait3A_743, %dma_wait3A_744] : memref<128x64xf32, #tpu.memory_space<vmem>> -> memref<125x64xf32, #tpu.memory_space<vmem>>
    %dma_wait3A_746 = arith.constant 0 : i32
    %dma_wait3A_747 = tpu.memref_slice %arg6[%add3A_698, %dma_wait3A_746] : memref<10016x64xf32, #tpu.memory_space<vmem_shared>> -> memref<125x64xf32, #tpu.memory_space<vmem_shared>>
    %dma_wait3A_748 = arith.constant 0 : i32
    %dma_wait3A_749 = tpu.memref_slice %arg6[%add3A_698, %dma_wait3A_748] : memref<10016x64xf32, #tpu.memory_space<vmem_shared>> -> memref<125x64xf32, #tpu.memory_space<vmem_shared>>
    %dma_wait3A_750 = arith.constant 0 : i32
    %dma_wait3A_751 = arith.constant 0 : i32
    %dma_wait3A_752 = tpu.memref_slice %arg8[%dma_wait3A_738, %dma_wait3A_750, %dma_wait3A_751] : memref<5x128x64xf32, #tpu.memory_space<vmem>> -> memref<1x128x64xf32, #tpu.memory_space<vmem>>
    %dma_wait3A_753 = tpu.memref_squeeze %dma_wait3A_752 : memref<1x128x64xf32, #tpu.memory_space<vmem>> -> memref<128x64xf32, #tpu.memory_space<vmem>>
    %dma_wait3A_754 = arith.constant 0 : i32
    %dma_wait3A_755 = arith.constant 0 : i32
    %dma_wait3A_756 = tpu.memref_slice %dma_wait3A_753[%dma_wait3A_754, %dma_wait3A_755] : memref<128x64xf32, #tpu.memory_space<vmem>> -> memref<125x64xf32, #tpu.memory_space<vmem>>
    tpu.wait_dma2 semaphore(%arg14 : memref<!tpu.dma_semaphore, #tpu.memory_space<semaphore_mem>>) src(%dma_wait3A_756 : memref<125x64xf32, #tpu.memory_space<vmem>>) dst(%dma_wait3A_749 : memref<125x64xf32, #tpu.memory_space<vmem_shared>>)
    %scan3A_757 = arith.constant 0 : i32
    %scan3A_758 = arith.constant 1 : i32
    %scan3A_759 = arith.constant 0 : i32
    %scan3A_760 = arith.constant 125 : i32
    %scan3A_761 = arith.addi %scan3A_759, %scan3A_760 : i32
    %scan3A_762 = arith.constant 1 : i32
    scf.for %scan3A_936 = %scan3A_759 to %scan3A_761 step %scan3A_762  : i32 {
      %get3A_937 = arith.constant 0 : i32
      %get3A_938 = arith.constant 0 : i32
      %get3A_939 = tpu.memref_slice %arg8[%scan3A_758, %get3A_937, %get3A_938] : memref<5x128x64xf32, #tpu.memory_space<vmem>> -> memref<1x128x64xf32, #tpu.memory_space<vmem>>
      %get3A_940 = tpu.memref_squeeze %get3A_939 : memref<1x128x64xf32, #tpu.memory_space<vmem>> -> memref<128x64xf32, #tpu.memory_space<vmem>>
      %get3A_941 = arith.index_cast %scan3A_936 : i32 to index
      %get3A_942 = arith.constant 0 : index
      %get3A_943 = tpu.vector_load %get3A_940[%get3A_941, %get3A_942] {strides = array<i32>} : memref<128x64xf32, #tpu.memory_space<vmem>>, vector<1x16xf32>,
      %get3A_944 = vector.shape_cast %get3A_943 : vector<1x16xf32> to vector<16xf32>
      %mul3A_945 = arith.mulf %get3A_944, %get3A_10 : vector<16xf32>
      %swap3A = arith.constant 0 : i32
      %swap3A_946 = arith.constant 0 : i32
      %swap3A_947 = tpu.memref_slice %arg8[%scan3A_758, %swap3A, %swap3A_946] : memref<5x128x64xf32, #tpu.memory_space<vmem>> -> memref<1x128x64xf32, #tpu.memory_space<vmem>>
      %swap3A_948 = tpu.memref_squeeze %swap3A_947 : memref<1x128x64xf32, #tpu.memory_space<vmem>> -> memref<128x64xf32, #tpu.memory_space<vmem>>
      %swap3A_949 = arith.index_cast %scan3A_936 : i32 to index
      %swap3A_950 = arith.constant 0 : index
      %swap3A_951 = tpu.vector_load %swap3A_948[%swap3A_949, %swap3A_950] {strides = array<i32>} : memref<128x64xf32, #tpu.memory_space<vmem>>, vector<1x16xf32>,
      %swap3A_952 = vector.shape_cast %swap3A_951 : vector<1x16xf32> to vector<16xf32>
      %swap3A_953 = vector.shape_cast %mul3A_945 : vector<16xf32> to vector<1x16xf32>
      tpu.vector_store %swap3A_948[%swap3A_949, %swap3A_950], %swap3A_953 {strides = array<i32>} : memref<128x64xf32, #tpu.memory_space<vmem>>, vector<1x16xf32>,
      %get3A_954 = arith.constant 0 : i32
      %get3A_955 = arith.constant 0 : i32
      %get3A_956 = tpu.memref_slice %arg8[%scan3A_758, %get3A_954, %get3A_955] : memref<5x128x64xf32, #tpu.memory_space<vmem>> -> memref<1x128x64xf32, #tpu.memory_space<vmem>>
      %get3A_957 = tpu.memref_squeeze %get3A_956 : memref<1x128x64xf32, #tpu.memory_space<vmem>> -> memref<128x64xf32, #tpu.memory_space<vmem>>
      %get3A_958 = arith.index_cast %scan3A_936 : i32 to index
      %get3A_959 = arith.constant 16 : index
      %get3A_960 = tpu.vector_load %get3A_957[%get3A_958, %get3A_959] {strides = array<i32>} : memref<128x64xf32, #tpu.memory_space<vmem>>, vector<1x16xf32>,
      %get3A_961 = vector.shape_cast %get3A_960 : vector<1x16xf32> to vector<16xf32>
      %mul3A_962 = arith.mulf %get3A_961, %get3A_15 : vector<16xf32>
      %swap3A_963 = arith.constant 0 : i32
      %swap3A_964 = arith.constant 0 : i32
      %swap3A_965 = tpu.memref_slice %arg8[%scan3A_758, %swap3A_963, %swap3A_964] : memref<5x128x64xf32, #tpu.memory_space<vmem>> -> memref<1x128x64xf32, #tpu.memory_space<vmem>>
      %swap3A_966 = tpu.memref_squeeze %swap3A_965 : memref<1x128x64xf32, #tpu.memory_space<vmem>> -> memref<128x64xf32, #tpu.memory_space<vmem>>
      %swap3A_967 = arith.index_cast %scan3A_936 : i32 to index
      %swap3A_968 = arith.constant 16 : index
      %swap3A_969 = tpu.vector_load %swap3A_966[%swap3A_967, %swap3A_968] {strides = array<i32>} : memref<128x64xf32, #tpu.memory_space<vmem>>, vector<1x16xf32>,
      %swap3A_970 = vector.shape_cast %swap3A_969 : vector<1x16xf32> to vector<16xf32>
      %swap3A_971 = vector.shape_cast %mul3A_962 : vector<16xf32> to vector<1x16xf32>
      tpu.vector_store %swap3A_966[%swap3A_967, %swap3A_968], %swap3A_971 {strides = array<i32>} : memref<128x64xf32, #tpu.memory_space<vmem>>, vector<1x16xf32>,
      %get3A_972 = arith.constant 0 : i32
      %get3A_973 = arith.constant 0 : i32
      %get3A_974 = tpu.memref_slice %arg8[%scan3A_758, %get3A_972, %get3A_973] : memref<5x128x64xf32, #tpu.memory_space<vmem>> -> memref<1x128x64xf32, #tpu.memory_space<vmem>>
      %get3A_975 = tpu.memref_squeeze %get3A_974 : memref<1x128x64xf32, #tpu.memory_space<vmem>> -> memref<128x64xf32, #tpu.memory_space<vmem>>
      %get3A_976 = arith.index_cast %scan3A_936 : i32 to index
      %get3A_977 = arith.constant 32 : index
      %get3A_978 = tpu.vector_load %get3A_975[%get3A_976, %get3A_977] {strides = array<i32>} : memref<128x64xf32, #tpu.memory_space<vmem>>, vector<1x16xf32>,
      %get3A_979 = vector.shape_cast %get3A_978 : vector<1x16xf32> to vector<16xf32>
      %mul3A_980 = arith.mulf %get3A_979, %get3A_20 : vector<16xf32>
      %swap3A_981 = arith.constant 0 : i32
      %swap3A_982 = arith.constant 0 : i32
      %swap3A_983 = tpu.memref_slice %arg8[%scan3A_758, %swap3A_981, %swap3A_982] : memref<5x128x64xf32, #tpu.memory_space<vmem>> -> memref<1x128x64xf32, #tpu.memory_space<vmem>>
      %swap3A_984 = tpu.memref_squeeze %swap3A_983 : memref<1x128x64xf32, #tpu.memory_space<vmem>> -> memref<128x64xf32, #tpu.memory_space<vmem>>
      %swap3A_985 = arith.index_cast %scan3A_936 : i32 to index
      %swap3A_986 = arith.constant 32 : index
      %swap3A_987 = tpu.vector_load %swap3A_984[%swap3A_985, %swap3A_986] {strides = array<i32>} : memref<128x64xf32, #tpu.memory_space<vmem>>, vector<1x16xf32>,
      %swap3A_988 = vector.shape_cast %swap3A_987 : vector<1x16xf32> to vector<16xf32>
      %swap3A_989 = vector.shape_cast %mul3A_980 : vector<16xf32> to vector<1x16xf32>
      tpu.vector_store %swap3A_984[%swap3A_985, %swap3A_986], %swap3A_989 {strides = array<i32>} : memref<128x64xf32, #tpu.memory_space<vmem>>, vector<1x16xf32>,
      %get3A_990 = arith.constant 0 : i32
      %get3A_991 = arith.constant 0 : i32
      %get3A_992 = tpu.memref_slice %arg8[%scan3A_758, %get3A_990, %get3A_991] : memref<5x128x64xf32, #tpu.memory_space<vmem>> -> memref<1x128x64xf32, #tpu.memory_space<vmem>>
      %get3A_993 = tpu.memref_squeeze %get3A_992 : memref<1x128x64xf32, #tpu.memory_space<vmem>> -> memref<128x64xf32, #tpu.memory_space<vmem>>
      %get3A_994 = arith.index_cast %scan3A_936 : i32 to index
      %get3A_995 = arith.constant 48 : index
      %get3A_996 = tpu.vector_load %get3A_993[%get3A_994, %get3A_995] {strides = array<i32>} : memref<128x64xf32, #tpu.memory_space<vmem>>, vector<1x16xf32>,
      %get3A_997 = vector.shape_cast %get3A_996 : vector<1x16xf32> to vector<16xf32>
      %mul3A_998 = arith.mulf %get3A_997, %get3A_25 : vector<16xf32>
      %swap3A_999 = arith.constant 0 : i32
      %swap3A_1000 = arith.constant 0 : i32
      %swap3A_1001 = tpu.memref_slice %arg8[%scan3A_758, %swap3A_999, %swap3A_1000] : memref<5x128x64xf32, #tpu.memory_space<vmem>> -> memref<1x128x64xf32, #tpu.memory_space<vmem>>
      %swap3A_1002 = tpu.memref_squeeze %swap3A_1001 : memref<1x128x64xf32, #tpu.memory_space<vmem>> -> memref<128x64xf32, #tpu.memory_space<vmem>>
      %swap3A_1003 = arith.index_cast %scan3A_936 : i32 to index
      %swap3A_1004 = arith.constant 48 : index
      %swap3A_1005 = tpu.vector_load %swap3A_1002[%swap3A_1003, %swap3A_1004] {strides = array<i32>} : memref<128x64xf32, #tpu.memory_space<vmem>>, vector<1x16xf32>,
      %swap3A_1006 = vector.shape_cast %swap3A_1005 : vector<1x16xf32> to vector<16xf32>
      %swap3A_1007 = vector.shape_cast %mul3A_998 : vector<16xf32> to vector<1x16xf32>
      tpu.vector_store %swap3A_1002[%swap3A_1003, %swap3A_1004], %swap3A_1007 {strides = array<i32>} : memref<128x64xf32, #tpu.memory_space<vmem>>, vector<1x16xf32>,
    }
    %scan3A_763 = arith.constant 125 : i32
    %mul3A_764 = arith.constant 625 : i32
    %mul3A_765 = arith.muli %arg1, %mul3A_764 : i32
    %add3A_766 = arith.constant 500 : i32
    %add3A_767 = arith.addi %mul3A_765, %add3A_766 : i32
    %dma_start3A_768 = arith.constant 1 : i32
    %dma_start3A_769 = arith.constant 0 : i32
    %dma_start3A_770 = arith.constant 0 : i32
    %dma_start3A_771 = arith.constant 0 : i32
    %dma_start3A_772 = tpu.memref_slice %arg8[%dma_start3A_768, %dma_start3A_770, %dma_start3A_771] : memref<5x128x64xf32, #tpu.memory_space<vmem>> -> memref<1x128x64xf32, #tpu.memory_space<vmem>>
    %dma_start3A_773 = tpu.memref_squeeze %dma_start3A_772 : memref<1x128x64xf32, #tpu.memory_space<vmem>> -> memref<128x64xf32, #tpu.memory_space<vmem>>
    %dma_start3A_774 = arith.constant 0 : i32
    %dma_start3A_775 = arith.constant 0 : i32
    %dma_start3A_776 = tpu.memref_slice %dma_start3A_773[%dma_start3A_774, %dma_start3A_775] : memref<128x64xf32, #tpu.memory_space<vmem>> -> memref<125x64xf32, #tpu.memory_space<vmem>>
    %dma_start3A_777 = tpu.memref_slice %arg5[%add3A_767, %dma_start3A_769, %mul3A_0] : memref<10000x11x128xf32, #tpu.memory_space<hbm>> -> memref<125x1x64xf32, #tpu.memory_space<hbm>>
    %dma_start3A_778 = tpu.memref_squeeze %dma_start3A_777 : memref<125x1x64xf32, #tpu.memory_space<hbm>> -> memref<125x64xf32, #tpu.memory_space<hbm>>
    %dma_start3A_779 = tpu.memref_slice %arg5[%add3A_767, %dma_start3A_769, %mul3A_0] : memref<10000x11x128xf32, #tpu.memory_space<hbm>> -> memref<125x1x64xf32, #tpu.memory_space<hbm>>
    %dma_start3A_780 = tpu.memref_squeeze %dma_start3A_779 : memref<125x1x64xf32, #tpu.memory_space<hbm>> -> memref<125x64xf32, #tpu.memory_space<hbm>>
    %dma_start3A_781 = arith.constant 0 : i32
    %dma_start3A_782 = arith.constant 0 : i32
    %dma_start3A_783 = tpu.memref_slice %arg8[%dma_start3A_768, %dma_start3A_781, %dma_start3A_782] : memref<5x128x64xf32, #tpu.memory_space<vmem>> -> memref<1x128x64xf32, #tpu.memory_space<vmem>>
    %dma_start3A_784 = tpu.memref_squeeze %dma_start3A_783 : memref<1x128x64xf32, #tpu.memory_space<vmem>> -> memref<128x64xf32, #tpu.memory_space<vmem>>
    %dma_start3A_785 = arith.constant 0 : i32
    %dma_start3A_786 = arith.constant 0 : i32
    %dma_start3A_787 = tpu.memref_slice %dma_start3A_784[%dma_start3A_785, %dma_start3A_786] : memref<128x64xf32, #tpu.memory_space<vmem>> -> memref<125x64xf32, #tpu.memory_space<vmem>>
    tpu.enqueue_dma source(%dma_start3A_787 : memref<125x64xf32, #tpu.memory_space<vmem>>) target(%dma_start3A_780 : memref<125x64xf32, #tpu.memory_space<hbm>>) target_semaphore(%arg13 : memref<!tpu.dma_semaphore, #tpu.memory_space<semaphore_mem>>)
    %dma_start3A_788 = arith.constant 1 : i32
    %dma_start3A_789 = arith.constant 0 : i32
    %dma_start3A_790 = arith.constant 0 : i32
    %dma_start3A_791 = tpu.memref_slice %arg8[%dma_start3A_788, %dma_start3A_789, %dma_start3A_790] : memref<5x128x64xf32, #tpu.memory_space<vmem>> -> memref<1x128x64xf32, #tpu.memory_space<vmem>>
    %dma_start3A_792 = tpu.memref_squeeze %dma_start3A_791 : memref<1x128x64xf32, #tpu.memory_space<vmem>> -> memref<128x64xf32, #tpu.memory_space<vmem>>
    %dma_start3A_793 = arith.constant 0 : i32
    %dma_start3A_794 = arith.constant 0 : i32
    %dma_start3A_795 = tpu.memref_slice %dma_start3A_792[%dma_start3A_793, %dma_start3A_794] : memref<128x64xf32, #tpu.memory_space<vmem>> -> memref<125x64xf32, #tpu.memory_space<vmem>>
    %dma_start3A_796 = arith.constant 0 : i32
    %dma_start3A_797 = tpu.memref_slice %arg7[%add3A_767, %dma_start3A_796] : memref<10000x64xf32, #tpu.memory_space<vmem_shared>> -> memref<125x64xf32, #tpu.memory_space<vmem_shared>>
    %dma_start3A_798 = arith.constant 0 : i32
    %dma_start3A_799 = tpu.memref_slice %arg7[%add3A_767, %dma_start3A_798] : memref<10000x64xf32, #tpu.memory_space<vmem_shared>> -> memref<125x64xf32, #tpu.memory_space<vmem_shared>>
    %dma_start3A_800 = arith.constant 0 : i32
    %dma_start3A_801 = arith.constant 0 : i32
    %dma_start3A_802 = tpu.memref_slice %arg8[%dma_start3A_788, %dma_start3A_800, %dma_start3A_801] : memref<5x128x64xf32, #tpu.memory_space<vmem>> -> memref<1x128x64xf32, #tpu.memory_space<vmem>>
    %dma_start3A_803 = tpu.memref_squeeze %dma_start3A_802 : memref<1x128x64xf32, #tpu.memory_space<vmem>> -> memref<128x64xf32, #tpu.memory_space<vmem>>
    %dma_start3A_804 = arith.constant 0 : i32
    %dma_start3A_805 = arith.constant 0 : i32
    %dma_start3A_806 = tpu.memref_slice %dma_start3A_803[%dma_start3A_804, %dma_start3A_805] : memref<128x64xf32, #tpu.memory_space<vmem>> -> memref<125x64xf32, #tpu.memory_space<vmem>>
    tpu.enqueue_dma source(%dma_start3A_806 : memref<125x64xf32, #tpu.memory_space<vmem>>) target(%dma_start3A_799 : memref<125x64xf32, #tpu.memory_space<vmem_shared>>) target_semaphore(%arg14 : memref<!tpu.dma_semaphore, #tpu.memory_space<semaphore_mem>>)
    %dma_start3A_807 = arith.constant 0 : i32
    %dma_start3A_808 = arith.constant 0 : i32
    %dma_start3A_809 = arith.constant 0 : i32
    %dma_start3A_810 = tpu.memref_slice %arg8[%dma_start3A_807, %dma_start3A_808, %dma_start3A_809] : memref<5x128x64xf32, #tpu.memory_space<vmem>> -> memref<1x128x64xf32, #tpu.memory_space<vmem>>
    %dma_start3A_811 = tpu.memref_squeeze %dma_start3A_810 : memref<1x128x64xf32, #tpu.memory_space<vmem>> -> memref<128x64xf32, #tpu.memory_space<vmem>>
    %dma_start3A_812 = arith.constant 0 : i32
    %dma_start3A_813 = arith.constant 0 : i32
    %dma_start3A_814 = tpu.memref_slice %dma_start3A_811[%dma_start3A_812, %dma_start3A_813] : memref<128x64xf32, #tpu.memory_space<vmem>> -> memref<125x64xf32, #tpu.memory_space<vmem>>
    %dma_start3A_815 = arith.constant 0 : i32
    %dma_start3A_816 = tpu.memref_slice %arg6[%add3A_767, %dma_start3A_815] : memref<10016x64xf32, #tpu.memory_space<vmem_shared>> -> memref<125x64xf32, #tpu.memory_space<vmem_shared>>
    %dma_start3A_817 = arith.constant 0 : i32
    %dma_start3A_818 = tpu.memref_slice %arg6[%add3A_767, %dma_start3A_817] : memref<10016x64xf32, #tpu.memory_space<vmem_shared>> -> memref<125x64xf32, #tpu.memory_space<vmem_shared>>
    %dma_start3A_819 = arith.constant 0 : i32
    %dma_start3A_820 = arith.constant 0 : i32
    %dma_start3A_821 = tpu.memref_slice %arg8[%dma_start3A_807, %dma_start3A_819, %dma_start3A_820] : memref<5x128x64xf32, #tpu.memory_space<vmem>> -> memref<1x128x64xf32, #tpu.memory_space<vmem>>
    %dma_start3A_822 = tpu.memref_squeeze %dma_start3A_821 : memref<1x128x64xf32, #tpu.memory_space<vmem>> -> memref<128x64xf32, #tpu.memory_space<vmem>>
    %dma_start3A_823 = arith.constant 0 : i32
    %dma_start3A_824 = arith.constant 0 : i32
    %dma_start3A_825 = tpu.memref_slice %dma_start3A_822[%dma_start3A_823, %dma_start3A_824] : memref<128x64xf32, #tpu.memory_space<vmem>> -> memref<125x64xf32, #tpu.memory_space<vmem>>
    tpu.enqueue_dma source(%dma_start3A_825 : memref<125x64xf32, #tpu.memory_space<vmem>>) target(%dma_start3A_818 : memref<125x64xf32, #tpu.memory_space<vmem_shared>>) target_semaphore(%arg14 : memref<!tpu.dma_semaphore, #tpu.memory_space<semaphore_mem>>)
    %add3A_826 = arith.constant 10000 : i32
    %add3A_827 = arith.addi %add3A_826, %arg1 : i32
    %dma_start3A_828 = arith.constant 0 : i32
    %dma_start3A_829 = arith.constant 0 : i32
    %dma_start3A_830 = arith.constant 0 : i32
    %dma_start3A_831 = tpu.memref_slice %arg8[%dma_start3A_828, %dma_start3A_829, %dma_start3A_830] : memref<5x128x64xf32, #tpu.memory_space<vmem>> -> memref<1x128x64xf32, #tpu.memory_space<vmem>>
    %dma_start3A_832 = tpu.memref_squeeze %dma_start3A_831 : memref<1x128x64xf32, #tpu.memory_space<vmem>> -> memref<128x64xf32, #tpu.memory_space<vmem>>
    %dma_start3A_833 = arith.constant 0 : i32
    %dma_start3A_834 = arith.constant 0 : i32
    %dma_start3A_835 = tpu.memref_slice %dma_start3A_832[%dma_start3A_833, %dma_start3A_834] : memref<128x64xf32, #tpu.memory_space<vmem>> -> memref<1x64xf32, #tpu.memory_space<vmem>>
    %dma_start3A_836 = arith.constant 0 : i32
    %dma_start3A_837 = tpu.memref_slice %arg6[%add3A_827, %dma_start3A_836] : memref<10016x64xf32, #tpu.memory_space<vmem_shared>> -> memref<1x64xf32, #tpu.memory_space<vmem_shared>>
    %dma_start3A_838 = arith.constant 0 : i32
    %dma_start3A_839 = tpu.memref_slice %arg6[%add3A_827, %dma_start3A_838] : memref<10016x64xf32, #tpu.memory_space<vmem_shared>> -> memref<1x64xf32, #tpu.memory_space<vmem_shared>>
    %dma_start3A_840 = arith.constant 0 : i32
    %dma_start3A_841 = arith.constant 0 : i32
    %dma_start3A_842 = tpu.memref_slice %arg8[%dma_start3A_828, %dma_start3A_840, %dma_start3A_841] : memref<5x128x64xf32, #tpu.memory_space<vmem>> -> memref<1x128x64xf32, #tpu.memory_space<vmem>>
    %dma_start3A_843 = tpu.memref_squeeze %dma_start3A_842 : memref<1x128x64xf32, #tpu.memory_space<vmem>> -> memref<128x64xf32, #tpu.memory_space<vmem>>
    %dma_start3A_844 = arith.constant 0 : i32
    %dma_start3A_845 = arith.constant 0 : i32
    %dma_start3A_846 = tpu.memref_slice %dma_start3A_843[%dma_start3A_844, %dma_start3A_845] : memref<128x64xf32, #tpu.memory_space<vmem>> -> memref<1x64xf32, #tpu.memory_space<vmem>>
    tpu.enqueue_dma source(%dma_start3A_846 : memref<1x64xf32, #tpu.memory_space<vmem>>) target(%dma_start3A_839 : memref<1x64xf32, #tpu.memory_space<vmem_shared>>) target_semaphore(%arg14 : memref<!tpu.dma_semaphore, #tpu.memory_space<semaphore_mem>>)
    %mul3A_847 = arith.constant 625 : i32
    %mul3A_848 = arith.muli %arg1, %mul3A_847 : i32
    %add3A_849 = arith.constant 500 : i32
    %add3A_850 = arith.addi %mul3A_848, %add3A_849 : i32
    %dma_wait3A_851 = arith.constant 1 : i32
    %dma_wait3A_852 = arith.constant 0 : i32
    %dma_wait3A_853 = arith.constant 0 : i32
    %dma_wait3A_854 = arith.constant 0 : i32
    %dma_wait3A_855 = tpu.memref_slice %arg8[%dma_wait3A_851, %dma_wait3A_853, %dma_wait3A_854] : memref<5x128x64xf32, #tpu.memory_space<vmem>> -> memref<1x128x64xf32, #tpu.memory_space<vmem>>
    %dma_wait3A_856 = tpu.memref_squeeze %dma_wait3A_855 : memref<1x128x64xf32, #tpu.memory_space<vmem>> -> memref<128x64xf32, #tpu.memory_space<vmem>>
    %dma_wait3A_857 = arith.constant 0 : i32
    %dma_wait3A_858 = arith.constant 0 : i32
    %dma_wait3A_859 = tpu.memref_slice %dma_wait3A_856[%dma_wait3A_857, %dma_wait3A_858] : memref<128x64xf32, #tpu.memory_space<vmem>> -> memref<125x64xf32, #tpu.memory_space<vmem>>
    %dma_wait3A_860 = tpu.memref_slice %arg5[%add3A_850, %dma_wait3A_852, %mul3A_0] : memref<10000x11x128xf32, #tpu.memory_space<hbm>> -> memref<125x1x64xf32, #tpu.memory_space<hbm>>
    %dma_wait3A_861 = tpu.memref_squeeze %dma_wait3A_860 : memref<125x1x64xf32, #tpu.memory_space<hbm>> -> memref<125x64xf32, #tpu.memory_space<hbm>>
    %dma_wait3A_862 = tpu.memref_slice %arg5[%add3A_850, %dma_wait3A_852, %mul3A_0] : memref<10000x11x128xf32, #tpu.memory_space<hbm>> -> memref<125x1x64xf32, #tpu.memory_space<hbm>>
    %dma_wait3A_863 = tpu.memref_squeeze %dma_wait3A_862 : memref<125x1x64xf32, #tpu.memory_space<hbm>> -> memref<125x64xf32, #tpu.memory_space<hbm>>
    %dma_wait3A_864 = arith.constant 0 : i32
    %dma_wait3A_865 = arith.constant 0 : i32
    %dma_wait3A_866 = tpu.memref_slice %arg8[%dma_wait3A_851, %dma_wait3A_864, %dma_wait3A_865] : memref<5x128x64xf32, #tpu.memory_space<vmem>> -> memref<1x128x64xf32, #tpu.memory_space<vmem>>
    %dma_wait3A_867 = tpu.memref_squeeze %dma_wait3A_866 : memref<1x128x64xf32, #tpu.memory_space<vmem>> -> memref<128x64xf32, #tpu.memory_space<vmem>>
    %dma_wait3A_868 = arith.constant 0 : i32
    %dma_wait3A_869 = arith.constant 0 : i32
    %dma_wait3A_870 = tpu.memref_slice %dma_wait3A_867[%dma_wait3A_868, %dma_wait3A_869] : memref<128x64xf32, #tpu.memory_space<vmem>> -> memref<125x64xf32, #tpu.memory_space<vmem>>
    tpu.wait_dma2 semaphore(%arg13 : memref<!tpu.dma_semaphore, #tpu.memory_space<semaphore_mem>>) src(%dma_wait3A_870 : memref<125x64xf32, #tpu.memory_space<vmem>>) dst(%dma_wait3A_863 : memref<125x64xf32, #tpu.memory_space<hbm>>)
    %dma_wait3A_871 = arith.constant 1 : i32
    %dma_wait3A_872 = arith.constant 0 : i32
    %dma_wait3A_873 = arith.constant 0 : i32
    %dma_wait3A_874 = tpu.memref_slice %arg8[%dma_wait3A_871, %dma_wait3A_872, %dma_wait3A_873] : memref<5x128x64xf32, #tpu.memory_space<vmem>> -> memref<1x128x64xf32, #tpu.memory_space<vmem>>
    %dma_wait3A_875 = tpu.memref_squeeze %dma_wait3A_874 : memref<1x128x64xf32, #tpu.memory_space<vmem>> -> memref<128x64xf32, #tpu.memory_space<vmem>>
    %dma_wait3A_876 = arith.constant 0 : i32
    %dma_wait3A_877 = arith.constant 0 : i32
    %dma_wait3A_878 = tpu.memref_slice %dma_wait3A_875[%dma_wait3A_876, %dma_wait3A_877] : memref<128x64xf32, #tpu.memory_space<vmem>> -> memref<125x64xf32, #tpu.memory_space<vmem>>
    %dma_wait3A_879 = arith.constant 0 : i32
    %dma_wait3A_880 = tpu.memref_slice %arg7[%add3A_850, %dma_wait3A_879] : memref<10000x64xf32, #tpu.memory_space<vmem_shared>> -> memref<125x64xf32, #tpu.memory_space<vmem_shared>>
    %dma_wait3A_881 = arith.constant 0 : i32
    %dma_wait3A_882 = tpu.memref_slice %arg7[%add3A_850, %dma_wait3A_881] : memref<10000x64xf32, #tpu.memory_space<vmem_shared>> -> memref<125x64xf32, #tpu.memory_space<vmem_shared>>
    %dma_wait3A_883 = arith.constant 0 : i32
    %dma_wait3A_884 = arith.constant 0 : i32
    %dma_wait3A_885 = tpu.memref_slice %arg8[%dma_wait3A_871, %dma_wait3A_883, %dma_wait3A_884] : memref<5x128x64xf32, #tpu.memory_space<vmem>> -> memref<1x128x64xf32, #tpu.memory_space<vmem>>
    %dma_wait3A_886 = tpu.memref_squeeze %dma_wait3A_885 : memref<1x128x64xf32, #tpu.memory_space<vmem>> -> memref<128x64xf32, #tpu.memory_space<vmem>>
    %dma_wait3A_887 = arith.constant 0 : i32
    %dma_wait3A_888 = arith.constant 0 : i32
    %dma_wait3A_889 = tpu.memref_slice %dma_wait3A_886[%dma_wait3A_887, %dma_wait3A_888] : memref<128x64xf32, #tpu.memory_space<vmem>> -> memref<125x64xf32, #tpu.memory_space<vmem>>
    tpu.wait_dma2 semaphore(%arg14 : memref<!tpu.dma_semaphore, #tpu.memory_space<semaphore_mem>>) src(%dma_wait3A_889 : memref<125x64xf32, #tpu.memory_space<vmem>>) dst(%dma_wait3A_882 : memref<125x64xf32, #tpu.memory_space<vmem_shared>>)
    %dma_wait3A_890 = arith.constant 0 : i32
    %dma_wait3A_891 = arith.constant 0 : i32
    %dma_wait3A_892 = arith.constant 0 : i32
    %dma_wait3A_893 = tpu.memref_slice %arg8[%dma_wait3A_890, %dma_wait3A_891, %dma_wait3A_892] : memref<5x128x64xf32, #tpu.memory_space<vmem>> -> memref<1x128x64xf32, #tpu.memory_space<vmem>>
    %dma_wait3A_894 = tpu.memref_squeeze %dma_wait3A_893 : memref<1x128x64xf32, #tpu.memory_space<vmem>> -> memref<128x64xf32, #tpu.memory_space<vmem>>
    %dma_wait3A_895 = arith.constant 0 : i32
    %dma_wait3A_896 = arith.constant 0 : i32
    %dma_wait3A_897 = tpu.memref_slice %dma_wait3A_894[%dma_wait3A_895, %dma_wait3A_896] : memref<128x64xf32, #tpu.memory_space<vmem>> -> memref<125x64xf32, #tpu.memory_space<vmem>>
    %dma_wait3A_898 = arith.constant 0 : i32
    %dma_wait3A_899 = tpu.memref_slice %arg6[%add3A_850, %dma_wait3A_898] : memref<10016x64xf32, #tpu.memory_space<vmem_shared>> -> memref<125x64xf32, #tpu.memory_space<vmem_shared>>
    %dma_wait3A_900 = arith.constant 0 : i32
    %dma_wait3A_901 = tpu.memref_slice %arg6[%add3A_850, %dma_wait3A_900] : memref<10016x64xf32, #tpu.memory_space<vmem_shared>> -> memref<125x64xf32, #tpu.memory_space<vmem_shared>>
    %dma_wait3A_902 = arith.constant 0 : i32
    %dma_wait3A_903 = arith.constant 0 : i32
    %dma_wait3A_904 = tpu.memref_slice %arg8[%dma_wait3A_890, %dma_wait3A_902, %dma_wait3A_903] : memref<5x128x64xf32, #tpu.memory_space<vmem>> -> memref<1x128x64xf32, #tpu.memory_space<vmem>>
    %dma_wait3A_905 = tpu.memref_squeeze %dma_wait3A_904 : memref<1x128x64xf32, #tpu.memory_space<vmem>> -> memref<128x64xf32, #tpu.memory_space<vmem>>
    %dma_wait3A_906 = arith.constant 0 : i32
    %dma_wait3A_907 = arith.constant 0 : i32
    %dma_wait3A_908 = tpu.memref_slice %dma_wait3A_905[%dma_wait3A_906, %dma_wait3A_907] : memref<128x64xf32, #tpu.memory_space<vmem>> -> memref<125x64xf32, #tpu.memory_space<vmem>>
    tpu.wait_dma2 semaphore(%arg14 : memref<!tpu.dma_semaphore, #tpu.memory_space<semaphore_mem>>) src(%dma_wait3A_908 : memref<125x64xf32, #tpu.memory_space<vmem>>) dst(%dma_wait3A_901 : memref<125x64xf32, #tpu.memory_space<vmem_shared>>)
    %add3A_909 = arith.constant 10000 : i32
    %add3A_910 = arith.addi %add3A_909, %arg1 : i32
    %dma_wait3A_911 = arith.constant 0 : i32
    %dma_wait3A_912 = arith.constant 0 : i32
    %dma_wait3A_913 = arith.constant 0 : i32
    %dma_wait3A_914 = tpu.memref_slice %arg8[%dma_wait3A_911, %dma_wait3A_912, %dma_wait3A_913] : memref<5x128x64xf32, #tpu.memory_space<vmem>> -> memref<1x128x64xf32, #tpu.memory_space<vmem>>
    %dma_wait3A_915 = tpu.memref_squeeze %dma_wait3A_914 : memref<1x128x64xf32, #tpu.memory_space<vmem>> -> memref<128x64xf32, #tpu.memory_space<vmem>>
    %dma_wait3A_916 = arith.constant 0 : i32
    %dma_wait3A_917 = arith.constant 0 : i32
    %dma_wait3A_918 = tpu.memref_slice %dma_wait3A_915[%dma_wait3A_916, %dma_wait3A_917] : memref<128x64xf32, #tpu.memory_space<vmem>> -> memref<1x64xf32, #tpu.memory_space<vmem>>
    %dma_wait3A_919 = arith.constant 0 : i32
    %dma_wait3A_920 = tpu.memref_slice %arg6[%add3A_910, %dma_wait3A_919] : memref<10016x64xf32, #tpu.memory_space<vmem_shared>> -> memref<1x64xf32, #tpu.memory_space<vmem_shared>>
    %dma_wait3A_921 = arith.constant 0 : i32
    %dma_wait3A_922 = tpu.memref_slice %arg6[%add3A_910, %dma_wait3A_921] : memref<10016x64xf32, #tpu.memory_space<vmem_shared>> -> memref<1x64xf32, #tpu.memory_space<vmem_shared>>
    %dma_wait3A_923 = arith.constant 0 : i32
    %dma_wait3A_924 = arith.constant 0 : i32
    %dma_wait3A_925 = tpu.memref_slice %arg8[%dma_wait3A_911, %dma_wait3A_923, %dma_wait3A_924] : memref<5x128x64xf32, #tpu.memory_space<vmem>> -> memref<1x128x64xf32, #tpu.memory_space<vmem>>
    %dma_wait3A_926 = tpu.memref_squeeze %dma_wait3A_925 : memref<1x128x64xf32, #tpu.memory_space<vmem>> -> memref<128x64xf32, #tpu.memory_space<vmem>>
    %dma_wait3A_927 = arith.constant 0 : i32
    %dma_wait3A_928 = arith.constant 0 : i32
    %dma_wait3A_929 = tpu.memref_slice %dma_wait3A_926[%dma_wait3A_927, %dma_wait3A_928] : memref<128x64xf32, #tpu.memory_space<vmem>> -> memref<1x64xf32, #tpu.memory_space<vmem>>
    tpu.wait_dma2 semaphore(%arg14 : memref<!tpu.dma_semaphore, #tpu.memory_space<semaphore_mem>>) src(%dma_wait3A_929 : memref<1x64xf32, #tpu.memory_space<vmem>>) dst(%dma_wait3A_922 : memref<1x64xf32, #tpu.memory_space<vmem_shared>>)
    %barrier3A = arith.constant 0 : index
    tpu.barrier barrier_id(%barrier3A)
    %scan3A_930 = arith.constant 0 : i32
    %scan3A_931 = arith.constant 1 : i32
    %scan3A_932 = arith.constant 10 : i32
    %scan3A_933 = arith.addi %scan3A_931, %scan3A_932 : i32
    %scan3A_934 = arith.constant 1 : i32
    scf.for %scan3A_936 = %scan3A_931 to %scan3A_933 step %scan3A_934  : i32 {
      %dma_start3A_937 = arith.constant 0 : i32
      %dma_start3A_938 = arith.constant 0 : i32
      %dma_start3A_939 = arith.constant 0 : i32
      %dma_start3A_940 = arith.constant 0 : i32
      %dma_start3A_941 = tpu.memref_slice %arg9[%dma_start3A_938, %dma_start3A_939, %dma_start3A_940] : memref<7x2x128xi32, #tpu.memory_space<vmem>> -> memref<1x2x128xi32, #tpu.memory_space<vmem>>
      %dma_start3A_942 = tpu.memref_squeeze %dma_start3A_941 : memref<1x2x128xi32, #tpu.memory_space<vmem>> -> memref<2x128xi32, #tpu.memory_space<vmem>>
      %dma_start3A_943 = arith.constant 0 : i32
      %dma_start3A_944 = arith.constant 0 : i32
      %dma_start3A_945 = tpu.memref_slice %arg3[%arg1, %dma_start3A_937, %dma_start3A_943, %dma_start3A_944] : memref<16x157x2x128xi32, #tpu.memory_space<hbm>> -> memref<1x1x2x128xi32, #tpu.memory_space<hbm>>
      %dma_start3A_946 = tpu.memref_squeeze %dma_start3A_945 : memref<1x1x2x128xi32, #tpu.memory_space<hbm>> -> memref<2x128xi32, #tpu.memory_space<hbm>>
      %dma_start3A_947 = arith.constant 0 : i32
      %dma_start3A_948 = arith.constant 0 : i32
      %dma_start3A_949 = tpu.memref_slice %arg9[%dma_start3A_938, %dma_start3A_947, %dma_start3A_948] : memref<7x2x128xi32, #tpu.memory_space<vmem>> -> memref<1x2x128xi32, #tpu.memory_space<vmem>>
      %dma_start3A_950 = tpu.memref_squeeze %dma_start3A_949 : memref<1x2x128xi32, #tpu.memory_space<vmem>> -> memref<2x128xi32, #tpu.memory_space<vmem>>
      %dma_start3A_951 = arith.constant 0 : i32
      %dma_start3A_952 = arith.constant 0 : i32
      %dma_start3A_953 = tpu.memref_slice %arg3[%arg1, %dma_start3A_937, %dma_start3A_951, %dma_start3A_952] : memref<16x157x2x128xi32, #tpu.memory_space<hbm>> -> memref<1x1x2x128xi32, #tpu.memory_space<hbm>>
      %dma_start3A_954 = tpu.memref_squeeze %dma_start3A_953 : memref<1x1x2x128xi32, #tpu.memory_space<hbm>> -> memref<2x128xi32, #tpu.memory_space<hbm>>
      tpu.enqueue_dma source(%dma_start3A_954 : memref<2x128xi32, #tpu.memory_space<hbm>>) target(%dma_start3A_950 : memref<2x128xi32, #tpu.memory_space<vmem>>) target_semaphore(%arg11 : memref<!tpu.dma_semaphore, #tpu.memory_space<semaphore_mem>>)
      %dma_start3A_955 = arith.constant 1 : i32
      %dma_start3A_956 = arith.constant 1 : i32
      %dma_start3A_957 = arith.constant 0 : i32
      %dma_start3A_958 = arith.constant 0 : i32
      %dma_start3A_959 = tpu.memref_slice %arg9[%dma_start3A_956, %dma_start3A_957, %dma_start3A_958] : memref<7x2x128xi32, #tpu.memory_space<vmem>> -> memref<1x2x128xi32, #tpu.memory_space<vmem>>
      %dma_start3A_960 = tpu.memref_squeeze %dma_start3A_959 : memref<1x2x128xi32, #tpu.memory_space<vmem>> -> memref<2x128xi32, #tpu.memory_space<vmem>>
      %dma_start3A_961 = arith.constant 0 : i32
      %dma_start3A_962 = arith.constant 0 : i32
      %dma_start3A_963 = tpu.memref_slice %arg3[%arg1, %dma_start3A_955, %dma_start3A_961, %dma_start3A_962] : memref<16x157x2x128xi32, #tpu.memory_space<hbm>> -> memref<1x1x2x128xi32, #tpu.memory_space<hbm>>
      %dma_start3A_964 = tpu.memref_squeeze %dma_start3A_963 : memref<1x1x2x128xi32, #tpu.memory_space<hbm>> -> memref<2x128xi32, #tpu.memory_space<hbm>>
      %dma_start3A_965 = arith.constant 0 : i32
      %dma_start3A_966 = arith.constant 0 : i32
      %dma_start3A_967 = tpu.memref_slice %arg9[%dma_start3A_956, %dma_start3A_965, %dma_start3A_966] : memref<7x2x128xi32, #tpu.memory_space<vmem>> -> memref<1x2x128xi32, #tpu.memory_space<vmem>>
      %dma_start3A_968 = tpu.memref_squeeze %dma_start3A_967 : memref<1x2x128xi32, #tpu.memory_space<vmem>> -> memref<2x128xi32, #tpu.memory_space<vmem>>
      %dma_start3A_969 = arith.constant 0 : i32
      %dma_start3A_970 = arith.constant 0 : i32
      %dma_start3A_971 = tpu.memref_slice %arg3[%arg1, %dma_start3A_955, %dma_start3A_969, %dma_start3A_970] : memref<16x157x2x128xi32, #tpu.memory_space<hbm>> -> memref<1x1x2x128xi32, #tpu.memory_space<hbm>>
      %dma_start3A_972 = tpu.memref_squeeze %dma_start3A_971 : memref<1x1x2x128xi32, #tpu.memory_space<hbm>> -> memref<2x128xi32, #tpu.memory_space<hbm>>
      tpu.enqueue_dma source(%dma_start3A_972 : memref<2x128xi32, #tpu.memory_space<hbm>>) target(%dma_start3A_968 : memref<2x128xi32, #tpu.memory_space<vmem>>) target_semaphore(%arg11 : memref<!tpu.dma_semaphore, #tpu.memory_space<semaphore_mem>>)
      %dma_start3A_973 = arith.constant 2 : i32
      %dma_start3A_974 = arith.constant 2 : i32
      %dma_start3A_975 = arith.constant 0 : i32
      %dma_start3A_976 = arith.constant 0 : i32
      %dma_start3A_977 = tpu.memref_slice %arg9[%dma_start3A_974, %dma_start3A_975, %dma_start3A_976] : memref<7x2x128xi32, #tpu.memory_space<vmem>> -> memref<1x2x128xi32, #tpu.memory_space<vmem>>
      %dma_start3A_978 = tpu.memref_squeeze %dma_start3A_977 : memref<1x2x128xi32, #tpu.memory_space<vmem>> -> memref<2x128xi32, #tpu.memory_space<vmem>>
      %dma_start3A_979 = arith.constant 0 : i32
      %dma_start3A_980 = arith.constant 0 : i32
      %dma_start3A_981 = tpu.memref_slice %arg3[%arg1, %dma_start3A_973, %dma_start3A_979, %dma_start3A_980] : memref<16x157x2x128xi32, #tpu.memory_space<hbm>> -> memref<1x1x2x128xi32, #tpu.memory_space<hbm>>
      %dma_start3A_982 = tpu.memref_squeeze %dma_start3A_981 : memref<1x1x2x128xi32, #tpu.memory_space<hbm>> -> memref<2x128xi32, #tpu.memory_space<hbm>>
      %dma_start3A_983 = arith.constant 0 : i32
      %dma_start3A_984 = arith.constant 0 : i32
      %dma_start3A_985 = tpu.memref_slice %arg9[%dma_start3A_974, %dma_start3A_983, %dma_start3A_984] : memref<7x2x128xi32, #tpu.memory_space<vmem>> -> memref<1x2x128xi32, #tpu.memory_space<vmem>>
      %dma_start3A_986 = tpu.memref_squeeze %dma_start3A_985 : memref<1x2x128xi32, #tpu.memory_space<vmem>> -> memref<2x128xi32, #tpu.memory_space<vmem>>
      %dma_start3A_987 = arith.constant 0 : i32
      %dma_start3A_988 = arith.constant 0 : i32
      %dma_start3A_989 = tpu.memref_slice %arg3[%arg1, %dma_start3A_973, %dma_start3A_987, %dma_start3A_988] : memref<16x157x2x128xi32, #tpu.memory_space<hbm>> -> memref<1x1x2x128xi32, #tpu.memory_space<hbm>>
      %dma_start3A_990 = tpu.memref_squeeze %dma_start3A_989 : memref<1x1x2x128xi32, #tpu.memory_space<hbm>> -> memref<2x128xi32, #tpu.memory_space<hbm>>
      tpu.enqueue_dma source(%dma_start3A_990 : memref<2x128xi32, #tpu.memory_space<hbm>>) target(%dma_start3A_986 : memref<2x128xi32, #tpu.memory_space<vmem>>) target_semaphore(%arg11 : memref<!tpu.dma_semaphore, #tpu.memory_space<semaphore_mem>>)
      %dma_start3A_991 = arith.constant 3 : i32
      %dma_start3A_992 = arith.constant 3 : i32
      %dma_start3A_993 = arith.constant 0 : i32
      %dma_start3A_994 = arith.constant 0 : i32
      %dma_start3A_995 = tpu.memref_slice %arg9[%dma_start3A_992, %dma_start3A_993, %dma_start3A_994] : memref<7x2x128xi32, #tpu.memory_space<vmem>> -> memref<1x2x128xi32, #tpu.memory_space<vmem>>
      %dma_start3A_996 = tpu.memref_squeeze %dma_start3A_995 : memref<1x2x128xi32, #tpu.memory_space<vmem>> -> memref<2x128xi32, #tpu.memory_space<vmem>>
      %dma_start3A_997 = arith.constant 0 : i32
      %dma_start3A_998 = arith.constant 0 : i32
      %dma_start3A_999 = tpu.memref_slice %arg3[%arg1, %dma_start3A_991, %dma_start3A_997, %dma_start3A_998] : memref<16x157x2x128xi32, #tpu.memory_space<hbm>> -> memref<1x1x2x128xi32, #tpu.memory_space<hbm>>
      %dma_start3A_1000 = tpu.memref_squeeze %dma_start3A_999 : memref<1x1x2x128xi32, #tpu.memory_space<hbm>> -> memref<2x128xi32, #tpu.memory_space<hbm>>
      %dma_start3A_1001 = arith.constant 0 : i32
      %dma_start3A_1002 = arith.constant 0 : i32
      %dma_start3A_1003 = tpu.memref_slice %arg9[%dma_start3A_992, %dma_start3A_1001, %dma_start3A_1002] : memref<7x2x128xi32, #tpu.memory_space<vmem>> -> memref<1x2x128xi32, #tpu.memory_space<vmem>>
      %dma_start3A_1004 = tpu.memref_squeeze %dma_start3A_1003 : memref<1x2x128xi32, #tpu.memory_space<vmem>> -> memref<2x128xi32, #tpu.memory_space<vmem>>
      %dma_start3A_1005 = arith.constant 0 : i32
      %dma_start3A_1006 = arith.constant 0 : i32
      %dma_start3A_1007 = tpu.memref_slice %arg3[%arg1, %dma_start3A_991, %dma_start3A_1005, %dma_start3A_1006] : memref<16x157x2x128xi32, #tpu.memory_space<hbm>> -> memref<1x1x2x128xi32, #tpu.memory_space<hbm>>
      %dma_start3A_1008 = tpu.memref_squeeze %dma_start3A_1007 : memref<1x1x2x128xi32, #tpu.memory_space<hbm>> -> memref<2x128xi32, #tpu.memory_space<hbm>>
      tpu.enqueue_dma source(%dma_start3A_1008 : memref<2x128xi32, #tpu.memory_space<hbm>>) target(%dma_start3A_1004 : memref<2x128xi32, #tpu.memory_space<vmem>>) target_semaphore(%arg11 : memref<!tpu.dma_semaphore, #tpu.memory_space<semaphore_mem>>)
      %dma_start3A_1009 = arith.constant 4 : i32
      %dma_start3A_1010 = arith.constant 4 : i32
      %dma_start3A_1011 = arith.constant 0 : i32
      %dma_start3A_1012 = arith.constant 0 : i32
      %dma_start3A_1013 = tpu.memref_slice %arg9[%dma_start3A_1010, %dma_start3A_1011, %dma_start3A_1012] : memref<7x2x128xi32, #tpu.memory_space<vmem>> -> memref<1x2x128xi32, #tpu.memory_space<vmem>>
      %dma_start3A_1014 = tpu.memref_squeeze %dma_start3A_1013 : memref<1x2x128xi32, #tpu.memory_space<vmem>> -> memref<2x128xi32, #tpu.memory_space<vmem>>
      %dma_start3A_1015 = arith.constant 0 : i32
      %dma_start3A_1016 = arith.constant 0 : i32
      %dma_start3A_1017 = tpu.memref_slice %arg3[%arg1, %dma_start3A_1009, %dma_start3A_1015, %dma_start3A_1016] : memref<16x157x2x128xi32, #tpu.memory_space<hbm>> -> memref<1x1x2x128xi32, #tpu.memory_space<hbm>>
      %dma_start3A_1018 = tpu.memref_squeeze %dma_start3A_1017 : memref<1x1x2x128xi32, #tpu.memory_space<hbm>> -> memref<2x128xi32, #tpu.memory_space<hbm>>
      %dma_start3A_1019 = arith.constant 0 : i32
      %dma_start3A_1020 = arith.constant 0 : i32
      %dma_start3A_1021 = tpu.memref_slice %arg9[%dma_start3A_1010, %dma_start3A_1019, %dma_start3A_1020] : memref<7x2x128xi32, #tpu.memory_space<vmem>> -> memref<1x2x128xi32, #tpu.memory_space<vmem>>
      %dma_start3A_1022 = tpu.memref_squeeze %dma_start3A_1021 : memref<1x2x128xi32, #tpu.memory_space<vmem>> -> memref<2x128xi32, #tpu.memory_space<vmem>>
      %dma_start3A_1023 = arith.constant 0 : i32
      %dma_start3A_1024 = arith.constant 0 : i32
      %dma_start3A_1025 = tpu.memref_slice %arg3[%arg1, %dma_start3A_1009, %dma_start3A_1023, %dma_start3A_1024] : memref<16x157x2x128xi32, #tpu.memory_space<hbm>> -> memref<1x1x2x128xi32, #tpu.memory_space<hbm>>
      %dma_start3A_1026 = tpu.memref_squeeze %dma_start3A_1025 : memref<1x1x2x128xi32, #tpu.memory_space<hbm>> -> memref<2x128xi32, #tpu.memory_space<hbm>>
      tpu.enqueue_dma source(%dma_start3A_1026 : memref<2x128xi32, #tpu.memory_space<hbm>>) target(%dma_start3A_1022 : memref<2x128xi32, #tpu.memory_space<vmem>>) target_semaphore(%arg11 : memref<!tpu.dma_semaphore, #tpu.memory_space<semaphore_mem>>)
      %dma_wait3A_1027 = arith.constant 0 : i32
      %dma_wait3A_1028 = arith.constant 0 : i32
      %dma_wait3A_1029 = arith.constant 0 : i32
      %dma_wait3A_1030 = arith.constant 0 : i32
      %dma_wait3A_1031 = tpu.memref_slice %arg9[%dma_wait3A_1028, %dma_wait3A_1029, %dma_wait3A_1030] : memref<7x2x128xi32, #tpu.memory_space<vmem>> -> memref<1x2x128xi32, #tpu.memory_space<vmem>>
      %dma_wait3A_1032 = tpu.memref_squeeze %dma_wait3A_1031 : memref<1x2x128xi32, #tpu.memory_space<vmem>> -> memref<2x128xi32, #tpu.memory_space<vmem>>
      %dma_wait3A_1033 = arith.constant 0 : i32
      %dma_wait3A_1034 = arith.constant 0 : i32
      %dma_wait3A_1035 = tpu.memref_slice %arg3[%arg1, %dma_wait3A_1027, %dma_wait3A_1033, %dma_wait3A_1034] : memref<16x157x2x128xi32, #tpu.memory_space<hbm>> -> memref<1x1x2x128xi32, #tpu.memory_space<hbm>>
      %dma_wait3A_1036 = tpu.memref_squeeze %dma_wait3A_1035 : memref<1x1x2x128xi32, #tpu.memory_space<hbm>> -> memref<2x128xi32, #tpu.memory_space<hbm>>
      %dma_wait3A_1037 = arith.constant 0 : i32
      %dma_wait3A_1038 = arith.constant 0 : i32
      %dma_wait3A_1039 = tpu.memref_slice %arg9[%dma_wait3A_1028, %dma_wait3A_1037, %dma_wait3A_1038] : memref<7x2x128xi32, #tpu.memory_space<vmem>> -> memref<1x2x128xi32, #tpu.memory_space<vmem>>
      %dma_wait3A_1040 = tpu.memref_squeeze %dma_wait3A_1039 : memref<1x2x128xi32, #tpu.memory_space<vmem>> -> memref<2x128xi32, #tpu.memory_space<vmem>>
      %dma_wait3A_1041 = arith.constant 0 : i32
      %dma_wait3A_1042 = arith.constant 0 : i32
      %dma_wait3A_1043 = tpu.memref_slice %arg3[%arg1, %dma_wait3A_1027, %dma_wait3A_1041, %dma_wait3A_1042] : memref<16x157x2x128xi32, #tpu.memory_space<hbm>> -> memref<1x1x2x128xi32, #tpu.memory_space<hbm>>
      %dma_wait3A_1044 = tpu.memref_squeeze %dma_wait3A_1043 : memref<1x1x2x128xi32, #tpu.memory_space<hbm>> -> memref<2x128xi32, #tpu.memory_space<hbm>>
      tpu.wait_dma2 semaphore(%arg11 : memref<!tpu.dma_semaphore, #tpu.memory_space<semaphore_mem>>) src(%dma_wait3A_1044 : memref<2x128xi32, #tpu.memory_space<hbm>>) dst(%dma_wait3A_1040 : memref<2x128xi32, #tpu.memory_space<vmem>>)
      %dma_start3A_1045 = arith.constant 0 : i32
      %dma_start3A_1046 = arith.constant 0 : i32
      %dma_start3A_1047 = arith.constant 0 : i32
      %dma_start3A_1048 = arith.constant 0 : i32
      %dma_start3A_1049 = arith.constant 0 : i32
      %dma_start3A_1050 = tpu.memref_slice %arg8[%dma_start3A_1047, %dma_start3A_1048, %dma_start3A_1049] : memref<5x128x64xf32, #tpu.memory_space<vmem>> -> memref<1x128x64xf32, #tpu.memory_space<vmem>>
      %dma_start3A_1051 = tpu.memref_squeeze %dma_start3A_1050 : memref<1x128x64xf32, #tpu.memory_space<vmem>> -> memref<128x64xf32, #tpu.memory_space<vmem>>
      %dma_start3A_1052 = arith.constant 0 : i32
      %dma_start3A_1053 = tpu.memref_slice %arg9[%dma_start3A_1045, %dma_start3A_1046, %dma_start3A_1052] : memref<7x2x128xi32, #tpu.memory_space<vmem>> -> memref<1x1x128xi32, #tpu.memory_space<vmem>>
      %dma_start3A_1054 = tpu.memref_squeeze %dma_start3A_1053 : memref<1x1x128xi32, #tpu.memory_space<vmem>> -> memref<128xi32, #tpu.memory_space<vmem>>
      %dma_start3A_1055 = arith.constant 0 : i32
      %dma_start3A_1056 = arith.constant 0 : i32
      %dma_start3A_1057 = tpu.memref_slice %arg7[%dma_start3A_1055, %dma_start3A_1056] : memref<10000x64xf32, #tpu.memory_space<vmem_shared>> -> memref<10000x64xf32, #tpu.memory_space<vmem_shared>>
      tpu.enqueue_indirect_dma source(%dma_start3A_1057 : memref<10000x64xf32, #tpu.memory_space<vmem_shared>>) target(%dma_start3A_1051 : memref<128x64xf32, #tpu.memory_space<vmem>>) offsets(%dma_start3A_1054 : memref<128xi32, #tpu.memory_space<vmem>>) semaphore(%arg12 : memref<!tpu.dma_semaphore, #tpu.memory_space<semaphore_mem>>)
      %dma_wait3A_1058 = arith.constant 1 : i32
      %dma_wait3A_1059 = arith.constant 1 : i32
      %dma_wait3A_1060 = arith.constant 0 : i32
      %dma_wait3A_1061 = arith.constant 0 : i32
      %dma_wait3A_1062 = tpu.memref_slice %arg9[%dma_wait3A_1059, %dma_wait3A_1060, %dma_wait3A_1061] : memref<7x2x128xi32, #tpu.memory_space<vmem>> -> memref<1x2x128xi32, #tpu.memory_space<vmem>>
      %dma_wait3A_1063 = tpu.memref_squeeze %dma_wait3A_1062 : memref<1x2x128xi32, #tpu.memory_space<vmem>> -> memref<2x128xi32, #tpu.memory_space<vmem>>
      %dma_wait3A_1064 = arith.constant 0 : i32
      %dma_wait3A_1065 = arith.constant 0 : i32
      %dma_wait3A_1066 = tpu.memref_slice %arg3[%arg1, %dma_wait3A_1058, %dma_wait3A_1064, %dma_wait3A_1065] : memref<16x157x2x128xi32, #tpu.memory_space<hbm>> -> memref<1x1x2x128xi32, #tpu.memory_space<hbm>>
      %dma_wait3A_1067 = tpu.memref_squeeze %dma_wait3A_1066 : memref<1x1x2x128xi32, #tpu.memory_space<hbm>> -> memref<2x128xi32, #tpu.memory_space<hbm>>
      %dma_wait3A_1068 = arith.constant 0 : i32
      %dma_wait3A_1069 = arith.constant 0 : i32
      %dma_wait3A_1070 = tpu.memref_slice %arg9[%dma_wait3A_1059, %dma_wait3A_1068, %dma_wait3A_1069] : memref<7x2x128xi32, #tpu.memory_space<vmem>> -> memref<1x2x128xi32, #tpu.memory_space<vmem>>
      %dma_wait3A_1071 = tpu.memref_squeeze %dma_wait3A_1070 : memref<1x2x128xi32, #tpu.memory_space<vmem>> -> memref<2x128xi32, #tpu.memory_space<vmem>>
      %dma_wait3A_1072 = arith.constant 0 : i32
      %dma_wait3A_1073 = arith.constant 0 : i32
      %dma_wait3A_1074 = tpu.memref_slice %arg3[%arg1, %dma_wait3A_1058, %dma_wait3A_1072, %dma_wait3A_1073] : memref<16x157x2x128xi32, #tpu.memory_space<hbm>> -> memref<1x1x2x128xi32, #tpu.memory_space<hbm>>
      %dma_wait3A_1075 = tpu.memref_squeeze %dma_wait3A_1074 : memref<1x1x2x128xi32, #tpu.memory_space<hbm>> -> memref<2x128xi32, #tpu.memory_space<hbm>>
      tpu.wait_dma2 semaphore(%arg11 : memref<!tpu.dma_semaphore, #tpu.memory_space<semaphore_mem>>) src(%dma_wait3A_1075 : memref<2x128xi32, #tpu.memory_space<hbm>>) dst(%dma_wait3A_1071 : memref<2x128xi32, #tpu.memory_space<vmem>>)
      %dma_start3A_1076 = arith.constant 1 : i32
      %dma_start3A_1077 = arith.constant 0 : i32
      %dma_start3A_1078 = arith.constant 1 : i32
      %dma_start3A_1079 = arith.constant 0 : i32
      %dma_start3A_1080 = arith.constant 0 : i32
      %dma_start3A_1081 = tpu.memref_slice %arg8[%dma_start3A_1078, %dma_start3A_1079, %dma_start3A_1080] : memref<5x128x64xf32, #tpu.memory_space<vmem>> -> memref<1x128x64xf32, #tpu.memory_space<vmem>>
      %dma_start3A_1082 = tpu.memref_squeeze %dma_start3A_1081 : memref<1x128x64xf32, #tpu.memory_space<vmem>> -> memref<128x64xf32, #tpu.memory_space<vmem>>
      %dma_start3A_1083 = arith.constant 0 : i32
      %dma_start3A_1084 = tpu.memref_slice %arg9[%dma_start3A_1076, %dma_start3A_1077, %dma_start3A_1083] : memref<7x2x128xi32, #tpu.memory_space<vmem>> -> memref<1x1x128xi32, #tpu.memory_space<vmem>>
      %dma_start3A_1085 = tpu.memref_squeeze %dma_start3A_1084 : memref<1x1x128xi32, #tpu.memory_space<vmem>> -> memref<128xi32, #tpu.memory_space<vmem>>
      %dma_start3A_1086 = arith.constant 0 : i32
      %dma_start3A_1087 = arith.constant 0 : i32
      %dma_start3A_1088 = tpu.memref_slice %arg7[%dma_start3A_1086, %dma_start3A_1087] : memref<10000x64xf32, #tpu.memory_space<vmem_shared>> -> memref<10000x64xf32, #tpu.memory_space<vmem_shared>>
      tpu.enqueue_indirect_dma source(%dma_start3A_1088 : memref<10000x64xf32, #tpu.memory_space<vmem_shared>>) target(%dma_start3A_1082 : memref<128x64xf32, #tpu.memory_space<vmem>>) offsets(%dma_start3A_1085 : memref<128xi32, #tpu.memory_space<vmem>>) semaphore(%arg12 : memref<!tpu.dma_semaphore, #tpu.memory_space<semaphore_mem>>)
      %dma_wait3A_1089 = arith.constant 2 : i32
      %dma_wait3A_1090 = arith.constant 2 : i32
      %dma_wait3A_1091 = arith.constant 0 : i32
      %dma_wait3A_1092 = arith.constant 0 : i32
      %dma_wait3A_1093 = tpu.memref_slice %arg9[%dma_wait3A_1090, %dma_wait3A_1091, %dma_wait3A_1092] : memref<7x2x128xi32, #tpu.memory_space<vmem>> -> memref<1x2x128xi32, #tpu.memory_space<vmem>>
      %dma_wait3A_1094 = tpu.memref_squeeze %dma_wait3A_1093 : memref<1x2x128xi32, #tpu.memory_space<vmem>> -> memref<2x128xi32, #tpu.memory_space<vmem>>
      %dma_wait3A_1095 = arith.constant 0 : i32
      %dma_wait3A_1096 = arith.constant 0 : i32
      %dma_wait3A_1097 = tpu.memref_slice %arg3[%arg1, %dma_wait3A_1089, %dma_wait3A_1095, %dma_wait3A_1096] : memref<16x157x2x128xi32, #tpu.memory_space<hbm>> -> memref<1x1x2x128xi32, #tpu.memory_space<hbm>>
      %dma_wait3A_1098 = tpu.memref_squeeze %dma_wait3A_1097 : memref<1x1x2x128xi32, #tpu.memory_space<hbm>> -> memref<2x128xi32, #tpu.memory_space<hbm>>
      %dma_wait3A_1099 = arith.constant 0 : i32
      %dma_wait3A_1100 = arith.constant 0 : i32
      %dma_wait3A_1101 = tpu.memref_slice %arg9[%dma_wait3A_1090, %dma_wait3A_1099, %dma_wait3A_1100] : memref<7x2x128xi32, #tpu.memory_space<vmem>> -> memref<1x2x128xi32, #tpu.memory_space<vmem>>
      %dma_wait3A_1102 = tpu.memref_squeeze %dma_wait3A_1101 : memref<1x2x128xi32, #tpu.memory_space<vmem>> -> memref<2x128xi32, #tpu.memory_space<vmem>>
      %dma_wait3A_1103 = arith.constant 0 : i32
      %dma_wait3A_1104 = arith.constant 0 : i32
      %dma_wait3A_1105 = tpu.memref_slice %arg3[%arg1, %dma_wait3A_1089, %dma_wait3A_1103, %dma_wait3A_1104] : memref<16x157x2x128xi32, #tpu.memory_space<hbm>> -> memref<1x1x2x128xi32, #tpu.memory_space<hbm>>
      %dma_wait3A_1106 = tpu.memref_squeeze %dma_wait3A_1105 : memref<1x1x2x128xi32, #tpu.memory_space<hbm>> -> memref<2x128xi32, #tpu.memory_space<hbm>>
      tpu.wait_dma2 semaphore(%arg11 : memref<!tpu.dma_semaphore, #tpu.memory_space<semaphore_mem>>) src(%dma_wait3A_1106 : memref<2x128xi32, #tpu.memory_space<hbm>>) dst(%dma_wait3A_1102 : memref<2x128xi32, #tpu.memory_space<vmem>>)
      %dma_start3A_1107 = arith.constant 2 : i32
      %dma_start3A_1108 = arith.constant 0 : i32
      %dma_start3A_1109 = arith.constant 2 : i32
      %dma_start3A_1110 = arith.constant 0 : i32
      %dma_start3A_1111 = arith.constant 0 : i32
      %dma_start3A_1112 = tpu.memref_slice %arg8[%dma_start3A_1109, %dma_start3A_1110, %dma_start3A_1111] : memref<5x128x64xf32, #tpu.memory_space<vmem>> -> memref<1x128x64xf32, #tpu.memory_space<vmem>>
      %dma_start3A_1113 = tpu.memref_squeeze %dma_start3A_1112 : memref<1x128x64xf32, #tpu.memory_space<vmem>> -> memref<128x64xf32, #tpu.memory_space<vmem>>
      %dma_start3A_1114 = arith.constant 0 : i32
      %dma_start3A_1115 = tpu.memref_slice %arg9[%dma_start3A_1107, %dma_start3A_1108, %dma_start3A_1114] : memref<7x2x128xi32, #tpu.memory_space<vmem>> -> memref<1x1x128xi32, #tpu.memory_space<vmem>>
      %dma_start3A_1116 = tpu.memref_squeeze %dma_start3A_1115 : memref<1x1x128xi32, #tpu.memory_space<vmem>> -> memref<128xi32, #tpu.memory_space<vmem>>
      %dma_start3A_1117 = arith.constant 0 : i32
      %dma_start3A_1118 = arith.constant 0 : i32
      %dma_start3A_1119 = tpu.memref_slice %arg7[%dma_start3A_1117, %dma_start3A_1118] : memref<10000x64xf32, #tpu.memory_space<vmem_shared>> -> memref<10000x64xf32, #tpu.memory_space<vmem_shared>>
      tpu.enqueue_indirect_dma source(%dma_start3A_1119 : memref<10000x64xf32, #tpu.memory_space<vmem_shared>>) target(%dma_start3A_1113 : memref<128x64xf32, #tpu.memory_space<vmem>>) offsets(%dma_start3A_1116 : memref<128xi32, #tpu.memory_space<vmem>>) semaphore(%arg12 : memref<!tpu.dma_semaphore, #tpu.memory_space<semaphore_mem>>)
      %scan3A_1120 = arith.constant 0 : i32
      %scan3A_1121 = arith.constant 0 : i32
      %scan3A_1122 = arith.constant 157 : i32
      %scan3A_1123 = arith.addi %scan3A_1121, %scan3A_1122 : i32
      %scan3A_1124 = arith.constant 1 : i32
      scf.for %scan3A_2093 = %scan3A_1121 to %scan3A_1123 step %scan3A_1124  : i32 {
        %ge3A = arith.constant 2 : i32
        %ge3A_2094 = arith.cmpi sge, %scan3A_2093, %ge3A : i32
        %convert_element_type3A = arith.extui %ge3A_2094 : i1 to i32
        %cond3A = arith.constant 0 : i32
        %cond3A_2095 = arith.cmpi ne, %convert_element_type3A, %cond3A : i32
        scf.if %cond3A_2095 {
          %sub3A = arith.constant 2 : i32
          %sub3A_2134 = arith.subi %scan3A_2093, %sub3A : i32
          %sub3A_2135 = arith.constant 2 : i32
          %sub3A_2136 = arith.subi %scan3A_2093, %sub3A_2135 : i32
          %rem3A_2137 = arith.constant 5 : i32
          %rem3A_2138 = arith.remsi %sub3A_2136, %rem3A_2137 : i32
          %sub3A_2139 = arith.constant 2 : i32
          %sub3A_2140 = arith.subi %scan3A_2093, %sub3A_2139 : i32
          %rem3A_2141 = arith.constant 7 : i32
          %rem3A_2142 = arith.remsi %sub3A_2140, %rem3A_2141 : i32
          %dma_wait3A_2143 = arith.constant 1 : i32
          %dma_wait3A_2144 = arith.constant 0 : i32
          %dma_wait3A_2145 = arith.constant 0 : i32
          %dma_wait3A_2146 = tpu.memref_slice %arg8[%rem3A_2138, %dma_wait3A_2144, %dma_wait3A_2145] : memref<5x128x64xf32, #tpu.memory_space<vmem>> -> memref<1x128x64xf32, #tpu.memory_space<vmem>>
          %dma_wait3A_2147 = tpu.memref_squeeze %dma_wait3A_2146 : memref<1x128x64xf32, #tpu.memory_space<vmem>> -> memref<128x64xf32, #tpu.memory_space<vmem>>
          %dma_wait3A_2148 = arith.constant 0 : i32
          %dma_wait3A_2149 = tpu.memref_slice %arg9[%rem3A_2142, %dma_wait3A_2143, %dma_wait3A_2148] : memref<7x2x128xi32, #tpu.memory_space<vmem>> -> memref<1x1x128xi32, #tpu.memory_space<vmem>>
          %dma_wait3A_2150 = tpu.memref_squeeze %dma_wait3A_2149 : memref<1x1x128xi32, #tpu.memory_space<vmem>> -> memref<128xi32, #tpu.memory_space<vmem>>
          %dma_wait3A_2151 = arith.constant 0 : i32
          %dma_wait3A_2152 = arith.constant 0 : i32
          %dma_wait3A_2153 = tpu.memref_slice %arg6[%dma_wait3A_2151, %dma_wait3A_2152] : memref<10016x64xf32, #tpu.memory_space<vmem_shared>> -> memref<10016x64xf32, #tpu.memory_space<vmem_shared>>
          tpu.wait_indirect_dma semaphore(%arg15 : memref<!tpu.dma_semaphore, #tpu.memory_space<semaphore_mem>>) src(%dma_wait3A_2147 : memref<128x64xf32, #tpu.memory_space<vmem>>) dst(%dma_wait3A_2153 : memref<10016x64xf32, #tpu.memory_space<vmem_shared>>)
        } else {
        }
        %add3A_2096 = arith.constant 3 : i32
        %add3A_2097 = arith.addi %scan3A_2093, %add3A_2096 : i32
        %lt3A = arith.constant 157 : i32
        %lt3A_2098 = arith.cmpi slt, %add3A_2097, %lt3A : i32
        %convert_element_type3A_2099 = arith.extui %lt3A_2098 : i1 to i32
        %cond3A_2100 = arith.constant 0 : i32
        %cond3A_2101 = arith.cmpi ne, %convert_element_type3A_2099, %cond3A_2100 : i32
        scf.if %cond3A_2101 {
          %add3A_2134 = arith.constant 3 : i32
          %add3A_2135 = arith.addi %scan3A_2093, %add3A_2134 : i32
          %add3A_2136 = arith.constant 3 : i32
          %add3A_2137 = arith.addi %scan3A_2093, %add3A_2136 : i32
          %rem3A_2138 = arith.constant 7 : i32
          %rem3A_2139 = arith.remsi %add3A_2137, %rem3A_2138 : i32
          %dma_wait3A_2140 = arith.constant 0 : i32
          %dma_wait3A_2141 = arith.constant 0 : i32
          %dma_wait3A_2142 = tpu.memref_slice %arg9[%rem3A_2139, %dma_wait3A_2140, %dma_wait3A_2141] : memref<7x2x128xi32, #tpu.memory_space<vmem>> -> memref<1x2x128xi32, #tpu.memory_space<vmem>>
          %dma_wait3A_2143 = tpu.memref_squeeze %dma_wait3A_2142 : memref<1x2x128xi32, #tpu.memory_space<vmem>> -> memref<2x128xi32, #tpu.memory_space<vmem>>
          %dma_wait3A_2144 = arith.constant 0 : i32
          %dma_wait3A_2145 = arith.constant 0 : i32
          %dma_wait3A_2146 = tpu.memref_slice %arg3[%arg1, %add3A_2135, %dma_wait3A_2144, %dma_wait3A_2145] : memref<16x157x2x128xi32, #tpu.memory_space<hbm>> -> memref<1x1x2x128xi32, #tpu.memory_space<hbm>>
          %dma_wait3A_2147 = tpu.memref_squeeze %dma_wait3A_2146 : memref<1x1x2x128xi32, #tpu.memory_space<hbm>> -> memref<2x128xi32, #tpu.memory_space<hbm>>
          %dma_wait3A_2148 = arith.constant 0 : i32
          %dma_wait3A_2149 = arith.constant 0 : i32
          %dma_wait3A_2150 = tpu.memref_slice %arg9[%rem3A_2139, %dma_wait3A_2148, %dma_wait3A_2149] : memref<7x2x128xi32, #tpu.memory_space<vmem>> -> memref<1x2x128xi32, #tpu.memory_space<vmem>>
          %dma_wait3A_2151 = tpu.memref_squeeze %dma_wait3A_2150 : memref<1x2x128xi32, #tpu.memory_space<vmem>> -> memref<2x128xi32, #tpu.memory_space<vmem>>
          %dma_wait3A_2152 = arith.constant 0 : i32
          %dma_wait3A_2153 = arith.constant 0 : i32
          %dma_wait3A_2154 = tpu.memref_slice %arg3[%arg1, %add3A_2135, %dma_wait3A_2152, %dma_wait3A_2153] : memref<16x157x2x128xi32, #tpu.memory_space<hbm>> -> memref<1x1x2x128xi32, #tpu.memory_space<hbm>>
          %dma_wait3A_2155 = tpu.memref_squeeze %dma_wait3A_2154 : memref<1x1x2x128xi32, #tpu.memory_space<hbm>> -> memref<2x128xi32, #tpu.memory_space<hbm>>
          tpu.wait_dma2 semaphore(%arg11 : memref<!tpu.dma_semaphore, #tpu.memory_space<semaphore_mem>>) src(%dma_wait3A_2155 : memref<2x128xi32, #tpu.memory_space<hbm>>) dst(%dma_wait3A_2151 : memref<2x128xi32, #tpu.memory_space<vmem>>)
          %add3A_2156 = arith.constant 3 : i32
          %add3A_2157 = arith.addi %scan3A_2093, %add3A_2156 : i32
          %rem3A_2158 = arith.constant 5 : i32
          %rem3A_2159 = arith.remsi %add3A_2157, %rem3A_2158 : i32
          %add3A_2160 = arith.constant 3 : i32
          %add3A_2161 = arith.addi %scan3A_2093, %add3A_2160 : i32
          %rem3A_2162 = arith.constant 7 : i32
          %rem3A_2163 = arith.remsi %add3A_2161, %rem3A_2162 : i32
          %dma_start3A_2164 = arith.constant 0 : i32
          %dma_start3A_2165 = arith.constant 0 : i32
          %dma_start3A_2166 = arith.constant 0 : i32
          %dma_start3A_2167 = tpu.memref_slice %arg8[%rem3A_2159, %dma_start3A_2165, %dma_start3A_2166] : memref<5x128x64xf32, #tpu.memory_space<vmem>> -> memref<1x128x64xf32, #tpu.memory_space<vmem>>
          %dma_start3A_2168 = tpu.memref_squeeze %dma_start3A_2167 : memref<1x128x64xf32, #tpu.memory_space<vmem>> -> memref<128x64xf32, #tpu.memory_space<vmem>>
          %dma_start3A_2169 = arith.constant 0 : i32
          %dma_start3A_2170 = tpu.memref_slice %arg9[%rem3A_2163, %dma_start3A_2164, %dma_start3A_2169] : memref<7x2x128xi32, #tpu.memory_space<vmem>> -> memref<1x1x128xi32, #tpu.memory_space<vmem>>
          %dma_start3A_2171 = tpu.memref_squeeze %dma_start3A_2170 : memref<1x1x128xi32, #tpu.memory_space<vmem>> -> memref<128xi32, #tpu.memory_space<vmem>>
          %dma_start3A_2172 = arith.constant 0 : i32
          %dma_start3A_2173 = arith.constant 0 : i32
          %dma_start3A_2174 = tpu.memref_slice %arg7[%dma_start3A_2172, %dma_start3A_2173] : memref<10000x64xf32, #tpu.memory_space<vmem_shared>> -> memref<10000x64xf32, #tpu.memory_space<vmem_shared>>
          tpu.enqueue_indirect_dma source(%dma_start3A_2174 : memref<10000x64xf32, #tpu.memory_space<vmem_shared>>) target(%dma_start3A_2168 : memref<128x64xf32, #tpu.memory_space<vmem>>) offsets(%dma_start3A_2171 : memref<128xi32, #tpu.memory_space<vmem>>) semaphore(%arg12 : memref<!tpu.dma_semaphore, #tpu.memory_space<semaphore_mem>>)
        } else {
        }
        %add3A_2102 = arith.constant 5 : i32
        %add3A_2103 = arith.addi %scan3A_2093, %add3A_2102 : i32
        %lt3A_2104 = arith.constant 157 : i32
        %lt3A_2105 = arith.cmpi slt, %add3A_2103, %lt3A_2104 : i32
        %convert_element_type3A_2106 = arith.extui %lt3A_2105 : i1 to i32
        %cond3A_2107 = arith.constant 0 : i32
        %cond3A_2108 = arith.cmpi ne, %convert_element_type3A_2106, %cond3A_2107 : i32
        scf.if %cond3A_2108 {
          %add3A_2134 = arith.constant 5 : i32
          %add3A_2135 = arith.addi %scan3A_2093, %add3A_2134 : i32
          %add3A_2136 = arith.constant 5 : i32
          %add3A_2137 = arith.addi %scan3A_2093, %add3A_2136 : i32
          %rem3A_2138 = arith.constant 7 : i32
          %rem3A_2139 = arith.remsi %add3A_2137, %rem3A_2138 : i32
          %dma_start3A_2140 = arith.constant 0 : i32
          %dma_start3A_2141 = arith.constant 0 : i32
          %dma_start3A_2142 = tpu.memref_slice %arg9[%rem3A_2139, %dma_start3A_2140, %dma_start3A_2141] : memref<7x2x128xi32, #tpu.memory_space<vmem>> -> memref<1x2x128xi32, #tpu.memory_space<vmem>>
          %dma_start3A_2143 = tpu.memref_squeeze %dma_start3A_2142 : memref<1x2x128xi32, #tpu.memory_space<vmem>> -> memref<2x128xi32, #tpu.memory_space<vmem>>
          %dma_start3A_2144 = arith.constant 0 : i32
          %dma_start3A_2145 = arith.constant 0 : i32
          %dma_start3A_2146 = tpu.memref_slice %arg3[%arg1, %add3A_2135, %dma_start3A_2144, %dma_start3A_2145] : memref<16x157x2x128xi32, #tpu.memory_space<hbm>> -> memref<1x1x2x128xi32, #tpu.memory_space<hbm>>
          %dma_start3A_2147 = tpu.memref_squeeze %dma_start3A_2146 : memref<1x1x2x128xi32, #tpu.memory_space<hbm>> -> memref<2x128xi32, #tpu.memory_space<hbm>>
          %dma_start3A_2148 = arith.constant 0 : i32
          %dma_start3A_2149 = arith.constant 0 : i32
          %dma_start3A_2150 = tpu.memref_slice %arg9[%rem3A_2139, %dma_start3A_2148, %dma_start3A_2149] : memref<7x2x128xi32, #tpu.memory_space<vmem>> -> memref<1x2x128xi32, #tpu.memory_space<vmem>>
          %dma_start3A_2151 = tpu.memref_squeeze %dma_start3A_2150 : memref<1x2x128xi32, #tpu.memory_space<vmem>> -> memref<2x128xi32, #tpu.memory_space<vmem>>
          %dma_start3A_2152 = arith.constant 0 : i32
          %dma_start3A_2153 = arith.constant 0 : i32
          %dma_start3A_2154 = tpu.memref_slice %arg3[%arg1, %add3A_2135, %dma_start3A_2152, %dma_start3A_2153] : memref<16x157x2x128xi32, #tpu.memory_space<hbm>> -> memref<1x1x2x128xi32, #tpu.memory_space<hbm>>
          %dma_start3A_2155 = tpu.memref_squeeze %dma_start3A_2154 : memref<1x1x2x128xi32, #tpu.memory_space<hbm>> -> memref<2x128xi32, #tpu.memory_space<hbm>>
          tpu.enqueue_dma source(%dma_start3A_2155 : memref<2x128xi32, #tpu.memory_space<hbm>>) target(%dma_start3A_2151 : memref<2x128xi32, #tpu.memory_space<vmem>>) target_semaphore(%arg11 : memref<!tpu.dma_semaphore, #tpu.memory_space<semaphore_mem>>)
        } else {
        }
        %rem3A = arith.constant 5 : i32
        %rem3A_2109 = arith.remsi %scan3A_2093, %rem3A : i32
        %rem3A_2110 = arith.constant 7 : i32
        %rem3A_2111 = arith.remsi %scan3A_2093, %rem3A_2110 : i32
        %dma_wait3A_2112 = arith.constant 0 : i32
        %dma_wait3A_2113 = arith.constant 0 : i32
        %dma_wait3A_2114 = arith.constant 0 : i32
        %dma_wait3A_2115 = tpu.memref_slice %arg8[%rem3A_2109, %dma_wait3A_2113, %dma_wait3A_2114] : memref<5x128x64xf32, #tpu.memory_space<vmem>> -> memref<1x128x64xf32, #tpu.memory_space<vmem>>
        %dma_wait3A_2116 = tpu.memref_squeeze %dma_wait3A_2115 : memref<1x128x64xf32, #tpu.memory_space<vmem>> -> memref<128x64xf32, #tpu.memory_space<vmem>>
        %dma_wait3A_2117 = arith.constant 0 : i32
        %dma_wait3A_2118 = tpu.memref_slice %arg9[%rem3A_2111, %dma_wait3A_2112, %dma_wait3A_2117] : memref<7x2x128xi32, #tpu.memory_space<vmem>> -> memref<1x1x128xi32, #tpu.memory_space<vmem>>
        %dma_wait3A_2119 = tpu.memref_squeeze %dma_wait3A_2118 : memref<1x1x128xi32, #tpu.memory_space<vmem>> -> memref<128xi32, #tpu.memory_space<vmem>>
        %dma_wait3A_2120 = arith.constant 0 : i32
        %dma_wait3A_2121 = arith.constant 0 : i32
        %dma_wait3A_2122 = tpu.memref_slice %arg7[%dma_wait3A_2120, %dma_wait3A_2121] : memref<10000x64xf32, #tpu.memory_space<vmem_shared>> -> memref<10000x64xf32, #tpu.memory_space<vmem_shared>>
        tpu.wait_indirect_dma semaphore(%arg12 : memref<!tpu.dma_semaphore, #tpu.memory_space<semaphore_mem>>) src(%dma_wait3A_2122 : memref<10000x64xf32, #tpu.memory_space<vmem_shared>>) dst(%dma_wait3A_2116 : memref<128x64xf32, #tpu.memory_space<vmem>>)
        %dma_start3A_2123 = arith.constant 1 : i32
        %dma_start3A_2124 = arith.constant 0 : i32
        %dma_start3A_2125 = arith.constant 0 : i32
        %dma_start3A_2126 = tpu.memref_slice %arg8[%rem3A_2109, %dma_start3A_2124, %dma_start3A_2125] : memref<5x128x64xf32, #tpu.memory_space<vmem>> -> memref<1x128x64xf32, #tpu.memory_space<vmem>>
        %dma_start3A_2127 = tpu.memref_squeeze %dma_start3A_2126 : memref<1x128x64xf32, #tpu.memory_space<vmem>> -> memref<128x64xf32, #tpu.memory_space<vmem>>
        %dma_start3A_2128 = arith.constant 0 : i32
        %dma_start3A_2129 = tpu.memref_slice %arg9[%rem3A_2111, %dma_start3A_2123, %dma_start3A_2128] : memref<7x2x128xi32, #tpu.memory_space<vmem>> -> memref<1x1x128xi32, #tpu.memory_space<vmem>>
        %dma_start3A_2130 = tpu.memref_squeeze %dma_start3A_2129 : memref<1x1x128xi32, #tpu.memory_space<vmem>> -> memref<128xi32, #tpu.memory_space<vmem>>
        %dma_start3A_2131 = arith.constant 0 : i32
        %dma_start3A_2132 = arith.constant 0 : i32
        %dma_start3A_2133 = tpu.memref_slice %arg6[%dma_start3A_2131, %dma_start3A_2132] : memref<10016x64xf32, #tpu.memory_space<vmem_shared>> -> memref<10016x64xf32, #tpu.memory_space<vmem_shared>>
        tpu.enqueue_indirect_dma source(%dma_start3A_2127 : memref<128x64xf32, #tpu.memory_space<vmem>>) target(%dma_start3A_2133 : memref<10016x64xf32, #tpu.memory_space<vmem_shared>>) offsets(%dma_start3A_2130 : memref<128xi32, #tpu.memory_space<vmem>>) semaphore(%arg15 : memref<!tpu.dma_semaphore, #tpu.memory_space<semaphore_mem>>) {add = true}
      }
      %scan3A_1125 = arith.constant 157 : i32
      %dma_wait3A_1126 = arith.constant 0 : i32
      %dma_wait3A_1127 = arith.constant 1 : i32
      %dma_wait3A_1128 = arith.constant 1 : i32
      %dma_wait3A_1129 = arith.constant 0 : i32
      %dma_wait3A_1130 = arith.constant 0 : i32
      %dma_wait3A_1131 = tpu.memref_slice %arg8[%dma_wait3A_1126, %dma_wait3A_1129, %dma_wait3A_1130] : memref<5x128x64xf32, #tpu.memory_space<vmem>> -> memref<1x128x64xf32, #tpu.memory_space<vmem>>
      %dma_wait3A_1132 = tpu.memref_squeeze %dma_wait3A_1131 : memref<1x128x64xf32, #tpu.memory_space<vmem>> -> memref<128x64xf32, #tpu.memory_space<vmem>>
      %dma_wait3A_1133 = arith.constant 0 : i32
      %dma_wait3A_1134 = tpu.memref_slice %arg9[%dma_wait3A_1127, %dma_wait3A_1128, %dma_wait3A_1133] : memref<7x2x128xi32, #tpu.memory_space<vmem>> -> memref<1x1x128xi32, #tpu.memory_space<vmem>>
      %dma_wait3A_1135 = tpu.memref_squeeze %dma_wait3A_1134 : memref<1x1x128xi32, #tpu.memory_space<vmem>> -> memref<128xi32, #tpu.memory_space<vmem>>
      %dma_wait3A_1136 = arith.constant 0 : i32
      %dma_wait3A_1137 = arith.constant 0 : i32
      %dma_wait3A_1138 = tpu.memref_slice %arg6[%dma_wait3A_1136, %dma_wait3A_1137] : memref<10016x64xf32, #tpu.memory_space<vmem_shared>> -> memref<10016x64xf32, #tpu.memory_space<vmem_shared>>
      tpu.wait_indirect_dma semaphore(%arg15 : memref<!tpu.dma_semaphore, #tpu.memory_space<semaphore_mem>>) src(%dma_wait3A_1132 : memref<128x64xf32, #tpu.memory_space<vmem>>) dst(%dma_wait3A_1138 : memref<10016x64xf32, #tpu.memory_space<vmem_shared>>)
      %dma_wait3A_1139 = arith.constant 1 : i32
      %dma_wait3A_1140 = arith.constant 2 : i32
      %dma_wait3A_1141 = arith.constant 1 : i32
      %dma_wait3A_1142 = arith.constant 0 : i32
      %dma_wait3A_1143 = arith.constant 0 : i32
      %dma_wait3A_1144 = tpu.memref_slice %arg8[%dma_wait3A_1139, %dma_wait3A_1142, %dma_wait3A_1143] : memref<5x128x64xf32, #tpu.memory_space<vmem>> -> memref<1x128x64xf32, #tpu.memory_space<vmem>>
      %dma_wait3A_1145 = tpu.memref_squeeze %dma_wait3A_1144 : memref<1x128x64xf32, #tpu.memory_space<vmem>> -> memref<128x64xf32, #tpu.memory_space<vmem>>
      %dma_wait3A_1146 = arith.constant 0 : i32
      %dma_wait3A_1147 = tpu.memref_slice %arg9[%dma_wait3A_1140, %dma_wait3A_1141, %dma_wait3A_1146] : memref<7x2x128xi32, #tpu.memory_space<vmem>> -> memref<1x1x128xi32, #tpu.memory_space<vmem>>
      %dma_wait3A_1148 = tpu.memref_squeeze %dma_wait3A_1147 : memref<1x1x128xi32, #tpu.memory_space<vmem>> -> memref<128xi32, #tpu.memory_space<vmem>>
      %dma_wait3A_1149 = arith.constant 0 : i32
      %dma_wait3A_1150 = arith.constant 0 : i32
      %dma_wait3A_1151 = tpu.memref_slice %arg6[%dma_wait3A_1149, %dma_wait3A_1150] : memref<10016x64xf32, #tpu.memory_space<vmem_shared>> -> memref<10016x64xf32, #tpu.memory_space<vmem_shared>>
      tpu.wait_indirect_dma semaphore(%arg15 : memref<!tpu.dma_semaphore, #tpu.memory_space<semaphore_mem>>) src(%dma_wait3A_1145 : memref<128x64xf32, #tpu.memory_space<vmem>>) dst(%dma_wait3A_1151 : memref<10016x64xf32, #tpu.memory_space<vmem_shared>>)
      %barrier3A_1152 = arith.constant 0 : index
      tpu.barrier barrier_id(%barrier3A_1152)
      %scan3A_1153 = arith.constant 0 : i32
      %scan3A_1154 = arith.constant 0 : i32
      %scan3A_1155 = arith.constant 128 : i32
      %scan3A_1156 = arith.addi %scan3A_1154, %scan3A_1155 : i32
      %scan3A_1157 = arith.constant 1 : i32
      scf.for %scan3A_2093 = %scan3A_1154 to %scan3A_1156 step %scan3A_1157  : i32 {
        %swap3A = arith.constant 0 : i32
        %swap3A_2094 = arith.index_cast %swap3A : i32 to index
        %swap3A_2095 = arith.index_cast %scan3A_2093 : i32 to index
        %swap3A_2096 = arith.constant 0 : index
        %swap3A_2097 = tpu.vector_load %arg8[%swap3A_2094, %swap3A_2095, %swap3A_2096] {strides = array<i32>} : memref<5x128x64xf32, #tpu.memory_space<vmem>>, vector<1x1x16xf32>,
        %swap3A_2098 = vector.shape_cast %swap3A_2097 : vector<1x1x16xf32> to vector<16xf32>
        %swap3A_2099 = vector.shape_cast %broadcast_in_dim3A_1 : vector<16xf32> to vector<1x1x16xf32>
        tpu.vector_store %arg8[%swap3A_2094, %swap3A_2095, %swap3A_2096], %swap3A_2099 {strides = array<i32>} : memref<5x128x64xf32, #tpu.memory_space<vmem>>, vector<1x1x16xf32>,
        %swap3A_2100 = arith.constant 0 : i32
        %swap3A_2101 = arith.index_cast %swap3A_2100 : i32 to index
        %swap3A_2102 = arith.index_cast %scan3A_2093 : i32 to index
        %swap3A_2103 = arith.constant 16 : index
        %swap3A_2104 = tpu.vector_load %arg8[%swap3A_2101, %swap3A_2102, %swap3A_2103] {strides = array<i32>} : memref<5x128x64xf32, #tpu.memory_space<vmem>>, vector<1x1x16xf32>,
        %swap3A_2105 = vector.shape_cast %swap3A_2104 : vector<1x1x16xf32> to vector<16xf32>
        %swap3A_2106 = vector.shape_cast %broadcast_in_dim3A_1 : vector<16xf32> to vector<1x1x16xf32>
        tpu.vector_store %arg8[%swap3A_2101, %swap3A_2102, %swap3A_2103], %swap3A_2106 {strides = array<i32>} : memref<5x128x64xf32, #tpu.memory_space<vmem>>, vector<1x1x16xf32>,
        %swap3A_2107 = arith.constant 0 : i32
        %swap3A_2108 = arith.index_cast %swap3A_2107 : i32 to index
        %swap3A_2109 = arith.index_cast %scan3A_2093 : i32 to index
        %swap3A_2110 = arith.constant 32 : index
        %swap3A_2111 = tpu.vector_load %arg8[%swap3A_2108, %swap3A_2109, %swap3A_2110] {strides = array<i32>} : memref<5x128x64xf32, #tpu.memory_space<vmem>>, vector<1x1x16xf32>,
        %swap3A_2112 = vector.shape_cast %swap3A_2111 : vector<1x1x16xf32> to vector<16xf32>
        %swap3A_2113 = vector.shape_cast %broadcast_in_dim3A_1 : vector<16xf32> to vector<1x1x16xf32>
        tpu.vector_store %arg8[%swap3A_2108, %swap3A_2109, %swap3A_2110], %swap3A_2113 {strides = array<i32>} : memref<5x128x64xf32, #tpu.memory_space<vmem>>, vector<1x1x16xf32>,
        %swap3A_2114 = arith.constant 0 : i32
        %swap3A_2115 = arith.index_cast %swap3A_2114 : i32 to index
        %swap3A_2116 = arith.index_cast %scan3A_2093 : i32 to index
        %swap3A_2117 = arith.constant 48 : index
        %swap3A_2118 = tpu.vector_load %arg8[%swap3A_2115, %swap3A_2116, %swap3A_2117] {strides = array<i32>} : memref<5x128x64xf32, #tpu.memory_space<vmem>>, vector<1x1x16xf32>,
        %swap3A_2119 = vector.shape_cast %swap3A_2118 : vector<1x1x16xf32> to vector<16xf32>
        %swap3A_2120 = vector.shape_cast %broadcast_in_dim3A_1 : vector<16xf32> to vector<1x1x16xf32>
        tpu.vector_store %arg8[%swap3A_2115, %swap3A_2116, %swap3A_2117], %swap3A_2120 {strides = array<i32>} : memref<5x128x64xf32, #tpu.memory_space<vmem>>, vector<1x1x16xf32>,
      }
      %scan3A_1158 = arith.constant 128 : i32
      %get3A_1159 = arith.index_cast %scan3A_936 : i32 to index
      %get3A_1160 = arith.constant 0 : index
      %get3A_1161 = tpu.vector_load %arg10[%get3A_1159, %get3A_1160] {strides = array<i32>} : memref<11x64xf32, #tpu.memory_space<vmem>>, vector<1x16xf32>,
      %get3A_1162 = vector.shape_cast %get3A_1161 : vector<1x16xf32> to vector<16xf32>
      %get3A_1163 = arith.index_cast %scan3A_936 : i32 to index
      %get3A_1164 = arith.constant 16 : index
      %get3A_1165 = tpu.vector_load %arg10[%get3A_1163, %get3A_1164] {strides = array<i32>} : memref<11x64xf32, #tpu.memory_space<vmem>>, vector<1x16xf32>,
      %get3A_1166 = vector.shape_cast %get3A_1165 : vector<1x16xf32> to vector<16xf32>
      %get3A_1167 = arith.index_cast %scan3A_936 : i32 to index
      %get3A_1168 = arith.constant 32 : index
      %get3A_1169 = tpu.vector_load %arg10[%get3A_1167, %get3A_1168] {strides = array<i32>} : memref<11x64xf32, #tpu.memory_space<vmem>>, vector<1x16xf32>,
      %get3A_1170 = vector.shape_cast %get3A_1169 : vector<1x16xf32> to vector<16xf32>
      %get3A_1171 = arith.index_cast %scan3A_936 : i32 to index
      %get3A_1172 = arith.constant 48 : index
      %get3A_1173 = tpu.vector_load %arg10[%get3A_1171, %get3A_1172] {strides = array<i32>} : memref<11x64xf32, #tpu.memory_space<vmem>>, vector<1x16xf32>,
      %get3A_1174 = vector.shape_cast %get3A_1173 : vector<1x16xf32> to vector<16xf32>
      %mul3A_1175 = arith.constant 625 : i32
      %mul3A_1176 = arith.muli %arg1, %mul3A_1175 : i32
      %add3A_1177 = arith.constant 0 : i32
      %add3A_1178 = arith.addi %mul3A_1176, %add3A_1177 : i32
      %dma_start3A_1179 = arith.constant 1 : i32
      %dma_start3A_1180 = arith.constant 0 : i32
      %dma_start3A_1181 = arith.constant 0 : i32
      %dma_start3A_1182 = tpu.memref_slice %arg8[%dma_start3A_1179, %dma_start3A_1180, %dma_start3A_1181] : memref<5x128x64xf32, #tpu.memory_space<vmem>> -> memref<1x128x64xf32, #tpu.memory_space<vmem>>
      %dma_start3A_1183 = tpu.memref_squeeze %dma_start3A_1182 : memref<1x128x64xf32, #tpu.memory_space<vmem>> -> memref<128x64xf32, #tpu.memory_space<vmem>>
      %dma_start3A_1184 = arith.constant 0 : i32
      %dma_start3A_1185 = arith.constant 0 : i32
      %dma_start3A_1186 = tpu.memref_slice %dma_start3A_1183[%dma_start3A_1184, %dma_start3A_1185] : memref<128x64xf32, #tpu.memory_space<vmem>> -> memref<125x64xf32, #tpu.memory_space<vmem>>
      %dma_start3A_1187 = arith.constant 0 : i32
      %dma_start3A_1188 = tpu.memref_slice %arg6[%add3A_1178, %dma_start3A_1187] : memref<10016x64xf32, #tpu.memory_space<vmem_shared>> -> memref<125x64xf32, #tpu.memory_space<vmem_shared>>
      %dma_start3A_1189 = arith.constant 0 : i32
      %dma_start3A_1190 = arith.constant 0 : i32
      %dma_start3A_1191 = tpu.memref_slice %arg8[%dma_start3A_1179, %dma_start3A_1189, %dma_start3A_1190] : memref<5x128x64xf32, #tpu.memory_space<vmem>> -> memref<1x128x64xf32, #tpu.memory_space<vmem>>
      %dma_start3A_1192 = tpu.memref_squeeze %dma_start3A_1191 : memref<1x128x64xf32, #tpu.memory_space<vmem>> -> memref<128x64xf32, #tpu.memory_space<vmem>>
      %dma_start3A_1193 = arith.constant 0 : i32
      %dma_start3A_1194 = arith.constant 0 : i32
      %dma_start3A_1195 = tpu.memref_slice %dma_start3A_1192[%dma_start3A_1193, %dma_start3A_1194] : memref<128x64xf32, #tpu.memory_space<vmem>> -> memref<125x64xf32, #tpu.memory_space<vmem>>
      %dma_start3A_1196 = arith.constant 0 : i32
      %dma_start3A_1197 = tpu.memref_slice %arg6[%add3A_1178, %dma_start3A_1196] : memref<10016x64xf32, #tpu.memory_space<vmem_shared>> -> memref<125x64xf32, #tpu.memory_space<vmem_shared>>
      tpu.enqueue_dma source(%dma_start3A_1197 : memref<125x64xf32, #tpu.memory_space<vmem_shared>>) target(%dma_start3A_1195 : memref<125x64xf32, #tpu.memory_space<vmem>>) target_semaphore(%arg12 : memref<!tpu.dma_semaphore, #tpu.memory_space<semaphore_mem>>)
      %mul3A_1198 = arith.constant 625 : i32
      %mul3A_1199 = arith.muli %arg1, %mul3A_1198 : i32
      %add3A_1200 = arith.constant 0 : i32
      %add3A_1201 = arith.addi %mul3A_1199, %add3A_1200 : i32
      %dma_wait3A_1202 = arith.constant 1 : i32
      %dma_wait3A_1203 = arith.constant 0 : i32
      %dma_wait3A_1204 = arith.constant 0 : i32
      %dma_wait3A_1205 = tpu.memref_slice %arg8[%dma_wait3A_1202, %dma_wait3A_1203, %dma_wait3A_1204] : memref<5x128x64xf32, #tpu.memory_space<vmem>> -> memref<1x128x64xf32, #tpu.memory_space<vmem>>
      %dma_wait3A_1206 = tpu.memref_squeeze %dma_wait3A_1205 : memref<1x128x64xf32, #tpu.memory_space<vmem>> -> memref<128x64xf32, #tpu.memory_space<vmem>>
      %dma_wait3A_1207 = arith.constant 0 : i32
      %dma_wait3A_1208 = arith.constant 0 : i32
      %dma_wait3A_1209 = tpu.memref_slice %dma_wait3A_1206[%dma_wait3A_1207, %dma_wait3A_1208] : memref<128x64xf32, #tpu.memory_space<vmem>> -> memref<125x64xf32, #tpu.memory_space<vmem>>
      %dma_wait3A_1210 = arith.constant 0 : i32
      %dma_wait3A_1211 = tpu.memref_slice %arg6[%add3A_1201, %dma_wait3A_1210] : memref<10016x64xf32, #tpu.memory_space<vmem_shared>> -> memref<125x64xf32, #tpu.memory_space<vmem_shared>>
      %dma_wait3A_1212 = arith.constant 0 : i32
      %dma_wait3A_1213 = arith.constant 0 : i32
      %dma_wait3A_1214 = tpu.memref_slice %arg8[%dma_wait3A_1202, %dma_wait3A_1212, %dma_wait3A_1213] : memref<5x128x64xf32, #tpu.memory_space<vmem>> -> memref<1x128x64xf32, #tpu.memory_space<vmem>>
      %dma_wait3A_1215 = tpu.memref_squeeze %dma_wait3A_1214 : memref<1x128x64xf32, #tpu.memory_space<vmem>> -> memref<128x64xf32, #tpu.memory_space<vmem>>
      %dma_wait3A_1216 = arith.constant 0 : i32
      %dma_wait3A_1217 = arith.constant 0 : i32
      %dma_wait3A_1218 = tpu.memref_slice %dma_wait3A_1215[%dma_wait3A_1216, %dma_wait3A_1217] : memref<128x64xf32, #tpu.memory_space<vmem>> -> memref<125x64xf32, #tpu.memory_space<vmem>>
      %dma_wait3A_1219 = arith.constant 0 : i32
      %dma_wait3A_1220 = tpu.memref_slice %arg6[%add3A_1201, %dma_wait3A_1219] : memref<10016x64xf32, #tpu.memory_space<vmem_shared>> -> memref<125x64xf32, #tpu.memory_space<vmem_shared>>
      tpu.wait_dma2 semaphore(%arg12 : memref<!tpu.dma_semaphore, #tpu.memory_space<semaphore_mem>>) src(%dma_wait3A_1220 : memref<125x64xf32, #tpu.memory_space<vmem_shared>>) dst(%dma_wait3A_1218 : memref<125x64xf32, #tpu.memory_space<vmem>>)
      %mul3A_1221 = arith.constant 625 : i32
      %mul3A_1222 = arith.muli %arg1, %mul3A_1221 : i32
      %add3A_1223 = arith.constant 125 : i32
      %add3A_1224 = arith.addi %mul3A_1222, %add3A_1223 : i32
      %dma_start3A_1225 = arith.constant 2 : i32
      %dma_start3A_1226 = arith.constant 0 : i32
      %dma_start3A_1227 = arith.constant 0 : i32
      %dma_start3A_1228 = tpu.memref_slice %arg8[%dma_start3A_1225, %dma_start3A_1226, %dma_start3A_1227] : memref<5x128x64xf32, #tpu.memory_space<vmem>> -> memref<1x128x64xf32, #tpu.memory_space<vmem>>
      %dma_start3A_1229 = tpu.memref_squeeze %dma_start3A_1228 : memref<1x128x64xf32, #tpu.memory_space<vmem>> -> memref<128x64xf32, #tpu.memory_space<vmem>>
      %dma_start3A_1230 = arith.constant 0 : i32
      %dma_start3A_1231 = arith.constant 0 : i32
      %dma_start3A_1232 = tpu.memref_slice %dma_start3A_1229[%dma_start3A_1230, %dma_start3A_1231] : memref<128x64xf32, #tpu.memory_space<vmem>> -> memref<125x64xf32, #tpu.memory_space<vmem>>
      %dma_start3A_1233 = arith.constant 0 : i32
      %dma_start3A_1234 = tpu.memref_slice %arg6[%add3A_1224, %dma_start3A_1233] : memref<10016x64xf32, #tpu.memory_space<vmem_shared>> -> memref<125x64xf32, #tpu.memory_space<vmem_shared>>
      %dma_start3A_1235 = arith.constant 0 : i32
      %dma_start3A_1236 = arith.constant 0 : i32
      %dma_start3A_1237 = tpu.memref_slice %arg8[%dma_start3A_1225, %dma_start3A_1235, %dma_start3A_1236] : memref<5x128x64xf32, #tpu.memory_space<vmem>> -> memref<1x128x64xf32, #tpu.memory_space<vmem>>
      %dma_start3A_1238 = tpu.memref_squeeze %dma_start3A_1237 : memref<1x128x64xf32, #tpu.memory_space<vmem>> -> memref<128x64xf32, #tpu.memory_space<vmem>>
      %dma_start3A_1239 = arith.constant 0 : i32
      %dma_start3A_1240 = arith.constant 0 : i32
      %dma_start3A_1241 = tpu.memref_slice %dma_start3A_1238[%dma_start3A_1239, %dma_start3A_1240] : memref<128x64xf32, #tpu.memory_space<vmem>> -> memref<125x64xf32, #tpu.memory_space<vmem>>
      %dma_start3A_1242 = arith.constant 0 : i32
      %dma_start3A_1243 = tpu.memref_slice %arg6[%add3A_1224, %dma_start3A_1242] : memref<10016x64xf32, #tpu.memory_space<vmem_shared>> -> memref<125x64xf32, #tpu.memory_space<vmem_shared>>
      tpu.enqueue_dma source(%dma_start3A_1243 : memref<125x64xf32, #tpu.memory_space<vmem_shared>>) target(%dma_start3A_1241 : memref<125x64xf32, #tpu.memory_space<vmem>>) target_semaphore(%arg12 : memref<!tpu.dma_semaphore, #tpu.memory_space<semaphore_mem>>)
      %scan3A_1244 = arith.constant 0 : i32
      %scan3A_1245 = arith.constant 1 : i32
      %scan3A_1246 = arith.constant 0 : i32
      %scan3A_1247 = arith.constant 125 : i32
      %scan3A_1248 = arith.addi %scan3A_1246, %scan3A_1247 : i32
      %scan3A_1249 = arith.constant 1 : i32
      scf.for %scan3A_2093 = %scan3A_1246 to %scan3A_1248 step %scan3A_1249  : i32 {
        %get3A_2094 = arith.constant 0 : i32
        %get3A_2095 = arith.constant 0 : i32
        %get3A_2096 = tpu.memref_slice %arg8[%scan3A_1245, %get3A_2094, %get3A_2095] : memref<5x128x64xf32, #tpu.memory_space<vmem>> -> memref<1x128x64xf32, #tpu.memory_space<vmem>>
        %get3A_2097 = tpu.memref_squeeze %get3A_2096 : memref<1x128x64xf32, #tpu.memory_space<vmem>> -> memref<128x64xf32, #tpu.memory_space<vmem>>
        %get3A_2098 = arith.index_cast %scan3A_2093 : i32 to index
        %get3A_2099 = arith.constant 0 : index
        %get3A_2100 = tpu.vector_load %get3A_2097[%get3A_2098, %get3A_2099] {strides = array<i32>} : memref<128x64xf32, #tpu.memory_space<vmem>>, vector<1x16xf32>,
        %get3A_2101 = vector.shape_cast %get3A_2100 : vector<1x16xf32> to vector<16xf32>
        %mul3A_2102 = arith.mulf %get3A_2101, %get3A_1162 : vector<16xf32>
        %swap3A = arith.constant 0 : i32
        %swap3A_2103 = arith.constant 0 : i32
        %swap3A_2104 = tpu.memref_slice %arg8[%scan3A_1245, %swap3A, %swap3A_2103] : memref<5x128x64xf32, #tpu.memory_space<vmem>> -> memref<1x128x64xf32, #tpu.memory_space<vmem>>
        %swap3A_2105 = tpu.memref_squeeze %swap3A_2104 : memref<1x128x64xf32, #tpu.memory_space<vmem>> -> memref<128x64xf32, #tpu.memory_space<vmem>>
        %swap3A_2106 = arith.index_cast %scan3A_2093 : i32 to index
        %swap3A_2107 = arith.constant 0 : index
        %swap3A_2108 = tpu.vector_load %swap3A_2105[%swap3A_2106, %swap3A_2107] {strides = array<i32>} : memref<128x64xf32, #tpu.memory_space<vmem>>, vector<1x16xf32>,
        %swap3A_2109 = vector.shape_cast %swap3A_2108 : vector<1x16xf32> to vector<16xf32>
        %swap3A_2110 = vector.shape_cast %mul3A_2102 : vector<16xf32> to vector<1x16xf32>
        tpu.vector_store %swap3A_2105[%swap3A_2106, %swap3A_2107], %swap3A_2110 {strides = array<i32>} : memref<128x64xf32, #tpu.memory_space<vmem>>, vector<1x16xf32>,
        %get3A_2111 = arith.constant 0 : i32
        %get3A_2112 = arith.constant 0 : i32
        %get3A_2113 = tpu.memref_slice %arg8[%scan3A_1245, %get3A_2111, %get3A_2112] : memref<5x128x64xf32, #tpu.memory_space<vmem>> -> memref<1x128x64xf32, #tpu.memory_space<vmem>>
        %get3A_2114 = tpu.memref_squeeze %get3A_2113 : memref<1x128x64xf32, #tpu.memory_space<vmem>> -> memref<128x64xf32, #tpu.memory_space<vmem>>
        %get3A_2115 = arith.index_cast %scan3A_2093 : i32 to index
        %get3A_2116 = arith.constant 16 : index
        %get3A_2117 = tpu.vector_load %get3A_2114[%get3A_2115, %get3A_2116] {strides = array<i32>} : memref<128x64xf32, #tpu.memory_space<vmem>>, vector<1x16xf32>,
        %get3A_2118 = vector.shape_cast %get3A_2117 : vector<1x16xf32> to vector<16xf32>
        %mul3A_2119 = arith.mulf %get3A_2118, %get3A_1166 : vector<16xf32>
        %swap3A_2120 = arith.constant 0 : i32
        %swap3A_2121 = arith.constant 0 : i32
        %swap3A_2122 = tpu.memref_slice %arg8[%scan3A_1245, %swap3A_2120, %swap3A_2121] : memref<5x128x64xf32, #tpu.memory_space<vmem>> -> memref<1x128x64xf32, #tpu.memory_space<vmem>>
        %swap3A_2123 = tpu.memref_squeeze %swap3A_2122 : memref<1x128x64xf32, #tpu.memory_space<vmem>> -> memref<128x64xf32, #tpu.memory_space<vmem>>
        %swap3A_2124 = arith.index_cast %scan3A_2093 : i32 to index
        %swap3A_2125 = arith.constant 16 : index
        %swap3A_2126 = tpu.vector_load %swap3A_2123[%swap3A_2124, %swap3A_2125] {strides = array<i32>} : memref<128x64xf32, #tpu.memory_space<vmem>>, vector<1x16xf32>,
        %swap3A_2127 = vector.shape_cast %swap3A_2126 : vector<1x16xf32> to vector<16xf32>
        %swap3A_2128 = vector.shape_cast %mul3A_2119 : vector<16xf32> to vector<1x16xf32>
        tpu.vector_store %swap3A_2123[%swap3A_2124, %swap3A_2125], %swap3A_2128 {strides = array<i32>} : memref<128x64xf32, #tpu.memory_space<vmem>>, vector<1x16xf32>,
        %get3A_2129 = arith.constant 0 : i32
        %get3A_2130 = arith.constant 0 : i32
        %get3A_2131 = tpu.memref_slice %arg8[%scan3A_1245, %get3A_2129, %get3A_2130] : memref<5x128x64xf32, #tpu.memory_space<vmem>> -> memref<1x128x64xf32, #tpu.memory_space<vmem>>
        %get3A_2132 = tpu.memref_squeeze %get3A_2131 : memref<1x128x64xf32, #tpu.memory_space<vmem>> -> memref<128x64xf32, #tpu.memory_space<vmem>>
        %get3A_2133 = arith.index_cast %scan3A_2093 : i32 to index
        %get3A_2134 = arith.constant 32 : index
        %get3A_2135 = tpu.vector_load %get3A_2132[%get3A_2133, %get3A_2134] {strides = array<i32>} : memref<128x64xf32, #tpu.memory_space<vmem>>, vector<1x16xf32>,
        %get3A_2136 = vector.shape_cast %get3A_2135 : vector<1x16xf32> to vector<16xf32>
        %mul3A_2137 = arith.mulf %get3A_2136, %get3A_1170 : vector<16xf32>
        %swap3A_2138 = arith.constant 0 : i32
        %swap3A_2139 = arith.constant 0 : i32
        %swap3A_2140 = tpu.memref_slice %arg8[%scan3A_1245, %swap3A_2138, %swap3A_2139] : memref<5x128x64xf32, #tpu.memory_space<vmem>> -> memref<1x128x64xf32, #tpu.memory_space<vmem>>
        %swap3A_2141 = tpu.memref_squeeze %swap3A_2140 : memref<1x128x64xf32, #tpu.memory_space<vmem>> -> memref<128x64xf32, #tpu.memory_space<vmem>>
        %swap3A_2142 = arith.index_cast %scan3A_2093 : i32 to index
        %swap3A_2143 = arith.constant 32 : index
        %swap3A_2144 = tpu.vector_load %swap3A_2141[%swap3A_2142, %swap3A_2143] {strides = array<i32>} : memref<128x64xf32, #tpu.memory_space<vmem>>, vector<1x16xf32>,
        %swap3A_2145 = vector.shape_cast %swap3A_2144 : vector<1x16xf32> to vector<16xf32>
        %swap3A_2146 = vector.shape_cast %mul3A_2137 : vector<16xf32> to vector<1x16xf32>
        tpu.vector_store %swap3A_2141[%swap3A_2142, %swap3A_2143], %swap3A_2146 {strides = array<i32>} : memref<128x64xf32, #tpu.memory_space<vmem>>, vector<1x16xf32>,
        %get3A_2147 = arith.constant 0 : i32
        %get3A_2148 = arith.constant 0 : i32
        %get3A_2149 = tpu.memref_slice %arg8[%scan3A_1245, %get3A_2147, %get3A_2148] : memref<5x128x64xf32, #tpu.memory_space<vmem>> -> memref<1x128x64xf32, #tpu.memory_space<vmem>>
        %get3A_2150 = tpu.memref_squeeze %get3A_2149 : memref<1x128x64xf32, #tpu.memory_space<vmem>> -> memref<128x64xf32, #tpu.memory_space<vmem>>
        %get3A_2151 = arith.index_cast %scan3A_2093 : i32 to index
        %get3A_2152 = arith.constant 48 : index
        %get3A_2153 = tpu.vector_load %get3A_2150[%get3A_2151, %get3A_2152] {strides = array<i32>} : memref<128x64xf32, #tpu.memory_space<vmem>>, vector<1x16xf32>,
        %get3A_2154 = vector.shape_cast %get3A_2153 : vector<1x16xf32> to vector<16xf32>
        %mul3A_2155 = arith.mulf %get3A_2154, %get3A_1174 : vector<16xf32>
        %swap3A_2156 = arith.constant 0 : i32
        %swap3A_2157 = arith.constant 0 : i32
        %swap3A_2158 = tpu.memref_slice %arg8[%scan3A_1245, %swap3A_2156, %swap3A_2157] : memref<5x128x64xf32, #tpu.memory_space<vmem>> -> memref<1x128x64xf32, #tpu.memory_space<vmem>>
        %swap3A_2159 = tpu.memref_squeeze %swap3A_2158 : memref<1x128x64xf32, #tpu.memory_space<vmem>> -> memref<128x64xf32, #tpu.memory_space<vmem>>
        %swap3A_2160 = arith.index_cast %scan3A_2093 : i32 to index
        %swap3A_2161 = arith.constant 48 : index
        %swap3A_2162 = tpu.vector_load %swap3A_2159[%swap3A_2160, %swap3A_2161] {strides = array<i32>} : memref<128x64xf32, #tpu.memory_space<vmem>>, vector<1x16xf32>,
        %swap3A_2163 = vector.shape_cast %swap3A_2162 : vector<1x16xf32> to vector<16xf32>
        %swap3A_2164 = vector.shape_cast %mul3A_2155 : vector<16xf32> to vector<1x16xf32>
        tpu.vector_store %swap3A_2159[%swap3A_2160, %swap3A_2161], %swap3A_2164 {strides = array<i32>} : memref<128x64xf32, #tpu.memory_space<vmem>>, vector<1x16xf32>,
      }
      %scan3A_1250 = arith.constant 125 : i32
      %mul3A_1251 = arith.constant 625 : i32
      %mul3A_1252 = arith.muli %arg1, %mul3A_1251 : i32
      %add3A_1253 = arith.constant 0 : i32
      %add3A_1254 = arith.addi %mul3A_1252, %add3A_1253 : i32
      %dma_start3A_1255 = arith.constant 1 : i32
      %dma_start3A_1256 = arith.constant 0 : i32
      %dma_start3A_1257 = arith.constant 0 : i32
      %dma_start3A_1258 = tpu.memref_slice %arg8[%dma_start3A_1255, %dma_start3A_1256, %dma_start3A_1257] : memref<5x128x64xf32, #tpu.memory_space<vmem>> -> memref<1x128x64xf32, #tpu.memory_space<vmem>>
      %dma_start3A_1259 = tpu.memref_squeeze %dma_start3A_1258 : memref<1x128x64xf32, #tpu.memory_space<vmem>> -> memref<128x64xf32, #tpu.memory_space<vmem>>
      %dma_start3A_1260 = arith.constant 0 : i32
      %dma_start3A_1261 = arith.constant 0 : i32
      %dma_start3A_1262 = tpu.memref_slice %dma_start3A_1259[%dma_start3A_1260, %dma_start3A_1261] : memref<128x64xf32, #tpu.memory_space<vmem>> -> memref<125x64xf32, #tpu.memory_space<vmem>>
      %dma_start3A_1263 = tpu.memref_slice %arg5[%add3A_1254, %scan3A_936, %mul3A_0] : memref<10000x11x128xf32, #tpu.memory_space<hbm>> -> memref<125x1x64xf32, #tpu.memory_space<hbm>>
      %dma_start3A_1264 = tpu.memref_squeeze %dma_start3A_1263 : memref<125x1x64xf32, #tpu.memory_space<hbm>> -> memref<125x64xf32, #tpu.memory_space<hbm>>
      %dma_start3A_1265 = tpu.memref_slice %arg5[%add3A_1254, %scan3A_936, %mul3A_0] : memref<10000x11x128xf32, #tpu.memory_space<hbm>> -> memref<125x1x64xf32, #tpu.memory_space<hbm>>
      %dma_start3A_1266 = tpu.memref_squeeze %dma_start3A_1265 : memref<125x1x64xf32, #tpu.memory_space<hbm>> -> memref<125x64xf32, #tpu.memory_space<hbm>>
      %dma_start3A_1267 = arith.constant 0 : i32
      %dma_start3A_1268 = arith.constant 0 : i32
      %dma_start3A_1269 = tpu.memref_slice %arg8[%dma_start3A_1255, %dma_start3A_1267, %dma_start3A_1268] : memref<5x128x64xf32, #tpu.memory_space<vmem>> -> memref<1x128x64xf32, #tpu.memory_space<vmem>>
      %dma_start3A_1270 = tpu.memref_squeeze %dma_start3A_1269 : memref<1x128x64xf32, #tpu.memory_space<vmem>> -> memref<128x64xf32, #tpu.memory_space<vmem>>
      %dma_start3A_1271 = arith.constant 0 : i32
      %dma_start3A_1272 = arith.constant 0 : i32
      %dma_start3A_1273 = tpu.memref_slice %dma_start3A_1270[%dma_start3A_1271, %dma_start3A_1272] : memref<128x64xf32, #tpu.memory_space<vmem>> -> memref<125x64xf32, #tpu.memory_space<vmem>>
      tpu.enqueue_dma source(%dma_start3A_1273 : memref<125x64xf32, #tpu.memory_space<vmem>>) target(%dma_start3A_1266 : memref<125x64xf32, #tpu.memory_space<hbm>>) target_semaphore(%arg13 : memref<!tpu.dma_semaphore, #tpu.memory_space<semaphore_mem>>)
      %dma_start3A_1274 = arith.constant 1 : i32
      %dma_start3A_1275 = arith.constant 0 : i32
      %dma_start3A_1276 = arith.constant 0 : i32
      %dma_start3A_1277 = tpu.memref_slice %arg8[%dma_start3A_1274, %dma_start3A_1275, %dma_start3A_1276] : memref<5x128x64xf32, #tpu.memory_space<vmem>> -> memref<1x128x64xf32, #tpu.memory_space<vmem>>
      %dma_start3A_1278 = tpu.memref_squeeze %dma_start3A_1277 : memref<1x128x64xf32, #tpu.memory_space<vmem>> -> memref<128x64xf32, #tpu.memory_space<vmem>>
      %dma_start3A_1279 = arith.constant 0 : i32
      %dma_start3A_1280 = arith.constant 0 : i32
      %dma_start3A_1281 = tpu.memref_slice %dma_start3A_1278[%dma_start3A_1279, %dma_start3A_1280] : memref<128x64xf32, #tpu.memory_space<vmem>> -> memref<125x64xf32, #tpu.memory_space<vmem>>
      %dma_start3A_1282 = arith.constant 0 : i32
      %dma_start3A_1283 = tpu.memref_slice %arg7[%add3A_1254, %dma_start3A_1282] : memref<10000x64xf32, #tpu.memory_space<vmem_shared>> -> memref<125x64xf32, #tpu.memory_space<vmem_shared>>
      %dma_start3A_1284 = arith.constant 0 : i32
      %dma_start3A_1285 = tpu.memref_slice %arg7[%add3A_1254, %dma_start3A_1284] : memref<10000x64xf32, #tpu.memory_space<vmem_shared>> -> memref<125x64xf32, #tpu.memory_space<vmem_shared>>
      %dma_start3A_1286 = arith.constant 0 : i32
      %dma_start3A_1287 = arith.constant 0 : i32
      %dma_start3A_1288 = tpu.memref_slice %arg8[%dma_start3A_1274, %dma_start3A_1286, %dma_start3A_1287] : memref<5x128x64xf32, #tpu.memory_space<vmem>> -> memref<1x128x64xf32, #tpu.memory_space<vmem>>
      %dma_start3A_1289 = tpu.memref_squeeze %dma_start3A_1288 : memref<1x128x64xf32, #tpu.memory_space<vmem>> -> memref<128x64xf32, #tpu.memory_space<vmem>>
      %dma_start3A_1290 = arith.constant 0 : i32
      %dma_start3A_1291 = arith.constant 0 : i32
      %dma_start3A_1292 = tpu.memref_slice %dma_start3A_1289[%dma_start3A_1290, %dma_start3A_1291] : memref<128x64xf32, #tpu.memory_space<vmem>> -> memref<125x64xf32, #tpu.memory_space<vmem>>
      tpu.enqueue_dma source(%dma_start3A_1292 : memref<125x64xf32, #tpu.memory_space<vmem>>) target(%dma_start3A_1285 : memref<125x64xf32, #tpu.memory_space<vmem_shared>>) target_semaphore(%arg14 : memref<!tpu.dma_semaphore, #tpu.memory_space<semaphore_mem>>)
      %dma_start3A_1293 = arith.constant 0 : i32
      %dma_start3A_1294 = arith.constant 0 : i32
      %dma_start3A_1295 = arith.constant 0 : i32
      %dma_start3A_1296 = tpu.memref_slice %arg8[%dma_start3A_1293, %dma_start3A_1294, %dma_start3A_1295] : memref<5x128x64xf32, #tpu.memory_space<vmem>> -> memref<1x128x64xf32, #tpu.memory_space<vmem>>
      %dma_start3A_1297 = tpu.memref_squeeze %dma_start3A_1296 : memref<1x128x64xf32, #tpu.memory_space<vmem>> -> memref<128x64xf32, #tpu.memory_space<vmem>>
      %dma_start3A_1298 = arith.constant 0 : i32
      %dma_start3A_1299 = arith.constant 0 : i32
      %dma_start3A_1300 = tpu.memref_slice %dma_start3A_1297[%dma_start3A_1298, %dma_start3A_1299] : memref<128x64xf32, #tpu.memory_space<vmem>> -> memref<125x64xf32, #tpu.memory_space<vmem>>
      %dma_start3A_1301 = arith.constant 0 : i32
      %dma_start3A_1302 = tpu.memref_slice %arg6[%add3A_1254, %dma_start3A_1301] : memref<10016x64xf32, #tpu.memory_space<vmem_shared>> -> memref<125x64xf32, #tpu.memory_space<vmem_shared>>
      %dma_start3A_1303 = arith.constant 0 : i32
      %dma_start3A_1304 = tpu.memref_slice %arg6[%add3A_1254, %dma_start3A_1303] : memref<10016x64xf32, #tpu.memory_space<vmem_shared>> -> memref<125x64xf32, #tpu.memory_space<vmem_shared>>
      %dma_start3A_1305 = arith.constant 0 : i32
      %dma_start3A_1306 = arith.constant 0 : i32
      %dma_start3A_1307 = tpu.memref_slice %arg8[%dma_start3A_1293, %dma_start3A_1305, %dma_start3A_1306] : memref<5x128x64xf32, #tpu.memory_space<vmem>> -> memref<1x128x64xf32, #tpu.memory_space<vmem>>
      %dma_start3A_1308 = tpu.memref_squeeze %dma_start3A_1307 : memref<1x128x64xf32, #tpu.memory_space<vmem>> -> memref<128x64xf32, #tpu.memory_space<vmem>>
      %dma_start3A_1309 = arith.constant 0 : i32
      %dma_start3A_1310 = arith.constant 0 : i32
      %dma_start3A_1311 = tpu.memref_slice %dma_start3A_1308[%dma_start3A_1309, %dma_start3A_1310] : memref<128x64xf32, #tpu.memory_space<vmem>> -> memref<125x64xf32, #tpu.memory_space<vmem>>
      tpu.enqueue_dma source(%dma_start3A_1311 : memref<125x64xf32, #tpu.memory_space<vmem>>) target(%dma_start3A_1304 : memref<125x64xf32, #tpu.memory_space<vmem_shared>>) target_semaphore(%arg14 : memref<!tpu.dma_semaphore, #tpu.memory_space<semaphore_mem>>)
      %mul3A_1312 = arith.constant 625 : i32
      %mul3A_1313 = arith.muli %arg1, %mul3A_1312 : i32
      %add3A_1314 = arith.constant 125 : i32
      %add3A_1315 = arith.addi %mul3A_1313, %add3A_1314 : i32
      %dma_wait3A_1316 = arith.constant 2 : i32
      %dma_wait3A_1317 = arith.constant 0 : i32
      %dma_wait3A_1318 = arith.constant 0 : i32
      %dma_wait3A_1319 = tpu.memref_slice %arg8[%dma_wait3A_1316, %dma_wait3A_1317, %dma_wait3A_1318] : memref<5x128x64xf32, #tpu.memory_space<vmem>> -> memref<1x128x64xf32, #tpu.memory_space<vmem>>
      %dma_wait3A_1320 = tpu.memref_squeeze %dma_wait3A_1319 : memref<1x128x64xf32, #tpu.memory_space<vmem>> -> memref<128x64xf32, #tpu.memory_space<vmem>>
      %dma_wait3A_1321 = arith.constant 0 : i32
      %dma_wait3A_1322 = arith.constant 0 : i32
      %dma_wait3A_1323 = tpu.memref_slice %dma_wait3A_1320[%dma_wait3A_1321, %dma_wait3A_1322] : memref<128x64xf32, #tpu.memory_space<vmem>> -> memref<125x64xf32, #tpu.memory_space<vmem>>
      %dma_wait3A_1324 = arith.constant 0 : i32
      %dma_wait3A_1325 = tpu.memref_slice %arg6[%add3A_1315, %dma_wait3A_1324] : memref<10016x64xf32, #tpu.memory_space<vmem_shared>> -> memref<125x64xf32, #tpu.memory_space<vmem_shared>>
      %dma_wait3A_1326 = arith.constant 0 : i32
      %dma_wait3A_1327 = arith.constant 0 : i32
      %dma_wait3A_1328 = tpu.memref_slice %arg8[%dma_wait3A_1316, %dma_wait3A_1326, %dma_wait3A_1327] : memref<5x128x64xf32, #tpu.memory_space<vmem>> -> memref<1x128x64xf32, #tpu.memory_space<vmem>>
      %dma_wait3A_1329 = tpu.memref_squeeze %dma_wait3A_1328 : memref<1x128x64xf32, #tpu.memory_space<vmem>> -> memref<128x64xf32, #tpu.memory_space<vmem>>
      %dma_wait3A_1330 = arith.constant 0 : i32
      %dma_wait3A_1331 = arith.constant 0 : i32
      %dma_wait3A_1332 = tpu.memref_slice %dma_wait3A_1329[%dma_wait3A_1330, %dma_wait3A_1331] : memref<128x64xf32, #tpu.memory_space<vmem>> -> memref<125x64xf32, #tpu.memory_space<vmem>>
      %dma_wait3A_1333 = arith.constant 0 : i32
      %dma_wait3A_1334 = tpu.memref_slice %arg6[%add3A_1315, %dma_wait3A_1333] : memref<10016x64xf32, #tpu.memory_space<vmem_shared>> -> memref<125x64xf32, #tpu.memory_space<vmem_shared>>
      tpu.wait_dma2 semaphore(%arg12 : memref<!tpu.dma_semaphore, #tpu.memory_space<semaphore_mem>>) src(%dma_wait3A_1334 : memref<125x64xf32, #tpu.memory_space<vmem_shared>>) dst(%dma_wait3A_1332 : memref<125x64xf32, #tpu.memory_space<vmem>>)
      %mul3A_1335 = arith.constant 625 : i32
      %mul3A_1336 = arith.muli %arg1, %mul3A_1335 : i32
      %add3A_1337 = arith.constant 0 : i32
      %add3A_1338 = arith.addi %mul3A_1336, %add3A_1337 : i32
      %dma_wait3A_1339 = arith.constant 1 : i32
      %dma_wait3A_1340 = arith.constant 0 : i32
      %dma_wait3A_1341 = arith.constant 0 : i32
      %dma_wait3A_1342 = tpu.memref_slice %arg8[%dma_wait3A_1339, %dma_wait3A_1340, %dma_wait3A_1341] : memref<5x128x64xf32, #tpu.memory_space<vmem>> -> memref<1x128x64xf32, #tpu.memory_space<vmem>>
      %dma_wait3A_1343 = tpu.memref_squeeze %dma_wait3A_1342 : memref<1x128x64xf32, #tpu.memory_space<vmem>> -> memref<128x64xf32, #tpu.memory_space<vmem>>
      %dma_wait3A_1344 = arith.constant 0 : i32
      %dma_wait3A_1345 = arith.constant 0 : i32
      %dma_wait3A_1346 = tpu.memref_slice %dma_wait3A_1343[%dma_wait3A_1344, %dma_wait3A_1345] : memref<128x64xf32, #tpu.memory_space<vmem>> -> memref<125x64xf32, #tpu.memory_space<vmem>>
      %dma_wait3A_1347 = tpu.memref_slice %arg5[%add3A_1338, %scan3A_936, %mul3A_0] : memref<10000x11x128xf32, #tpu.memory_space<hbm>> -> memref<125x1x64xf32, #tpu.memory_space<hbm>>
      %dma_wait3A_1348 = tpu.memref_squeeze %dma_wait3A_1347 : memref<125x1x64xf32, #tpu.memory_space<hbm>> -> memref<125x64xf32, #tpu.memory_space<hbm>>
      %dma_wait3A_1349 = tpu.memref_slice %arg5[%add3A_1338, %scan3A_936, %mul3A_0] : memref<10000x11x128xf32, #tpu.memory_space<hbm>> -> memref<125x1x64xf32, #tpu.memory_space<hbm>>
      %dma_wait3A_1350 = tpu.memref_squeeze %dma_wait3A_1349 : memref<125x1x64xf32, #tpu.memory_space<hbm>> -> memref<125x64xf32, #tpu.memory_space<hbm>>
      %dma_wait3A_1351 = arith.constant 0 : i32
      %dma_wait3A_1352 = arith.constant 0 : i32
      %dma_wait3A_1353 = tpu.memref_slice %arg8[%dma_wait3A_1339, %dma_wait3A_1351, %dma_wait3A_1352] : memref<5x128x64xf32, #tpu.memory_space<vmem>> -> memref<1x128x64xf32, #tpu.memory_space<vmem>>
      %dma_wait3A_1354 = tpu.memref_squeeze %dma_wait3A_1353 : memref<1x128x64xf32, #tpu.memory_space<vmem>> -> memref<128x64xf32, #tpu.memory_space<vmem>>
      %dma_wait3A_1355 = arith.constant 0 : i32
      %dma_wait3A_1356 = arith.constant 0 : i32
      %dma_wait3A_1357 = tpu.memref_slice %dma_wait3A_1354[%dma_wait3A_1355, %dma_wait3A_1356] : memref<128x64xf32, #tpu.memory_space<vmem>> -> memref<125x64xf32, #tpu.memory_space<vmem>>
      tpu.wait_dma2 semaphore(%arg13 : memref<!tpu.dma_semaphore, #tpu.memory_space<semaphore_mem>>) src(%dma_wait3A_1357 : memref<125x64xf32, #tpu.memory_space<vmem>>) dst(%dma_wait3A_1350 : memref<125x64xf32, #tpu.memory_space<hbm>>)
      %dma_wait3A_1358 = arith.constant 1 : i32
      %dma_wait3A_1359 = arith.constant 0 : i32
      %dma_wait3A_1360 = arith.constant 0 : i32
      %dma_wait3A_1361 = tpu.memref_slice %arg8[%dma_wait3A_1358, %dma_wait3A_1359, %dma_wait3A_1360] : memref<5x128x64xf32, #tpu.memory_space<vmem>> -> memref<1x128x64xf32, #tpu.memory_space<vmem>>
      %dma_wait3A_1362 = tpu.memref_squeeze %dma_wait3A_1361 : memref<1x128x64xf32, #tpu.memory_space<vmem>> -> memref<128x64xf32, #tpu.memory_space<vmem>>
      %dma_wait3A_1363 = arith.constant 0 : i32
      %dma_wait3A_1364 = arith.constant 0 : i32
      %dma_wait3A_1365 = tpu.memref_slice %dma_wait3A_1362[%dma_wait3A_1363, %dma_wait3A_1364] : memref<128x64xf32, #tpu.memory_space<vmem>> -> memref<125x64xf32, #tpu.memory_space<vmem>>
      %dma_wait3A_1366 = arith.constant 0 : i32
      %dma_wait3A_1367 = tpu.memref_slice %arg7[%add3A_1338, %dma_wait3A_1366] : memref<10000x64xf32, #tpu.memory_space<vmem_shared>> -> memref<125x64xf32, #tpu.memory_space<vmem_shared>>
      %dma_wait3A_1368 = arith.constant 0 : i32
      %dma_wait3A_1369 = tpu.memref_slice %arg7[%add3A_1338, %dma_wait3A_1368] : memref<10000x64xf32, #tpu.memory_space<vmem_shared>> -> memref<125x64xf32, #tpu.memory_space<vmem_shared>>
      %dma_wait3A_1370 = arith.constant 0 : i32
      %dma_wait3A_1371 = arith.constant 0 : i32
      %dma_wait3A_1372 = tpu.memref_slice %arg8[%dma_wait3A_1358, %dma_wait3A_1370, %dma_wait3A_1371] : memref<5x128x64xf32, #tpu.memory_space<vmem>> -> memref<1x128x64xf32, #tpu.memory_space<vmem>>
      %dma_wait3A_1373 = tpu.memref_squeeze %dma_wait3A_1372 : memref<1x128x64xf32, #tpu.memory_space<vmem>> -> memref<128x64xf32, #tpu.memory_space<vmem>>
      %dma_wait3A_1374 = arith.constant 0 : i32
      %dma_wait3A_1375 = arith.constant 0 : i32
      %dma_wait3A_1376 = tpu.memref_slice %dma_wait3A_1373[%dma_wait3A_1374, %dma_wait3A_1375] : memref<128x64xf32, #tpu.memory_space<vmem>> -> memref<125x64xf32, #tpu.memory_space<vmem>>
      tpu.wait_dma2 semaphore(%arg14 : memref<!tpu.dma_semaphore, #tpu.memory_space<semaphore_mem>>) src(%dma_wait3A_1376 : memref<125x64xf32, #tpu.memory_space<vmem>>) dst(%dma_wait3A_1369 : memref<125x64xf32, #tpu.memory_space<vmem_shared>>)
      %dma_wait3A_1377 = arith.constant 0 : i32
      %dma_wait3A_1378 = arith.constant 0 : i32
      %dma_wait3A_1379 = arith.constant 0 : i32
      %dma_wait3A_1380 = tpu.memref_slice %arg8[%dma_wait3A_1377, %dma_wait3A_1378, %dma_wait3A_1379] : memref<5x128x64xf32, #tpu.memory_space<vmem>> -> memref<1x128x64xf32, #tpu.memory_space<vmem>>
      %dma_wait3A_1381 = tpu.memref_squeeze %dma_wait3A_1380 : memref<1x128x64xf32, #tpu.memory_space<vmem>> -> memref<128x64xf32, #tpu.memory_space<vmem>>
      %dma_wait3A_1382 = arith.constant 0 : i32
      %dma_wait3A_1383 = arith.constant 0 : i32
      %dma_wait3A_1384 = tpu.memref_slice %dma_wait3A_1381[%dma_wait3A_1382, %dma_wait3A_1383] : memref<128x64xf32, #tpu.memory_space<vmem>> -> memref<125x64xf32, #tpu.memory_space<vmem>>
      %dma_wait3A_1385 = arith.constant 0 : i32
      %dma_wait3A_1386 = tpu.memref_slice %arg6[%add3A_1338, %dma_wait3A_1385] : memref<10016x64xf32, #tpu.memory_space<vmem_shared>> -> memref<125x64xf32, #tpu.memory_space<vmem_shared>>
      %dma_wait3A_1387 = arith.constant 0 : i32
      %dma_wait3A_1388 = tpu.memref_slice %arg6[%add3A_1338, %dma_wait3A_1387] : memref<10016x64xf32, #tpu.memory_space<vmem_shared>> -> memref<125x64xf32, #tpu.memory_space<vmem_shared>>
      %dma_wait3A_1389 = arith.constant 0 : i32
      %dma_wait3A_1390 = arith.constant 0 : i32
      %dma_wait3A_1391 = tpu.memref_slice %arg8[%dma_wait3A_1377, %dma_wait3A_1389, %dma_wait3A_1390] : memref<5x128x64xf32, #tpu.memory_space<vmem>> -> memref<1x128x64xf32, #tpu.memory_space<vmem>>
      %dma_wait3A_1392 = tpu.memref_squeeze %dma_wait3A_1391 : memref<1x128x64xf32, #tpu.memory_space<vmem>> -> memref<128x64xf32, #tpu.memory_space<vmem>>
      %dma_wait3A_1393 = arith.constant 0 : i32
      %dma_wait3A_1394 = arith.constant 0 : i32
      %dma_wait3A_1395 = tpu.memref_slice %dma_wait3A_1392[%dma_wait3A_1393, %dma_wait3A_1394] : memref<128x64xf32, #tpu.memory_space<vmem>> -> memref<125x64xf32, #tpu.memory_space<vmem>>
      tpu.wait_dma2 semaphore(%arg14 : memref<!tpu.dma_semaphore, #tpu.memory_space<semaphore_mem>>) src(%dma_wait3A_1395 : memref<125x64xf32, #tpu.memory_space<vmem>>) dst(%dma_wait3A_1388 : memref<125x64xf32, #tpu.memory_space<vmem_shared>>)
      %mul3A_1396 = arith.constant 625 : i32
      %mul3A_1397 = arith.muli %arg1, %mul3A_1396 : i32
      %add3A_1398 = arith.constant 250 : i32
      %add3A_1399 = arith.addi %mul3A_1397, %add3A_1398 : i32
      %dma_start3A_1400 = arith.constant 1 : i32
      %dma_start3A_1401 = arith.constant 0 : i32
      %dma_start3A_1402 = arith.constant 0 : i32
      %dma_start3A_1403 = tpu.memref_slice %arg8[%dma_start3A_1400, %dma_start3A_1401, %dma_start3A_1402] : memref<5x128x64xf32, #tpu.memory_space<vmem>> -> memref<1x128x64xf32, #tpu.memory_space<vmem>>
      %dma_start3A_1404 = tpu.memref_squeeze %dma_start3A_1403 : memref<1x128x64xf32, #tpu.memory_space<vmem>> -> memref<128x64xf32, #tpu.memory_space<vmem>>
      %dma_start3A_1405 = arith.constant 0 : i32
      %dma_start3A_1406 = arith.constant 0 : i32
      %dma_start3A_1407 = tpu.memref_slice %dma_start3A_1404[%dma_start3A_1405, %dma_start3A_1406] : memref<128x64xf32, #tpu.memory_space<vmem>> -> memref<125x64xf32, #tpu.memory_space<vmem>>
      %dma_start3A_1408 = arith.constant 0 : i32
      %dma_start3A_1409 = tpu.memref_slice %arg6[%add3A_1399, %dma_start3A_1408] : memref<10016x64xf32, #tpu.memory_space<vmem_shared>> -> memref<125x64xf32, #tpu.memory_space<vmem_shared>>
      %dma_start3A_1410 = arith.constant 0 : i32
      %dma_start3A_1411 = arith.constant 0 : i32
      %dma_start3A_1412 = tpu.memref_slice %arg8[%dma_start3A_1400, %dma_start3A_1410, %dma_start3A_1411] : memref<5x128x64xf32, #tpu.memory_space<vmem>> -> memref<1x128x64xf32, #tpu.memory_space<vmem>>
      %dma_start3A_1413 = tpu.memref_squeeze %dma_start3A_1412 : memref<1x128x64xf32, #tpu.memory_space<vmem>> -> memref<128x64xf32, #tpu.memory_space<vmem>>
      %dma_start3A_1414 = arith.constant 0 : i32
      %dma_start3A_1415 = arith.constant 0 : i32
      %dma_start3A_1416 = tpu.memref_slice %dma_start3A_1413[%dma_start3A_1414, %dma_start3A_1415] : memref<128x64xf32, #tpu.memory_space<vmem>> -> memref<125x64xf32, #tpu.memory_space<vmem>>
      %dma_start3A_1417 = arith.constant 0 : i32
      %dma_start3A_1418 = tpu.memref_slice %arg6[%add3A_1399, %dma_start3A_1417] : memref<10016x64xf32, #tpu.memory_space<vmem_shared>> -> memref<125x64xf32, #tpu.memory_space<vmem_shared>>
      tpu.enqueue_dma source(%dma_start3A_1418 : memref<125x64xf32, #tpu.memory_space<vmem_shared>>) target(%dma_start3A_1416 : memref<125x64xf32, #tpu.memory_space<vmem>>) target_semaphore(%arg12 : memref<!tpu.dma_semaphore, #tpu.memory_space<semaphore_mem>>)
      %scan3A_1419 = arith.constant 0 : i32
      %scan3A_1420 = arith.constant 2 : i32
      %scan3A_1421 = arith.constant 0 : i32
      %scan3A_1422 = arith.constant 125 : i32
      %scan3A_1423 = arith.addi %scan3A_1421, %scan3A_1422 : i32
      %scan3A_1424 = arith.constant 1 : i32
      scf.for %scan3A_2093 = %scan3A_1421 to %scan3A_1423 step %scan3A_1424  : i32 {
        %get3A_2094 = arith.constant 0 : i32
        %get3A_2095 = arith.constant 0 : i32
        %get3A_2096 = tpu.memref_slice %arg8[%scan3A_1420, %get3A_2094, %get3A_2095] : memref<5x128x64xf32, #tpu.memory_space<vmem>> -> memref<1x128x64xf32, #tpu.memory_space<vmem>>
        %get3A_2097 = tpu.memref_squeeze %get3A_2096 : memref<1x128x64xf32, #tpu.memory_space<vmem>> -> memref<128x64xf32, #tpu.memory_space<vmem>>
        %get3A_2098 = arith.index_cast %scan3A_2093 : i32 to index
        %get3A_2099 = arith.constant 0 : index
        %get3A_2100 = tpu.vector_load %get3A_2097[%get3A_2098, %get3A_2099] {strides = array<i32>} : memref<128x64xf32, #tpu.memory_space<vmem>>, vector<1x16xf32>,
        %get3A_2101 = vector.shape_cast %get3A_2100 : vector<1x16xf32> to vector<16xf32>
        %mul3A_2102 = arith.mulf %get3A_2101, %get3A_1162 : vector<16xf32>
        %swap3A = arith.constant 0 : i32
        %swap3A_2103 = arith.constant 0 : i32
        %swap3A_2104 = tpu.memref_slice %arg8[%scan3A_1420, %swap3A, %swap3A_2103] : memref<5x128x64xf32, #tpu.memory_space<vmem>> -> memref<1x128x64xf32, #tpu.memory_space<vmem>>
        %swap3A_2105 = tpu.memref_squeeze %swap3A_2104 : memref<1x128x64xf32, #tpu.memory_space<vmem>> -> memref<128x64xf32, #tpu.memory_space<vmem>>
        %swap3A_2106 = arith.index_cast %scan3A_2093 : i32 to index
        %swap3A_2107 = arith.constant 0 : index
        %swap3A_2108 = tpu.vector_load %swap3A_2105[%swap3A_2106, %swap3A_2107] {strides = array<i32>} : memref<128x64xf32, #tpu.memory_space<vmem>>, vector<1x16xf32>,
        %swap3A_2109 = vector.shape_cast %swap3A_2108 : vector<1x16xf32> to vector<16xf32>
        %swap3A_2110 = vector.shape_cast %mul3A_2102 : vector<16xf32> to vector<1x16xf32>
        tpu.vector_store %swap3A_2105[%swap3A_2106, %swap3A_2107], %swap3A_2110 {strides = array<i32>} : memref<128x64xf32, #tpu.memory_space<vmem>>, vector<1x16xf32>,
        %get3A_2111 = arith.constant 0 : i32
        %get3A_2112 = arith.constant 0 : i32
        %get3A_2113 = tpu.memref_slice %arg8[%scan3A_1420, %get3A_2111, %get3A_2112] : memref<5x128x64xf32, #tpu.memory_space<vmem>> -> memref<1x128x64xf32, #tpu.memory_space<vmem>>
        %get3A_2114 = tpu.memref_squeeze %get3A_2113 : memref<1x128x64xf32, #tpu.memory_space<vmem>> -> memref<128x64xf32, #tpu.memory_space<vmem>>
        %get3A_2115 = arith.index_cast %scan3A_2093 : i32 to index
        %get3A_2116 = arith.constant 16 : index
        %get3A_2117 = tpu.vector_load %get3A_2114[%get3A_2115, %get3A_2116] {strides = array<i32>} : memref<128x64xf32, #tpu.memory_space<vmem>>, vector<1x16xf32>,
        %get3A_2118 = vector.shape_cast %get3A_2117 : vector<1x16xf32> to vector<16xf32>
        %mul3A_2119 = arith.mulf %get3A_2118, %get3A_1166 : vector<16xf32>
        %swap3A_2120 = arith.constant 0 : i32
        %swap3A_2121 = arith.constant 0 : i32
        %swap3A_2122 = tpu.memref_slice %arg8[%scan3A_1420, %swap3A_2120, %swap3A_2121] : memref<5x128x64xf32, #tpu.memory_space<vmem>> -> memref<1x128x64xf32, #tpu.memory_space<vmem>>
        %swap3A_2123 = tpu.memref_squeeze %swap3A_2122 : memref<1x128x64xf32, #tpu.memory_space<vmem>> -> memref<128x64xf32, #tpu.memory_space<vmem>>
        %swap3A_2124 = arith.index_cast %scan3A_2093 : i32 to index
        %swap3A_2125 = arith.constant 16 : index
        %swap3A_2126 = tpu.vector_load %swap3A_2123[%swap3A_2124, %swap3A_2125] {strides = array<i32>} : memref<128x64xf32, #tpu.memory_space<vmem>>, vector<1x16xf32>,
        %swap3A_2127 = vector.shape_cast %swap3A_2126 : vector<1x16xf32> to vector<16xf32>
        %swap3A_2128 = vector.shape_cast %mul3A_2119 : vector<16xf32> to vector<1x16xf32>
        tpu.vector_store %swap3A_2123[%swap3A_2124, %swap3A_2125], %swap3A_2128 {strides = array<i32>} : memref<128x64xf32, #tpu.memory_space<vmem>>, vector<1x16xf32>,
        %get3A_2129 = arith.constant 0 : i32
        %get3A_2130 = arith.constant 0 : i32
        %get3A_2131 = tpu.memref_slice %arg8[%scan3A_1420, %get3A_2129, %get3A_2130] : memref<5x128x64xf32, #tpu.memory_space<vmem>> -> memref<1x128x64xf32, #tpu.memory_space<vmem>>
        %get3A_2132 = tpu.memref_squeeze %get3A_2131 : memref<1x128x64xf32, #tpu.memory_space<vmem>> -> memref<128x64xf32, #tpu.memory_space<vmem>>
        %get3A_2133 = arith.index_cast %scan3A_2093 : i32 to index
        %get3A_2134 = arith.constant 32 : index
        %get3A_2135 = tpu.vector_load %get3A_2132[%get3A_2133, %get3A_2134] {strides = array<i32>} : memref<128x64xf32, #tpu.memory_space<vmem>>, vector<1x16xf32>,
        %get3A_2136 = vector.shape_cast %get3A_2135 : vector<1x16xf32> to vector<16xf32>
        %mul3A_2137 = arith.mulf %get3A_2136, %get3A_1170 : vector<16xf32>
        %swap3A_2138 = arith.constant 0 : i32
        %swap3A_2139 = arith.constant 0 : i32
        %swap3A_2140 = tpu.memref_slice %arg8[%scan3A_1420, %swap3A_2138, %swap3A_2139] : memref<5x128x64xf32, #tpu.memory_space<vmem>> -> memref<1x128x64xf32, #tpu.memory_space<vmem>>
        %swap3A_2141 = tpu.memref_squeeze %swap3A_2140 : memref<1x128x64xf32, #tpu.memory_space<vmem>> -> memref<128x64xf32, #tpu.memory_space<vmem>>
        %swap3A_2142 = arith.index_cast %scan3A_2093 : i32 to index
        %swap3A_2143 = arith.constant 32 : index
        %swap3A_2144 = tpu.vector_load %swap3A_2141[%swap3A_2142, %swap3A_2143] {strides = array<i32>} : memref<128x64xf32, #tpu.memory_space<vmem>>, vector<1x16xf32>,
        %swap3A_2145 = vector.shape_cast %swap3A_2144 : vector<1x16xf32> to vector<16xf32>
        %swap3A_2146 = vector.shape_cast %mul3A_2137 : vector<16xf32> to vector<1x16xf32>
        tpu.vector_store %swap3A_2141[%swap3A_2142, %swap3A_2143], %swap3A_2146 {strides = array<i32>} : memref<128x64xf32, #tpu.memory_space<vmem>>, vector<1x16xf32>,
        %get3A_2147 = arith.constant 0 : i32
        %get3A_2148 = arith.constant 0 : i32
        %get3A_2149 = tpu.memref_slice %arg8[%scan3A_1420, %get3A_2147, %get3A_2148] : memref<5x128x64xf32, #tpu.memory_space<vmem>> -> memref<1x128x64xf32, #tpu.memory_space<vmem>>
        %get3A_2150 = tpu.memref_squeeze %get3A_2149 : memref<1x128x64xf32, #tpu.memory_space<vmem>> -> memref<128x64xf32, #tpu.memory_space<vmem>>
        %get3A_2151 = arith.index_cast %scan3A_2093 : i32 to index
        %get3A_2152 = arith.constant 48 : index
        %get3A_2153 = tpu.vector_load %get3A_2150[%get3A_2151, %get3A_2152] {strides = array<i32>} : memref<128x64xf32, #tpu.memory_space<vmem>>, vector<1x16xf32>,
        %get3A_2154 = vector.shape_cast %get3A_2153 : vector<1x16xf32> to vector<16xf32>
        %mul3A_2155 = arith.mulf %get3A_2154, %get3A_1174 : vector<16xf32>
        %swap3A_2156 = arith.constant 0 : i32
        %swap3A_2157 = arith.constant 0 : i32
        %swap3A_2158 = tpu.memref_slice %arg8[%scan3A_1420, %swap3A_2156, %swap3A_2157] : memref<5x128x64xf32, #tpu.memory_space<vmem>> -> memref<1x128x64xf32, #tpu.memory_space<vmem>>
        %swap3A_2159 = tpu.memref_squeeze %swap3A_2158 : memref<1x128x64xf32, #tpu.memory_space<vmem>> -> memref<128x64xf32, #tpu.memory_space<vmem>>
        %swap3A_2160 = arith.index_cast %scan3A_2093 : i32 to index
        %swap3A_2161 = arith.constant 48 : index
        %swap3A_2162 = tpu.vector_load %swap3A_2159[%swap3A_2160, %swap3A_2161] {strides = array<i32>} : memref<128x64xf32, #tpu.memory_space<vmem>>, vector<1x16xf32>,
        %swap3A_2163 = vector.shape_cast %swap3A_2162 : vector<1x16xf32> to vector<16xf32>
        %swap3A_2164 = vector.shape_cast %mul3A_2155 : vector<16xf32> to vector<1x16xf32>
        tpu.vector_store %swap3A_2159[%swap3A_2160, %swap3A_2161], %swap3A_2164 {strides = array<i32>} : memref<128x64xf32, #tpu.memory_space<vmem>>, vector<1x16xf32>,
      }
      %scan3A_1425 = arith.constant 125 : i32
      %mul3A_1426 = arith.constant 625 : i32
      %mul3A_1427 = arith.muli %arg1, %mul3A_1426 : i32
      %add3A_1428 = arith.constant 125 : i32
      %add3A_1429 = arith.addi %mul3A_1427, %add3A_1428 : i32
      %dma_start3A_1430 = arith.constant 2 : i32
      %dma_start3A_1431 = arith.constant 0 : i32
      %dma_start3A_1432 = arith.constant 0 : i32
      %dma_start3A_1433 = tpu.memref_slice %arg8[%dma_start3A_1430, %dma_start3A_1431, %dma_start3A_1432] : memref<5x128x64xf32, #tpu.memory_space<vmem>> -> memref<1x128x64xf32, #tpu.memory_space<vmem>>
      %dma_start3A_1434 = tpu.memref_squeeze %dma_start3A_1433 : memref<1x128x64xf32, #tpu.memory_space<vmem>> -> memref<128x64xf32, #tpu.memory_space<vmem>>
      %dma_start3A_1435 = arith.constant 0 : i32
      %dma_start3A_1436 = arith.constant 0 : i32
      %dma_start3A_1437 = tpu.memref_slice %dma_start3A_1434[%dma_start3A_1435, %dma_start3A_1436] : memref<128x64xf32, #tpu.memory_space<vmem>> -> memref<125x64xf32, #tpu.memory_space<vmem>>
      %dma_start3A_1438 = tpu.memref_slice %arg5[%add3A_1429, %scan3A_936, %mul3A_0] : memref<10000x11x128xf32, #tpu.memory_space<hbm>> -> memref<125x1x64xf32, #tpu.memory_space<hbm>>
      %dma_start3A_1439 = tpu.memref_squeeze %dma_start3A_1438 : memref<125x1x64xf32, #tpu.memory_space<hbm>> -> memref<125x64xf32, #tpu.memory_space<hbm>>
      %dma_start3A_1440 = tpu.memref_slice %arg5[%add3A_1429, %scan3A_936, %mul3A_0] : memref<10000x11x128xf32, #tpu.memory_space<hbm>> -> memref<125x1x64xf32, #tpu.memory_space<hbm>>
      %dma_start3A_1441 = tpu.memref_squeeze %dma_start3A_1440 : memref<125x1x64xf32, #tpu.memory_space<hbm>> -> memref<125x64xf32, #tpu.memory_space<hbm>>
      %dma_start3A_1442 = arith.constant 0 : i32
      %dma_start3A_1443 = arith.constant 0 : i32
      %dma_start3A_1444 = tpu.memref_slice %arg8[%dma_start3A_1430, %dma_start3A_1442, %dma_start3A_1443] : memref<5x128x64xf32, #tpu.memory_space<vmem>> -> memref<1x128x64xf32, #tpu.memory_space<vmem>>
      %dma_start3A_1445 = tpu.memref_squeeze %dma_start3A_1444 : memref<1x128x64xf32, #tpu.memory_space<vmem>> -> memref<128x64xf32, #tpu.memory_space<vmem>>
      %dma_start3A_1446 = arith.constant 0 : i32
      %dma_start3A_1447 = arith.constant 0 : i32
      %dma_start3A_1448 = tpu.memref_slice %dma_start3A_1445[%dma_start3A_1446, %dma_start3A_1447] : memref<128x64xf32, #tpu.memory_space<vmem>> -> memref<125x64xf32, #tpu.memory_space<vmem>>
      tpu.enqueue_dma source(%dma_start3A_1448 : memref<125x64xf32, #tpu.memory_space<vmem>>) target(%dma_start3A_1441 : memref<125x64xf32, #tpu.memory_space<hbm>>) target_semaphore(%arg13 : memref<!tpu.dma_semaphore, #tpu.memory_space<semaphore_mem>>)
      %dma_start3A_1449 = arith.constant 2 : i32
      %dma_start3A_1450 = arith.constant 0 : i32
      %dma_start3A_1451 = arith.constant 0 : i32
      %dma_start3A_1452 = tpu.memref_slice %arg8[%dma_start3A_1449, %dma_start3A_1450, %dma_start3A_1451] : memref<5x128x64xf32, #tpu.memory_space<vmem>> -> memref<1x128x64xf32, #tpu.memory_space<vmem>>
      %dma_start3A_1453 = tpu.memref_squeeze %dma_start3A_1452 : memref<1x128x64xf32, #tpu.memory_space<vmem>> -> memref<128x64xf32, #tpu.memory_space<vmem>>
      %dma_start3A_1454 = arith.constant 0 : i32
      %dma_start3A_1455 = arith.constant 0 : i32
      %dma_start3A_1456 = tpu.memref_slice %dma_start3A_1453[%dma_start3A_1454, %dma_start3A_1455] : memref<128x64xf32, #tpu.memory_space<vmem>> -> memref<125x64xf32, #tpu.memory_space<vmem>>
      %dma_start3A_1457 = arith.constant 0 : i32
      %dma_start3A_1458 = tpu.memref_slice %arg7[%add3A_1429, %dma_start3A_1457] : memref<10000x64xf32, #tpu.memory_space<vmem_shared>> -> memref<125x64xf32, #tpu.memory_space<vmem_shared>>
      %dma_start3A_1459 = arith.constant 0 : i32
      %dma_start3A_1460 = tpu.memref_slice %arg7[%add3A_1429, %dma_start3A_1459] : memref<10000x64xf32, #tpu.memory_space<vmem_shared>> -> memref<125x64xf32, #tpu.memory_space<vmem_shared>>
      %dma_start3A_1461 = arith.constant 0 : i32
      %dma_start3A_1462 = arith.constant 0 : i32
      %dma_start3A_1463 = tpu.memref_slice %arg8[%dma_start3A_1449, %dma_start3A_1461, %dma_start3A_1462] : memref<5x128x64xf32, #tpu.memory_space<vmem>> -> memref<1x128x64xf32, #tpu.memory_space<vmem>>
      %dma_start3A_1464 = tpu.memref_squeeze %dma_start3A_1463 : memref<1x128x64xf32, #tpu.memory_space<vmem>> -> memref<128x64xf32, #tpu.memory_space<vmem>>
      %dma_start3A_1465 = arith.constant 0 : i32
      %dma_start3A_1466 = arith.constant 0 : i32
      %dma_start3A_1467 = tpu.memref_slice %dma_start3A_1464[%dma_start3A_1465, %dma_start3A_1466] : memref<128x64xf32, #tpu.memory_space<vmem>> -> memref<125x64xf32, #tpu.memory_space<vmem>>
      tpu.enqueue_dma source(%dma_start3A_1467 : memref<125x64xf32, #tpu.memory_space<vmem>>) target(%dma_start3A_1460 : memref<125x64xf32, #tpu.memory_space<vmem_shared>>) target_semaphore(%arg14 : memref<!tpu.dma_semaphore, #tpu.memory_space<semaphore_mem>>)
      %dma_start3A_1468 = arith.constant 0 : i32
      %dma_start3A_1469 = arith.constant 0 : i32
      %dma_start3A_1470 = arith.constant 0 : i32
      %dma_start3A_1471 = tpu.memref_slice %arg8[%dma_start3A_1468, %dma_start3A_1469, %dma_start3A_1470] : memref<5x128x64xf32, #tpu.memory_space<vmem>> -> memref<1x128x64xf32, #tpu.memory_space<vmem>>
      %dma_start3A_1472 = tpu.memref_squeeze %dma_start3A_1471 : memref<1x128x64xf32, #tpu.memory_space<vmem>> -> memref<128x64xf32, #tpu.memory_space<vmem>>
      %dma_start3A_1473 = arith.constant 0 : i32
      %dma_start3A_1474 = arith.constant 0 : i32
      %dma_start3A_1475 = tpu.memref_slice %dma_start3A_1472[%dma_start3A_1473, %dma_start3A_1474] : memref<128x64xf32, #tpu.memory_space<vmem>> -> memref<125x64xf32, #tpu.memory_space<vmem>>
      %dma_start3A_1476 = arith.constant 0 : i32
      %dma_start3A_1477 = tpu.memref_slice %arg6[%add3A_1429, %dma_start3A_1476] : memref<10016x64xf32, #tpu.memory_space<vmem_shared>> -> memref<125x64xf32, #tpu.memory_space<vmem_shared>>
      %dma_start3A_1478 = arith.constant 0 : i32
      %dma_start3A_1479 = tpu.memref_slice %arg6[%add3A_1429, %dma_start3A_1478] : memref<10016x64xf32, #tpu.memory_space<vmem_shared>> -> memref<125x64xf32, #tpu.memory_space<vmem_shared>>
      %dma_start3A_1480 = arith.constant 0 : i32
      %dma_start3A_1481 = arith.constant 0 : i32
      %dma_start3A_1482 = tpu.memref_slice %arg8[%dma_start3A_1468, %dma_start3A_1480, %dma_start3A_1481] : memref<5x128x64xf32, #tpu.memory_space<vmem>> -> memref<1x128x64xf32, #tpu.memory_space<vmem>>
      %dma_start3A_1483 = tpu.memref_squeeze %dma_start3A_1482 : memref<1x128x64xf32, #tpu.memory_space<vmem>> -> memref<128x64xf32, #tpu.memory_space<vmem>>
      %dma_start3A_1484 = arith.constant 0 : i32
      %dma_start3A_1485 = arith.constant 0 : i32
      %dma_start3A_1486 = tpu.memref_slice %dma_start3A_1483[%dma_start3A_1484, %dma_start3A_1485] : memref<128x64xf32, #tpu.memory_space<vmem>> -> memref<125x64xf32, #tpu.memory_space<vmem>>
      tpu.enqueue_dma source(%dma_start3A_1486 : memref<125x64xf32, #tpu.memory_space<vmem>>) target(%dma_start3A_1479 : memref<125x64xf32, #tpu.memory_space<vmem_shared>>) target_semaphore(%arg14 : memref<!tpu.dma_semaphore, #tpu.memory_space<semaphore_mem>>)
      %mul3A_1487 = arith.constant 625 : i32
      %mul3A_1488 = arith.muli %arg1, %mul3A_1487 : i32
      %add3A_1489 = arith.constant 250 : i32
      %add3A_1490 = arith.addi %mul3A_1488, %add3A_1489 : i32
      %dma_wait3A_1491 = arith.constant 1 : i32
      %dma_wait3A_1492 = arith.constant 0 : i32
      %dma_wait3A_1493 = arith.constant 0 : i32
      %dma_wait3A_1494 = tpu.memref_slice %arg8[%dma_wait3A_1491, %dma_wait3A_1492, %dma_wait3A_1493] : memref<5x128x64xf32, #tpu.memory_space<vmem>> -> memref<1x128x64xf32, #tpu.memory_space<vmem>>
      %dma_wait3A_1495 = tpu.memref_squeeze %dma_wait3A_1494 : memref<1x128x64xf32, #tpu.memory_space<vmem>> -> memref<128x64xf32, #tpu.memory_space<vmem>>
      %dma_wait3A_1496 = arith.constant 0 : i32
      %dma_wait3A_1497 = arith.constant 0 : i32
      %dma_wait3A_1498 = tpu.memref_slice %dma_wait3A_1495[%dma_wait3A_1496, %dma_wait3A_1497] : memref<128x64xf32, #tpu.memory_space<vmem>> -> memref<125x64xf32, #tpu.memory_space<vmem>>
      %dma_wait3A_1499 = arith.constant 0 : i32
      %dma_wait3A_1500 = tpu.memref_slice %arg6[%add3A_1490, %dma_wait3A_1499] : memref<10016x64xf32, #tpu.memory_space<vmem_shared>> -> memref<125x64xf32, #tpu.memory_space<vmem_shared>>
      %dma_wait3A_1501 = arith.constant 0 : i32
      %dma_wait3A_1502 = arith.constant 0 : i32
      %dma_wait3A_1503 = tpu.memref_slice %arg8[%dma_wait3A_1491, %dma_wait3A_1501, %dma_wait3A_1502] : memref<5x128x64xf32, #tpu.memory_space<vmem>> -> memref<1x128x64xf32, #tpu.memory_space<vmem>>
      %dma_wait3A_1504 = tpu.memref_squeeze %dma_wait3A_1503 : memref<1x128x64xf32, #tpu.memory_space<vmem>> -> memref<128x64xf32, #tpu.memory_space<vmem>>
      %dma_wait3A_1505 = arith.constant 0 : i32
      %dma_wait3A_1506 = arith.constant 0 : i32
      %dma_wait3A_1507 = tpu.memref_slice %dma_wait3A_1504[%dma_wait3A_1505, %dma_wait3A_1506] : memref<128x64xf32, #tpu.memory_space<vmem>> -> memref<125x64xf32, #tpu.memory_space<vmem>>
      %dma_wait3A_1508 = arith.constant 0 : i32
      %dma_wait3A_1509 = tpu.memref_slice %arg6[%add3A_1490, %dma_wait3A_1508] : memref<10016x64xf32, #tpu.memory_space<vmem_shared>> -> memref<125x64xf32, #tpu.memory_space<vmem_shared>>
      tpu.wait_dma2 semaphore(%arg12 : memref<!tpu.dma_semaphore, #tpu.memory_space<semaphore_mem>>) src(%dma_wait3A_1509 : memref<125x64xf32, #tpu.memory_space<vmem_shared>>) dst(%dma_wait3A_1507 : memref<125x64xf32, #tpu.memory_space<vmem>>)
      %mul3A_1510 = arith.constant 625 : i32
      %mul3A_1511 = arith.muli %arg1, %mul3A_1510 : i32
      %add3A_1512 = arith.constant 125 : i32
      %add3A_1513 = arith.addi %mul3A_1511, %add3A_1512 : i32
      %dma_wait3A_1514 = arith.constant 2 : i32
      %dma_wait3A_1515 = arith.constant 0 : i32
      %dma_wait3A_1516 = arith.constant 0 : i32
      %dma_wait3A_1517 = tpu.memref_slice %arg8[%dma_wait3A_1514, %dma_wait3A_1515, %dma_wait3A_1516] : memref<5x128x64xf32, #tpu.memory_space<vmem>> -> memref<1x128x64xf32, #tpu.memory_space<vmem>>
      %dma_wait3A_1518 = tpu.memref_squeeze %dma_wait3A_1517 : memref<1x128x64xf32, #tpu.memory_space<vmem>> -> memref<128x64xf32, #tpu.memory_space<vmem>>
      %dma_wait3A_1519 = arith.constant 0 : i32
      %dma_wait3A_1520 = arith.constant 0 : i32
      %dma_wait3A_1521 = tpu.memref_slice %dma_wait3A_1518[%dma_wait3A_1519, %dma_wait3A_1520] : memref<128x64xf32, #tpu.memory_space<vmem>> -> memref<125x64xf32, #tpu.memory_space<vmem>>
      %dma_wait3A_1522 = tpu.memref_slice %arg5[%add3A_1513, %scan3A_936, %mul3A_0] : memref<10000x11x128xf32, #tpu.memory_space<hbm>> -> memref<125x1x64xf32, #tpu.memory_space<hbm>>
      %dma_wait3A_1523 = tpu.memref_squeeze %dma_wait3A_1522 : memref<125x1x64xf32, #tpu.memory_space<hbm>> -> memref<125x64xf32, #tpu.memory_space<hbm>>
      %dma_wait3A_1524 = tpu.memref_slice %arg5[%add3A_1513, %scan3A_936, %mul3A_0] : memref<10000x11x128xf32, #tpu.memory_space<hbm>> -> memref<125x1x64xf32, #tpu.memory_space<hbm>>
      %dma_wait3A_1525 = tpu.memref_squeeze %dma_wait3A_1524 : memref<125x1x64xf32, #tpu.memory_space<hbm>> -> memref<125x64xf32, #tpu.memory_space<hbm>>
      %dma_wait3A_1526 = arith.constant 0 : i32
      %dma_wait3A_1527 = arith.constant 0 : i32
      %dma_wait3A_1528 = tpu.memref_slice %arg8[%dma_wait3A_1514, %dma_wait3A_1526, %dma_wait3A_1527] : memref<5x128x64xf32, #tpu.memory_space<vmem>> -> memref<1x128x64xf32, #tpu.memory_space<vmem>>
      %dma_wait3A_1529 = tpu.memref_squeeze %dma_wait3A_1528 : memref<1x128x64xf32, #tpu.memory_space<vmem>> -> memref<128x64xf32, #tpu.memory_space<vmem>>
      %dma_wait3A_1530 = arith.constant 0 : i32
      %dma_wait3A_1531 = arith.constant 0 : i32
      %dma_wait3A_1532 = tpu.memref_slice %dma_wait3A_1529[%dma_wait3A_1530, %dma_wait3A_1531] : memref<128x64xf32, #tpu.memory_space<vmem>> -> memref<125x64xf32, #tpu.memory_space<vmem>>
      tpu.wait_dma2 semaphore(%arg13 : memref<!tpu.dma_semaphore, #tpu.memory_space<semaphore_mem>>) src(%dma_wait3A_1532 : memref<125x64xf32, #tpu.memory_space<vmem>>) dst(%dma_wait3A_1525 : memref<125x64xf32, #tpu.memory_space<hbm>>)
      %dma_wait3A_1533 = arith.constant 2 : i32
      %dma_wait3A_1534 = arith.constant 0 : i32
      %dma_wait3A_1535 = arith.constant 0 : i32
      %dma_wait3A_1536 = tpu.memref_slice %arg8[%dma_wait3A_1533, %dma_wait3A_1534, %dma_wait3A_1535] : memref<5x128x64xf32, #tpu.memory_space<vmem>> -> memref<1x128x64xf32, #tpu.memory_space<vmem>>
      %dma_wait3A_1537 = tpu.memref_squeeze %dma_wait3A_1536 : memref<1x128x64xf32, #tpu.memory_space<vmem>> -> memref<128x64xf32, #tpu.memory_space<vmem>>
      %dma_wait3A_1538 = arith.constant 0 : i32
      %dma_wait3A_1539 = arith.constant 0 : i32
      %dma_wait3A_1540 = tpu.memref_slice %dma_wait3A_1537[%dma_wait3A_1538, %dma_wait3A_1539] : memref<128x64xf32, #tpu.memory_space<vmem>> -> memref<125x64xf32, #tpu.memory_space<vmem>>
      %dma_wait3A_1541 = arith.constant 0 : i32
      %dma_wait3A_1542 = tpu.memref_slice %arg7[%add3A_1513, %dma_wait3A_1541] : memref<10000x64xf32, #tpu.memory_space<vmem_shared>> -> memref<125x64xf32, #tpu.memory_space<vmem_shared>>
      %dma_wait3A_1543 = arith.constant 0 : i32
      %dma_wait3A_1544 = tpu.memref_slice %arg7[%add3A_1513, %dma_wait3A_1543] : memref<10000x64xf32, #tpu.memory_space<vmem_shared>> -> memref<125x64xf32, #tpu.memory_space<vmem_shared>>
      %dma_wait3A_1545 = arith.constant 0 : i32
      %dma_wait3A_1546 = arith.constant 0 : i32
      %dma_wait3A_1547 = tpu.memref_slice %arg8[%dma_wait3A_1533, %dma_wait3A_1545, %dma_wait3A_1546] : memref<5x128x64xf32, #tpu.memory_space<vmem>> -> memref<1x128x64xf32, #tpu.memory_space<vmem>>
      %dma_wait3A_1548 = tpu.memref_squeeze %dma_wait3A_1547 : memref<1x128x64xf32, #tpu.memory_space<vmem>> -> memref<128x64xf32, #tpu.memory_space<vmem>>
      %dma_wait3A_1549 = arith.constant 0 : i32
      %dma_wait3A_1550 = arith.constant 0 : i32
      %dma_wait3A_1551 = tpu.memref_slice %dma_wait3A_1548[%dma_wait3A_1549, %dma_wait3A_1550] : memref<128x64xf32, #tpu.memory_space<vmem>> -> memref<125x64xf32, #tpu.memory_space<vmem>>
      tpu.wait_dma2 semaphore(%arg14 : memref<!tpu.dma_semaphore, #tpu.memory_space<semaphore_mem>>) src(%dma_wait3A_1551 : memref<125x64xf32, #tpu.memory_space<vmem>>) dst(%dma_wait3A_1544 : memref<125x64xf32, #tpu.memory_space<vmem_shared>>)
      %dma_wait3A_1552 = arith.constant 0 : i32
      %dma_wait3A_1553 = arith.constant 0 : i32
      %dma_wait3A_1554 = arith.constant 0 : i32
      %dma_wait3A_1555 = tpu.memref_slice %arg8[%dma_wait3A_1552, %dma_wait3A_1553, %dma_wait3A_1554] : memref<5x128x64xf32, #tpu.memory_space<vmem>> -> memref<1x128x64xf32, #tpu.memory_space<vmem>>
      %dma_wait3A_1556 = tpu.memref_squeeze %dma_wait3A_1555 : memref<1x128x64xf32, #tpu.memory_space<vmem>> -> memref<128x64xf32, #tpu.memory_space<vmem>>
      %dma_wait3A_1557 = arith.constant 0 : i32
      %dma_wait3A_1558 = arith.constant 0 : i32
      %dma_wait3A_1559 = tpu.memref_slice %dma_wait3A_1556[%dma_wait3A_1557, %dma_wait3A_1558] : memref<128x64xf32, #tpu.memory_space<vmem>> -> memref<125x64xf32, #tpu.memory_space<vmem>>
      %dma_wait3A_1560 = arith.constant 0 : i32
      %dma_wait3A_1561 = tpu.memref_slice %arg6[%add3A_1513, %dma_wait3A_1560] : memref<10016x64xf32, #tpu.memory_space<vmem_shared>> -> memref<125x64xf32, #tpu.memory_space<vmem_shared>>
      %dma_wait3A_1562 = arith.constant 0 : i32
      %dma_wait3A_1563 = tpu.memref_slice %arg6[%add3A_1513, %dma_wait3A_1562] : memref<10016x64xf32, #tpu.memory_space<vmem_shared>> -> memref<125x64xf32, #tpu.memory_space<vmem_shared>>
      %dma_wait3A_1564 = arith.constant 0 : i32
      %dma_wait3A_1565 = arith.constant 0 : i32
      %dma_wait3A_1566 = tpu.memref_slice %arg8[%dma_wait3A_1552, %dma_wait3A_1564, %dma_wait3A_1565] : memref<5x128x64xf32, #tpu.memory_space<vmem>> -> memref<1x128x64xf32, #tpu.memory_space<vmem>>
      %dma_wait3A_1567 = tpu.memref_squeeze %dma_wait3A_1566 : memref<1x128x64xf32, #tpu.memory_space<vmem>> -> memref<128x64xf32, #tpu.memory_space<vmem>>
      %dma_wait3A_1568 = arith.constant 0 : i32
      %dma_wait3A_1569 = arith.constant 0 : i32
      %dma_wait3A_1570 = tpu.memref_slice %dma_wait3A_1567[%dma_wait3A_1568, %dma_wait3A_1569] : memref<128x64xf32, #tpu.memory_space<vmem>> -> memref<125x64xf32, #tpu.memory_space<vmem>>
      tpu.wait_dma2 semaphore(%arg14 : memref<!tpu.dma_semaphore, #tpu.memory_space<semaphore_mem>>) src(%dma_wait3A_1570 : memref<125x64xf32, #tpu.memory_space<vmem>>) dst(%dma_wait3A_1563 : memref<125x64xf32, #tpu.memory_space<vmem_shared>>)
      %mul3A_1571 = arith.constant 625 : i32
      %mul3A_1572 = arith.muli %arg1, %mul3A_1571 : i32
      %add3A_1573 = arith.constant 375 : i32
      %add3A_1574 = arith.addi %mul3A_1572, %add3A_1573 : i32
      %dma_start3A_1575 = arith.constant 2 : i32
      %dma_start3A_1576 = arith.constant 0 : i32
      %dma_start3A_1577 = arith.constant 0 : i32
      %dma_start3A_1578 = tpu.memref_slice %arg8[%dma_start3A_1575, %dma_start3A_1576, %dma_start3A_1577] : memref<5x128x64xf32, #tpu.memory_space<vmem>> -> memref<1x128x64xf32, #tpu.memory_space<vmem>>
      %dma_start3A_1579 = tpu.memref_squeeze %dma_start3A_1578 : memref<1x128x64xf32, #tpu.memory_space<vmem>> -> memref<128x64xf32, #tpu.memory_space<vmem>>
      %dma_start3A_1580 = arith.constant 0 : i32
      %dma_start3A_1581 = arith.constant 0 : i32
      %dma_start3A_1582 = tpu.memref_slice %dma_start3A_1579[%dma_start3A_1580, %dma_start3A_1581] : memref<128x64xf32, #tpu.memory_space<vmem>> -> memref<125x64xf32, #tpu.memory_space<vmem>>
      %dma_start3A_1583 = arith.constant 0 : i32
      %dma_start3A_1584 = tpu.memref_slice %arg6[%add3A_1574, %dma_start3A_1583] : memref<10016x64xf32, #tpu.memory_space<vmem_shared>> -> memref<125x64xf32, #tpu.memory_space<vmem_shared>>
      %dma_start3A_1585 = arith.constant 0 : i32
      %dma_start3A_1586 = arith.constant 0 : i32
      %dma_start3A_1587 = tpu.memref_slice %arg8[%dma_start3A_1575, %dma_start3A_1585, %dma_start3A_1586] : memref<5x128x64xf32, #tpu.memory_space<vmem>> -> memref<1x128x64xf32, #tpu.memory_space<vmem>>
      %dma_start3A_1588 = tpu.memref_squeeze %dma_start3A_1587 : memref<1x128x64xf32, #tpu.memory_space<vmem>> -> memref<128x64xf32, #tpu.memory_space<vmem>>
      %dma_start3A_1589 = arith.constant 0 : i32
      %dma_start3A_1590 = arith.constant 0 : i32
      %dma_start3A_1591 = tpu.memref_slice %dma_start3A_1588[%dma_start3A_1589, %dma_start3A_1590] : memref<128x64xf32, #tpu.memory_space<vmem>> -> memref<125x64xf32, #tpu.memory_space<vmem>>
      %dma_start3A_1592 = arith.constant 0 : i32
      %dma_start3A_1593 = tpu.memref_slice %arg6[%add3A_1574, %dma_start3A_1592] : memref<10016x64xf32, #tpu.memory_space<vmem_shared>> -> memref<125x64xf32, #tpu.memory_space<vmem_shared>>
      tpu.enqueue_dma source(%dma_start3A_1593 : memref<125x64xf32, #tpu.memory_space<vmem_shared>>) target(%dma_start3A_1591 : memref<125x64xf32, #tpu.memory_space<vmem>>) target_semaphore(%arg12 : memref<!tpu.dma_semaphore, #tpu.memory_space<semaphore_mem>>)
      %scan3A_1594 = arith.constant 0 : i32
      %scan3A_1595 = arith.constant 1 : i32
      %scan3A_1596 = arith.constant 0 : i32
      %scan3A_1597 = arith.constant 125 : i32
      %scan3A_1598 = arith.addi %scan3A_1596, %scan3A_1597 : i32
      %scan3A_1599 = arith.constant 1 : i32
      scf.for %scan3A_2093 = %scan3A_1596 to %scan3A_1598 step %scan3A_1599  : i32 {
        %get3A_2094 = arith.constant 0 : i32
        %get3A_2095 = arith.constant 0 : i32
        %get3A_2096 = tpu.memref_slice %arg8[%scan3A_1595, %get3A_2094, %get3A_2095] : memref<5x128x64xf32, #tpu.memory_space<vmem>> -> memref<1x128x64xf32, #tpu.memory_space<vmem>>
        %get3A_2097 = tpu.memref_squeeze %get3A_2096 : memref<1x128x64xf32, #tpu.memory_space<vmem>> -> memref<128x64xf32, #tpu.memory_space<vmem>>
        %get3A_2098 = arith.index_cast %scan3A_2093 : i32 to index
        %get3A_2099 = arith.constant 0 : index
        %get3A_2100 = tpu.vector_load %get3A_2097[%get3A_2098, %get3A_2099] {strides = array<i32>} : memref<128x64xf32, #tpu.memory_space<vmem>>, vector<1x16xf32>,
        %get3A_2101 = vector.shape_cast %get3A_2100 : vector<1x16xf32> to vector<16xf32>
        %mul3A_2102 = arith.mulf %get3A_2101, %get3A_1162 : vector<16xf32>
        %swap3A = arith.constant 0 : i32
        %swap3A_2103 = arith.constant 0 : i32
        %swap3A_2104 = tpu.memref_slice %arg8[%scan3A_1595, %swap3A, %swap3A_2103] : memref<5x128x64xf32, #tpu.memory_space<vmem>> -> memref<1x128x64xf32, #tpu.memory_space<vmem>>
        %swap3A_2105 = tpu.memref_squeeze %swap3A_2104 : memref<1x128x64xf32, #tpu.memory_space<vmem>> -> memref<128x64xf32, #tpu.memory_space<vmem>>
        %swap3A_2106 = arith.index_cast %scan3A_2093 : i32 to index
        %swap3A_2107 = arith.constant 0 : index
        %swap3A_2108 = tpu.vector_load %swap3A_2105[%swap3A_2106, %swap3A_2107] {strides = array<i32>} : memref<128x64xf32, #tpu.memory_space<vmem>>, vector<1x16xf32>,
        %swap3A_2109 = vector.shape_cast %swap3A_2108 : vector<1x16xf32> to vector<16xf32>
        %swap3A_2110 = vector.shape_cast %mul3A_2102 : vector<16xf32> to vector<1x16xf32>
        tpu.vector_store %swap3A_2105[%swap3A_2106, %swap3A_2107], %swap3A_2110 {strides = array<i32>} : memref<128x64xf32, #tpu.memory_space<vmem>>, vector<1x16xf32>,
        %get3A_2111 = arith.constant 0 : i32
        %get3A_2112 = arith.constant 0 : i32
        %get3A_2113 = tpu.memref_slice %arg8[%scan3A_1595, %get3A_2111, %get3A_2112] : memref<5x128x64xf32, #tpu.memory_space<vmem>> -> memref<1x128x64xf32, #tpu.memory_space<vmem>>
        %get3A_2114 = tpu.memref_squeeze %get3A_2113 : memref<1x128x64xf32, #tpu.memory_space<vmem>> -> memref<128x64xf32, #tpu.memory_space<vmem>>
        %get3A_2115 = arith.index_cast %scan3A_2093 : i32 to index
        %get3A_2116 = arith.constant 16 : index
        %get3A_2117 = tpu.vector_load %get3A_2114[%get3A_2115, %get3A_2116] {strides = array<i32>} : memref<128x64xf32, #tpu.memory_space<vmem>>, vector<1x16xf32>,
        %get3A_2118 = vector.shape_cast %get3A_2117 : vector<1x16xf32> to vector<16xf32>
        %mul3A_2119 = arith.mulf %get3A_2118, %get3A_1166 : vector<16xf32>
        %swap3A_2120 = arith.constant 0 : i32
        %swap3A_2121 = arith.constant 0 : i32
        %swap3A_2122 = tpu.memref_slice %arg8[%scan3A_1595, %swap3A_2120, %swap3A_2121] : memref<5x128x64xf32, #tpu.memory_space<vmem>> -> memref<1x128x64xf32, #tpu.memory_space<vmem>>
        %swap3A_2123 = tpu.memref_squeeze %swap3A_2122 : memref<1x128x64xf32, #tpu.memory_space<vmem>> -> memref<128x64xf32, #tpu.memory_space<vmem>>
        %swap3A_2124 = arith.index_cast %scan3A_2093 : i32 to index
        %swap3A_2125 = arith.constant 16 : index
        %swap3A_2126 = tpu.vector_load %swap3A_2123[%swap3A_2124, %swap3A_2125] {strides = array<i32>} : memref<128x64xf32, #tpu.memory_space<vmem>>, vector<1x16xf32>,
        %swap3A_2127 = vector.shape_cast %swap3A_2126 : vector<1x16xf32> to vector<16xf32>
        %swap3A_2128 = vector.shape_cast %mul3A_2119 : vector<16xf32> to vector<1x16xf32>
        tpu.vector_store %swap3A_2123[%swap3A_2124, %swap3A_2125], %swap3A_2128 {strides = array<i32>} : memref<128x64xf32, #tpu.memory_space<vmem>>, vector<1x16xf32>,
        %get3A_2129 = arith.constant 0 : i32
        %get3A_2130 = arith.constant 0 : i32
        %get3A_2131 = tpu.memref_slice %arg8[%scan3A_1595, %get3A_2129, %get3A_2130] : memref<5x128x64xf32, #tpu.memory_space<vmem>> -> memref<1x128x64xf32, #tpu.memory_space<vmem>>
        %get3A_2132 = tpu.memref_squeeze %get3A_2131 : memref<1x128x64xf32, #tpu.memory_space<vmem>> -> memref<128x64xf32, #tpu.memory_space<vmem>>
        %get3A_2133 = arith.index_cast %scan3A_2093 : i32 to index
        %get3A_2134 = arith.constant 32 : index
        %get3A_2135 = tpu.vector_load %get3A_2132[%get3A_2133, %get3A_2134] {strides = array<i32>} : memref<128x64xf32, #tpu.memory_space<vmem>>, vector<1x16xf32>,
        %get3A_2136 = vector.shape_cast %get3A_2135 : vector<1x16xf32> to vector<16xf32>
        %mul3A_2137 = arith.mulf %get3A_2136, %get3A_1170 : vector<16xf32>
        %swap3A_2138 = arith.constant 0 : i32
        %swap3A_2139 = arith.constant 0 : i32
        %swap3A_2140 = tpu.memref_slice %arg8[%scan3A_1595, %swap3A_2138, %swap3A_2139] : memref<5x128x64xf32, #tpu.memory_space<vmem>> -> memref<1x128x64xf32, #tpu.memory_space<vmem>>
        %swap3A_2141 = tpu.memref_squeeze %swap3A_2140 : memref<1x128x64xf32, #tpu.memory_space<vmem>> -> memref<128x64xf32, #tpu.memory_space<vmem>>
        %swap3A_2142 = arith.index_cast %scan3A_2093 : i32 to index
        %swap3A_2143 = arith.constant 32 : index
        %swap3A_2144 = tpu.vector_load %swap3A_2141[%swap3A_2142, %swap3A_2143] {strides = array<i32>} : memref<128x64xf32, #tpu.memory_space<vmem>>, vector<1x16xf32>,
        %swap3A_2145 = vector.shape_cast %swap3A_2144 : vector<1x16xf32> to vector<16xf32>
        %swap3A_2146 = vector.shape_cast %mul3A_2137 : vector<16xf32> to vector<1x16xf32>
        tpu.vector_store %swap3A_2141[%swap3A_2142, %swap3A_2143], %swap3A_2146 {strides = array<i32>} : memref<128x64xf32, #tpu.memory_space<vmem>>, vector<1x16xf32>,
        %get3A_2147 = arith.constant 0 : i32
        %get3A_2148 = arith.constant 0 : i32
        %get3A_2149 = tpu.memref_slice %arg8[%scan3A_1595, %get3A_2147, %get3A_2148] : memref<5x128x64xf32, #tpu.memory_space<vmem>> -> memref<1x128x64xf32, #tpu.memory_space<vmem>>
        %get3A_2150 = tpu.memref_squeeze %get3A_2149 : memref<1x128x64xf32, #tpu.memory_space<vmem>> -> memref<128x64xf32, #tpu.memory_space<vmem>>
        %get3A_2151 = arith.index_cast %scan3A_2093 : i32 to index
        %get3A_2152 = arith.constant 48 : index
        %get3A_2153 = tpu.vector_load %get3A_2150[%get3A_2151, %get3A_2152] {strides = array<i32>} : memref<128x64xf32, #tpu.memory_space<vmem>>, vector<1x16xf32>,
        %get3A_2154 = vector.shape_cast %get3A_2153 : vector<1x16xf32> to vector<16xf32>
        %mul3A_2155 = arith.mulf %get3A_2154, %get3A_1174 : vector<16xf32>
        %swap3A_2156 = arith.constant 0 : i32
        %swap3A_2157 = arith.constant 0 : i32
        %swap3A_2158 = tpu.memref_slice %arg8[%scan3A_1595, %swap3A_2156, %swap3A_2157] : memref<5x128x64xf32, #tpu.memory_space<vmem>> -> memref<1x128x64xf32, #tpu.memory_space<vmem>>
        %swap3A_2159 = tpu.memref_squeeze %swap3A_2158 : memref<1x128x64xf32, #tpu.memory_space<vmem>> -> memref<128x64xf32, #tpu.memory_space<vmem>>
        %swap3A_2160 = arith.index_cast %scan3A_2093 : i32 to index
        %swap3A_2161 = arith.constant 48 : index
        %swap3A_2162 = tpu.vector_load %swap3A_2159[%swap3A_2160, %swap3A_2161] {strides = array<i32>} : memref<128x64xf32, #tpu.memory_space<vmem>>, vector<1x16xf32>,
        %swap3A_2163 = vector.shape_cast %swap3A_2162 : vector<1x16xf32> to vector<16xf32>
        %swap3A_2164 = vector.shape_cast %mul3A_2155 : vector<16xf32> to vector<1x16xf32>
        tpu.vector_store %swap3A_2159[%swap3A_2160, %swap3A_2161], %swap3A_2164 {strides = array<i32>} : memref<128x64xf32, #tpu.memory_space<vmem>>, vector<1x16xf32>,
      }
      %scan3A_1600 = arith.constant 125 : i32
      %mul3A_1601 = arith.constant 625 : i32
      %mul3A_1602 = arith.muli %arg1, %mul3A_1601 : i32
      %add3A_1603 = arith.constant 250 : i32
      %add3A_1604 = arith.addi %mul3A_1602, %add3A_1603 : i32
      %dma_start3A_1605 = arith.constant 1 : i32
      %dma_start3A_1606 = arith.constant 0 : i32
      %dma_start3A_1607 = arith.constant 0 : i32
      %dma_start3A_1608 = tpu.memref_slice %arg8[%dma_start3A_1605, %dma_start3A_1606, %dma_start3A_1607] : memref<5x128x64xf32, #tpu.memory_space<vmem>> -> memref<1x128x64xf32, #tpu.memory_space<vmem>>
      %dma_start3A_1609 = tpu.memref_squeeze %dma_start3A_1608 : memref<1x128x64xf32, #tpu.memory_space<vmem>> -> memref<128x64xf32, #tpu.memory_space<vmem>>
      %dma_start3A_1610 = arith.constant 0 : i32
      %dma_start3A_1611 = arith.constant 0 : i32
      %dma_start3A_1612 = tpu.memref_slice %dma_start3A_1609[%dma_start3A_1610, %dma_start3A_1611] : memref<128x64xf32, #tpu.memory_space<vmem>> -> memref<125x64xf32, #tpu.memory_space<vmem>>
      %dma_start3A_1613 = tpu.memref_slice %arg5[%add3A_1604, %scan3A_936, %mul3A_0] : memref<10000x11x128xf32, #tpu.memory_space<hbm>> -> memref<125x1x64xf32, #tpu.memory_space<hbm>>
      %dma_start3A_1614 = tpu.memref_squeeze %dma_start3A_1613 : memref<125x1x64xf32, #tpu.memory_space<hbm>> -> memref<125x64xf32, #tpu.memory_space<hbm>>
      %dma_start3A_1615 = tpu.memref_slice %arg5[%add3A_1604, %scan3A_936, %mul3A_0] : memref<10000x11x128xf32, #tpu.memory_space<hbm>> -> memref<125x1x64xf32, #tpu.memory_space<hbm>>
      %dma_start3A_1616 = tpu.memref_squeeze %dma_start3A_1615 : memref<125x1x64xf32, #tpu.memory_space<hbm>> -> memref<125x64xf32, #tpu.memory_space<hbm>>
      %dma_start3A_1617 = arith.constant 0 : i32
      %dma_start3A_1618 = arith.constant 0 : i32
      %dma_start3A_1619 = tpu.memref_slice %arg8[%dma_start3A_1605, %dma_start3A_1617, %dma_start3A_1618] : memref<5x128x64xf32, #tpu.memory_space<vmem>> -> memref<1x128x64xf32, #tpu.memory_space<vmem>>
      %dma_start3A_1620 = tpu.memref_squeeze %dma_start3A_1619 : memref<1x128x64xf32, #tpu.memory_space<vmem>> -> memref<128x64xf32, #tpu.memory_space<vmem>>
      %dma_start3A_1621 = arith.constant 0 : i32
      %dma_start3A_1622 = arith.constant 0 : i32
      %dma_start3A_1623 = tpu.memref_slice %dma_start3A_1620[%dma_start3A_1621, %dma_start3A_1622] : memref<128x64xf32, #tpu.memory_space<vmem>> -> memref<125x64xf32, #tpu.memory_space<vmem>>
      tpu.enqueue_dma source(%dma_start3A_1623 : memref<125x64xf32, #tpu.memory_space<vmem>>) target(%dma_start3A_1616 : memref<125x64xf32, #tpu.memory_space<hbm>>) target_semaphore(%arg13 : memref<!tpu.dma_semaphore, #tpu.memory_space<semaphore_mem>>)
      %dma_start3A_1624 = arith.constant 1 : i32
      %dma_start3A_1625 = arith.constant 0 : i32
      %dma_start3A_1626 = arith.constant 0 : i32
      %dma_start3A_1627 = tpu.memref_slice %arg8[%dma_start3A_1624, %dma_start3A_1625, %dma_start3A_1626] : memref<5x128x64xf32, #tpu.memory_space<vmem>> -> memref<1x128x64xf32, #tpu.memory_space<vmem>>
      %dma_start3A_1628 = tpu.memref_squeeze %dma_start3A_1627 : memref<1x128x64xf32, #tpu.memory_space<vmem>> -> memref<128x64xf32, #tpu.memory_space<vmem>>
      %dma_start3A_1629 = arith.constant 0 : i32
      %dma_start3A_1630 = arith.constant 0 : i32
      %dma_start3A_1631 = tpu.memref_slice %dma_start3A_1628[%dma_start3A_1629, %dma_start3A_1630] : memref<128x64xf32, #tpu.memory_space<vmem>> -> memref<125x64xf32, #tpu.memory_space<vmem>>
      %dma_start3A_1632 = arith.constant 0 : i32
      %dma_start3A_1633 = tpu.memref_slice %arg7[%add3A_1604, %dma_start3A_1632] : memref<10000x64xf32, #tpu.memory_space<vmem_shared>> -> memref<125x64xf32, #tpu.memory_space<vmem_shared>>
      %dma_start3A_1634 = arith.constant 0 : i32
      %dma_start3A_1635 = tpu.memref_slice %arg7[%add3A_1604, %dma_start3A_1634] : memref<10000x64xf32, #tpu.memory_space<vmem_shared>> -> memref<125x64xf32, #tpu.memory_space<vmem_shared>>
      %dma_start3A_1636 = arith.constant 0 : i32
      %dma_start3A_1637 = arith.constant 0 : i32
      %dma_start3A_1638 = tpu.memref_slice %arg8[%dma_start3A_1624, %dma_start3A_1636, %dma_start3A_1637] : memref<5x128x64xf32, #tpu.memory_space<vmem>> -> memref<1x128x64xf32, #tpu.memory_space<vmem>>
      %dma_start3A_1639 = tpu.memref_squeeze %dma_start3A_1638 : memref<1x128x64xf32, #tpu.memory_space<vmem>> -> memref<128x64xf32, #tpu.memory_space<vmem>>
      %dma_start3A_1640 = arith.constant 0 : i32
      %dma_start3A_1641 = arith.constant 0 : i32
      %dma_start3A_1642 = tpu.memref_slice %dma_start3A_1639[%dma_start3A_1640, %dma_start3A_1641] : memref<128x64xf32, #tpu.memory_space<vmem>> -> memref<125x64xf32, #tpu.memory_space<vmem>>
      tpu.enqueue_dma source(%dma_start3A_1642 : memref<125x64xf32, #tpu.memory_space<vmem>>) target(%dma_start3A_1635 : memref<125x64xf32, #tpu.memory_space<vmem_shared>>) target_semaphore(%arg14 : memref<!tpu.dma_semaphore, #tpu.memory_space<semaphore_mem>>)
      %dma_start3A_1643 = arith.constant 0 : i32
      %dma_start3A_1644 = arith.constant 0 : i32
      %dma_start3A_1645 = arith.constant 0 : i32
      %dma_start3A_1646 = tpu.memref_slice %arg8[%dma_start3A_1643, %dma_start3A_1644, %dma_start3A_1645] : memref<5x128x64xf32, #tpu.memory_space<vmem>> -> memref<1x128x64xf32, #tpu.memory_space<vmem>>
      %dma_start3A_1647 = tpu.memref_squeeze %dma_start3A_1646 : memref<1x128x64xf32, #tpu.memory_space<vmem>> -> memref<128x64xf32, #tpu.memory_space<vmem>>
      %dma_start3A_1648 = arith.constant 0 : i32
      %dma_start3A_1649 = arith.constant 0 : i32
      %dma_start3A_1650 = tpu.memref_slice %dma_start3A_1647[%dma_start3A_1648, %dma_start3A_1649] : memref<128x64xf32, #tpu.memory_space<vmem>> -> memref<125x64xf32, #tpu.memory_space<vmem>>
      %dma_start3A_1651 = arith.constant 0 : i32
      %dma_start3A_1652 = tpu.memref_slice %arg6[%add3A_1604, %dma_start3A_1651] : memref<10016x64xf32, #tpu.memory_space<vmem_shared>> -> memref<125x64xf32, #tpu.memory_space<vmem_shared>>
      %dma_start3A_1653 = arith.constant 0 : i32
      %dma_start3A_1654 = tpu.memref_slice %arg6[%add3A_1604, %dma_start3A_1653] : memref<10016x64xf32, #tpu.memory_space<vmem_shared>> -> memref<125x64xf32, #tpu.memory_space<vmem_shared>>
      %dma_start3A_1655 = arith.constant 0 : i32
      %dma_start3A_1656 = arith.constant 0 : i32
      %dma_start3A_1657 = tpu.memref_slice %arg8[%dma_start3A_1643, %dma_start3A_1655, %dma_start3A_1656] : memref<5x128x64xf32, #tpu.memory_space<vmem>> -> memref<1x128x64xf32, #tpu.memory_space<vmem>>
      %dma_start3A_1658 = tpu.memref_squeeze %dma_start3A_1657 : memref<1x128x64xf32, #tpu.memory_space<vmem>> -> memref<128x64xf32, #tpu.memory_space<vmem>>
      %dma_start3A_1659 = arith.constant 0 : i32
      %dma_start3A_1660 = arith.constant 0 : i32
      %dma_start3A_1661 = tpu.memref_slice %dma_start3A_1658[%dma_start3A_1659, %dma_start3A_1660] : memref<128x64xf32, #tpu.memory_space<vmem>> -> memref<125x64xf32, #tpu.memory_space<vmem>>
      tpu.enqueue_dma source(%dma_start3A_1661 : memref<125x64xf32, #tpu.memory_space<vmem>>) target(%dma_start3A_1654 : memref<125x64xf32, #tpu.memory_space<vmem_shared>>) target_semaphore(%arg14 : memref<!tpu.dma_semaphore, #tpu.memory_space<semaphore_mem>>)
      %mul3A_1662 = arith.constant 625 : i32
      %mul3A_1663 = arith.muli %arg1, %mul3A_1662 : i32
      %add3A_1664 = arith.constant 375 : i32
      %add3A_1665 = arith.addi %mul3A_1663, %add3A_1664 : i32
      %dma_wait3A_1666 = arith.constant 2 : i32
      %dma_wait3A_1667 = arith.constant 0 : i32
      %dma_wait3A_1668 = arith.constant 0 : i32
      %dma_wait3A_1669 = tpu.memref_slice %arg8[%dma_wait3A_1666, %dma_wait3A_1667, %dma_wait3A_1668] : memref<5x128x64xf32, #tpu.memory_space<vmem>> -> memref<1x128x64xf32, #tpu.memory_space<vmem>>
      %dma_wait3A_1670 = tpu.memref_squeeze %dma_wait3A_1669 : memref<1x128x64xf32, #tpu.memory_space<vmem>> -> memref<128x64xf32, #tpu.memory_space<vmem>>
      %dma_wait3A_1671 = arith.constant 0 : i32
      %dma_wait3A_1672 = arith.constant 0 : i32
      %dma_wait3A_1673 = tpu.memref_slice %dma_wait3A_1670[%dma_wait3A_1671, %dma_wait3A_1672] : memref<128x64xf32, #tpu.memory_space<vmem>> -> memref<125x64xf32, #tpu.memory_space<vmem>>
      %dma_wait3A_1674 = arith.constant 0 : i32
      %dma_wait3A_1675 = tpu.memref_slice %arg6[%add3A_1665, %dma_wait3A_1674] : memref<10016x64xf32, #tpu.memory_space<vmem_shared>> -> memref<125x64xf32, #tpu.memory_space<vmem_shared>>
      %dma_wait3A_1676 = arith.constant 0 : i32
      %dma_wait3A_1677 = arith.constant 0 : i32
      %dma_wait3A_1678 = tpu.memref_slice %arg8[%dma_wait3A_1666, %dma_wait3A_1676, %dma_wait3A_1677] : memref<5x128x64xf32, #tpu.memory_space<vmem>> -> memref<1x128x64xf32, #tpu.memory_space<vmem>>
      %dma_wait3A_1679 = tpu.memref_squeeze %dma_wait3A_1678 : memref<1x128x64xf32, #tpu.memory_space<vmem>> -> memref<128x64xf32, #tpu.memory_space<vmem>>
      %dma_wait3A_1680 = arith.constant 0 : i32
      %dma_wait3A_1681 = arith.constant 0 : i32
      %dma_wait3A_1682 = tpu.memref_slice %dma_wait3A_1679[%dma_wait3A_1680, %dma_wait3A_1681] : memref<128x64xf32, #tpu.memory_space<vmem>> -> memref<125x64xf32, #tpu.memory_space<vmem>>
      %dma_wait3A_1683 = arith.constant 0 : i32
      %dma_wait3A_1684 = tpu.memref_slice %arg6[%add3A_1665, %dma_wait3A_1683] : memref<10016x64xf32, #tpu.memory_space<vmem_shared>> -> memref<125x64xf32, #tpu.memory_space<vmem_shared>>
      tpu.wait_dma2 semaphore(%arg12 : memref<!tpu.dma_semaphore, #tpu.memory_space<semaphore_mem>>) src(%dma_wait3A_1684 : memref<125x64xf32, #tpu.memory_space<vmem_shared>>) dst(%dma_wait3A_1682 : memref<125x64xf32, #tpu.memory_space<vmem>>)
      %mul3A_1685 = arith.constant 625 : i32
      %mul3A_1686 = arith.muli %arg1, %mul3A_1685 : i32
      %add3A_1687 = arith.constant 250 : i32
      %add3A_1688 = arith.addi %mul3A_1686, %add3A_1687 : i32
      %dma_wait3A_1689 = arith.constant 1 : i32
      %dma_wait3A_1690 = arith.constant 0 : i32
      %dma_wait3A_1691 = arith.constant 0 : i32
      %dma_wait3A_1692 = tpu.memref_slice %arg8[%dma_wait3A_1689, %dma_wait3A_1690, %dma_wait3A_1691] : memref<5x128x64xf32, #tpu.memory_space<vmem>> -> memref<1x128x64xf32, #tpu.memory_space<vmem>>
      %dma_wait3A_1693 = tpu.memref_squeeze %dma_wait3A_1692 : memref<1x128x64xf32, #tpu.memory_space<vmem>> -> memref<128x64xf32, #tpu.memory_space<vmem>>
      %dma_wait3A_1694 = arith.constant 0 : i32
      %dma_wait3A_1695 = arith.constant 0 : i32
      %dma_wait3A_1696 = tpu.memref_slice %dma_wait3A_1693[%dma_wait3A_1694, %dma_wait3A_1695] : memref<128x64xf32, #tpu.memory_space<vmem>> -> memref<125x64xf32, #tpu.memory_space<vmem>>
      %dma_wait3A_1697 = tpu.memref_slice %arg5[%add3A_1688, %scan3A_936, %mul3A_0] : memref<10000x11x128xf32, #tpu.memory_space<hbm>> -> memref<125x1x64xf32, #tpu.memory_space<hbm>>
      %dma_wait3A_1698 = tpu.memref_squeeze %dma_wait3A_1697 : memref<125x1x64xf32, #tpu.memory_space<hbm>> -> memref<125x64xf32, #tpu.memory_space<hbm>>
      %dma_wait3A_1699 = tpu.memref_slice %arg5[%add3A_1688, %scan3A_936, %mul3A_0] : memref<10000x11x128xf32, #tpu.memory_space<hbm>> -> memref<125x1x64xf32, #tpu.memory_space<hbm>>
      %dma_wait3A_1700 = tpu.memref_squeeze %dma_wait3A_1699 : memref<125x1x64xf32, #tpu.memory_space<hbm>> -> memref<125x64xf32, #tpu.memory_space<hbm>>
      %dma_wait3A_1701 = arith.constant 0 : i32
      %dma_wait3A_1702 = arith.constant 0 : i32
      %dma_wait3A_1703 = tpu.memref_slice %arg8[%dma_wait3A_1689, %dma_wait3A_1701, %dma_wait3A_1702] : memref<5x128x64xf32, #tpu.memory_space<vmem>> -> memref<1x128x64xf32, #tpu.memory_space<vmem>>
      %dma_wait3A_1704 = tpu.memref_squeeze %dma_wait3A_1703 : memref<1x128x64xf32, #tpu.memory_space<vmem>> -> memref<128x64xf32, #tpu.memory_space<vmem>>
      %dma_wait3A_1705 = arith.constant 0 : i32
      %dma_wait3A_1706 = arith.constant 0 : i32
      %dma_wait3A_1707 = tpu.memref_slice %dma_wait3A_1704[%dma_wait3A_1705, %dma_wait3A_1706] : memref<128x64xf32, #tpu.memory_space<vmem>> -> memref<125x64xf32, #tpu.memory_space<vmem>>
      tpu.wait_dma2 semaphore(%arg13 : memref<!tpu.dma_semaphore, #tpu.memory_space<semaphore_mem>>) src(%dma_wait3A_1707 : memref<125x64xf32, #tpu.memory_space<vmem>>) dst(%dma_wait3A_1700 : memref<125x64xf32, #tpu.memory_space<hbm>>)
      %dma_wait3A_1708 = arith.constant 1 : i32
      %dma_wait3A_1709 = arith.constant 0 : i32
      %dma_wait3A_1710 = arith.constant 0 : i32
      %dma_wait3A_1711 = tpu.memref_slice %arg8[%dma_wait3A_1708, %dma_wait3A_1709, %dma_wait3A_1710] : memref<5x128x64xf32, #tpu.memory_space<vmem>> -> memref<1x128x64xf32, #tpu.memory_space<vmem>>
      %dma_wait3A_1712 = tpu.memref_squeeze %dma_wait3A_1711 : memref<1x128x64xf32, #tpu.memory_space<vmem>> -> memref<128x64xf32, #tpu.memory_space<vmem>>
      %dma_wait3A_1713 = arith.constant 0 : i32
      %dma_wait3A_1714 = arith.constant 0 : i32
      %dma_wait3A_1715 = tpu.memref_slice %dma_wait3A_1712[%dma_wait3A_1713, %dma_wait3A_1714] : memref<128x64xf32, #tpu.memory_space<vmem>> -> memref<125x64xf32, #tpu.memory_space<vmem>>
      %dma_wait3A_1716 = arith.constant 0 : i32
      %dma_wait3A_1717 = tpu.memref_slice %arg7[%add3A_1688, %dma_wait3A_1716] : memref<10000x64xf32, #tpu.memory_space<vmem_shared>> -> memref<125x64xf32, #tpu.memory_space<vmem_shared>>
      %dma_wait3A_1718 = arith.constant 0 : i32
      %dma_wait3A_1719 = tpu.memref_slice %arg7[%add3A_1688, %dma_wait3A_1718] : memref<10000x64xf32, #tpu.memory_space<vmem_shared>> -> memref<125x64xf32, #tpu.memory_space<vmem_shared>>
      %dma_wait3A_1720 = arith.constant 0 : i32
      %dma_wait3A_1721 = arith.constant 0 : i32
      %dma_wait3A_1722 = tpu.memref_slice %arg8[%dma_wait3A_1708, %dma_wait3A_1720, %dma_wait3A_1721] : memref<5x128x64xf32, #tpu.memory_space<vmem>> -> memref<1x128x64xf32, #tpu.memory_space<vmem>>
      %dma_wait3A_1723 = tpu.memref_squeeze %dma_wait3A_1722 : memref<1x128x64xf32, #tpu.memory_space<vmem>> -> memref<128x64xf32, #tpu.memory_space<vmem>>
      %dma_wait3A_1724 = arith.constant 0 : i32
      %dma_wait3A_1725 = arith.constant 0 : i32
      %dma_wait3A_1726 = tpu.memref_slice %dma_wait3A_1723[%dma_wait3A_1724, %dma_wait3A_1725] : memref<128x64xf32, #tpu.memory_space<vmem>> -> memref<125x64xf32, #tpu.memory_space<vmem>>
      tpu.wait_dma2 semaphore(%arg14 : memref<!tpu.dma_semaphore, #tpu.memory_space<semaphore_mem>>) src(%dma_wait3A_1726 : memref<125x64xf32, #tpu.memory_space<vmem>>) dst(%dma_wait3A_1719 : memref<125x64xf32, #tpu.memory_space<vmem_shared>>)
      %dma_wait3A_1727 = arith.constant 0 : i32
      %dma_wait3A_1728 = arith.constant 0 : i32
      %dma_wait3A_1729 = arith.constant 0 : i32
      %dma_wait3A_1730 = tpu.memref_slice %arg8[%dma_wait3A_1727, %dma_wait3A_1728, %dma_wait3A_1729] : memref<5x128x64xf32, #tpu.memory_space<vmem>> -> memref<1x128x64xf32, #tpu.memory_space<vmem>>
      %dma_wait3A_1731 = tpu.memref_squeeze %dma_wait3A_1730 : memref<1x128x64xf32, #tpu.memory_space<vmem>> -> memref<128x64xf32, #tpu.memory_space<vmem>>
      %dma_wait3A_1732 = arith.constant 0 : i32
      %dma_wait3A_1733 = arith.constant 0 : i32
      %dma_wait3A_1734 = tpu.memref_slice %dma_wait3A_1731[%dma_wait3A_1732, %dma_wait3A_1733] : memref<128x64xf32, #tpu.memory_space<vmem>> -> memref<125x64xf32, #tpu.memory_space<vmem>>
      %dma_wait3A_1735 = arith.constant 0 : i32
      %dma_wait3A_1736 = tpu.memref_slice %arg6[%add3A_1688, %dma_wait3A_1735] : memref<10016x64xf32, #tpu.memory_space<vmem_shared>> -> memref<125x64xf32, #tpu.memory_space<vmem_shared>>
      %dma_wait3A_1737 = arith.constant 0 : i32
      %dma_wait3A_1738 = tpu.memref_slice %arg6[%add3A_1688, %dma_wait3A_1737] : memref<10016x64xf32, #tpu.memory_space<vmem_shared>> -> memref<125x64xf32, #tpu.memory_space<vmem_shared>>
      %dma_wait3A_1739 = arith.constant 0 : i32
      %dma_wait3A_1740 = arith.constant 0 : i32
      %dma_wait3A_1741 = tpu.memref_slice %arg8[%dma_wait3A_1727, %dma_wait3A_1739, %dma_wait3A_1740] : memref<5x128x64xf32, #tpu.memory_space<vmem>> -> memref<1x128x64xf32, #tpu.memory_space<vmem>>
      %dma_wait3A_1742 = tpu.memref_squeeze %dma_wait3A_1741 : memref<1x128x64xf32, #tpu.memory_space<vmem>> -> memref<128x64xf32, #tpu.memory_space<vmem>>
      %dma_wait3A_1743 = arith.constant 0 : i32
      %dma_wait3A_1744 = arith.constant 0 : i32
      %dma_wait3A_1745 = tpu.memref_slice %dma_wait3A_1742[%dma_wait3A_1743, %dma_wait3A_1744] : memref<128x64xf32, #tpu.memory_space<vmem>> -> memref<125x64xf32, #tpu.memory_space<vmem>>
      tpu.wait_dma2 semaphore(%arg14 : memref<!tpu.dma_semaphore, #tpu.memory_space<semaphore_mem>>) src(%dma_wait3A_1745 : memref<125x64xf32, #tpu.memory_space<vmem>>) dst(%dma_wait3A_1738 : memref<125x64xf32, #tpu.memory_space<vmem_shared>>)
      %mul3A_1746 = arith.constant 625 : i32
      %mul3A_1747 = arith.muli %arg1, %mul3A_1746 : i32
      %add3A_1748 = arith.constant 500 : i32
      %add3A_1749 = arith.addi %mul3A_1747, %add3A_1748 : i32
      %dma_start3A_1750 = arith.constant 1 : i32
      %dma_start3A_1751 = arith.constant 0 : i32
      %dma_start3A_1752 = arith.constant 0 : i32
      %dma_start3A_1753 = tpu.memref_slice %arg8[%dma_start3A_1750, %dma_start3A_1751, %dma_start3A_1752] : memref<5x128x64xf32, #tpu.memory_space<vmem>> -> memref<1x128x64xf32, #tpu.memory_space<vmem>>
      %dma_start3A_1754 = tpu.memref_squeeze %dma_start3A_1753 : memref<1x128x64xf32, #tpu.memory_space<vmem>> -> memref<128x64xf32, #tpu.memory_space<vmem>>
      %dma_start3A_1755 = arith.constant 0 : i32
      %dma_start3A_1756 = arith.constant 0 : i32
      %dma_start3A_1757 = tpu.memref_slice %dma_start3A_1754[%dma_start3A_1755, %dma_start3A_1756] : memref<128x64xf32, #tpu.memory_space<vmem>> -> memref<125x64xf32, #tpu.memory_space<vmem>>
      %dma_start3A_1758 = arith.constant 0 : i32
      %dma_start3A_1759 = tpu.memref_slice %arg6[%add3A_1749, %dma_start3A_1758] : memref<10016x64xf32, #tpu.memory_space<vmem_shared>> -> memref<125x64xf32, #tpu.memory_space<vmem_shared>>
      %dma_start3A_1760 = arith.constant 0 : i32
      %dma_start3A_1761 = arith.constant 0 : i32
      %dma_start3A_1762 = tpu.memref_slice %arg8[%dma_start3A_1750, %dma_start3A_1760, %dma_start3A_1761] : memref<5x128x64xf32, #tpu.memory_space<vmem>> -> memref<1x128x64xf32, #tpu.memory_space<vmem>>
      %dma_start3A_1763 = tpu.memref_squeeze %dma_start3A_1762 : memref<1x128x64xf32, #tpu.memory_space<vmem>> -> memref<128x64xf32, #tpu.memory_space<vmem>>
      %dma_start3A_1764 = arith.constant 0 : i32
      %dma_start3A_1765 = arith.constant 0 : i32
      %dma_start3A_1766 = tpu.memref_slice %dma_start3A_1763[%dma_start3A_1764, %dma_start3A_1765] : memref<128x64xf32, #tpu.memory_space<vmem>> -> memref<125x64xf32, #tpu.memory_space<vmem>>
      %dma_start3A_1767 = arith.constant 0 : i32
      %dma_start3A_1768 = tpu.memref_slice %arg6[%add3A_1749, %dma_start3A_1767] : memref<10016x64xf32, #tpu.memory_space<vmem_shared>> -> memref<125x64xf32, #tpu.memory_space<vmem_shared>>
      tpu.enqueue_dma source(%dma_start3A_1768 : memref<125x64xf32, #tpu.memory_space<vmem_shared>>) target(%dma_start3A_1766 : memref<125x64xf32, #tpu.memory_space<vmem>>) target_semaphore(%arg12 : memref<!tpu.dma_semaphore, #tpu.memory_space<semaphore_mem>>)
      %scan3A_1769 = arith.constant 0 : i32
      %scan3A_1770 = arith.constant 2 : i32
      %scan3A_1771 = arith.constant 0 : i32
      %scan3A_1772 = arith.constant 125 : i32
      %scan3A_1773 = arith.addi %scan3A_1771, %scan3A_1772 : i32
      %scan3A_1774 = arith.constant 1 : i32
      scf.for %scan3A_2093 = %scan3A_1771 to %scan3A_1773 step %scan3A_1774  : i32 {
        %get3A_2094 = arith.constant 0 : i32
        %get3A_2095 = arith.constant 0 : i32
        %get3A_2096 = tpu.memref_slice %arg8[%scan3A_1770, %get3A_2094, %get3A_2095] : memref<5x128x64xf32, #tpu.memory_space<vmem>> -> memref<1x128x64xf32, #tpu.memory_space<vmem>>
        %get3A_2097 = tpu.memref_squeeze %get3A_2096 : memref<1x128x64xf32, #tpu.memory_space<vmem>> -> memref<128x64xf32, #tpu.memory_space<vmem>>
        %get3A_2098 = arith.index_cast %scan3A_2093 : i32 to index
        %get3A_2099 = arith.constant 0 : index
        %get3A_2100 = tpu.vector_load %get3A_2097[%get3A_2098, %get3A_2099] {strides = array<i32>} : memref<128x64xf32, #tpu.memory_space<vmem>>, vector<1x16xf32>,
        %get3A_2101 = vector.shape_cast %get3A_2100 : vector<1x16xf32> to vector<16xf32>
        %mul3A_2102 = arith.mulf %get3A_2101, %get3A_1162 : vector<16xf32>
        %swap3A = arith.constant 0 : i32
        %swap3A_2103 = arith.constant 0 : i32
        %swap3A_2104 = tpu.memref_slice %arg8[%scan3A_1770, %swap3A, %swap3A_2103] : memref<5x128x64xf32, #tpu.memory_space<vmem>> -> memref<1x128x64xf32, #tpu.memory_space<vmem>>
        %swap3A_2105 = tpu.memref_squeeze %swap3A_2104 : memref<1x128x64xf32, #tpu.memory_space<vmem>> -> memref<128x64xf32, #tpu.memory_space<vmem>>
        %swap3A_2106 = arith.index_cast %scan3A_2093 : i32 to index
        %swap3A_2107 = arith.constant 0 : index
        %swap3A_2108 = tpu.vector_load %swap3A_2105[%swap3A_2106, %swap3A_2107] {strides = array<i32>} : memref<128x64xf32, #tpu.memory_space<vmem>>, vector<1x16xf32>,
        %swap3A_2109 = vector.shape_cast %swap3A_2108 : vector<1x16xf32> to vector<16xf32>
        %swap3A_2110 = vector.shape_cast %mul3A_2102 : vector<16xf32> to vector<1x16xf32>
        tpu.vector_store %swap3A_2105[%swap3A_2106, %swap3A_2107], %swap3A_2110 {strides = array<i32>} : memref<128x64xf32, #tpu.memory_space<vmem>>, vector<1x16xf32>,
        %get3A_2111 = arith.constant 0 : i32
        %get3A_2112 = arith.constant 0 : i32
        %get3A_2113 = tpu.memref_slice %arg8[%scan3A_1770, %get3A_2111, %get3A_2112] : memref<5x128x64xf32, #tpu.memory_space<vmem>> -> memref<1x128x64xf32, #tpu.memory_space<vmem>>
        %get3A_2114 = tpu.memref_squeeze %get3A_2113 : memref<1x128x64xf32, #tpu.memory_space<vmem>> -> memref<128x64xf32, #tpu.memory_space<vmem>>
        %get3A_2115 = arith.index_cast %scan3A_2093 : i32 to index
        %get3A_2116 = arith.constant 16 : index
        %get3A_2117 = tpu.vector_load %get3A_2114[%get3A_2115, %get3A_2116] {strides = array<i32>} : memref<128x64xf32, #tpu.memory_space<vmem>>, vector<1x16xf32>,
        %get3A_2118 = vector.shape_cast %get3A_2117 : vector<1x16xf32> to vector<16xf32>
        %mul3A_2119 = arith.mulf %get3A_2118, %get3A_1166 : vector<16xf32>
        %swap3A_2120 = arith.constant 0 : i32
        %swap3A_2121 = arith.constant 0 : i32
        %swap3A_2122 = tpu.memref_slice %arg8[%scan3A_1770, %swap3A_2120, %swap3A_2121] : memref<5x128x64xf32, #tpu.memory_space<vmem>> -> memref<1x128x64xf32, #tpu.memory_space<vmem>>
        %swap3A_2123 = tpu.memref_squeeze %swap3A_2122 : memref<1x128x64xf32, #tpu.memory_space<vmem>> -> memref<128x64xf32, #tpu.memory_space<vmem>>
        %swap3A_2124 = arith.index_cast %scan3A_2093 : i32 to index
        %swap3A_2125 = arith.constant 16 : index
        %swap3A_2126 = tpu.vector_load %swap3A_2123[%swap3A_2124, %swap3A_2125] {strides = array<i32>} : memref<128x64xf32, #tpu.memory_space<vmem>>, vector<1x16xf32>,
        %swap3A_2127 = vector.shape_cast %swap3A_2126 : vector<1x16xf32> to vector<16xf32>
        %swap3A_2128 = vector.shape_cast %mul3A_2119 : vector<16xf32> to vector<1x16xf32>
        tpu.vector_store %swap3A_2123[%swap3A_2124, %swap3A_2125], %swap3A_2128 {strides = array<i32>} : memref<128x64xf32, #tpu.memory_space<vmem>>, vector<1x16xf32>,
        %get3A_2129 = arith.constant 0 : i32
        %get3A_2130 = arith.constant 0 : i32
        %get3A_2131 = tpu.memref_slice %arg8[%scan3A_1770, %get3A_2129, %get3A_2130] : memref<5x128x64xf32, #tpu.memory_space<vmem>> -> memref<1x128x64xf32, #tpu.memory_space<vmem>>
        %get3A_2132 = tpu.memref_squeeze %get3A_2131 : memref<1x128x64xf32, #tpu.memory_space<vmem>> -> memref<128x64xf32, #tpu.memory_space<vmem>>
        %get3A_2133 = arith.index_cast %scan3A_2093 : i32 to index
        %get3A_2134 = arith.constant 32 : index
        %get3A_2135 = tpu.vector_load %get3A_2132[%get3A_2133, %get3A_2134] {strides = array<i32>} : memref<128x64xf32, #tpu.memory_space<vmem>>, vector<1x16xf32>,
        %get3A_2136 = vector.shape_cast %get3A_2135 : vector<1x16xf32> to vector<16xf32>
        %mul3A_2137 = arith.mulf %get3A_2136, %get3A_1170 : vector<16xf32>
        %swap3A_2138 = arith.constant 0 : i32
        %swap3A_2139 = arith.constant 0 : i32
        %swap3A_2140 = tpu.memref_slice %arg8[%scan3A_1770, %swap3A_2138, %swap3A_2139] : memref<5x128x64xf32, #tpu.memory_space<vmem>> -> memref<1x128x64xf32, #tpu.memory_space<vmem>>
        %swap3A_2141 = tpu.memref_squeeze %swap3A_2140 : memref<1x128x64xf32, #tpu.memory_space<vmem>> -> memref<128x64xf32, #tpu.memory_space<vmem>>
        %swap3A_2142 = arith.index_cast %scan3A_2093 : i32 to index
        %swap3A_2143 = arith.constant 32 : index
        %swap3A_2144 = tpu.vector_load %swap3A_2141[%swap3A_2142, %swap3A_2143] {strides = array<i32>} : memref<128x64xf32, #tpu.memory_space<vmem>>, vector<1x16xf32>,
        %swap3A_2145 = vector.shape_cast %swap3A_2144 : vector<1x16xf32> to vector<16xf32>
        %swap3A_2146 = vector.shape_cast %mul3A_2137 : vector<16xf32> to vector<1x16xf32>
        tpu.vector_store %swap3A_2141[%swap3A_2142, %swap3A_2143], %swap3A_2146 {strides = array<i32>} : memref<128x64xf32, #tpu.memory_space<vmem>>, vector<1x16xf32>,
        %get3A_2147 = arith.constant 0 : i32
        %get3A_2148 = arith.constant 0 : i32
        %get3A_2149 = tpu.memref_slice %arg8[%scan3A_1770, %get3A_2147, %get3A_2148] : memref<5x128x64xf32, #tpu.memory_space<vmem>> -> memref<1x128x64xf32, #tpu.memory_space<vmem>>
        %get3A_2150 = tpu.memref_squeeze %get3A_2149 : memref<1x128x64xf32, #tpu.memory_space<vmem>> -> memref<128x64xf32, #tpu.memory_space<vmem>>
        %get3A_2151 = arith.index_cast %scan3A_2093 : i32 to index
        %get3A_2152 = arith.constant 48 : index
        %get3A_2153 = tpu.vector_load %get3A_2150[%get3A_2151, %get3A_2152] {strides = array<i32>} : memref<128x64xf32, #tpu.memory_space<vmem>>, vector<1x16xf32>,
        %get3A_2154 = vector.shape_cast %get3A_2153 : vector<1x16xf32> to vector<16xf32>
        %mul3A_2155 = arith.mulf %get3A_2154, %get3A_1174 : vector<16xf32>
        %swap3A_2156 = arith.constant 0 : i32
        %swap3A_2157 = arith.constant 0 : i32
        %swap3A_2158 = tpu.memref_slice %arg8[%scan3A_1770, %swap3A_2156, %swap3A_2157] : memref<5x128x64xf32, #tpu.memory_space<vmem>> -> memref<1x128x64xf32, #tpu.memory_space<vmem>>
        %swap3A_2159 = tpu.memref_squeeze %swap3A_2158 : memref<1x128x64xf32, #tpu.memory_space<vmem>> -> memref<128x64xf32, #tpu.memory_space<vmem>>
        %swap3A_2160 = arith.index_cast %scan3A_2093 : i32 to index
        %swap3A_2161 = arith.constant 48 : index
        %swap3A_2162 = tpu.vector_load %swap3A_2159[%swap3A_2160, %swap3A_2161] {strides = array<i32>} : memref<128x64xf32, #tpu.memory_space<vmem>>, vector<1x16xf32>,
        %swap3A_2163 = vector.shape_cast %swap3A_2162 : vector<1x16xf32> to vector<16xf32>
        %swap3A_2164 = vector.shape_cast %mul3A_2155 : vector<16xf32> to vector<1x16xf32>
        tpu.vector_store %swap3A_2159[%swap3A_2160, %swap3A_2161], %swap3A_2164 {strides = array<i32>} : memref<128x64xf32, #tpu.memory_space<vmem>>, vector<1x16xf32>,
      }
      %scan3A_1775 = arith.constant 125 : i32
      %mul3A_1776 = arith.constant 625 : i32
      %mul3A_1777 = arith.muli %arg1, %mul3A_1776 : i32
      %add3A_1778 = arith.constant 375 : i32
      %add3A_1779 = arith.addi %mul3A_1777, %add3A_1778 : i32
      %dma_start3A_1780 = arith.constant 2 : i32
      %dma_start3A_1781 = arith.constant 0 : i32
      %dma_start3A_1782 = arith.constant 0 : i32
      %dma_start3A_1783 = tpu.memref_slice %arg8[%dma_start3A_1780, %dma_start3A_1781, %dma_start3A_1782] : memref<5x128x64xf32, #tpu.memory_space<vmem>> -> memref<1x128x64xf32, #tpu.memory_space<vmem>>
      %dma_start3A_1784 = tpu.memref_squeeze %dma_start3A_1783 : memref<1x128x64xf32, #tpu.memory_space<vmem>> -> memref<128x64xf32, #tpu.memory_space<vmem>>
      %dma_start3A_1785 = arith.constant 0 : i32
      %dma_start3A_1786 = arith.constant 0 : i32
      %dma_start3A_1787 = tpu.memref_slice %dma_start3A_1784[%dma_start3A_1785, %dma_start3A_1786] : memref<128x64xf32, #tpu.memory_space<vmem>> -> memref<125x64xf32, #tpu.memory_space<vmem>>
      %dma_start3A_1788 = tpu.memref_slice %arg5[%add3A_1779, %scan3A_936, %mul3A_0] : memref<10000x11x128xf32, #tpu.memory_space<hbm>> -> memref<125x1x64xf32, #tpu.memory_space<hbm>>
      %dma_start3A_1789 = tpu.memref_squeeze %dma_start3A_1788 : memref<125x1x64xf32, #tpu.memory_space<hbm>> -> memref<125x64xf32, #tpu.memory_space<hbm>>
      %dma_start3A_1790 = tpu.memref_slice %arg5[%add3A_1779, %scan3A_936, %mul3A_0] : memref<10000x11x128xf32, #tpu.memory_space<hbm>> -> memref<125x1x64xf32, #tpu.memory_space<hbm>>
      %dma_start3A_1791 = tpu.memref_squeeze %dma_start3A_1790 : memref<125x1x64xf32, #tpu.memory_space<hbm>> -> memref<125x64xf32, #tpu.memory_space<hbm>>
      %dma_start3A_1792 = arith.constant 0 : i32
      %dma_start3A_1793 = arith.constant 0 : i32
      %dma_start3A_1794 = tpu.memref_slice %arg8[%dma_start3A_1780, %dma_start3A_1792, %dma_start3A_1793] : memref<5x128x64xf32, #tpu.memory_space<vmem>> -> memref<1x128x64xf32, #tpu.memory_space<vmem>>
      %dma_start3A_1795 = tpu.memref_squeeze %dma_start3A_1794 : memref<1x128x64xf32, #tpu.memory_space<vmem>> -> memref<128x64xf32, #tpu.memory_space<vmem>>
      %dma_start3A_1796 = arith.constant 0 : i32
      %dma_start3A_1797 = arith.constant 0 : i32
      %dma_start3A_1798 = tpu.memref_slice %dma_start3A_1795[%dma_start3A_1796, %dma_start3A_1797] : memref<128x64xf32, #tpu.memory_space<vmem>> -> memref<125x64xf32, #tpu.memory_space<vmem>>
      tpu.enqueue_dma source(%dma_start3A_1798 : memref<125x64xf32, #tpu.memory_space<vmem>>) target(%dma_start3A_1791 : memref<125x64xf32, #tpu.memory_space<hbm>>) target_semaphore(%arg13 : memref<!tpu.dma_semaphore, #tpu.memory_space<semaphore_mem>>)
      %dma_start3A_1799 = arith.constant 2 : i32
      %dma_start3A_1800 = arith.constant 0 : i32
      %dma_start3A_1801 = arith.constant 0 : i32
      %dma_start3A_1802 = tpu.memref_slice %arg8[%dma_start3A_1799, %dma_start3A_1800, %dma_start3A_1801] : memref<5x128x64xf32, #tpu.memory_space<vmem>> -> memref<1x128x64xf32, #tpu.memory_space<vmem>>
      %dma_start3A_1803 = tpu.memref_squeeze %dma_start3A_1802 : memref<1x128x64xf32, #tpu.memory_space<vmem>> -> memref<128x64xf32, #tpu.memory_space<vmem>>
      %dma_start3A_1804 = arith.constant 0 : i32
      %dma_start3A_1805 = arith.constant 0 : i32
      %dma_start3A_1806 = tpu.memref_slice %dma_start3A_1803[%dma_start3A_1804, %dma_start3A_1805] : memref<128x64xf32, #tpu.memory_space<vmem>> -> memref<125x64xf32, #tpu.memory_space<vmem>>
      %dma_start3A_1807 = arith.constant 0 : i32
      %dma_start3A_1808 = tpu.memref_slice %arg7[%add3A_1779, %dma_start3A_1807] : memref<10000x64xf32, #tpu.memory_space<vmem_shared>> -> memref<125x64xf32, #tpu.memory_space<vmem_shared>>
      %dma_start3A_1809 = arith.constant 0 : i32
      %dma_start3A_1810 = tpu.memref_slice %arg7[%add3A_1779, %dma_start3A_1809] : memref<10000x64xf32, #tpu.memory_space<vmem_shared>> -> memref<125x64xf32, #tpu.memory_space<vmem_shared>>
      %dma_start3A_1811 = arith.constant 0 : i32
      %dma_start3A_1812 = arith.constant 0 : i32
      %dma_start3A_1813 = tpu.memref_slice %arg8[%dma_start3A_1799, %dma_start3A_1811, %dma_start3A_1812] : memref<5x128x64xf32, #tpu.memory_space<vmem>> -> memref<1x128x64xf32, #tpu.memory_space<vmem>>
      %dma_start3A_1814 = tpu.memref_squeeze %dma_start3A_1813 : memref<1x128x64xf32, #tpu.memory_space<vmem>> -> memref<128x64xf32, #tpu.memory_space<vmem>>
      %dma_start3A_1815 = arith.constant 0 : i32
      %dma_start3A_1816 = arith.constant 0 : i32
      %dma_start3A_1817 = tpu.memref_slice %dma_start3A_1814[%dma_start3A_1815, %dma_start3A_1816] : memref<128x64xf32, #tpu.memory_space<vmem>> -> memref<125x64xf32, #tpu.memory_space<vmem>>
      tpu.enqueue_dma source(%dma_start3A_1817 : memref<125x64xf32, #tpu.memory_space<vmem>>) target(%dma_start3A_1810 : memref<125x64xf32, #tpu.memory_space<vmem_shared>>) target_semaphore(%arg14 : memref<!tpu.dma_semaphore, #tpu.memory_space<semaphore_mem>>)
      %dma_start3A_1818 = arith.constant 0 : i32
      %dma_start3A_1819 = arith.constant 0 : i32
      %dma_start3A_1820 = arith.constant 0 : i32
      %dma_start3A_1821 = tpu.memref_slice %arg8[%dma_start3A_1818, %dma_start3A_1819, %dma_start3A_1820] : memref<5x128x64xf32, #tpu.memory_space<vmem>> -> memref<1x128x64xf32, #tpu.memory_space<vmem>>
      %dma_start3A_1822 = tpu.memref_squeeze %dma_start3A_1821 : memref<1x128x64xf32, #tpu.memory_space<vmem>> -> memref<128x64xf32, #tpu.memory_space<vmem>>
      %dma_start3A_1823 = arith.constant 0 : i32
      %dma_start3A_1824 = arith.constant 0 : i32
      %dma_start3A_1825 = tpu.memref_slice %dma_start3A_1822[%dma_start3A_1823, %dma_start3A_1824] : memref<128x64xf32, #tpu.memory_space<vmem>> -> memref<125x64xf32, #tpu.memory_space<vmem>>
      %dma_start3A_1826 = arith.constant 0 : i32
      %dma_start3A_1827 = tpu.memref_slice %arg6[%add3A_1779, %dma_start3A_1826] : memref<10016x64xf32, #tpu.memory_space<vmem_shared>> -> memref<125x64xf32, #tpu.memory_space<vmem_shared>>
      %dma_start3A_1828 = arith.constant 0 : i32
      %dma_start3A_1829 = tpu.memref_slice %arg6[%add3A_1779, %dma_start3A_1828] : memref<10016x64xf32, #tpu.memory_space<vmem_shared>> -> memref<125x64xf32, #tpu.memory_space<vmem_shared>>
      %dma_start3A_1830 = arith.constant 0 : i32
      %dma_start3A_1831 = arith.constant 0 : i32
      %dma_start3A_1832 = tpu.memref_slice %arg8[%dma_start3A_1818, %dma_start3A_1830, %dma_start3A_1831] : memref<5x128x64xf32, #tpu.memory_space<vmem>> -> memref<1x128x64xf32, #tpu.memory_space<vmem>>
      %dma_start3A_1833 = tpu.memref_squeeze %dma_start3A_1832 : memref<1x128x64xf32, #tpu.memory_space<vmem>> -> memref<128x64xf32, #tpu.memory_space<vmem>>
      %dma_start3A_1834 = arith.constant 0 : i32
      %dma_start3A_1835 = arith.constant 0 : i32
      %dma_start3A_1836 = tpu.memref_slice %dma_start3A_1833[%dma_start3A_1834, %dma_start3A_1835] : memref<128x64xf32, #tpu.memory_space<vmem>> -> memref<125x64xf32, #tpu.memory_space<vmem>>
      tpu.enqueue_dma source(%dma_start3A_1836 : memref<125x64xf32, #tpu.memory_space<vmem>>) target(%dma_start3A_1829 : memref<125x64xf32, #tpu.memory_space<vmem_shared>>) target_semaphore(%arg14 : memref<!tpu.dma_semaphore, #tpu.memory_space<semaphore_mem>>)
      %mul3A_1837 = arith.constant 625 : i32
      %mul3A_1838 = arith.muli %arg1, %mul3A_1837 : i32
      %add3A_1839 = arith.constant 500 : i32
      %add3A_1840 = arith.addi %mul3A_1838, %add3A_1839 : i32
      %dma_wait3A_1841 = arith.constant 1 : i32
      %dma_wait3A_1842 = arith.constant 0 : i32
      %dma_wait3A_1843 = arith.constant 0 : i32
      %dma_wait3A_1844 = tpu.memref_slice %arg8[%dma_wait3A_1841, %dma_wait3A_1842, %dma_wait3A_1843] : memref<5x128x64xf32, #tpu.memory_space<vmem>> -> memref<1x128x64xf32, #tpu.memory_space<vmem>>
      %dma_wait3A_1845 = tpu.memref_squeeze %dma_wait3A_1844 : memref<1x128x64xf32, #tpu.memory_space<vmem>> -> memref<128x64xf32, #tpu.memory_space<vmem>>
      %dma_wait3A_1846 = arith.constant 0 : i32
      %dma_wait3A_1847 = arith.constant 0 : i32
      %dma_wait3A_1848 = tpu.memref_slice %dma_wait3A_1845[%dma_wait3A_1846, %dma_wait3A_1847] : memref<128x64xf32, #tpu.memory_space<vmem>> -> memref<125x64xf32, #tpu.memory_space<vmem>>
      %dma_wait3A_1849 = arith.constant 0 : i32
      %dma_wait3A_1850 = tpu.memref_slice %arg6[%add3A_1840, %dma_wait3A_1849] : memref<10016x64xf32, #tpu.memory_space<vmem_shared>> -> memref<125x64xf32, #tpu.memory_space<vmem_shared>>
      %dma_wait3A_1851 = arith.constant 0 : i32
      %dma_wait3A_1852 = arith.constant 0 : i32
      %dma_wait3A_1853 = tpu.memref_slice %arg8[%dma_wait3A_1841, %dma_wait3A_1851, %dma_wait3A_1852] : memref<5x128x64xf32, #tpu.memory_space<vmem>> -> memref<1x128x64xf32, #tpu.memory_space<vmem>>
      %dma_wait3A_1854 = tpu.memref_squeeze %dma_wait3A_1853 : memref<1x128x64xf32, #tpu.memory_space<vmem>> -> memref<128x64xf32, #tpu.memory_space<vmem>>
      %dma_wait3A_1855 = arith.constant 0 : i32
      %dma_wait3A_1856 = arith.constant 0 : i32
      %dma_wait3A_1857 = tpu.memref_slice %dma_wait3A_1854[%dma_wait3A_1855, %dma_wait3A_1856] : memref<128x64xf32, #tpu.memory_space<vmem>> -> memref<125x64xf32, #tpu.memory_space<vmem>>
      %dma_wait3A_1858 = arith.constant 0 : i32
      %dma_wait3A_1859 = tpu.memref_slice %arg6[%add3A_1840, %dma_wait3A_1858] : memref<10016x64xf32, #tpu.memory_space<vmem_shared>> -> memref<125x64xf32, #tpu.memory_space<vmem_shared>>
      tpu.wait_dma2 semaphore(%arg12 : memref<!tpu.dma_semaphore, #tpu.memory_space<semaphore_mem>>) src(%dma_wait3A_1859 : memref<125x64xf32, #tpu.memory_space<vmem_shared>>) dst(%dma_wait3A_1857 : memref<125x64xf32, #tpu.memory_space<vmem>>)
      %mul3A_1860 = arith.constant 625 : i32
      %mul3A_1861 = arith.muli %arg1, %mul3A_1860 : i32
      %add3A_1862 = arith.constant 375 : i32
      %add3A_1863 = arith.addi %mul3A_1861, %add3A_1862 : i32
      %dma_wait3A_1864 = arith.constant 2 : i32
      %dma_wait3A_1865 = arith.constant 0 : i32
      %dma_wait3A_1866 = arith.constant 0 : i32
      %dma_wait3A_1867 = tpu.memref_slice %arg8[%dma_wait3A_1864, %dma_wait3A_1865, %dma_wait3A_1866] : memref<5x128x64xf32, #tpu.memory_space<vmem>> -> memref<1x128x64xf32, #tpu.memory_space<vmem>>
      %dma_wait3A_1868 = tpu.memref_squeeze %dma_wait3A_1867 : memref<1x128x64xf32, #tpu.memory_space<vmem>> -> memref<128x64xf32, #tpu.memory_space<vmem>>
      %dma_wait3A_1869 = arith.constant 0 : i32
      %dma_wait3A_1870 = arith.constant 0 : i32
      %dma_wait3A_1871 = tpu.memref_slice %dma_wait3A_1868[%dma_wait3A_1869, %dma_wait3A_1870] : memref<128x64xf32, #tpu.memory_space<vmem>> -> memref<125x64xf32, #tpu.memory_space<vmem>>
      %dma_wait3A_1872 = tpu.memref_slice %arg5[%add3A_1863, %scan3A_936, %mul3A_0] : memref<10000x11x128xf32, #tpu.memory_space<hbm>> -> memref<125x1x64xf32, #tpu.memory_space<hbm>>
      %dma_wait3A_1873 = tpu.memref_squeeze %dma_wait3A_1872 : memref<125x1x64xf32, #tpu.memory_space<hbm>> -> memref<125x64xf32, #tpu.memory_space<hbm>>
      %dma_wait3A_1874 = tpu.memref_slice %arg5[%add3A_1863, %scan3A_936, %mul3A_0] : memref<10000x11x128xf32, #tpu.memory_space<hbm>> -> memref<125x1x64xf32, #tpu.memory_space<hbm>>
      %dma_wait3A_1875 = tpu.memref_squeeze %dma_wait3A_1874 : memref<125x1x64xf32, #tpu.memory_space<hbm>> -> memref<125x64xf32, #tpu.memory_space<hbm>>
      %dma_wait3A_1876 = arith.constant 0 : i32
      %dma_wait3A_1877 = arith.constant 0 : i32
      %dma_wait3A_1878 = tpu.memref_slice %arg8[%dma_wait3A_1864, %dma_wait3A_1876, %dma_wait3A_1877] : memref<5x128x64xf32, #tpu.memory_space<vmem>> -> memref<1x128x64xf32, #tpu.memory_space<vmem>>
      %dma_wait3A_1879 = tpu.memref_squeeze %dma_wait3A_1878 : memref<1x128x64xf32, #tpu.memory_space<vmem>> -> memref<128x64xf32, #tpu.memory_space<vmem>>
      %dma_wait3A_1880 = arith.constant 0 : i32
      %dma_wait3A_1881 = arith.constant 0 : i32
      %dma_wait3A_1882 = tpu.memref_slice %dma_wait3A_1879[%dma_wait3A_1880, %dma_wait3A_1881] : memref<128x64xf32, #tpu.memory_space<vmem>> -> memref<125x64xf32, #tpu.memory_space<vmem>>
      tpu.wait_dma2 semaphore(%arg13 : memref<!tpu.dma_semaphore, #tpu.memory_space<semaphore_mem>>) src(%dma_wait3A_1882 : memref<125x64xf32, #tpu.memory_space<vmem>>) dst(%dma_wait3A_1875 : memref<125x64xf32, #tpu.memory_space<hbm>>)
      %dma_wait3A_1883 = arith.constant 2 : i32
      %dma_wait3A_1884 = arith.constant 0 : i32
      %dma_wait3A_1885 = arith.constant 0 : i32
      %dma_wait3A_1886 = tpu.memref_slice %arg8[%dma_wait3A_1883, %dma_wait3A_1884, %dma_wait3A_1885] : memref<5x128x64xf32, #tpu.memory_space<vmem>> -> memref<1x128x64xf32, #tpu.memory_space<vmem>>
      %dma_wait3A_1887 = tpu.memref_squeeze %dma_wait3A_1886 : memref<1x128x64xf32, #tpu.memory_space<vmem>> -> memref<128x64xf32, #tpu.memory_space<vmem>>
      %dma_wait3A_1888 = arith.constant 0 : i32
      %dma_wait3A_1889 = arith.constant 0 : i32
      %dma_wait3A_1890 = tpu.memref_slice %dma_wait3A_1887[%dma_wait3A_1888, %dma_wait3A_1889] : memref<128x64xf32, #tpu.memory_space<vmem>> -> memref<125x64xf32, #tpu.memory_space<vmem>>
      %dma_wait3A_1891 = arith.constant 0 : i32
      %dma_wait3A_1892 = tpu.memref_slice %arg7[%add3A_1863, %dma_wait3A_1891] : memref<10000x64xf32, #tpu.memory_space<vmem_shared>> -> memref<125x64xf32, #tpu.memory_space<vmem_shared>>
      %dma_wait3A_1893 = arith.constant 0 : i32
      %dma_wait3A_1894 = tpu.memref_slice %arg7[%add3A_1863, %dma_wait3A_1893] : memref<10000x64xf32, #tpu.memory_space<vmem_shared>> -> memref<125x64xf32, #tpu.memory_space<vmem_shared>>
      %dma_wait3A_1895 = arith.constant 0 : i32
      %dma_wait3A_1896 = arith.constant 0 : i32
      %dma_wait3A_1897 = tpu.memref_slice %arg8[%dma_wait3A_1883, %dma_wait3A_1895, %dma_wait3A_1896] : memref<5x128x64xf32, #tpu.memory_space<vmem>> -> memref<1x128x64xf32, #tpu.memory_space<vmem>>
      %dma_wait3A_1898 = tpu.memref_squeeze %dma_wait3A_1897 : memref<1x128x64xf32, #tpu.memory_space<vmem>> -> memref<128x64xf32, #tpu.memory_space<vmem>>
      %dma_wait3A_1899 = arith.constant 0 : i32
      %dma_wait3A_1900 = arith.constant 0 : i32
      %dma_wait3A_1901 = tpu.memref_slice %dma_wait3A_1898[%dma_wait3A_1899, %dma_wait3A_1900] : memref<128x64xf32, #tpu.memory_space<vmem>> -> memref<125x64xf32, #tpu.memory_space<vmem>>
      tpu.wait_dma2 semaphore(%arg14 : memref<!tpu.dma_semaphore, #tpu.memory_space<semaphore_mem>>) src(%dma_wait3A_1901 : memref<125x64xf32, #tpu.memory_space<vmem>>) dst(%dma_wait3A_1894 : memref<125x64xf32, #tpu.memory_space<vmem_shared>>)
      %dma_wait3A_1902 = arith.constant 0 : i32
      %dma_wait3A_1903 = arith.constant 0 : i32
      %dma_wait3A_1904 = arith.constant 0 : i32
      %dma_wait3A_1905 = tpu.memref_slice %arg8[%dma_wait3A_1902, %dma_wait3A_1903, %dma_wait3A_1904] : memref<5x128x64xf32, #tpu.memory_space<vmem>> -> memref<1x128x64xf32, #tpu.memory_space<vmem>>
      %dma_wait3A_1906 = tpu.memref_squeeze %dma_wait3A_1905 : memref<1x128x64xf32, #tpu.memory_space<vmem>> -> memref<128x64xf32, #tpu.memory_space<vmem>>
      %dma_wait3A_1907 = arith.constant 0 : i32
      %dma_wait3A_1908 = arith.constant 0 : i32
      %dma_wait3A_1909 = tpu.memref_slice %dma_wait3A_1906[%dma_wait3A_1907, %dma_wait3A_1908] : memref<128x64xf32, #tpu.memory_space<vmem>> -> memref<125x64xf32, #tpu.memory_space<vmem>>
      %dma_wait3A_1910 = arith.constant 0 : i32
      %dma_wait3A_1911 = tpu.memref_slice %arg6[%add3A_1863, %dma_wait3A_1910] : memref<10016x64xf32, #tpu.memory_space<vmem_shared>> -> memref<125x64xf32, #tpu.memory_space<vmem_shared>>
      %dma_wait3A_1912 = arith.constant 0 : i32
      %dma_wait3A_1913 = tpu.memref_slice %arg6[%add3A_1863, %dma_wait3A_1912] : memref<10016x64xf32, #tpu.memory_space<vmem_shared>> -> memref<125x64xf32, #tpu.memory_space<vmem_shared>>
      %dma_wait3A_1914 = arith.constant 0 : i32
      %dma_wait3A_1915 = arith.constant 0 : i32
      %dma_wait3A_1916 = tpu.memref_slice %arg8[%dma_wait3A_1902, %dma_wait3A_1914, %dma_wait3A_1915] : memref<5x128x64xf32, #tpu.memory_space<vmem>> -> memref<1x128x64xf32, #tpu.memory_space<vmem>>
      %dma_wait3A_1917 = tpu.memref_squeeze %dma_wait3A_1916 : memref<1x128x64xf32, #tpu.memory_space<vmem>> -> memref<128x64xf32, #tpu.memory_space<vmem>>
      %dma_wait3A_1918 = arith.constant 0 : i32
      %dma_wait3A_1919 = arith.constant 0 : i32
      %dma_wait3A_1920 = tpu.memref_slice %dma_wait3A_1917[%dma_wait3A_1918, %dma_wait3A_1919] : memref<128x64xf32, #tpu.memory_space<vmem>> -> memref<125x64xf32, #tpu.memory_space<vmem>>
      tpu.wait_dma2 semaphore(%arg14 : memref<!tpu.dma_semaphore, #tpu.memory_space<semaphore_mem>>) src(%dma_wait3A_1920 : memref<125x64xf32, #tpu.memory_space<vmem>>) dst(%dma_wait3A_1913 : memref<125x64xf32, #tpu.memory_space<vmem_shared>>)
      %scan3A_1921 = arith.constant 0 : i32
      %scan3A_1922 = arith.constant 1 : i32
      %scan3A_1923 = arith.constant 0 : i32
      %scan3A_1924 = arith.constant 125 : i32
      %scan3A_1925 = arith.addi %scan3A_1923, %scan3A_1924 : i32
      %scan3A_1926 = arith.constant 1 : i32
      scf.for %scan3A_2093 = %scan3A_1923 to %scan3A_1925 step %scan3A_1926  : i32 {
        %get3A_2094 = arith.constant 0 : i32
        %get3A_2095 = arith.constant 0 : i32
        %get3A_2096 = tpu.memref_slice %arg8[%scan3A_1922, %get3A_2094, %get3A_2095] : memref<5x128x64xf32, #tpu.memory_space<vmem>> -> memref<1x128x64xf32, #tpu.memory_space<vmem>>
        %get3A_2097 = tpu.memref_squeeze %get3A_2096 : memref<1x128x64xf32, #tpu.memory_space<vmem>> -> memref<128x64xf32, #tpu.memory_space<vmem>>
        %get3A_2098 = arith.index_cast %scan3A_2093 : i32 to index
        %get3A_2099 = arith.constant 0 : index
        %get3A_2100 = tpu.vector_load %get3A_2097[%get3A_2098, %get3A_2099] {strides = array<i32>} : memref<128x64xf32, #tpu.memory_space<vmem>>, vector<1x16xf32>,
        %get3A_2101 = vector.shape_cast %get3A_2100 : vector<1x16xf32> to vector<16xf32>
        %mul3A_2102 = arith.mulf %get3A_2101, %get3A_1162 : vector<16xf32>
        %swap3A = arith.constant 0 : i32
        %swap3A_2103 = arith.constant 0 : i32
        %swap3A_2104 = tpu.memref_slice %arg8[%scan3A_1922, %swap3A, %swap3A_2103] : memref<5x128x64xf32, #tpu.memory_space<vmem>> -> memref<1x128x64xf32, #tpu.memory_space<vmem>>
        %swap3A_2105 = tpu.memref_squeeze %swap3A_2104 : memref<1x128x64xf32, #tpu.memory_space<vmem>> -> memref<128x64xf32, #tpu.memory_space<vmem>>
        %swap3A_2106 = arith.index_cast %scan3A_2093 : i32 to index
        %swap3A_2107 = arith.constant 0 : index
        %swap3A_2108 = tpu.vector_load %swap3A_2105[%swap3A_2106, %swap3A_2107] {strides = array<i32>} : memref<128x64xf32, #tpu.memory_space<vmem>>, vector<1x16xf32>,
        %swap3A_2109 = vector.shape_cast %swap3A_2108 : vector<1x16xf32> to vector<16xf32>
        %swap3A_2110 = vector.shape_cast %mul3A_2102 : vector<16xf32> to vector<1x16xf32>
        tpu.vector_store %swap3A_2105[%swap3A_2106, %swap3A_2107], %swap3A_2110 {strides = array<i32>} : memref<128x64xf32, #tpu.memory_space<vmem>>, vector<1x16xf32>,
        %get3A_2111 = arith.constant 0 : i32
        %get3A_2112 = arith.constant 0 : i32
        %get3A_2113 = tpu.memref_slice %arg8[%scan3A_1922, %get3A_2111, %get3A_2112] : memref<5x128x64xf32, #tpu.memory_space<vmem>> -> memref<1x128x64xf32, #tpu.memory_space<vmem>>
        %get3A_2114 = tpu.memref_squeeze %get3A_2113 : memref<1x128x64xf32, #tpu.memory_space<vmem>> -> memref<128x64xf32, #tpu.memory_space<vmem>>
        %get3A_2115 = arith.index_cast %scan3A_2093 : i32 to index
        %get3A_2116 = arith.constant 16 : index
        %get3A_2117 = tpu.vector_load %get3A_2114[%get3A_2115, %get3A_2116] {strides = array<i32>} : memref<128x64xf32, #tpu.memory_space<vmem>>, vector<1x16xf32>,
        %get3A_2118 = vector.shape_cast %get3A_2117 : vector<1x16xf32> to vector<16xf32>
        %mul3A_2119 = arith.mulf %get3A_2118, %get3A_1166 : vector<16xf32>
        %swap3A_2120 = arith.constant 0 : i32
        %swap3A_2121 = arith.constant 0 : i32
        %swap3A_2122 = tpu.memref_slice %arg8[%scan3A_1922, %swap3A_2120, %swap3A_2121] : memref<5x128x64xf32, #tpu.memory_space<vmem>> -> memref<1x128x64xf32, #tpu.memory_space<vmem>>
        %swap3A_2123 = tpu.memref_squeeze %swap3A_2122 : memref<1x128x64xf32, #tpu.memory_space<vmem>> -> memref<128x64xf32, #tpu.memory_space<vmem>>
        %swap3A_2124 = arith.index_cast %scan3A_2093 : i32 to index
        %swap3A_2125 = arith.constant 16 : index
        %swap3A_2126 = tpu.vector_load %swap3A_2123[%swap3A_2124, %swap3A_2125] {strides = array<i32>} : memref<128x64xf32, #tpu.memory_space<vmem>>, vector<1x16xf32>,
        %swap3A_2127 = vector.shape_cast %swap3A_2126 : vector<1x16xf32> to vector<16xf32>
        %swap3A_2128 = vector.shape_cast %mul3A_2119 : vector<16xf32> to vector<1x16xf32>
        tpu.vector_store %swap3A_2123[%swap3A_2124, %swap3A_2125], %swap3A_2128 {strides = array<i32>} : memref<128x64xf32, #tpu.memory_space<vmem>>, vector<1x16xf32>,
        %get3A_2129 = arith.constant 0 : i32
        %get3A_2130 = arith.constant 0 : i32
        %get3A_2131 = tpu.memref_slice %arg8[%scan3A_1922, %get3A_2129, %get3A_2130] : memref<5x128x64xf32, #tpu.memory_space<vmem>> -> memref<1x128x64xf32, #tpu.memory_space<vmem>>
        %get3A_2132 = tpu.memref_squeeze %get3A_2131 : memref<1x128x64xf32, #tpu.memory_space<vmem>> -> memref<128x64xf32, #tpu.memory_space<vmem>>
        %get3A_2133 = arith.index_cast %scan3A_2093 : i32 to index
        %get3A_2134 = arith.constant 32 : index
        %get3A_2135 = tpu.vector_load %get3A_2132[%get3A_2133, %get3A_2134] {strides = array<i32>} : memref<128x64xf32, #tpu.memory_space<vmem>>, vector<1x16xf32>,
        %get3A_2136 = vector.shape_cast %get3A_2135 : vector<1x16xf32> to vector<16xf32>
        %mul3A_2137 = arith.mulf %get3A_2136, %get3A_1170 : vector<16xf32>
        %swap3A_2138 = arith.constant 0 : i32
        %swap3A_2139 = arith.constant 0 : i32
        %swap3A_2140 = tpu.memref_slice %arg8[%scan3A_1922, %swap3A_2138, %swap3A_2139] : memref<5x128x64xf32, #tpu.memory_space<vmem>> -> memref<1x128x64xf32, #tpu.memory_space<vmem>>
        %swap3A_2141 = tpu.memref_squeeze %swap3A_2140 : memref<1x128x64xf32, #tpu.memory_space<vmem>> -> memref<128x64xf32, #tpu.memory_space<vmem>>
        %swap3A_2142 = arith.index_cast %scan3A_2093 : i32 to index
        %swap3A_2143 = arith.constant 32 : index
        %swap3A_2144 = tpu.vector_load %swap3A_2141[%swap3A_2142, %swap3A_2143] {strides = array<i32>} : memref<128x64xf32, #tpu.memory_space<vmem>>, vector<1x16xf32>,
        %swap3A_2145 = vector.shape_cast %swap3A_2144 : vector<1x16xf32> to vector<16xf32>
        %swap3A_2146 = vector.shape_cast %mul3A_2137 : vector<16xf32> to vector<1x16xf32>
        tpu.vector_store %swap3A_2141[%swap3A_2142, %swap3A_2143], %swap3A_2146 {strides = array<i32>} : memref<128x64xf32, #tpu.memory_space<vmem>>, vector<1x16xf32>,
        %get3A_2147 = arith.constant 0 : i32
        %get3A_2148 = arith.constant 0 : i32
        %get3A_2149 = tpu.memref_slice %arg8[%scan3A_1922, %get3A_2147, %get3A_2148] : memref<5x128x64xf32, #tpu.memory_space<vmem>> -> memref<1x128x64xf32, #tpu.memory_space<vmem>>
        %get3A_2150 = tpu.memref_squeeze %get3A_2149 : memref<1x128x64xf32, #tpu.memory_space<vmem>> -> memref<128x64xf32, #tpu.memory_space<vmem>>
        %get3A_2151 = arith.index_cast %scan3A_2093 : i32 to index
        %get3A_2152 = arith.constant 48 : index
        %get3A_2153 = tpu.vector_load %get3A_2150[%get3A_2151, %get3A_2152] {strides = array<i32>} : memref<128x64xf32, #tpu.memory_space<vmem>>, vector<1x16xf32>,
        %get3A_2154 = vector.shape_cast %get3A_2153 : vector<1x16xf32> to vector<16xf32>
        %mul3A_2155 = arith.mulf %get3A_2154, %get3A_1174 : vector<16xf32>
        %swap3A_2156 = arith.constant 0 : i32
        %swap3A_2157 = arith.constant 0 : i32
        %swap3A_2158 = tpu.memref_slice %arg8[%scan3A_1922, %swap3A_2156, %swap3A_2157] : memref<5x128x64xf32, #tpu.memory_space<vmem>> -> memref<1x128x64xf32, #tpu.memory_space<vmem>>
        %swap3A_2159 = tpu.memref_squeeze %swap3A_2158 : memref<1x128x64xf32, #tpu.memory_space<vmem>> -> memref<128x64xf32, #tpu.memory_space<vmem>>
        %swap3A_2160 = arith.index_cast %scan3A_2093 : i32 to index
        %swap3A_2161 = arith.constant 48 : index
        %swap3A_2162 = tpu.vector_load %swap3A_2159[%swap3A_2160, %swap3A_2161] {strides = array<i32>} : memref<128x64xf32, #tpu.memory_space<vmem>>, vector<1x16xf32>,
        %swap3A_2163 = vector.shape_cast %swap3A_2162 : vector<1x16xf32> to vector<16xf32>
        %swap3A_2164 = vector.shape_cast %mul3A_2155 : vector<16xf32> to vector<1x16xf32>
        tpu.vector_store %swap3A_2159[%swap3A_2160, %swap3A_2161], %swap3A_2164 {strides = array<i32>} : memref<128x64xf32, #tpu.memory_space<vmem>>, vector<1x16xf32>,
      }
      %scan3A_1927 = arith.constant 125 : i32
      %mul3A_1928 = arith.constant 625 : i32
      %mul3A_1929 = arith.muli %arg1, %mul3A_1928 : i32
      %add3A_1930 = arith.constant 500 : i32
      %add3A_1931 = arith.addi %mul3A_1929, %add3A_1930 : i32
      %dma_start3A_1932 = arith.constant 1 : i32
      %dma_start3A_1933 = arith.constant 0 : i32
      %dma_start3A_1934 = arith.constant 0 : i32
      %dma_start3A_1935 = tpu.memref_slice %arg8[%dma_start3A_1932, %dma_start3A_1933, %dma_start3A_1934] : memref<5x128x64xf32, #tpu.memory_space<vmem>> -> memref<1x128x64xf32, #tpu.memory_space<vmem>>
      %dma_start3A_1936 = tpu.memref_squeeze %dma_start3A_1935 : memref<1x128x64xf32, #tpu.memory_space<vmem>> -> memref<128x64xf32, #tpu.memory_space<vmem>>
      %dma_start3A_1937 = arith.constant 0 : i32
      %dma_start3A_1938 = arith.constant 0 : i32
      %dma_start3A_1939 = tpu.memref_slice %dma_start3A_1936[%dma_start3A_1937, %dma_start3A_1938] : memref<128x64xf32, #tpu.memory_space<vmem>> -> memref<125x64xf32, #tpu.memory_space<vmem>>
      %dma_start3A_1940 = tpu.memref_slice %arg5[%add3A_1931, %scan3A_936, %mul3A_0] : memref<10000x11x128xf32, #tpu.memory_space<hbm>> -> memref<125x1x64xf32, #tpu.memory_space<hbm>>
      %dma_start3A_1941 = tpu.memref_squeeze %dma_start3A_1940 : memref<125x1x64xf32, #tpu.memory_space<hbm>> -> memref<125x64xf32, #tpu.memory_space<hbm>>
      %dma_start3A_1942 = tpu.memref_slice %arg5[%add3A_1931, %scan3A_936, %mul3A_0] : memref<10000x11x128xf32, #tpu.memory_space<hbm>> -> memref<125x1x64xf32, #tpu.memory_space<hbm>>
      %dma_start3A_1943 = tpu.memref_squeeze %dma_start3A_1942 : memref<125x1x64xf32, #tpu.memory_space<hbm>> -> memref<125x64xf32, #tpu.memory_space<hbm>>
      %dma_start3A_1944 = arith.constant 0 : i32
      %dma_start3A_1945 = arith.constant 0 : i32
      %dma_start3A_1946 = tpu.memref_slice %arg8[%dma_start3A_1932, %dma_start3A_1944, %dma_start3A_1945] : memref<5x128x64xf32, #tpu.memory_space<vmem>> -> memref<1x128x64xf32, #tpu.memory_space<vmem>>
      %dma_start3A_1947 = tpu.memref_squeeze %dma_start3A_1946 : memref<1x128x64xf32, #tpu.memory_space<vmem>> -> memref<128x64xf32, #tpu.memory_space<vmem>>
      %dma_start3A_1948 = arith.constant 0 : i32
      %dma_start3A_1949 = arith.constant 0 : i32
      %dma_start3A_1950 = tpu.memref_slice %dma_start3A_1947[%dma_start3A_1948, %dma_start3A_1949] : memref<128x64xf32, #tpu.memory_space<vmem>> -> memref<125x64xf32, #tpu.memory_space<vmem>>
      tpu.enqueue_dma source(%dma_start3A_1950 : memref<125x64xf32, #tpu.memory_space<vmem>>) target(%dma_start3A_1943 : memref<125x64xf32, #tpu.memory_space<hbm>>) target_semaphore(%arg13 : memref<!tpu.dma_semaphore, #tpu.memory_space<semaphore_mem>>)
      %dma_start3A_1951 = arith.constant 1 : i32
      %dma_start3A_1952 = arith.constant 0 : i32
      %dma_start3A_1953 = arith.constant 0 : i32
      %dma_start3A_1954 = tpu.memref_slice %arg8[%dma_start3A_1951, %dma_start3A_1952, %dma_start3A_1953] : memref<5x128x64xf32, #tpu.memory_space<vmem>> -> memref<1x128x64xf32, #tpu.memory_space<vmem>>
      %dma_start3A_1955 = tpu.memref_squeeze %dma_start3A_1954 : memref<1x128x64xf32, #tpu.memory_space<vmem>> -> memref<128x64xf32, #tpu.memory_space<vmem>>
      %dma_start3A_1956 = arith.constant 0 : i32
      %dma_start3A_1957 = arith.constant 0 : i32
      %dma_start3A_1958 = tpu.memref_slice %dma_start3A_1955[%dma_start3A_1956, %dma_start3A_1957] : memref<128x64xf32, #tpu.memory_space<vmem>> -> memref<125x64xf32, #tpu.memory_space<vmem>>
      %dma_start3A_1959 = arith.constant 0 : i32
      %dma_start3A_1960 = tpu.memref_slice %arg7[%add3A_1931, %dma_start3A_1959] : memref<10000x64xf32, #tpu.memory_space<vmem_shared>> -> memref<125x64xf32, #tpu.memory_space<vmem_shared>>
      %dma_start3A_1961 = arith.constant 0 : i32
      %dma_start3A_1962 = tpu.memref_slice %arg7[%add3A_1931, %dma_start3A_1961] : memref<10000x64xf32, #tpu.memory_space<vmem_shared>> -> memref<125x64xf32, #tpu.memory_space<vmem_shared>>
      %dma_start3A_1963 = arith.constant 0 : i32
      %dma_start3A_1964 = arith.constant 0 : i32
      %dma_start3A_1965 = tpu.memref_slice %arg8[%dma_start3A_1951, %dma_start3A_1963, %dma_start3A_1964] : memref<5x128x64xf32, #tpu.memory_space<vmem>> -> memref<1x128x64xf32, #tpu.memory_space<vmem>>
      %dma_start3A_1966 = tpu.memref_squeeze %dma_start3A_1965 : memref<1x128x64xf32, #tpu.memory_space<vmem>> -> memref<128x64xf32, #tpu.memory_space<vmem>>
      %dma_start3A_1967 = arith.constant 0 : i32
      %dma_start3A_1968 = arith.constant 0 : i32
      %dma_start3A_1969 = tpu.memref_slice %dma_start3A_1966[%dma_start3A_1967, %dma_start3A_1968] : memref<128x64xf32, #tpu.memory_space<vmem>> -> memref<125x64xf32, #tpu.memory_space<vmem>>
      tpu.enqueue_dma source(%dma_start3A_1969 : memref<125x64xf32, #tpu.memory_space<vmem>>) target(%dma_start3A_1962 : memref<125x64xf32, #tpu.memory_space<vmem_shared>>) target_semaphore(%arg14 : memref<!tpu.dma_semaphore, #tpu.memory_space<semaphore_mem>>)
      %dma_start3A_1970 = arith.constant 0 : i32
      %dma_start3A_1971 = arith.constant 0 : i32
      %dma_start3A_1972 = arith.constant 0 : i32
      %dma_start3A_1973 = tpu.memref_slice %arg8[%dma_start3A_1970, %dma_start3A_1971, %dma_start3A_1972] : memref<5x128x64xf32, #tpu.memory_space<vmem>> -> memref<1x128x64xf32, #tpu.memory_space<vmem>>
      %dma_start3A_1974 = tpu.memref_squeeze %dma_start3A_1973 : memref<1x128x64xf32, #tpu.memory_space<vmem>> -> memref<128x64xf32, #tpu.memory_space<vmem>>
      %dma_start3A_1975 = arith.constant 0 : i32
      %dma_start3A_1976 = arith.constant 0 : i32
      %dma_start3A_1977 = tpu.memref_slice %dma_start3A_1974[%dma_start3A_1975, %dma_start3A_1976] : memref<128x64xf32, #tpu.memory_space<vmem>> -> memref<125x64xf32, #tpu.memory_space<vmem>>
      %dma_start3A_1978 = arith.constant 0 : i32
      %dma_start3A_1979 = tpu.memref_slice %arg6[%add3A_1931, %dma_start3A_1978] : memref<10016x64xf32, #tpu.memory_space<vmem_shared>> -> memref<125x64xf32, #tpu.memory_space<vmem_shared>>
      %dma_start3A_1980 = arith.constant 0 : i32
      %dma_start3A_1981 = tpu.memref_slice %arg6[%add3A_1931, %dma_start3A_1980] : memref<10016x64xf32, #tpu.memory_space<vmem_shared>> -> memref<125x64xf32, #tpu.memory_space<vmem_shared>>
      %dma_start3A_1982 = arith.constant 0 : i32
      %dma_start3A_1983 = arith.constant 0 : i32
      %dma_start3A_1984 = tpu.memref_slice %arg8[%dma_start3A_1970, %dma_start3A_1982, %dma_start3A_1983] : memref<5x128x64xf32, #tpu.memory_space<vmem>> -> memref<1x128x64xf32, #tpu.memory_space<vmem>>
      %dma_start3A_1985 = tpu.memref_squeeze %dma_start3A_1984 : memref<1x128x64xf32, #tpu.memory_space<vmem>> -> memref<128x64xf32, #tpu.memory_space<vmem>>
      %dma_start3A_1986 = arith.constant 0 : i32
      %dma_start3A_1987 = arith.constant 0 : i32
      %dma_start3A_1988 = tpu.memref_slice %dma_start3A_1985[%dma_start3A_1986, %dma_start3A_1987] : memref<128x64xf32, #tpu.memory_space<vmem>> -> memref<125x64xf32, #tpu.memory_space<vmem>>
      tpu.enqueue_dma source(%dma_start3A_1988 : memref<125x64xf32, #tpu.memory_space<vmem>>) target(%dma_start3A_1981 : memref<125x64xf32, #tpu.memory_space<vmem_shared>>) target_semaphore(%arg14 : memref<!tpu.dma_semaphore, #tpu.memory_space<semaphore_mem>>)
      %add3A_1989 = arith.constant 10000 : i32
      %add3A_1990 = arith.addi %add3A_1989, %arg1 : i32
      %dma_start3A_1991 = arith.constant 0 : i32
      %dma_start3A_1992 = arith.constant 0 : i32
      %dma_start3A_1993 = arith.constant 0 : i32
      %dma_start3A_1994 = tpu.memref_slice %arg8[%dma_start3A_1991, %dma_start3A_1992, %dma_start3A_1993] : memref<5x128x64xf32, #tpu.memory_space<vmem>> -> memref<1x128x64xf32, #tpu.memory_space<vmem>>
      %dma_start3A_1995 = tpu.memref_squeeze %dma_start3A_1994 : memref<1x128x64xf32, #tpu.memory_space<vmem>> -> memref<128x64xf32, #tpu.memory_space<vmem>>
      %dma_start3A_1996 = arith.constant 0 : i32
      %dma_start3A_1997 = arith.constant 0 : i32
      %dma_start3A_1998 = tpu.memref_slice %dma_start3A_1995[%dma_start3A_1996, %dma_start3A_1997] : memref<128x64xf32, #tpu.memory_space<vmem>> -> memref<1x64xf32, #tpu.memory_space<vmem>>
      %dma_start3A_1999 = arith.constant 0 : i32
      %dma_start3A_2000 = tpu.memref_slice %arg6[%add3A_1990, %dma_start3A_1999] : memref<10016x64xf32, #tpu.memory_space<vmem_shared>> -> memref<1x64xf32, #tpu.memory_space<vmem_shared>>
      %dma_start3A_2001 = arith.constant 0 : i32
      %dma_start3A_2002 = tpu.memref_slice %arg6[%add3A_1990, %dma_start3A_2001] : memref<10016x64xf32, #tpu.memory_space<vmem_shared>> -> memref<1x64xf32, #tpu.memory_space<vmem_shared>>
      %dma_start3A_2003 = arith.constant 0 : i32
      %dma_start3A_2004 = arith.constant 0 : i32
      %dma_start3A_2005 = tpu.memref_slice %arg8[%dma_start3A_1991, %dma_start3A_2003, %dma_start3A_2004] : memref<5x128x64xf32, #tpu.memory_space<vmem>> -> memref<1x128x64xf32, #tpu.memory_space<vmem>>
      %dma_start3A_2006 = tpu.memref_squeeze %dma_start3A_2005 : memref<1x128x64xf32, #tpu.memory_space<vmem>> -> memref<128x64xf32, #tpu.memory_space<vmem>>
      %dma_start3A_2007 = arith.constant 0 : i32
      %dma_start3A_2008 = arith.constant 0 : i32
      %dma_start3A_2009 = tpu.memref_slice %dma_start3A_2006[%dma_start3A_2007, %dma_start3A_2008] : memref<128x64xf32, #tpu.memory_space<vmem>> -> memref<1x64xf32, #tpu.memory_space<vmem>>
      tpu.enqueue_dma source(%dma_start3A_2009 : memref<1x64xf32, #tpu.memory_space<vmem>>) target(%dma_start3A_2002 : memref<1x64xf32, #tpu.memory_space<vmem_shared>>) target_semaphore(%arg14 : memref<!tpu.dma_semaphore, #tpu.memory_space<semaphore_mem>>)
      %mul3A_2010 = arith.constant 625 : i32
      %mul3A_2011 = arith.muli %arg1, %mul3A_2010 : i32
      %add3A_2012 = arith.constant 500 : i32
      %add3A_2013 = arith.addi %mul3A_2011, %add3A_2012 : i32
      %dma_wait3A_2014 = arith.constant 1 : i32
      %dma_wait3A_2015 = arith.constant 0 : i32
      %dma_wait3A_2016 = arith.constant 0 : i32
      %dma_wait3A_2017 = tpu.memref_slice %arg8[%dma_wait3A_2014, %dma_wait3A_2015, %dma_wait3A_2016] : memref<5x128x64xf32, #tpu.memory_space<vmem>> -> memref<1x128x64xf32, #tpu.memory_space<vmem>>
      %dma_wait3A_2018 = tpu.memref_squeeze %dma_wait3A_2017 : memref<1x128x64xf32, #tpu.memory_space<vmem>> -> memref<128x64xf32, #tpu.memory_space<vmem>>
      %dma_wait3A_2019 = arith.constant 0 : i32
      %dma_wait3A_2020 = arith.constant 0 : i32
      %dma_wait3A_2021 = tpu.memref_slice %dma_wait3A_2018[%dma_wait3A_2019, %dma_wait3A_2020] : memref<128x64xf32, #tpu.memory_space<vmem>> -> memref<125x64xf32, #tpu.memory_space<vmem>>
      %dma_wait3A_2022 = tpu.memref_slice %arg5[%add3A_2013, %scan3A_936, %mul3A_0] : memref<10000x11x128xf32, #tpu.memory_space<hbm>> -> memref<125x1x64xf32, #tpu.memory_space<hbm>>
      %dma_wait3A_2023 = tpu.memref_squeeze %dma_wait3A_2022 : memref<125x1x64xf32, #tpu.memory_space<hbm>> -> memref<125x64xf32, #tpu.memory_space<hbm>>
      %dma_wait3A_2024 = tpu.memref_slice %arg5[%add3A_2013, %scan3A_936, %mul3A_0] : memref<10000x11x128xf32, #tpu.memory_space<hbm>> -> memref<125x1x64xf32, #tpu.memory_space<hbm>>
      %dma_wait3A_2025 = tpu.memref_squeeze %dma_wait3A_2024 : memref<125x1x64xf32, #tpu.memory_space<hbm>> -> memref<125x64xf32, #tpu.memory_space<hbm>>
      %dma_wait3A_2026 = arith.constant 0 : i32
      %dma_wait3A_2027 = arith.constant 0 : i32
      %dma_wait3A_2028 = tpu.memref_slice %arg8[%dma_wait3A_2014, %dma_wait3A_2026, %dma_wait3A_2027] : memref<5x128x64xf32, #tpu.memory_space<vmem>> -> memref<1x128x64xf32, #tpu.memory_space<vmem>>
      %dma_wait3A_2029 = tpu.memref_squeeze %dma_wait3A_2028 : memref<1x128x64xf32, #tpu.memory_space<vmem>> -> memref<128x64xf32, #tpu.memory_space<vmem>>
      %dma_wait3A_2030 = arith.constant 0 : i32
      %dma_wait3A_2031 = arith.constant 0 : i32
      %dma_wait3A_2032 = tpu.memref_slice %dma_wait3A_2029[%dma_wait3A_2030, %dma_wait3A_2031] : memref<128x64xf32, #tpu.memory_space<vmem>> -> memref<125x64xf32, #tpu.memory_space<vmem>>
      tpu.wait_dma2 semaphore(%arg13 : memref<!tpu.dma_semaphore, #tpu.memory_space<semaphore_mem>>) src(%dma_wait3A_2032 : memref<125x64xf32, #tpu.memory_space<vmem>>) dst(%dma_wait3A_2025 : memref<125x64xf32, #tpu.memory_space<hbm>>)
      %dma_wait3A_2033 = arith.constant 1 : i32
      %dma_wait3A_2034 = arith.constant 0 : i32
      %dma_wait3A_2035 = arith.constant 0 : i32
      %dma_wait3A_2036 = tpu.memref_slice %arg8[%dma_wait3A_2033, %dma_wait3A_2034, %dma_wait3A_2035] : memref<5x128x64xf32, #tpu.memory_space<vmem>> -> memref<1x128x64xf32, #tpu.memory_space<vmem>>
      %dma_wait3A_2037 = tpu.memref_squeeze %dma_wait3A_2036 : memref<1x128x64xf32, #tpu.memory_space<vmem>> -> memref<128x64xf32, #tpu.memory_space<vmem>>
      %dma_wait3A_2038 = arith.constant 0 : i32
      %dma_wait3A_2039 = arith.constant 0 : i32
      %dma_wait3A_2040 = tpu.memref_slice %dma_wait3A_2037[%dma_wait3A_2038, %dma_wait3A_2039] : memref<128x64xf32, #tpu.memory_space<vmem>> -> memref<125x64xf32, #tpu.memory_space<vmem>>
      %dma_wait3A_2041 = arith.constant 0 : i32
      %dma_wait3A_2042 = tpu.memref_slice %arg7[%add3A_2013, %dma_wait3A_2041] : memref<10000x64xf32, #tpu.memory_space<vmem_shared>> -> memref<125x64xf32, #tpu.memory_space<vmem_shared>>
      %dma_wait3A_2043 = arith.constant 0 : i32
      %dma_wait3A_2044 = tpu.memref_slice %arg7[%add3A_2013, %dma_wait3A_2043] : memref<10000x64xf32, #tpu.memory_space<vmem_shared>> -> memref<125x64xf32, #tpu.memory_space<vmem_shared>>
      %dma_wait3A_2045 = arith.constant 0 : i32
      %dma_wait3A_2046 = arith.constant 0 : i32
      %dma_wait3A_2047 = tpu.memref_slice %arg8[%dma_wait3A_2033, %dma_wait3A_2045, %dma_wait3A_2046] : memref<5x128x64xf32, #tpu.memory_space<vmem>> -> memref<1x128x64xf32, #tpu.memory_space<vmem>>
      %dma_wait3A_2048 = tpu.memref_squeeze %dma_wait3A_2047 : memref<1x128x64xf32, #tpu.memory_space<vmem>> -> memref<128x64xf32, #tpu.memory_space<vmem>>
      %dma_wait3A_2049 = arith.constant 0 : i32
      %dma_wait3A_2050 = arith.constant 0 : i32
      %dma_wait3A_2051 = tpu.memref_slice %dma_wait3A_2048[%dma_wait3A_2049, %dma_wait3A_2050] : memref<128x64xf32, #tpu.memory_space<vmem>> -> memref<125x64xf32, #tpu.memory_space<vmem>>
      tpu.wait_dma2 semaphore(%arg14 : memref<!tpu.dma_semaphore, #tpu.memory_space<semaphore_mem>>) src(%dma_wait3A_2051 : memref<125x64xf32, #tpu.memory_space<vmem>>) dst(%dma_wait3A_2044 : memref<125x64xf32, #tpu.memory_space<vmem_shared>>)
      %dma_wait3A_2052 = arith.constant 0 : i32
      %dma_wait3A_2053 = arith.constant 0 : i32
      %dma_wait3A_2054 = arith.constant 0 : i32
      %dma_wait3A_2055 = tpu.memref_slice %arg8[%dma_wait3A_2052, %dma_wait3A_2053, %dma_wait3A_2054] : memref<5x128x64xf32, #tpu.memory_space<vmem>> -> memref<1x128x64xf32, #tpu.memory_space<vmem>>
      %dma_wait3A_2056 = tpu.memref_squeeze %dma_wait3A_2055 : memref<1x128x64xf32, #tpu.memory_space<vmem>> -> memref<128x64xf32, #tpu.memory_space<vmem>>
      %dma_wait3A_2057 = arith.constant 0 : i32
      %dma_wait3A_2058 = arith.constant 0 : i32
      %dma_wait3A_2059 = tpu.memref_slice %dma_wait3A_2056[%dma_wait3A_2057, %dma_wait3A_2058] : memref<128x64xf32, #tpu.memory_space<vmem>> -> memref<125x64xf32, #tpu.memory_space<vmem>>
      %dma_wait3A_2060 = arith.constant 0 : i32
      %dma_wait3A_2061 = tpu.memref_slice %arg6[%add3A_2013, %dma_wait3A_2060] : memref<10016x64xf32, #tpu.memory_space<vmem_shared>> -> memref<125x64xf32, #tpu.memory_space<vmem_shared>>
      %dma_wait3A_2062 = arith.constant 0 : i32
      %dma_wait3A_2063 = tpu.memref_slice %arg6[%add3A_2013, %dma_wait3A_2062] : memref<10016x64xf32, #tpu.memory_space<vmem_shared>> -> memref<125x64xf32, #tpu.memory_space<vmem_shared>>
      %dma_wait3A_2064 = arith.constant 0 : i32
      %dma_wait3A_2065 = arith.constant 0 : i32
      %dma_wait3A_2066 = tpu.memref_slice %arg8[%dma_wait3A_2052, %dma_wait3A_2064, %dma_wait3A_2065] : memref<5x128x64xf32, #tpu.memory_space<vmem>> -> memref<1x128x64xf32, #tpu.memory_space<vmem>>
      %dma_wait3A_2067 = tpu.memref_squeeze %dma_wait3A_2066 : memref<1x128x64xf32, #tpu.memory_space<vmem>> -> memref<128x64xf32, #tpu.memory_space<vmem>>
      %dma_wait3A_2068 = arith.constant 0 : i32
      %dma_wait3A_2069 = arith.constant 0 : i32
      %dma_wait3A_2070 = tpu.memref_slice %dma_wait3A_2067[%dma_wait3A_2068, %dma_wait3A_2069] : memref<128x64xf32, #tpu.memory_space<vmem>> -> memref<125x64xf32, #tpu.memory_space<vmem>>
      tpu.wait_dma2 semaphore(%arg14 : memref<!tpu.dma_semaphore, #tpu.memory_space<semaphore_mem>>) src(%dma_wait3A_2070 : memref<125x64xf32, #tpu.memory_space<vmem>>) dst(%dma_wait3A_2063 : memref<125x64xf32, #tpu.memory_space<vmem_shared>>)
      %add3A_2071 = arith.constant 10000 : i32
      %add3A_2072 = arith.addi %add3A_2071, %arg1 : i32
      %dma_wait3A_2073 = arith.constant 0 : i32
      %dma_wait3A_2074 = arith.constant 0 : i32
      %dma_wait3A_2075 = arith.constant 0 : i32
      %dma_wait3A_2076 = tpu.memref_slice %arg8[%dma_wait3A_2073, %dma_wait3A_2074, %dma_wait3A_2075] : memref<5x128x64xf32, #tpu.memory_space<vmem>> -> memref<1x128x64xf32, #tpu.memory_space<vmem>>
      %dma_wait3A_2077 = tpu.memref_squeeze %dma_wait3A_2076 : memref<1x128x64xf32, #tpu.memory_space<vmem>> -> memref<128x64xf32, #tpu.memory_space<vmem>>
      %dma_wait3A_2078 = arith.constant 0 : i32
      %dma_wait3A_2079 = arith.constant 0 : i32
      %dma_wait3A_2080 = tpu.memref_slice %dma_wait3A_2077[%dma_wait3A_2078, %dma_wait3A_2079] : memref<128x64xf32, #tpu.memory_space<vmem>> -> memref<1x64xf32, #tpu.memory_space<vmem>>
      %dma_wait3A_2081 = arith.constant 0 : i32
      %dma_wait3A_2082 = tpu.memref_slice %arg6[%add3A_2072, %dma_wait3A_2081] : memref<10016x64xf32, #tpu.memory_space<vmem_shared>> -> memref<1x64xf32, #tpu.memory_space<vmem_shared>>
      %dma_wait3A_2083 = arith.constant 0 : i32
      %dma_wait3A_2084 = tpu.memref_slice %arg6[%add3A_2072, %dma_wait3A_2083] : memref<10016x64xf32, #tpu.memory_space<vmem_shared>> -> memref<1x64xf32, #tpu.memory_space<vmem_shared>>
      %dma_wait3A_2085 = arith.constant 0 : i32
      %dma_wait3A_2086 = arith.constant 0 : i32
      %dma_wait3A_2087 = tpu.memref_slice %arg8[%dma_wait3A_2073, %dma_wait3A_2085, %dma_wait3A_2086] : memref<5x128x64xf32, #tpu.memory_space<vmem>> -> memref<1x128x64xf32, #tpu.memory_space<vmem>>
      %dma_wait3A_2088 = tpu.memref_squeeze %dma_wait3A_2087 : memref<1x128x64xf32, #tpu.memory_space<vmem>> -> memref<128x64xf32, #tpu.memory_space<vmem>>
      %dma_wait3A_2089 = arith.constant 0 : i32
      %dma_wait3A_2090 = arith.constant 0 : i32
      %dma_wait3A_2091 = tpu.memref_slice %dma_wait3A_2088[%dma_wait3A_2089, %dma_wait3A_2090] : memref<128x64xf32, #tpu.memory_space<vmem>> -> memref<1x64xf32, #tpu.memory_space<vmem>>
      tpu.wait_dma2 semaphore(%arg14 : memref<!tpu.dma_semaphore, #tpu.memory_space<semaphore_mem>>) src(%dma_wait3A_2091 : memref<1x64xf32, #tpu.memory_space<vmem>>) dst(%dma_wait3A_2084 : memref<1x64xf32, #tpu.memory_space<vmem_shared>>)
      %barrier3A_2092 = arith.constant 0 : index
      tpu.barrier barrier_id(%barrier3A_2092)
    }
    %scan3A_935 = arith.constant 10 : i32
    return
  }
}

</mosaic_0001>

<sc_bundles>
// kernel: _poly_conv.3.cloned.1.call-start
scs
__scs_entry_jumppad:
0x0: {  	(pc) =	sbr.rel $0x88, $3  }
0x1: {  	(tag) =	ssettag $0x0;
	lr =	simm.s32 $0x1  }
0x2: {  	[smem:$0x3F9E] =	sst lr;
	_ =	strace $0xD0000000  }
0x3: {  	_ = 	snop  }
0x4: {  	_ = 	snop  }
0x5: {  	_ = 	snop  }
0x6: {  	_ = 	snop  }
0x7: {  	_ = 	snop  }
__scs_overlays_trampoline_lowered:
0x8: {  	[smem:$0x3FAD] =	sst s0  }
0x9: {  	[smem:$0x3FAE] =	sst s1  }
0xa: {  	[smem:$0x3FAF] =	sst s2  }
0xb: {  	[smem:$0x3FB0] =	sst s3  }
0xc: {  	[smem:$0x3FB1] =	sst s4  }
0xd: {  	[smem:$0x3FB2] =	sst s5  }
0xe: {  	[smem:$0x3FB3] =	sst s6  }
0xf: {  	[smem:$0x3FB4] =	sst s7  }
0x10: {  	[smem:$0x3FB5] =	sst s8  }
0x11: {  	[smem:$0x3FB6] =	sst s9;
	s0 =	simm.s32 @!p0 $0x0  }
0x12: {  	s1 =	sld [smem:$0x3F9C];
	s0 =	simm.s32 @p0 $0x1  }
0x13: {  	[smem:$0x3FB7] =	sst s0;
	s0 =	simm.s32 @!p1 $0x0  }
0x14: {  	s2 =	sld [smem:$0x3F9B];
	s0 =	simm.s32 @p1 $0x1  }
0x15: {  	[smem:$0x3FB8] =	sst s0;
	s0 =	simm.s32 @!p2 $0x0  }
0x16: {  	s3 =	sld [smem:$0x3FDB];
	s0 =	simm.s32 @p2 $0x1  }
0x17: {  	s4 =	simm.s32 $0x1BF5;
	[smem:$0x3FBA] =	sst s0  }
0x18: {  	s0 =	sld [smem:$0x3F9D];
	_ =	swait.ge [sflag:s4], $0x0  }
0x19: {  	s7 =	sld [smem:$0x3F9E]  }
0x1a: {  	s8 =	sadd.s32 $0xFFFFE003, lr  }
0x1b: {  	s9 =	sadd.s32 $0xFFFFFEF7, lr;
	s5 =	simm.s32 $0xFFFFFFFF;
	p2 =	slt.u32 s8, $0xFFFFF086  }
0x1c: {  	p1 =	slt.u32 s9, $0xF7A;
	s5 =	simm.s32 @!p2 $0x0  }
0x1d: {  	s5 =	simm.s32 @p1 $0x1;
	p0 =	seq.s32 s7, s2  }
0x1e: {  	s7 =	smul.u32 @!p0 $0xF7A, s2;
	p2 =	seq.s32 @!p0 s5, $0x0  }
0x1f: {  	s9 =	smul.u32 $0xF7A, s1;
	s8 =	simm.s32 @!p0 $0x1BF5;
	p2 =	por !p2, p0  }
0x20: {  	[sflag:s8] =	ssyncset.s32 @!p0 $0xFFFFF086;
	s6 =	sadd.s32 @!p0 s3, s7;
	s7 =	simm.s32 @!p0 $0x108  }
0x21: {  	s3 =	sadd.s32 s3, s9;
	s6 =	sadd.s32 @!p0 $0x88, s6;
	s7 =	simm.s32 @p2 $0x1082  }
0x22: {  	[simem:s7], [sflag:s8] =	dma.local @!p0 [hbm:s6], $0xF7A  }
0x23: {  	s9 =	sor.u32 $0xD0000000, s2;
	s6 =	simm.s32 $0x108;
	_ =	swait.ge @!p0 [sflag:s8], $0x0  }
0x24: {  	s3 =	sadd.s32 $0x88, s3;
	s6 =	simm.s32 @!p1 $0x1082;
	[sflag:s4] =	ssyncset.s32 $0xFFFFF086  }
0x25: {  	[simem:s6], [sflag:s4] =	dma.local [hbm:s3], $0xF7A  }
0x26: {  	[smem:$0x3F9E] =	sst s1;
	(tag) =	ssettag s2;
	_ =	strace s9  }
0x27: {  	s1 =	sld [smem:$0x3FAE]  }
0x28: {  	s2 =	sld [smem:$0x3FAF]  }
0x29: {  	s4 =	sld [smem:$0x3FB1]  }
0x2a: {  	p0 =	seq.s32 s5, $0x0;
	s5 =	sld [smem:$0x3FB2]  }
0x2b: {  	s6 =	sld [smem:$0x3FB3]  }
0x2c: {  	s7 =	sld [smem:$0x3FB4]  }
0x2d: {  	s3 =	simm.s32 $0x108;
	s8 =	sld [smem:$0x3FB5]  }
0x2e: {  	s3 =	simm.s32 @!p0 $0x1082;
	s9 =	sld [smem:$0x3FB6]  }
0x2f: {  	lr =	sadd.s32 s0, s3;
	s0 =	sld [smem:$0x3FAD]  }
0x30: {  	s3 =	sld [smem:$0x3FB0]  }
0x31: {  	[smem:$0x3FB9] =	sst s10  }
0x32: {  	s10 =	sld [smem:$0x3FB7];
	_ =	sdelay $0x3  }
0x33: {  	p0 =	seq.s32 s10, $0x1;
	s10 =	sld [smem:$0x3FB9];
	_ =	sdelay $0x3  }
0x34: {  	[smem:$0x3FB9] =	sst s10  }
0x35: {  	s10 =	sld [smem:$0x3FB8];
	_ =	sdelay $0x3  }
0x36: {  	p1 =	seq.s32 s10, $0x1;
	s10 =	sld [smem:$0x3FB9];
	_ =	sdelay $0x3  }
0x37: {  	[smem:$0x3FB9] =	sst s10  }
0x38: {  	s10 =	sld [smem:$0x3FBA]  }
0x39: {  	_ = 	snop;
	(pc) =	sbr.ind lr, $3  }
0x3a: {  	_ = 	snop  }
0x3b: {  	_ = 	snop  }
0x3c: {  	p2 =	seq.s32 s10, $0x1;
	s10 =	sld [smem:$0x3FB9]  }
0x3d: {  	_ =	shalt  }
0x3e: {  	_ =	shalt  }
0x3f: {  	_ =	shalt  }
0x40: {  	_ =	shalt  }
0x41: {  	_ =	shalt  }
0x42: {  	_ =	shalt  }
0x43: {  	_ =	shalt  }
0x44: {  	_ =	shalt  }
0x45: {  	_ =	shalt  }
0x46: {  	_ =	shalt  }
0x47: {  	_ =	shalt  }
0x48: {  	_ =	shalt  }
0x49: {  	_ =	shalt  }
0x4a: {  	_ =	shalt  }
0x4b: {  	_ =	shalt  }
0x4c: {  	_ =	shalt  }
0x4d: {  	_ =	shalt  }
0x4e: {  	_ =	shalt  }
0x4f: {  	_ =	shalt  }
0x50: {  	_ =	shalt  }
0x51: {  	_ =	shalt  }
0x52: {  	_ =	shalt  }
0x53: {  	_ =	shalt  }
0x54: {  	_ =	shalt  }
0x55: {  	_ =	shalt  }
0x56: {  	_ =	shalt  }
0x57: {  	_ =	shalt  }
0x58: {  	_ =	shalt  }
0x59: {  	_ =	shalt  }
0x5a: {  	_ =	shalt  }
0x5b: {  	_ =	shalt  }
0x5c: {  	_ =	shalt  }
0x5d: {  	_ =	shalt  }
0x5e: {  	_ =	shalt  }
0x5f: {  	_ =	shalt  }
0x60: {  	_ =	shalt  }
0x61: {  	_ =	shalt  }
0x62: {  	_ =	shalt  }
0x63: {  	_ =	shalt  }
0x64: {  	_ =	shalt  }
0x65: {  	_ =	shalt  }
0x66: {  	_ =	shalt  }
0x67: {  	_ =	shalt  }
0x68: {  	_ =	shalt  }
0x69: {  	_ =	shalt  }
0x6a: {  	_ =	shalt  }
0x6b: {  	_ =	shalt  }
0x6c: {  	_ =	shalt  }
0x6d: {  	_ =	shalt  }
0x6e: {  	_ =	shalt  }
0x6f: {  	_ =	shalt  }
0x70: {  	_ =	shalt  }
0x71: {  	_ =	shalt  }
0x72: {  	_ =	shalt  }
0x73: {  	_ =	shalt  }
0x74: {  	_ =	shalt  }
0x75: {  	_ =	shalt  }
0x76: {  	_ =	shalt  }
0x77: {  	_ =	shalt  }
0x78: {  	_ =	shalt  }
0x79: {  	_ =	shalt  }
0x7a: {  	_ =	shalt  }
0x7b: {  	_ =	shalt  }
0x7c: {  	_ =	shalt  }
0x7d: {  	_ =	shalt  }
0x7e: {  	_ =	shalt  }
0x7f: {  	_ =	shalt  }
0x80: {  	_ =	shalt  }
0x81: {  	_ =	shalt  }
0x82: {  	_ =	shalt  }
0x83: {  	_ =	shalt  }
0x84: {  	_ =	shalt  }
0x85: {  	_ =	shalt  }
0x86: {  	_ =	shalt  }
0x87: {  	_ =	shalt  }
.Lfunc_end0:
.L_simem_size_0:
called_computation.1_lowered:
.L_overlay_start_0:
0x88: {  	s2 =	sld [smem:$0x3FD9]  }
0x89: {  	s3 =	sld [smem:$0x3FFE];
	_ =	sdelay $0x1  }
0x8a: {  	s1 =	srdreg.scid  }
0x8b: {  	s0 =	sand.u32 $0x1, s1  }
0x8c: {  	s18 =	sshll.u32 s0, $0xA;
	s2 =	sadd.s32 s3, s2  }
0x8d: {  	s2 =	sadd.s32 s2, s18  }
0x8e: {  	[smem:$0x3FC5] =	sst s2  }
0x8f: {  	_ = 	snop  }
0x90: {  	s2 =	sld [smem:$0x3FC9]  }
0x91: {  	s19 =	sld [smem:$0x3FC8]  }
0x92: {  	s4 =	sld [smem:$0x3FC7]  }
0x93: {  	s5 =	sld [smem:$0x3FD0];
	(tm) =	ssettm $0x1  }
0x94: {  	s6 =	sld [smem:$0x3FFB];
	_ =	sdelay $0x3  }
0x95: {  	_ =	strace s6  }
0x96: {  	s6 =	sld [smem:$0x3FFC];
	_ =	sdelay $0x3  }
0x97: {  	_ =	strace s6  }
0x98: {  	s6 =	sld [smem:$0x3FFD];
	_ =	sdelay $0x3  }
0x99: {  	_ =	strace s6  }
0x9a: {  	_ =	strace $0x8FFFFFFF  }
0x9b: {  	s20 =	sld [smem:$0x3FDB];
	_ =	sdelay $0x1  }
0x9c: {  	s7 =	simm.s32 $_scs_section_size  }
0x9d: {  	s8 =	simm.s32 $_size__tile_overlayer_lowered;
	s9 =	simm.s32 $_tile_overlayer_lowered  }
0x9e: {  	s23 =	simm.s32 $0x1BFF;
	s22 =	sshll.u32 s9, $0x1;
	s6 =	sadd.s32 s7, s20  }
0x9f: {  	s10 =	simm.s32 $0x0;
	s21 =	sshll.u32 s8, $0x1;
	s8 =	sadd.s32 s22, s6  }
0xa0: {  	[timem:s10], [sflag:s23] =	dma.local [hbm:s8], s21  }
0xa1: {  	_ =	swait.ge [sflag:s23], s21  }
0xa2: {  	s7 =	ssub.s32 $0x0, s21;
	[sflag:s23] =	ssyncset.done $0x0  }
0xa3: {  	[sflag:s23] =	ssyncadd.s32 s7;
	_ =	sdelay $0x1  }
0xa4: {  	s24 =	simm.s32 $0x1B8B  }
0xa5: {  	_ =	swait.ge [sflag:s24], $0x1  }
0xa6: {  	[sflag:s24] =	ssyncset.done $0x0  }
0xa7: {  	s25 =	simm.s32 $0x1B8E;
	[sflag:s24] =	ssyncadd.s32 $0xFFFFFFFF  }
0xa8: {  	s26 =	simm.s32 $execute0_lowered;
	[smem:$0x3FD2] =	sst s25  }
0xa9: {  	s7 =	sshll.u32 s26, $0x1;
	_ =	strace $0x80000046;
	[dreg:$0x1] =	wrdreg $0xFFFFFFFF  }
0xaa: {  	s28 =	simm.s32 $_size_execute0_lowered;
	s6 =	sadd.s32 s6, s7;
	[dreg:$0x0] =	wrdreg $0x0  }
0xab: {  	s7 =	sshll.u32 s28, $0x1;
	[dreg:$0x2] =	wrdreg s6  }
0xac: {  	[dreg:$0x3] =	wrdreg s7  }
0xad: {  	[dreg:$0x4] =	wrdreg $0xC0  }
0xae: {  	_ =	task [dreg:s10], $0x5FFFF  }
0xaf: {  	[dreg:$0x1] =	wrdreg $0xFFFFFFFF  }
0xb0: {  	[dreg:$0x0] =	wrdreg $0x60  }
0xb1: {  	[dreg:$0x2] =	wrdreg s2  }
0xb2: {  	[dreg:$0x3] =	wrdreg s19  }
0xb3: {  	[dreg:$0x4] =	wrdreg s4  }
0xb4: {  	[dreg:$0x5] =	wrdreg s5  }
0xb5: {  	[dreg:$0x6] =	wrdreg $0x9C800  }
0xb6: {  	[dreg:$0x7] =	wrdreg $0x0  }
0xb7: {  	[dreg:$0x8] =	wrdreg $0x9  }
0xb8: {  	_ =	task.clear_ibuf [dreg:s10], $0x9FFFF;
	_ =	strace $0x90000046  }
0xb9: {  	s29 =	simm.s32 $0x9;
	_ =	strace $0x80000048  }
0xba: {  	_ =	swait.ge [sflag:s29], $0x1  }
0xbb: {  	[sflag:s29] =	ssyncadd.s32 $0xFFFFFFFF  }
0xbc: {  	_ =	strace $0x90000048  }
0xbd: {  	_ =	sfence  }
0xbe: {  	s30 =	sld [smem:$0x0];
	_ =	sdelay $0x2  }
0xbf: {  	s31 =	sshll.u32 s1, $0xD;
	s1 =	sshrl.u32 s1, $0x2  }
0xc0: {  	s3 =	sand.u32 $0x4000, s31;
	s1 =	sadd.s32 s1, s30  }
0xc1: {  	s0 =	sor.u32 s3, s0;
	s1 =	sshll.u32 s1, $0x11  }
0xc2: {  	s0 =	sor.u32 s1, s0  }
0xc3: {  	s0 =	sadd.s32 $0x8F2B, s0  }
0xc4: {  	[sflag:s0] =	ssyncadd.remote.s32 $0x1  }
0xc5: {  	_ =	sfence.sel $0xFFFF  }
0xc6: {  	[dreg:$0x0] =	wrdreg $0xFFFFFFFF;
	(pc) =	sbr.abs _section_cstart, $3  }
0xc7: {  	[dreg:$0x1] =	wrdreg $0xFFFFFFFF  }
0xc8: {  	_ =	task.clear_ibuf [dreg:s10], $0x2FFFF;
	_ =	strace $0x9FFFFFFF  }
0xc9: {  	(tm) =	ssettm $0x7FFFFFFF  }
tec
execute0_lowered:
.L_overlay_start_1:
0x0: {  	(tag) =	ssettag $0x1  }
0x1: {  	s0 =	rddreg [dreg:$0x0]  }
0x2: {  	s4 =	rddreg [dreg:$0x1]  }
0x3: {  	s6 =	rddreg [dreg:$0x2]  }
0x4: {  	s1 =	rddreg [dreg:$0x3]  }
0x5: {  	s2 =	rddreg [dreg:$0x4];
	s15 =	stileid.u32  }
0x6: {  	s3 =	rddreg [dreg:$0x5];
	s9 =	smul.u32 $0x271, s15  }
0x7: {  	s5 =	srdreg.scid;
	s16 =	simm.s32 $0x0;
	s14 =	smul.u32 $0x13880, s15  }
0x8: {  	s31 =	simm.s32 $0x158C0;
	s29 =	simm.s32 $0x2;
	s13 =	smul.u32 $0xD6D80, s15  }
0x9: {  	s7 =	sand.u32 $0x1, s5;
	[smem:$0x7FF] =	sst s16;
	s21 =	smul.u32 $0x9C40, s15  }
0xa: {  	s5 =	ssub.s32 $0x2, s7;
	_ =	strace $0x80000047;
	s10 =	sshll.u32 s7, $0x6  }
0xb: {  	s7 =	sshll.u32 s7, $0x3;
	s8 =	sshrl.u32 s5, $0x1;
	s11 =	sadd.s32 $0x7D, s9  }
0xc: {  	s6 =	sadd.s32 s6, s7;
	s24 =	sadd.s32 s21, s2;
	s5 =	ssub.s32 s5, s8  }
0xd: {  	s8 =	sor.u32 s10, s14;
	s12 =	sshll.u32 s11, $0x7;
	[dreg:$0x8] =	wrdreg s6  }
0xe: {  	[dreg:$0xd] =	wrdreg s24;
	s25 =	smul.u32 $0x580, s11;
	s17 =	sshrl.u32 s8, $0x3  }
0xf: {  	s18 =	sor.u32 s10, s12;
	s12 =	sadd.s32 s21, s3;
	s8 =	sadd.s32 $0x177, s9  }
0x10: {  	s21 =	smul.u32 $0x13A0, s15;
	s5 =	smax.u32 s5, $0x1;
	s6 =	sadd.s32 s0, s17  }
0x11: {  	s19 =	sshrl.u32 s18, $0x3;
	s17 =	sor.u32 s10, s13;
	s13 =	sadd.s32 $0xFA, s9  }
0x12: {  	s26 =	sshll.u32 s8, $0x7;
	s9 =	sadd.s32 $0x1F4, s9;
	s14 =	sor.u32 s10, s25  }
0x13: {  	s18 =	smul.u32 $0x9D00, s15;
	s8 =	sshll.u32 s8, $0x6;
	[dreg:$0x1d] =	wrdreg s5  }
0x14: {  	s5 =	simm.s32 $0x580;
	[dreg:$0x9] =	wrdreg s6;
	s20 =	sshrl.u32 s17, $0x3  }
0x15: {  	s6 =	sadd.s32 s0, s19;
	s23 =	sshll.u32 s13, $0x7;
	[dreg:$0xf] =	wrdreg s14  }
0x16: {  	s28 =	sshll.u32 s9, $0x7;
	s14 =	sshrl.u32 s14, $0x3;
	[dreg:$0xa] =	wrdreg s17  }
0x17: {  	s24 =	sadd.s32 s21, s4;
	s30 =	sadd.s32 s8, s3;
	[dreg:$0xb] =	wrdreg s6  }
0x18: {  	s22 =	sadd.s32 s1, s20;
	s6 =	sor.u32 s10, s23;
	s7 =	sor.u32 s10, s28  }
0x19: {  	s20 =	sshrl.u32 s18, $0x3;
	s23 =	sshll.u32 s11, $0x6;
	s28 =	sshll.u32 s13, $0x6  }
0x1a: {  	s13 =	sadd.s32 s8, s2;
	s18 =	sshll.u32 s15, $0x6;
	[dreg:$0xc] =	wrdreg s22  }
0x1b: {  	s8 =	simm.s32 $0x138C0;
	s22 =	sadd.s32 s1, s14;
	[dreg:$0x1a] =	wrdreg s13  }
0x1c: {  	s6 =	sshrl.u32 s6, $0x3;
	s25 =	sadd.s32 s23, s2;
	[dreg:$0x12] =	wrdreg s22  }
0x1d: {  	s19 =	sshrl.u32 s7, $0x3;
	s7 =	sadd.s32 $0x80E80, s17;
	[dreg:$0x14] =	wrdreg s25  }
0x1e: {  	s11 =	sadd.s32 s4, s20;
	s14 =	sadd.s32 $0xABE00, s17;
	[dreg:$0x18] =	wrdreg s7  }
0x1f: {  	s21 =	sadd.s32 s23, s3;
	s20 =	sadd.s32 s18, s3;
	[dreg:$0x1b] =	wrdreg s14  }
0x20: {  	s18 =	simm.s32 $0x4;
	s6 =	sadd.s32 s0, s6;
	[dreg:$0x13] =	wrdreg s11  }
0x21: {  	s25 =	sadd.s32 s28, s3;
	s22 =	sadd.s32 $0xA0, s24;
	[dreg:$0xe] =	wrdreg s6  }
0x22: {  	s23 =	sadd.s32 $0x20, s11;
	s24 =	sadd.s32 $0x40, s11;
	[dreg:$0x1e] =	wrdreg s22  }
0x23: {  	s6 =	sor.u32 s10, s26;
	s26 =	sadd.s32 $0x55F00, s17;
	[dreg:$0x1f] =	wrdreg s23  }
0x24: {  	s17 =	sshrl.u32 s14, $0x3;
	[smem:$0x7FB] =	sst s24;
	s22 =	simm.s32 $0x80  }
0x25: {  	s14 =	simm.s32 $0x3;
	s24 =	simm.s32 $0x1DAC0;
	s6 =	sshrl.u32 s6, $0x3  }
0x26: {  	[dreg:$0x15] =	wrdreg s26;
	s4 =	sshrl.u32 s26, $0x3;
	s26 =	sadd.s32 $0x60, s11  }
0x27: {  	s10 =	simm.s32 $0x5;
	s6 =	sadd.s32 s0, s6;
	[smem:$0x7FC] =	sst s26  }
0x28: {  	s0 =	sadd.s32 s0, s19;
	s4 =	sadd.s32 s1, s4;
	[dreg:$0x10] =	wrdreg s6  }
0x29: {  	s19 =	sshll.u32 s9, $0x6;
	s26 =	simm.s32 $0x178C0;
	[dreg:$0x11] =	wrdreg s0  }
0x2a: {  	[dreg:$0x16] =	wrdreg s4;
	s6 =	sadd.s32 s28, s2;
	s4 =	sshrl.u32 s7, $0x3  }
0x2b: {  	s0 =	sadd.s32 s1, s17;
	s28 =	sadd.s32 $0x80, s11;
	[dreg:$0x17] =	wrdreg s6  }
0x2c: {  	s17 =	simm.s32 $0x40;
	s7 =	simm.s32 $0x1;
	[dreg:$0x1c] =	wrdreg s0  }
0x2d: {  	s4 =	sadd.s32 s1, s4;
	s0 =	sadd.s32 s19, s2;
	[smem:$0x7FD] =	sst s28  }
0x2e: {  	v0 =	vimm.f32 $0.0e+00;
	s6 =	sadd.s32 $0x9C400, s20;
	[dreg:$0x19] =	wrdreg s4;
	s4 =	sadd.s32 s19, s3  }
.LBB2_1:
0x2f: {  	[dreg:$0x7] =	wrdreg s16  }
0x30: {  	s9 =	rddreg [dreg:$0x8];
	s11 =	simm.s32 $0x1DFC0;
	s28 =	simm.s32 $0x6  }
0x31: {  	[tilespmem:s11], [sflag:$0x6] =	stream.strided.gather [hbm4b:s9+s17], $0x2C0, s22, s17, $0x38;
	[tilespmem:$0x1E280] =	vst v63  }
0x32: {  	_ =	swait.ge [sflag:s28], $0x2C0  }
0x33: {  	[sflag:s28] =	ssyncset.done $0x0  }
0x34: {  	s13 =	simm.s32 $0x100;
	s9 =	simm.s32 $0x0;
	[sflag:s28] =	ssyncadd.s32 $0xFFFFFD40  }
.LBB2_2:
0x35: {  	p0 =	sne.s32 s13, $0x7F00;
	[tilespmem:s9+$0x138F0] =	vst v0;
	s16 =	smov.u32 s13;
	s13 =	sadd.s32 $0x100, s13  }
.Ltmp0:
0x36: {  	[tilespmem:s9+$0x138E0] =	vst v0;
	(pc) =	sbr.rel @p0 .LBB2_2-.Ltmp0, $3  }
0x37: {  	[tilespmem:s9+$0x138C0] =	vst v0  }
0x38: {  	[tilespmem:s9+$0x138D0] =	vst v0;
	_ =	sdelay $0x1  }
0x39: {  	s9 =	sshra.s32 s16, $0x2  }
0x3a: {  	[tilespmem:s9+$0x138F0] =	vst v0  }
0x3b: {  	[tilespmem:s9+$0x138E0] =	vst v0  }
0x3c: {  	[tilespmem:s9+$0x138C0] =	vst v0  }
0x3d: {  	[tilespmem:s9+$0x138D0] =	vst v0  }
0x3e: {  	v3 =	vld [tilespmem:$0x1DFC0]  }
0x3f: {  	v4 =	vld [tilespmem:$0x1DFD0]  }
0x40: {  	s23 =	rddreg [dreg:$0x9];
	v2 =	vld [tilespmem:$0x1DFE0]  }
0x41: {  	v1 =	vld [tilespmem:$0x1DFF0];
	[tilespmem:s31], [sflag:$0x1] =	stream.strided.gather [hbm4b:s23+s17], $0x1F40, s22, s17, $0x38  }
0x42: {  	_ =	swait.ge [sflag:s7], $0x1F40  }
0x43: {  	[sflag:s7] =	ssyncset.done $0x0  }
0x44: {  	s9 =	simm.s32 $0x0;
	s28 =	rddreg [dreg:$0xb];
	[sflag:s7] =	ssyncadd.s32 $0xFFFFE0C0  }
0x45: {  	[tilespmem:s26], [sflag:$0x1] =	stream.strided.gather [hbm4b:s28+s17], $0x1F40, s22, s17, $0x38;
	[tilespmem:$0x1E280] =	vst v63  }
0x46: {  	v5 =	vld [tilespmem:s9+$0x158C0]  }
0x47: {  	v7 =	vld [tilespmem:s9+$0x158D0]  }
0x48: {  	s13 =	simm.s32 $0x100;
	v6 =	vld [tilespmem:s9+$0x158E0]  }
.LBB2_4:
0x49: {  	p0 =	sne.s32 s13, $0x7C00;
	v8 =	vld [tilespmem:s9+$0x158F0];
	_ =	sdelay $0x1  }
0x4a: {  	v5 =	vmul.f32 v5, v3  }
.Ltmp1:
0x4b: {  	v7 =	vmul.f32 v7, v4;
	(pc) =	sbr.rel @p0 .LBB2_4-.Ltmp1, $4  }
0x4c: {  	s16 =	sshra.s32 s13, $0x2;
	[tilespmem:s9+$0x158C0] =	vst v5;
	v6 =	vmul.f32 v6, v2  }
0x4d: {  	v5 =	vld [tilespmem:s16+$0x158C0];
	[tilespmem:s9+$0x158D0] =	vst v7;
	v8 =	vmul.f32 v8, v1  }
0x4e: {  	v7 =	vld [tilespmem:s16+$0x158D0];
	[tilespmem:s9+$0x158E0] =	vst v6  }
0x4f: {  	s13 =	sadd.s32 $0x100, s13;
	v6 =	vld [tilespmem:s16+$0x158E0];
	[tilespmem:s9+$0x158F0] =	vst v8;
	s9 =	smov.u32 s16  }
0x50: {  	v8 =	vld [tilespmem:s9+$0x158F0];
	_ =	sdelay $0x1  }
0x51: {  	v5 =	vmul.f32 v5, v3  }
0x52: {  	v7 =	vmul.f32 v7, v4  }
0x53: {  	[tilespmem:s9+$0x158C0] =	vst v5;
	v5 =	vmul.f32 v6, v2  }
0x54: {  	[tilespmem:s9+$0x158D0] =	vst v7;
	v6 =	vmul.f32 v8, v1  }
0x55: {  	[tilespmem:s9+$0x158E0] =	vst v5  }
0x56: {  	s20 =	rddreg [dreg:$0xc];
	[tilespmem:s9+$0x158F0] =	vst v6  }
0x57: {  	[hbm4b:s20+s17] =	stream.strided.scatter [tilespmem:s31], [sflag:$0x3], $0x1F40, s5, s17, $0x38;
	[tilespmem:$0x1E280] =	vst v63  }
0x58: {  	s23 =	rddreg [dreg:$0xd]  }
0x59: {  	[spmem:s23] =	stream.linear.scatter [tilespmem:s31], [sflag:$0x4], $0x1F40, $0x38;
	[tilespmem:$0x1E280] =	vst v63  }
0x5a: {  	_ = 	snop  }
0x5b: {  	[spmem:s12] =	stream.linear.scatter [tilespmem:s8], [sflag:$0x4], $0x1F40, $0x38;
	[tilespmem:$0x1E280] =	vst v63  }
0x5c: {  	_ =	swait.ge [sflag:s7], $0x1F40  }
0x5d: {  	[sflag:s7] =	ssyncset.done $0x0  }
0x5e: {  	[sflag:s7] =	ssyncadd.s32 $0xFFFFE0C0  }
0x5f: {  	_ =	swait.ge [sflag:s14], $0x1F40  }
0x60: {  	[sflag:s14] =	ssyncset.done $0x0  }
0x61: {  	[sflag:s14] =	ssyncadd.s32 $0xFFFFE0C0  }
0x62: {  	_ =	swait.ge [sflag:s18], $0x1F40  }
0x63: {  	[sflag:s18] =	ssyncset.done $0x0  }
0x64: {  	[sflag:s18] =	ssyncadd.s32 $0xFFFFE0C0  }
0x65: {  	_ =	swait.ge [sflag:s18], $0x1F40  }
0x66: {  	[sflag:s18] =	ssyncset.done $0x0  }
0x67: {  	s9 =	simm.s32 $0x0;
	s28 =	rddreg [dreg:$0xe];
	[sflag:s18] =	ssyncadd.s32 $0xFFFFE0C0  }
0x68: {  	[tilespmem:s31], [sflag:$0x1] =	stream.strided.gather [hbm4b:s28+s17], $0x1F40, s22, s17, $0x38;
	[tilespmem:$0x1E280] =	vst v63  }
0x69: {  	v5 =	vld [tilespmem:s9+$0x178C0]  }
0x6a: {  	v7 =	vld [tilespmem:s9+$0x178D0]  }
0x6b: {  	s13 =	simm.s32 $0x100;
	v6 =	vld [tilespmem:s9+$0x178E0]  }
.LBB2_6:
0x6c: {  	p0 =	sne.s32 s13, $0x7C00;
	v8 =	vld [tilespmem:s9+$0x178F0];
	_ =	sdelay $0x1  }
0x6d: {  	v5 =	vmul.f32 v5, v3  }
.Ltmp2:
0x6e: {  	v7 =	vmul.f32 v7, v4;
	(pc) =	sbr.rel @p0 .LBB2_6-.Ltmp2, $4  }
0x6f: {  	s16 =	sshra.s32 s13, $0x2;
	[tilespmem:s9+$0x178C0] =	vst v5;
	v6 =	vmul.f32 v6, v2  }
0x70: {  	v5 =	vld [tilespmem:s16+$0x178C0];
	[tilespmem:s9+$0x178D0] =	vst v7;
	v8 =	vmul.f32 v8, v1  }
0x71: {  	v7 =	vld [tilespmem:s16+$0x178D0];
	[tilespmem:s9+$0x178E0] =	vst v6  }
0x72: {  	s13 =	sadd.s32 $0x100, s13;
	v6 =	vld [tilespmem:s16+$0x178E0];
	[tilespmem:s9+$0x178F0] =	vst v8;
	s9 =	smov.u32 s16  }
0x73: {  	v8 =	vld [tilespmem:s9+$0x178F0];
	_ =	sdelay $0x1  }
0x74: {  	v5 =	vmul.f32 v5, v3  }
0x75: {  	v7 =	vmul.f32 v7, v4  }
0x76: {  	[tilespmem:s9+$0x178C0] =	vst v5;
	v5 =	vmul.f32 v6, v2  }
0x77: {  	[tilespmem:s9+$0x178D0] =	vst v7;
	v6 =	vmul.f32 v8, v1  }
0x78: {  	[tilespmem:s9+$0x178E0] =	vst v5  }
0x79: {  	s20 =	rddreg [dreg:$0x12];
	[tilespmem:s9+$0x178F0] =	vst v6  }
0x7a: {  	[hbm4b:s20+s17] =	stream.strided.scatter [tilespmem:s26], [sflag:$0x3], $0x1F40, s5, s17, $0x38;
	[tilespmem:$0x1E280] =	vst v63  }
0x7b: {  	s23 =	rddreg [dreg:$0x14]  }
0x7c: {  	[spmem:s23] =	stream.linear.scatter [tilespmem:s26], [sflag:$0x4], $0x1F40, $0x38;
	[tilespmem:$0x1E280] =	vst v63  }
0x7d: {  	_ = 	snop  }
0x7e: {  	[spmem:s21] =	stream.linear.scatter [tilespmem:s8], [sflag:$0x4], $0x1F40, $0x38;
	[tilespmem:$0x1E280] =	vst v63  }
0x7f: {  	_ =	swait.ge [sflag:s7], $0x1F40  }
0x80: {  	[sflag:s7] =	ssyncset.done $0x0  }
0x81: {  	[sflag:s7] =	ssyncadd.s32 $0xFFFFE0C0  }
0x82: {  	_ =	swait.ge [sflag:s14], $0x1F40  }
0x83: {  	[sflag:s14] =	ssyncset.done $0x0  }
0x84: {  	[sflag:s14] =	ssyncadd.s32 $0xFFFFE0C0  }
0x85: {  	_ =	swait.ge [sflag:s18], $0x1F40  }
0x86: {  	[sflag:s18] =	ssyncset.done $0x0  }
0x87: {  	[sflag:s18] =	ssyncadd.s32 $0xFFFFE0C0  }
0x88: {  	_ =	swait.ge [sflag:s18], $0x1F40  }
0x89: {  	[sflag:s18] =	ssyncset.done $0x0  }
0x8a: {  	s9 =	simm.s32 $0x0;
	s28 =	rddreg [dreg:$0x10];
	[sflag:s18] =	ssyncadd.s32 $0xFFFFE0C0  }
0x8b: {  	[tilespmem:s26], [sflag:$0x1] =	stream.strided.gather [hbm4b:s28+s17], $0x1F40, s22, s17, $0x38;
	[tilespmem:$0x1E280] =	vst v63  }
0x8c: {  	v5 =	vld [tilespmem:s9+$0x158C0]  }
0x8d: {  	v7 =	vld [tilespmem:s9+$0x158D0]  }
0x8e: {  	s13 =	simm.s32 $0x100;
	v6 =	vld [tilespmem:s9+$0x158E0]  }
.LBB2_8:
0x8f: {  	p0 =	sne.s32 s13, $0x7C00;
	v8 =	vld [tilespmem:s9+$0x158F0];
	_ =	sdelay $0x1  }
0x90: {  	v5 =	vmul.f32 v5, v3  }
.Ltmp3:
0x91: {  	v7 =	vmul.f32 v7, v4;
	(pc) =	sbr.rel @p0 .LBB2_8-.Ltmp3, $4  }
0x92: {  	s16 =	sshra.s32 s13, $0x2;
	[tilespmem:s9+$0x158C0] =	vst v5;
	v6 =	vmul.f32 v6, v2  }
0x93: {  	v5 =	vld [tilespmem:s16+$0x158C0];
	[tilespmem:s9+$0x158D0] =	vst v7;
	v8 =	vmul.f32 v8, v1  }
0x94: {  	v7 =	vld [tilespmem:s16+$0x158D0];
	[tilespmem:s9+$0x158E0] =	vst v6  }
0x95: {  	s13 =	sadd.s32 $0x100, s13;
	v6 =	vld [tilespmem:s16+$0x158E0];
	[tilespmem:s9+$0x158F0] =	vst v8;
	s9 =	smov.u32 s16  }
0x96: {  	v8 =	vld [tilespmem:s9+$0x158F0];
	_ =	sdelay $0x1  }
0x97: {  	v5 =	vmul.f32 v5, v3  }
0x98: {  	v7 =	vmul.f32 v7, v4  }
0x99: {  	[tilespmem:s9+$0x158C0] =	vst v5;
	v5 =	vmul.f32 v6, v2  }
0x9a: {  	[tilespmem:s9+$0x158D0] =	vst v7;
	v6 =	vmul.f32 v8, v1  }
0x9b: {  	[tilespmem:s9+$0x158E0] =	vst v5  }
0x9c: {  	s20 =	rddreg [dreg:$0x16];
	[tilespmem:s9+$0x158F0] =	vst v6  }
0x9d: {  	[hbm4b:s20+s17] =	stream.strided.scatter [tilespmem:s31], [sflag:$0x3], $0x1F40, s5, s17, $0x38;
	[tilespmem:$0x1E280] =	vst v63  }
0x9e: {  	s23 =	rddreg [dreg:$0x17]  }
0x9f: {  	[spmem:s23] =	stream.linear.scatter [tilespmem:s31], [sflag:$0x4], $0x1F40, $0x38;
	[tilespmem:$0x1E280] =	vst v63  }
0xa0: {  	_ = 	snop  }
0xa1: {  	[spmem:s25] =	stream.linear.scatter [tilespmem:s8], [sflag:$0x4], $0x1F40, $0x38;
	[tilespmem:$0x1E280] =	vst v63  }
0xa2: {  	_ =	swait.ge [sflag:s7], $0x1F40  }
0xa3: {  	[sflag:s7] =	ssyncset.done $0x0  }
0xa4: {  	[sflag:s7] =	ssyncadd.s32 $0xFFFFE0C0  }
0xa5: {  	_ =	swait.ge [sflag:s14], $0x1F40  }
0xa6: {  	[sflag:s14] =	ssyncset.done $0x0  }
0xa7: {  	[sflag:s14] =	ssyncadd.s32 $0xFFFFE0C0  }
0xa8: {  	_ =	swait.ge [sflag:s18], $0x1F40  }
0xa9: {  	[sflag:s18] =	ssyncset.done $0x0  }
0xaa: {  	[sflag:s18] =	ssyncadd.s32 $0xFFFFE0C0  }
0xab: {  	_ =	swait.ge [sflag:s18], $0x1F40  }
0xac: {  	[sflag:s18] =	ssyncset.done $0x0  }
0xad: {  	s9 =	simm.s32 $0x0;
	s28 =	rddreg [dreg:$0x11];
	[sflag:s18] =	ssyncadd.s32 $0xFFFFE0C0  }
0xae: {  	[tilespmem:s31], [sflag:$0x1] =	stream.strided.gather [hbm4b:s28+s17], $0x1F40, s22, s17, $0x38;
	[tilespmem:$0x1E280] =	vst v63  }
0xaf: {  	v5 =	vld [tilespmem:s9+$0x178C0]  }
0xb0: {  	v7 =	vld [tilespmem:s9+$0x178D0]  }
0xb1: {  	s13 =	simm.s32 $0x100;
	v6 =	vld [tilespmem:s9+$0x178E0]  }
.LBB2_10:
0xb2: {  	p0 =	sne.s32 s13, $0x7C00;
	v8 =	vld [tilespmem:s9+$0x178F0];
	_ =	sdelay $0x1  }
0xb3: {  	v5 =	vmul.f32 v5, v3  }
.Ltmp4:
0xb4: {  	v7 =	vmul.f32 v7, v4;
	(pc) =	sbr.rel @p0 .LBB2_10-.Ltmp4, $4  }
0xb5: {  	s16 =	sshra.s32 s13, $0x2;
	[tilespmem:s9+$0x178C0] =	vst v5;
	v6 =	vmul.f32 v6, v2  }
0xb6: {  	v5 =	vld [tilespmem:s16+$0x178C0];
	[tilespmem:s9+$0x178D0] =	vst v7;
	v8 =	vmul.f32 v8, v1  }
0xb7: {  	v7 =	vld [tilespmem:s16+$0x178D0];
	[tilespmem:s9+$0x178E0] =	vst v6  }
0xb8: {  	s13 =	sadd.s32 $0x100, s13;
	v6 =	vld [tilespmem:s16+$0x178E0];
	[tilespmem:s9+$0x178F0] =	vst v8;
	s9 =	smov.u32 s16  }
0xb9: {  	v8 =	vld [tilespmem:s9+$0x178F0];
	_ =	sdelay $0x1  }
0xba: {  	v5 =	vmul.f32 v5, v3  }
0xbb: {  	v7 =	vmul.f32 v7, v4  }
0xbc: {  	[tilespmem:s9+$0x178C0] =	vst v5;
	v5 =	vmul.f32 v6, v2  }
0xbd: {  	[tilespmem:s9+$0x178D0] =	vst v7;
	v6 =	vmul.f32 v8, v1  }
0xbe: {  	[tilespmem:s9+$0x178E0] =	vst v5  }
0xbf: {  	s23 =	rddreg [dreg:$0x19];
	[tilespmem:s9+$0x178F0] =	vst v6  }
0xc0: {  	[hbm4b:s23+s17] =	stream.strided.scatter [tilespmem:s26], [sflag:$0x3], $0x1F40, s5, s17, $0x38;
	[tilespmem:$0x1E280] =	vst v63  }
0xc1: {  	s28 =	rddreg [dreg:$0x1a]  }
0xc2: {  	[spmem:s28] =	stream.linear.scatter [tilespmem:s26], [sflag:$0x4], $0x1F40, $0x38;
	[tilespmem:$0x1E280] =	vst v63  }
0xc3: {  	_ = 	snop  }
0xc4: {  	[spmem:s30] =	stream.linear.scatter [tilespmem:s8], [sflag:$0x4], $0x1F40, $0x38;
	[tilespmem:$0x1E280] =	vst v63  }
0xc5: {  	_ =	swait.ge [sflag:s7], $0x1F40  }
0xc6: {  	[sflag:s7] =	ssyncset.done $0x0  }
0xc7: {  	[sflag:s7] =	ssyncadd.s32 $0xFFFFE0C0  }
0xc8: {  	_ =	swait.ge [sflag:s14], $0x1F40  }
0xc9: {  	[sflag:s14] =	ssyncset.done $0x0  }
0xca: {  	[sflag:s14] =	ssyncadd.s32 $0xFFFFE0C0  }
0xcb: {  	_ =	swait.ge [sflag:s18], $0x1F40  }
0xcc: {  	[sflag:s18] =	ssyncset.done $0x0  }
0xcd: {  	[sflag:s18] =	ssyncadd.s32 $0xFFFFE0C0  }
0xce: {  	_ =	swait.ge [sflag:s18], $0x1F40  }
0xcf: {  	[sflag:s18] =	ssyncset.done $0x0  }
0xd0: {  	s9 =	simm.s32 $0x0;
	[sflag:s18] =	ssyncadd.s32 $0xFFFFE0C0  }
0xd1: {  	v5 =	vld [tilespmem:s9+$0x158C0]  }
0xd2: {  	v7 =	vld [tilespmem:s9+$0x158D0]  }
0xd3: {  	s13 =	simm.s32 $0x100;
	v6 =	vld [tilespmem:s9+$0x158E0]  }
.LBB2_12:
0xd4: {  	p0 =	sne.s32 s13, $0x7C00;
	v8 =	vld [tilespmem:s9+$0x158F0];
	_ =	sdelay $0x1  }
0xd5: {  	v5 =	vmul.f32 v5, v3  }
.Ltmp5:
0xd6: {  	v7 =	vmul.f32 v7, v4;
	(pc) =	sbr.rel @p0 .LBB2_12-.Ltmp5, $4  }
0xd7: {  	s16 =	sshra.s32 s13, $0x2;
	[tilespmem:s9+$0x158C0] =	vst v5;
	v6 =	vmul.f32 v6, v2  }
0xd8: {  	v5 =	vld [tilespmem:s16+$0x158C0];
	[tilespmem:s9+$0x158D0] =	vst v7;
	v8 =	vmul.f32 v8, v1  }
0xd9: {  	v7 =	vld [tilespmem:s16+$0x158D0];
	[tilespmem:s9+$0x158E0] =	vst v6  }
0xda: {  	s13 =	sadd.s32 $0x100, s13;
	v6 =	vld [tilespmem:s16+$0x158E0];
	[tilespmem:s9+$0x158F0] =	vst v8;
	s9 =	smov.u32 s16  }
0xdb: {  	v8 =	vld [tilespmem:s9+$0x158F0];
	_ =	sdelay $0x1  }
0xdc: {  	v3 =	vmul.f32 v5, v3  }
0xdd: {  	v4 =	vmul.f32 v7, v4  }
0xde: {  	[tilespmem:s9+$0x158C0] =	vst v3;
	v2 =	vmul.f32 v6, v2  }
0xdf: {  	[tilespmem:s9+$0x158D0] =	vst v4;
	v1 =	vmul.f32 v8, v1  }
0xe0: {  	[tilespmem:s9+$0x158E0] =	vst v2  }
0xe1: {  	s28 =	rddreg [dreg:$0x1c];
	[tilespmem:s9+$0x158F0] =	vst v1  }
0xe2: {  	[hbm4b:s28+s17] =	stream.strided.scatter [tilespmem:s31], [sflag:$0x3], $0x1F40, s5, s17, $0x38;
	[tilespmem:$0x1E280] =	vst v63  }
0xe3: {  	_ = 	snop  }
0xe4: {  	[spmem:s0] =	stream.linear.scatter [tilespmem:s31], [sflag:$0x4], $0x1F40, $0x38;
	[tilespmem:$0x1E280] =	vst v63  }
0xe5: {  	_ = 	snop  }
0xe6: {  	[spmem:s4] =	stream.linear.scatter [tilespmem:s8], [sflag:$0x4], $0x1F40, $0x38;
	[tilespmem:$0x1E280] =	vst v63  }
0xe7: {  	_ = 	snop  }
0xe8: {  	[spmem:s6] =	stream.linear.scatter [tilespmem:s8], [sflag:$0x4], $0x40, $0x38;
	[tilespmem:$0x1E280] =	vst v63  }
0xe9: {  	_ =	swait.ge [sflag:s14], $0x1F40  }
0xea: {  	[sflag:s14] =	ssyncset.done $0x0  }
0xeb: {  	[sflag:s14] =	ssyncadd.s32 $0xFFFFE0C0  }
0xec: {  	_ =	swait.ge [sflag:s18], $0x1F40  }
0xed: {  	[sflag:s18] =	ssyncset.done $0x0  }
0xee: {  	[sflag:s18] =	ssyncadd.s32 $0xFFFFE0C0  }
0xef: {  	_ =	swait.ge [sflag:s18], $0x1F40  }
0xf0: {  	[sflag:s18] =	ssyncset.done $0x0  }
0xf1: {  	[sflag:s18] =	ssyncadd.s32 $0xFFFFE0C0  }
0xf2: {  	_ =	swait.ge [sflag:s18], $0x40  }
0xf3: {  	[sflag:s18] =	ssyncset.done $0x0  }
0xf4: {  	[sflag:s18] =	ssyncadd.s32 $0xFFFFFFC0  }
0xf5: {  	s13 =	simm.s32 $0x1;
	[bflag:$0x0] =	sbarrier.arrive $0xFFFF  }
.LBB2_14:
0xf6: {  	s9 =	rddreg [dreg:$0x13]  }
0xf7: {  	s19 =	simm.s32 $0x0;
	s11 =	simm.s32 $0x1D8C0;
	s28 =	rddreg [dreg:$0x1f]  }
0xf8: {  	[tilespmem:s11], [sflag:$0x1] =	stream.linear.gather [hbm4b:s9+s19], $0x100, $0x38;
	[tilespmem:$0x1E280] =	vst v63  }
0xf9: {  	s15 =	simm.s32 $0x1D9C0;
	s16 =	sld [smem:$0x7FB]  }
0xfa: {  	[tilespmem:s15], [sflag:$0x1] =	stream.linear.gather [hbm4b:s28+s19], $0x100, $0x38;
	[tilespmem:$0x1E280] =	vst v63  }
0xfb: {  	s20 =	sld [smem:$0x7FC]  }
0xfc: {  	[tilespmem:s24], [sflag:$0x1] =	stream.linear.gather [hbm4b:s16+s19], $0x100, $0x38;
	[tilespmem:$0x1E280] =	vst v63  }
0xfd: {  	s23 =	sld [smem:$0x7FD];
	s16 =	simm.s32 $0x1DBC0  }
0xfe: {  	[tilespmem:s16], [sflag:$0x1] =	stream.linear.gather [hbm4b:s20+s19], $0x100, $0x38;
	[tilespmem:$0x1E280] =	vst v63  }
0xff: {  	s28 =	simm.s32 $0x1DCC0  }
0x100: {  	[tilespmem:s28], [sflag:$0x1] =	stream.linear.gather [hbm4b:s23+s19], $0x100, $0x38;
	[tilespmem:$0x1E280] =	vst v63  }
0x101: {  	_ =	swait.ge [sflag:s7], $0x100  }
0x102: {  	[sflag:s7] =	ssyncset.done $0x0  }
0x103: {  	[sflag:s7] =	ssyncadd.s32 $0xFFFFFF00  }
0x104: {  	[tilespmem:s8], [sflag:$0x2] =	stream.indirect.gather [spmem:s2], $0x40, s11, s22, $0xb8;
	[tilespmem:$0x1E280] =	vst v63  }
0x105: {  	_ =	swait.ge [sflag:s7], $0x100  }
0x106: {  	[sflag:s7] =	ssyncset.done $0x0  }
0x107: {  	[sflag:s7] =	ssyncadd.s32 $0xFFFFFF00  }
0x108: {  	[tilespmem:s31], [sflag:$0x2] =	stream.indirect.gather [spmem:s2], $0x40, s15, s22, $0xb8;
	[tilespmem:$0x1E280] =	vst v63  }
.Ltmp6:
0x109: {  	_ = 	snop;
	(pc) =	sbr.rel .LBB2_15-.Ltmp6, $4  }
0x10a: {  	_ =	swait.ge [sflag:s7], $0x100  }
0x10b: {  	[sflag:s7] =	ssyncset.done $0x0  }
0x10c: {  	s9 =	rddreg [dreg:$0x1e];
	[sflag:s7] =	ssyncadd.s32 $0xFFFFFF00  }
0x10d: {  	[tilespmem:s26], [sflag:$0x2] =	stream.indirect.gather [spmem:s2], $0x40, s24, s22, $0xb8;
	[tilespmem:$0x1E280] =	vst v63  }
.LBB2_17:
0x10e: {  	s11 =	smul.u32 $0x25, s19;
	_ =	sdelay $0x1  }
0x10f: {  	s11 =	sshrl.u32 s11, $0x8  }
0x110: {  	s15 =	ssub.s32 s19, s11  }
0x111: {  	s16 =	smul.u32 $0xCD, s19;
	s15 =	sand.u32 $0xFE, s15  }
0x112: {  	s15 =	sshrl.u32 s15, $0x1  }
0x113: {  	s16 =	sshrl.u32 s16, $0xA;
	s11 =	sadd.s32 s11, s15  }
0x114: {  	s28 =	sand.u32 $0x3F, s16;
	s11 =	sand.u32 $0xFC, s11  }
0x115: {  	s15 =	smul.u32 $0x5, s28;
	s11 =	sshrl.u32 s11, $0x2  }
0x116: {  	s11 =	smul.u32 $0x7, s11;
	_ =	sdelay $0x1  }
0x117: {  	s15 =	ssub.s32 s19, s15;
	s11 =	ssub.s32 s19, s11;
	s19 =	sadd.s32 $0x1, s19  }
0x118: {  	p0 =	sne.s32 s19, $0x9D  }
.Ltmp7:
0x119: {  	_ =	swait.ge [sflag:s29], $0x2000;
	(pc) =	sbr.rel @!p0 .LBB2_18-.Ltmp7, $4  }
0x11a: {  	s9 =	sadd.s32 $0x20, s9;
	s15 =	sand.u32 $0xFF, s15;
	s11 =	sand.u32 $0xFF, s11  }
0x11b: {  	[sflag:s29] =	ssyncset.done $0x0;
	s15 =	sshll.u32 s15, $0xD;
	s11 =	sshll.u32 s11, $0x8  }
0x11c: {  	[sflag:s29] =	ssyncadd.s32 $0xFFFFE000;
	s15 =	sadd.s32 $0x138C0, s15;
	s11 =	sadd.s32 $0x1D940, s11  }
0x11d: {  	[spmem:s3] =	stream.indirect.scatter.add.f32 [tilespmem:s15], [sflag:$0x5], $0x40, s11, s22, $0xb8;
	[tilespmem:$0x1E280] =	vst v63  }
.LBB2_15:
0x11e: {  	p0 =	slt.u32 s19, $0x2  }
0x11f: {  	p1 =	sgt.u32 @!p0 s19, $0x99  }
0x120: {  	p1 =	por p0, !p1  }
.Ltmp8:
0x121: {  	_ = 	snop;
	(pc) =	sbr.rel @!p1 .LBB2_17-.Ltmp8, $4  }
0x122: {  	s16 =	simm.s32 @!p0 $0x5  }
0x123: {  	_ =	swait.ge @!p0 [sflag:s16], $0x2000  }
0x124: {  	[sflag:s16] =	ssyncset.done @!p0 $0x0  }
0x125: {  	[sflag:s16] =	ssyncadd.s32 @!p0 $0xFFFFE000  }
0x126: {  	s16 =	sadd.s32 $0x3, s19  }
0x127: {  	s23 =	sand.u32 $0xFF, s16  }
0x128: {  	s15 =	smul.u32 $0x25, s23;
	_ =	sdelay $0x1  }
0x129: {  	s15 =	sshrl.u32 s15, $0x8  }
0x12a: {  	p0 =	sgt.u32 s19, $0x97;
	s28 =	ssub.s32 s16, s15  }
0x12b: {  	s20 =	sadd.s32 @!p0 $0x5, s19;
	s23 =	smul.u32 $0xCD, s23;
	s28 =	sand.u32 $0xFE, s28  }
0x12c: {  	s11 =	smul.u32 @!p0 $0x25, s20;
	s28 =	sshrl.u32 s28, $0x1  }
0x12d: {  	_ =	swait.ge [sflag:s7], $0x100;
	s23 =	sshrl.u32 s23, $0xA;
	s15 =	sadd.s32 s15, s28  }
0x12e: {  	s11 =	sshrl.u32 @!p0 s11, $0x8;
	s23 =	smul.u32 $0x5, s23;
	s15 =	sshrl.u32 s15, $0x2  }
0x12f: {  	[sflag:s7] =	ssyncset.done $0x0;
	s28 =	ssub.s32 @!p0 s20, s11;
	s15 =	smul.u32 $0x7, s15  }
0x130: {  	[sflag:s7] =	ssyncadd.s32 $0xFFFFFF00;
	s28 =	sand.u32 @!p0 $0xFE, s28  }
0x131: {  	s28 =	sshrl.u32 @!p0 s28, $0x1;
	s15 =	ssub.s32 s16, s15;
	s16 =	ssub.s32 s16, s23  }
0x132: {  	s11 =	sadd.s32 @!p0 s11, s28;
	s15 =	sand.u32 $0x27, s15;
	s16 =	sand.u32 $0xFF, s16  }
0x133: {  	s11 =	sshrl.u32 @!p0 s11, $0x2;
	s16 =	sshll.u32 s16, $0xD;
	s15 =	sshll.u32 s15, $0x8  }
0x134: {  	s11 =	smul.u32 @!p0 $0x7, s11;
	s16 =	sadd.s32 $0x138C0, s16;
	s15 =	sor.u32 $0x1D8C0, s15  }
0x135: {  	[tilespmem:s16], [sflag:$0x2] =	stream.indirect.gather [spmem:s2], $0x40, s15, s22, $0xb8;
	[tilespmem:$0x1E280] =	vst v63  }
.Ltmp9:
0x136: {  	s11 =	ssub.s32 @!p0 s20, s11;
	(pc) =	sbr.rel .LBB2_17-.Ltmp9, $4  }
0x137: {  	s11 =	sand.u32 @!p0 $0x27, s11  }
0x138: {  	s11 =	sshll.u32 @!p0 s11, $0x8  }
0x139: {  	s15 =	simm.s32 @!p0 $0x0;
	s11 =	sor.u32 @!p0 $0x1D8C0, s11  }
0x13a: {  	[tilespmem:s11], [sflag:$0x1] =	stream.linear.gather @!p0 [hbm4b:s9+s15], $0x100, $0x38;
	[tilespmem:$0x1E280] =	vst v63  }
.LBB2_18:
0x13b: {  	_ =	swait.ge [sflag:s10], $0x2000  }
0x13c: {  	[sflag:s10] =	ssyncset.done $0x0  }
0x13d: {  	[sflag:s10] =	ssyncadd.s32 $0xFFFFE000  }
0x13e: {  	_ =	swait.ge [sflag:s10], $0x2000  }
0x13f: {  	[sflag:s10] =	ssyncset.done $0x0  }
0x140: {  	[sflag:s10] =	ssyncadd.s32 $0xFFFFE000  }
0x141: {  	s16 =	simm.s32 $0x100;
	s9 =	simm.s32 $0x0;
	[bflag:$0x0] =	sbarrier.arrive $0xFFFF  }
.LBB2_19:
0x142: {  	p0 =	sne.s32 s16, $0x7F00;
	[tilespmem:s9+$0x138F0] =	vst v0;
	s11 =	smov.u32 s16;
	s16 =	sadd.s32 $0x100, s16  }
.Ltmp10:
0x143: {  	[tilespmem:s9+$0x138E0] =	vst v0;
	(pc) =	sbr.rel @p0 .LBB2_19-.Ltmp10, $3  }
0x144: {  	[tilespmem:s9+$0x138C0] =	vst v0  }
0x145: {  	[tilespmem:s9+$0x138D0] =	vst v0;
	_ =	sdelay $0x1  }
0x146: {  	s9 =	sshra.s32 s11, $0x2  }
0x147: {  	[tilespmem:s9+$0x138F0] =	vst v0  }
0x148: {  	[tilespmem:s9+$0x138E0] =	vst v0  }
0x149: {  	[tilespmem:s9+$0x138C0] =	vst v0;
	s11 =	sshll.u32 s13, $0x6  }
0x14a: {  	[tilespmem:s9+$0x138D0] =	vst v0;
	s28 =	sand.u32 $0x3FFFFFC0, s11  }
0x14b: {  	v3 =	vld [tilespmem:s28+$0x1DFC0]  }
0x14c: {  	v4 =	vld [tilespmem:s28+$0x1DFD0]  }
0x14d: {  	v2 =	vld [tilespmem:s28+$0x1DFE0]  }
0x14e: {  	v1 =	vld [tilespmem:s28+$0x1DFF0];
	[tilespmem:s31], [sflag:$0x2] =	stream.linear.gather [spmem:s12], $0x1F40, $0x38  }
0x14f: {  	_ =	swait.ge [sflag:s29], $0x1F40  }
0x150: {  	[sflag:s29] =	ssyncset.done $0x0  }
0x151: {  	s9 =	simm.s32 $0x0;
	[sflag:s29] =	ssyncadd.s32 $0xFFFFE0C0  }
0x152: {  	[tilespmem:s26], [sflag:$0x2] =	stream.linear.gather [spmem:s21], $0x1F40, $0x38;
	[tilespmem:$0x1E280] =	vst v63  }
0x153: {  	v5 =	vld [tilespmem:s9+$0x158C0]  }
0x154: {  	v7 =	vld [tilespmem:s9+$0x158D0]  }
0x155: {  	s19 =	simm.s32 $0x100;
	v6 =	vld [tilespmem:s9+$0x158E0]  }
.LBB2_21:
0x156: {  	p0 =	sne.s32 s19, $0x7C00;
	v8 =	vld [tilespmem:s9+$0x158F0];
	_ =	sdelay $0x1  }
0x157: {  	v5 =	vmul.f32 v5, v3  }
.Ltmp11:
0x158: {  	v7 =	vmul.f32 v7, v4;
	(pc) =	sbr.rel @p0 .LBB2_21-.Ltmp11, $4  }
0x159: {  	s11 =	sshra.s32 s19, $0x2;
	[tilespmem:s9+$0x158C0] =	vst v5;
	v6 =	vmul.f32 v6, v2  }
0x15a: {  	v5 =	vld [tilespmem:s11+$0x158C0];
	[tilespmem:s9+$0x158D0] =	vst v7;
	v8 =	vmul.f32 v8, v1  }
0x15b: {  	v7 =	vld [tilespmem:s11+$0x158D0];
	[tilespmem:s9+$0x158E0] =	vst v6  }
0x15c: {  	s19 =	sadd.s32 $0x100, s19;
	v6 =	vld [tilespmem:s11+$0x158E0];
	[tilespmem:s9+$0x158F0] =	vst v8;
	s9 =	smov.u32 s11  }
0x15d: {  	v8 =	vld [tilespmem:s9+$0x158F0];
	_ =	sdelay $0x1  }
0x15e: {  	v5 =	vmul.f32 v5, v3  }
0x15f: {  	v7 =	vmul.f32 v7, v4  }
0x160: {  	s19 =	sshll.u32 s13, $0x7;
	s11 =	rddreg [dreg:$0xa];
	[tilespmem:s9+$0x158C0] =	vst v5;
	v5 =	vmul.f32 v6, v2  }
0x161: {  	s11 =	sadd.s32 s11, s19;
	[tilespmem:s9+$0x158D0] =	vst v7;
	v6 =	vmul.f32 v8, v1  }
0x162: {  	s11 =	sshrl.u32 s11, $0x3;
	[tilespmem:s9+$0x158E0] =	vst v5  }
0x163: {  	s23 =	sadd.s32 s1, s11;
	[tilespmem:s9+$0x158F0] =	vst v6  }
0x164: {  	[hbm4b:s23+s17] =	stream.strided.scatter [tilespmem:s31], [sflag:$0x3], $0x1F40, s5, s17, $0x38;
	[tilespmem:$0x1E280] =	vst v63  }
0x165: {  	s28 =	rddreg [dreg:$0xd]  }
0x166: {  	[spmem:s28] =	stream.linear.scatter [tilespmem:s31], [sflag:$0x4], $0x1F40, $0x38;
	[tilespmem:$0x1E280] =	vst v63  }
0x167: {  	_ = 	snop  }
0x168: {  	[spmem:s12] =	stream.linear.scatter [tilespmem:s8], [sflag:$0x4], $0x1F40, $0x38;
	[tilespmem:$0x1E280] =	vst v63  }
0x169: {  	_ =	swait.ge [sflag:s29], $0x1F40  }
0x16a: {  	[sflag:s29] =	ssyncset.done $0x0  }
0x16b: {  	[sflag:s29] =	ssyncadd.s32 $0xFFFFE0C0  }
0x16c: {  	_ =	swait.ge [sflag:s14], $0x1F40  }
0x16d: {  	[sflag:s14] =	ssyncset.done $0x0  }
0x16e: {  	[sflag:s14] =	ssyncadd.s32 $0xFFFFE0C0  }
0x16f: {  	_ =	swait.ge [sflag:s18], $0x1F40  }
0x170: {  	[sflag:s18] =	ssyncset.done $0x0  }
0x171: {  	[sflag:s18] =	ssyncadd.s32 $0xFFFFE0C0  }
0x172: {  	_ =	swait.ge [sflag:s18], $0x1F40  }
0x173: {  	[sflag:s18] =	ssyncset.done $0x0  }
0x174: {  	s9 =	simm.s32 $0x0;
	[sflag:s18] =	ssyncadd.s32 $0xFFFFE0C0  }
0x175: {  	[tilespmem:s31], [sflag:$0x2] =	stream.linear.gather [spmem:s25], $0x1F40, $0x38;
	[tilespmem:$0x1E280] =	vst v63  }
0x176: {  	v5 =	vld [tilespmem:s9+$0x178C0]  }
0x177: {  	v7 =	vld [tilespmem:s9+$0x178D0]  }
0x178: {  	s16 =	simm.s32 $0x100;
	v6 =	vld [tilespmem:s9+$0x178E0]  }
.LBB2_23:
0x179: {  	p0 =	sne.s32 s16, $0x7C00;
	v8 =	vld [tilespmem:s9+$0x178F0];
	_ =	sdelay $0x1  }
0x17a: {  	v5 =	vmul.f32 v5, v3  }
.Ltmp12:
0x17b: {  	v7 =	vmul.f32 v7, v4;
	(pc) =	sbr.rel @p0 .LBB2_23-.Ltmp12, $4  }
0x17c: {  	s11 =	sshra.s32 s16, $0x2;
	[tilespmem:s9+$0x178C0] =	vst v5;
	v6 =	vmul.f32 v6, v2  }
0x17d: {  	v5 =	vld [tilespmem:s11+$0x178C0];
	[tilespmem:s9+$0x178D0] =	vst v7;
	v8 =	vmul.f32 v8, v1  }
0x17e: {  	v7 =	vld [tilespmem:s11+$0x178D0];
	[tilespmem:s9+$0x178E0] =	vst v6  }
0x17f: {  	s16 =	sadd.s32 $0x100, s16;
	v6 =	vld [tilespmem:s11+$0x178E0];
	[tilespmem:s9+$0x178F0] =	vst v8;
	s9 =	smov.u32 s11  }
0x180: {  	v8 =	vld [tilespmem:s9+$0x178F0];
	_ =	sdelay $0x1  }
0x181: {  	v5 =	vmul.f32 v5, v3  }
0x182: {  	v7 =	vmul.f32 v7, v4  }
0x183: {  	s11 =	rddreg [dreg:$0xf];
	[tilespmem:s9+$0x178C0] =	vst v5;
	v5 =	vmul.f32 v6, v2  }
0x184: {  	s11 =	sadd.s32 s11, s19;
	[tilespmem:s9+$0x178D0] =	vst v7;
	v6 =	vmul.f32 v8, v1  }
0x185: {  	s11 =	sshrl.u32 s11, $0x3;
	[tilespmem:s9+$0x178E0] =	vst v5  }
0x186: {  	s23 =	sadd.s32 s1, s11;
	[tilespmem:s9+$0x178F0] =	vst v6  }
0x187: {  	[hbm4b:s23+s17] =	stream.strided.scatter [tilespmem:s26], [sflag:$0x3], $0x1F40, s5, s17, $0x38;
	[tilespmem:$0x1E280] =	vst v63  }
0x188: {  	s28 =	rddreg [dreg:$0x14]  }
0x189: {  	[spmem:s28] =	stream.linear.scatter [tilespmem:s26], [sflag:$0x4], $0x1F40, $0x38;
	[tilespmem:$0x1E280] =	vst v63  }
0x18a: {  	_ = 	snop  }
0x18b: {  	[spmem:s21] =	stream.linear.scatter [tilespmem:s8], [sflag:$0x4], $0x1F40, $0x38;
	[tilespmem:$0x1E280] =	vst v63  }
0x18c: {  	_ =	swait.ge [sflag:s29], $0x1F40  }
0x18d: {  	[sflag:s29] =	ssyncset.done $0x0  }
0x18e: {  	[sflag:s29] =	ssyncadd.s32 $0xFFFFE0C0  }
0x18f: {  	_ =	swait.ge [sflag:s14], $0x1F40  }
0x190: {  	[sflag:s14] =	ssyncset.done $0x0  }
0x191: {  	[sflag:s14] =	ssyncadd.s32 $0xFFFFE0C0  }
0x192: {  	_ =	swait.ge [sflag:s18], $0x1F40  }
0x193: {  	[sflag:s18] =	ssyncset.done $0x0  }
0x194: {  	[sflag:s18] =	ssyncadd.s32 $0xFFFFE0C0  }
0x195: {  	_ =	swait.ge [sflag:s18], $0x1F40  }
0x196: {  	[sflag:s18] =	ssyncset.done $0x0  }
0x197: {  	s9 =	simm.s32 $0x0;
	[sflag:s18] =	ssyncadd.s32 $0xFFFFE0C0  }
0x198: {  	[tilespmem:s26], [sflag:$0x2] =	stream.linear.gather [spmem:s30], $0x1F40, $0x38;
	[tilespmem:$0x1E280] =	vst v63  }
0x199: {  	v5 =	vld [tilespmem:s9+$0x158C0]  }
0x19a: {  	v7 =	vld [tilespmem:s9+$0x158D0]  }
0x19b: {  	s16 =	simm.s32 $0x100;
	v6 =	vld [tilespmem:s9+$0x158E0]  }
.LBB2_25:
0x19c: {  	p0 =	sne.s32 s16, $0x7C00;
	v8 =	vld [tilespmem:s9+$0x158F0];
	_ =	sdelay $0x1  }
0x19d: {  	v5 =	vmul.f32 v5, v3  }
.Ltmp13:
0x19e: {  	v7 =	vmul.f32 v7, v4;
	(pc) =	sbr.rel @p0 .LBB2_25-.Ltmp13, $4  }
0x19f: {  	s11 =	sshra.s32 s16, $0x2;
	[tilespmem:s9+$0x158C0] =	vst v5;
	v6 =	vmul.f32 v6, v2  }
0x1a0: {  	v5 =	vld [tilespmem:s11+$0x158C0];
	[tilespmem:s9+$0x158D0] =	vst v7;
	v8 =	vmul.f32 v8, v1  }
0x1a1: {  	v7 =	vld [tilespmem:s11+$0x158D0];
	[tilespmem:s9+$0x158E0] =	vst v6  }
0x1a2: {  	s16 =	sadd.s32 $0x100, s16;
	v6 =	vld [tilespmem:s11+$0x158E0];
	[tilespmem:s9+$0x158F0] =	vst v8;
	s9 =	smov.u32 s11  }
0x1a3: {  	v8 =	vld [tilespmem:s9+$0x158F0];
	_ =	sdelay $0x1  }
0x1a4: {  	v5 =	vmul.f32 v5, v3  }
0x1a5: {  	v7 =	vmul.f32 v7, v4  }
0x1a6: {  	s11 =	rddreg [dreg:$0x15];
	[tilespmem:s9+$0x158C0] =	vst v5;
	v5 =	vmul.f32 v6, v2  }
0x1a7: {  	s11 =	sadd.s32 s11, s19;
	[tilespmem:s9+$0x158D0] =	vst v7;
	v6 =	vmul.f32 v8, v1  }
0x1a8: {  	s11 =	sshrl.u32 s11, $0x3;
	[tilespmem:s9+$0x158E0] =	vst v5  }
0x1a9: {  	s23 =	sadd.s32 s1, s11;
	[tilespmem:s9+$0x158F0] =	vst v6  }
0x1aa: {  	[hbm4b:s23+s17] =	stream.strided.scatter [tilespmem:s31], [sflag:$0x3], $0x1F40, s5, s17, $0x38;
	[tilespmem:$0x1E280] =	vst v63  }
0x1ab: {  	s28 =	rddreg [dreg:$0x17]  }
0x1ac: {  	[spmem:s28] =	stream.linear.scatter [tilespmem:s31], [sflag:$0x4], $0x1F40, $0x38;
	[tilespmem:$0x1E280] =	vst v63  }
0x1ad: {  	_ = 	snop  }
0x1ae: {  	[spmem:s25] =	stream.linear.scatter [tilespmem:s8], [sflag:$0x4], $0x1F40, $0x38;
	[tilespmem:$0x1E280] =	vst v63  }
0x1af: {  	_ =	swait.ge [sflag:s29], $0x1F40  }
0x1b0: {  	[sflag:s29] =	ssyncset.done $0x0  }
0x1b1: {  	[sflag:s29] =	ssyncadd.s32 $0xFFFFE0C0  }
0x1b2: {  	_ =	swait.ge [sflag:s14], $0x1F40  }
0x1b3: {  	[sflag:s14] =	ssyncset.done $0x0  }
0x1b4: {  	[sflag:s14] =	ssyncadd.s32 $0xFFFFE0C0  }
0x1b5: {  	_ =	swait.ge [sflag:s18], $0x1F40  }
0x1b6: {  	[sflag:s18] =	ssyncset.done $0x0  }
0x1b7: {  	[sflag:s18] =	ssyncadd.s32 $0xFFFFE0C0  }
0x1b8: {  	_ =	swait.ge [sflag:s18], $0x1F40  }
0x1b9: {  	[sflag:s18] =	ssyncset.done $0x0  }
0x1ba: {  	s9 =	simm.s32 $0x0;
	[sflag:s18] =	ssyncadd.s32 $0xFFFFE0C0  }
0x1bb: {  	[tilespmem:s31], [sflag:$0x2] =	stream.linear.gather [spmem:s4], $0x1F40, $0x38;
	[tilespmem:$0x1E280] =	vst v63  }
0x1bc: {  	v5 =	vld [tilespmem:s9+$0x178C0]  }
0x1bd: {  	v7 =	vld [tilespmem:s9+$0x178D0]  }
0x1be: {  	s16 =	simm.s32 $0x100;
	v6 =	vld [tilespmem:s9+$0x178E0]  }
.LBB2_27:
0x1bf: {  	p0 =	sne.s32 s16, $0x7C00;
	v8 =	vld [tilespmem:s9+$0x178F0];
	_ =	sdelay $0x1  }
0x1c0: {  	v5 =	vmul.f32 v5, v3  }
.Ltmp14:
0x1c1: {  	v7 =	vmul.f32 v7, v4;
	(pc) =	sbr.rel @p0 .LBB2_27-.Ltmp14, $4  }
0x1c2: {  	s11 =	sshra.s32 s16, $0x2;
	[tilespmem:s9+$0x178C0] =	vst v5;
	v6 =	vmul.f32 v6, v2  }
0x1c3: {  	v5 =	vld [tilespmem:s11+$0x178C0];
	[tilespmem:s9+$0x178D0] =	vst v7;
	v8 =	vmul.f32 v8, v1  }
0x1c4: {  	v7 =	vld [tilespmem:s11+$0x178D0];
	[tilespmem:s9+$0x178E0] =	vst v6  }
0x1c5: {  	s16 =	sadd.s32 $0x100, s16;
	v6 =	vld [tilespmem:s11+$0x178E0];
	[tilespmem:s9+$0x178F0] =	vst v8;
	s9 =	smov.u32 s11  }
0x1c6: {  	v8 =	vld [tilespmem:s9+$0x178F0];
	_ =	sdelay $0x1  }
0x1c7: {  	v5 =	vmul.f32 v5, v3  }
0x1c8: {  	v7 =	vmul.f32 v7, v4  }
0x1c9: {  	s11 =	rddreg [dreg:$0x18];
	[tilespmem:s9+$0x178C0] =	vst v5;
	v5 =	vmul.f32 v6, v2  }
0x1ca: {  	s11 =	sadd.s32 s11, s19;
	[tilespmem:s9+$0x178D0] =	vst v7;
	v6 =	vmul.f32 v8, v1  }
0x1cb: {  	s11 =	sshrl.u32 s11, $0x3;
	[tilespmem:s9+$0x178E0] =	vst v5  }
0x1cc: {  	s23 =	sadd.s32 s1, s11;
	[tilespmem:s9+$0x178F0] =	vst v6  }
0x1cd: {  	[hbm4b:s23+s17] =	stream.strided.scatter [tilespmem:s26], [sflag:$0x3], $0x1F40, s5, s17, $0x38;
	[tilespmem:$0x1E280] =	vst v63  }
0x1ce: {  	s28 =	rddreg [dreg:$0x1a]  }
0x1cf: {  	[spmem:s28] =	stream.linear.scatter [tilespmem:s26], [sflag:$0x4], $0x1F40, $0x38;
	[tilespmem:$0x1E280] =	vst v63  }
0x1d0: {  	_ = 	snop  }
0x1d1: {  	[spmem:s30] =	stream.linear.scatter [tilespmem:s8], [sflag:$0x4], $0x1F40, $0x38;
	[tilespmem:$0x1E280] =	vst v63  }
0x1d2: {  	_ =	swait.ge [sflag:s29], $0x1F40  }
0x1d3: {  	[sflag:s29] =	ssyncset.done $0x0  }
0x1d4: {  	[sflag:s29] =	ssyncadd.s32 $0xFFFFE0C0  }
0x1d5: {  	_ =	swait.ge [sflag:s14], $0x1F40  }
0x1d6: {  	[sflag:s14] =	ssyncset.done $0x0  }
0x1d7: {  	[sflag:s14] =	ssyncadd.s32 $0xFFFFE0C0  }
0x1d8: {  	_ =	swait.ge [sflag:s18], $0x1F40  }
0x1d9: {  	[sflag:s18] =	ssyncset.done $0x0  }
0x1da: {  	[sflag:s18] =	ssyncadd.s32 $0xFFFFE0C0  }
0x1db: {  	_ =	swait.ge [sflag:s18], $0x1F40  }
0x1dc: {  	[sflag:s18] =	ssyncset.done $0x0  }
0x1dd: {  	s9 =	simm.s32 $0x0;
	[sflag:s18] =	ssyncadd.s32 $0xFFFFE0C0  }
0x1de: {  	v5 =	vld [tilespmem:s9+$0x158C0]  }
0x1df: {  	v7 =	vld [tilespmem:s9+$0x158D0]  }
0x1e0: {  	s16 =	simm.s32 $0x100;
	v6 =	vld [tilespmem:s9+$0x158E0]  }
.LBB2_29:
0x1e1: {  	p0 =	sne.s32 s16, $0x7C00;
	v8 =	vld [tilespmem:s9+$0x158F0];
	_ =	sdelay $0x1  }
0x1e2: {  	v5 =	vmul.f32 v5, v3  }
.Ltmp15:
0x1e3: {  	v7 =	vmul.f32 v7, v4;
	(pc) =	sbr.rel @p0 .LBB2_29-.Ltmp15, $4  }
0x1e4: {  	s11 =	sshra.s32 s16, $0x2;
	[tilespmem:s9+$0x158C0] =	vst v5;
	v6 =	vmul.f32 v6, v2  }
0x1e5: {  	v5 =	vld [tilespmem:s11+$0x158C0];
	[tilespmem:s9+$0x158D0] =	vst v7;
	v8 =	vmul.f32 v8, v1  }
0x1e6: {  	v7 =	vld [tilespmem:s11+$0x158D0];
	[tilespmem:s9+$0x158E0] =	vst v6  }
0x1e7: {  	s16 =	sadd.s32 $0x100, s16;
	v6 =	vld [tilespmem:s11+$0x158E0];
	[tilespmem:s9+$0x158F0] =	vst v8;
	s9 =	smov.u32 s11  }
0x1e8: {  	v8 =	vld [tilespmem:s9+$0x158F0];
	_ =	sdelay $0x1  }
0x1e9: {  	v3 =	vmul.f32 v5, v3  }
0x1ea: {  	v4 =	vmul.f32 v7, v4  }
0x1eb: {  	s11 =	rddreg [dreg:$0x1b];
	[tilespmem:s9+$0x158C0] =	vst v3;
	v2 =	vmul.f32 v6, v2  }
0x1ec: {  	s11 =	sadd.s32 s11, s19;
	[tilespmem:s9+$0x158D0] =	vst v4;
	v1 =	vmul.f32 v8, v1  }
0x1ed: {  	s11 =	sshrl.u32 s11, $0x3;
	[tilespmem:s9+$0x158E0] =	vst v2  }
0x1ee: {  	s28 =	sadd.s32 s1, s11;
	[tilespmem:s9+$0x158F0] =	vst v1  }
0x1ef: {  	[hbm4b:s28+s17] =	stream.strided.scatter [tilespmem:s31], [sflag:$0x3], $0x1F40, s5, s17, $0x38;
	[tilespmem:$0x1E280] =	vst v63  }
0x1f0: {  	_ = 	snop  }
0x1f1: {  	[spmem:s0] =	stream.linear.scatter [tilespmem:s31], [sflag:$0x4], $0x1F40, $0x38;
	[tilespmem:$0x1E280] =	vst v63  }
0x1f2: {  	_ = 	snop  }
0x1f3: {  	[spmem:s4] =	stream.linear.scatter [tilespmem:s8], [sflag:$0x4], $0x1F40, $0x38;
	[tilespmem:$0x1E280] =	vst v63  }
0x1f4: {  	_ = 	snop  }
0x1f5: {  	[spmem:s6] =	stream.linear.scatter [tilespmem:s8], [sflag:$0x4], $0x40, $0x38;
	[tilespmem:$0x1E280] =	vst v63  }
0x1f6: {  	_ =	swait.ge [sflag:s14], $0x1F40  }
0x1f7: {  	[sflag:s14] =	ssyncset.done $0x0  }
0x1f8: {  	[sflag:s14] =	ssyncadd.s32 $0xFFFFE0C0  }
0x1f9: {  	_ =	swait.ge [sflag:s18], $0x1F40  }
0x1fa: {  	[sflag:s18] =	ssyncset.done $0x0  }
0x1fb: {  	[sflag:s18] =	ssyncadd.s32 $0xFFFFE0C0  }
0x1fc: {  	_ =	swait.ge [sflag:s18], $0x1F40  }
0x1fd: {  	s13 =	sadd.s32 $0x1, s13;
	[sflag:s18] =	ssyncset.done $0x0  }
0x1fe: {  	p0 =	sne.s32 s13, $0xB;
	[sflag:s18] =	ssyncadd.s32 $0xFFFFE0C0  }
.Ltmp16:
0x1ff: {  	_ =	swait.ge [sflag:s18], $0x40;
	(pc) =	sbr.rel @p0 .LBB2_14-.Ltmp16, $3  }
0x200: {  	[sflag:s18] =	ssyncset.done $0x0  }
0x201: {  	[sflag:s18] =	ssyncadd.s32 $0xFFFFFFC0  }
0x202: {  	[bflag:$0x0] =	sbarrier.arrive $0xFFFF;
	_ =	sdelay $0x1  }
0x203: {  	s16 =	rddreg [dreg:$0x7]  }
0x204: {  	s9 =	rddreg [dreg:$0x1d];
	s16 =	sadd.s32 $0x1, s16  }
0x205: {  	p0 =	sne.s32 s16, s9  }
.Ltmp17:
0x206: {  	_ = 	snop;
	(pc) =	sbr.rel @p0 .LBB2_1-.Ltmp17, $1  }
0x207: {  	_ =	sdelay $0x3  }
0x208: {  	_ =	sfence.sel $0x180000  }
0x209: {  	[bflag:$0x0] =	sbarrier.arrive $0xFFFF  }
0x20a: {  	_ =	strace $0x90000047  }
0x20b: {  	s0 =	stileid.u32;
	[bflag:$0x2] =	sbarrier.arrive $0xFFFF  }
0x20c: {  	p0 =	sne.s32 s0, $0x0;
	s0 =	rddreg [dreg:$0x6]  }
0x20d: {  	s0 =	sadd.s32 @!p0 $0x100000, s0  }
0x20e: {  	[sflag:s0] =	ssyncadd.tile.s32 @!p0 $0x1;
	_ =	shalt  }
.Lfunc_end2:
_tile_overlayer_lowered:
.L_overlay_start_2:
0x20f: {  	(tag) =	ssettag $0x2  }
0x210: {  	s0 =	rddreg [dreg:$0x0];
	s2 =	stileid.u32  }
0x211: {  	s1 =	rddreg [dreg:$0x1];
	p0 =	sne.s32 s2, $0x0  }
0x212: {  	s3 =	rddreg [dreg:$0x2];
	[bflag:$0x3] =	sbarrier.arrive $0xFFFF;
	s2 =	simm.s32 @!p0 $0x1C06  }
0x213: {  	[timem:s3], [sflag:s2] =	dma.local @!p0 [hbm:s0], s1  }
0x214: {  	s0 =	simm.s32 @!p0 $0x6  }
0x215: {  	_ =	swait.ge @!p0 [sflag:s0], s1  }
0x216: {  	s1 =	ssub.s32 @!p0 $0x0, s1;
	[sflag:s0] =	ssyncset.done @!p0 $0x0  }
0x217: {  	[sflag:s0] =	ssyncadd.s32 @!p0 s1  }
0x218: {  	[bflag:$0x3] =	sbarrier.arrive $0xFFFF  }
0x219: {  	_ =	shalt  }

// kernel: sparse-core-data-format-call.cloned.1.call-start
scs
called_computation_lowered:
.L_overlay_start_0:
0x0: {  	s2 =	sld [smem:$0x3FD9]  }
0x1: {  	s3 =	sld [smem:$0x3FFE];
	_ =	sdelay $0x1  }
0x2: {  	s1 =	srdreg.scid  }
0x3: {  	s0 =	sand.u32 $0x1, s1  }
0x4: {  	s18 =	sshll.u32 s0, $0xA;
	s2 =	sadd.s32 s3, s2  }
0x5: {  	s2 =	sadd.s32 s2, s18  }
0x6: {  	[smem:$0x3FC5] =	sst s2  }
0x7: {  	_ = 	snop  }
0x8: {  	s2 =	sld [smem:$0x3FD0];
	(tm) =	ssettm $0x1  }
0x9: {  	s19 =	sld [smem:$0x3FFB];
	_ =	sdelay $0x3  }
0xa: {  	_ =	strace s19  }
0xb: {  	s3 =	sld [smem:$0x3FFC];
	_ =	sdelay $0x3  }
0xc: {  	_ =	strace s3  }
0xd: {  	s3 =	sld [smem:$0x3FFD];
	_ =	sdelay $0x3  }
0xe: {  	_ =	strace s3  }
0xf: {  	_ =	strace $0x8FFFFFFF  }
0x10: {  	s20 =	sld [smem:$0x3FDB];
	_ =	sdelay $0x1  }
0x11: {  	s4 =	simm.s32 $_scs_section_size  }
0x12: {  	s5 =	simm.s32 $_size__tile_overlayer_lowered;
	s6 =	simm.s32 $_tile_overlayer_lowered  }
0x13: {  	s23 =	simm.s32 $0x1BFF;
	s22 =	sshll.u32 s6, $0x1;
	s3 =	sadd.s32 s4, s20  }
0x14: {  	s7 =	simm.s32 $0x0;
	s21 =	sshll.u32 s5, $0x1;
	s5 =	sadd.s32 s22, s3  }
0x15: {  	[timem:s7], [sflag:s23] =	dma.local [hbm:s5], s21  }
0x16: {  	_ =	swait.ge [sflag:s23], s21  }
0x17: {  	s4 =	ssub.s32 $0x0, s21;
	[sflag:s23] =	ssyncset.done $0x0  }
0x18: {  	[sflag:s23] =	ssyncadd.s32 s4;
	_ =	sdelay $0x1  }
0x19: {  	s24 =	simm.s32 $0x1B8B  }
0x1a: {  	_ =	swait.ge [sflag:s24], $0x1  }
0x1b: {  	[sflag:s24] =	ssyncset.done $0x0  }
0x1c: {  	s26 =	simm.s32 $0x1B8E;
	s25 =	sld [smem:$0x3FFE];
	[sflag:s24] =	ssyncadd.s32 $0xFFFFFFFF  }
0x1d: {  	s27 =	simm.s32 $execute0_lowered;
	[smem:$0x3FD2] =	sst s26  }
0x1e: {  	s5 =	sshll.u32 s27, $0x1;
	_ =	strace $0x80000049;
	[dreg:$0x1] =	wrdreg $0xFFFFFFFF  }
0x1f: {  	s28 =	simm.s32 $_size_execute0_lowered;
	s3 =	sadd.s32 s3, s5;
	[dreg:$0x0] =	wrdreg $0x0  }
0x20: {  	s5 =	sshll.u32 s28, $0x1;
	[dreg:$0x2] =	wrdreg s3  }
0x21: {  	[dreg:$0x3] =	wrdreg s5  }
0x22: {  	[dreg:$0x4] =	wrdreg $0xC0  }
0x23: {  	_ =	task [dreg:s7], $0x5FFFF  }
0x24: {  	[dreg:$0x1] =	wrdreg $0xFFFFFFFF  }
0x25: {  	[dreg:$0x0] =	wrdreg $0x60  }
0x26: {  	[dreg:$0x2] =	wrdreg s25  }
0x27: {  	[dreg:$0x3] =	wrdreg s2  }
0x28: {  	[dreg:$0x4] =	wrdreg $0x9  }
0x29: {  	_ =	task.clear_ibuf [dreg:s7], $0x5FFFF;
	_ =	strace $0x90000049  }
0x2a: {  	s29 =	simm.s32 $0x9;
	_ =	strace $0x8000004B  }
0x2b: {  	_ =	swait.ge [sflag:s29], $0x1  }
0x2c: {  	[sflag:s29] =	ssyncadd.s32 $0xFFFFFFFF  }
0x2d: {  	_ =	strace $0x9000004B  }
0x2e: {  	_ =	sfence  }
0x2f: {  	s30 =	sld [smem:$0x0];
	_ =	sdelay $0x2  }
0x30: {  	s31 =	sshll.u32 s1, $0xD;
	s1 =	sshrl.u32 s1, $0x2  }
0x31: {  	s3 =	sand.u32 $0x4000, s31;
	s1 =	sadd.s32 s1, s30  }
0x32: {  	s0 =	sor.u32 s3, s0;
	s1 =	sshll.u32 s1, $0x11  }
0x33: {  	s0 =	sor.u32 s1, s0  }
0x34: {  	s0 =	sadd.s32 $0x8F2B, s0  }
0x35: {  	[sflag:s0] =	ssyncadd.remote.s32 $0x1  }
0x36: {  	_ =	sfence.sel $0xFFFF  }
0x37: {  	[dreg:$0x0] =	wrdreg $0xFFFFFFFF;
	(pc) =	sbr.abs _section_cstart, $3  }
0x38: {  	[dreg:$0x1] =	wrdreg $0xFFFFFFFF  }
0x39: {  	_ =	task.clear_ibuf [dreg:s7], $0x2FFFF;
	_ =	strace $0x9FFFFFFF  }
0x3a: {  	(tm) =	ssettm $0x7FFFFFFF  }
0x3b: {  	_ =	shalt  }
tec
execute0_lowered:
.L_overlay_start_1:
0x0: {  	(tag) =	ssettag $0x1  }
0x1: {  	s5 =	rddreg [dreg:$0x0]  }
0x2: {  	s0 =	srdreg.scid;
	s3 =	rddreg [dreg:$0x1];
	s31 =	simm.s32 $0x2  }
0x3: {  	s8 =	simm.s32 $0x0;
	s9 =	simm.s32 $0x0;
	s1 =	sshll.u32 s0, $0x4  }
0x4: {  	s16 =	simm.s32 $0x0;
	s0 =	stileid.u32;
	s1 =	sand.u32 $0x10, s1  }
0x5: {  	s15 =	simm.s32 $0x0;
	s10 =	simm.s32 $0x0;
	s1 =	sor.u32 s0, s1  }
0x6: {  	s11 =	simm.s32 $0x0;
	s12 =	simm.s32 $0x0;
	s2 =	sshll.u32 s1, $0x7  }
.Ltmp0:
0x7: {  	s14 =	simm.s32 $0x0;
	s4 =	ssub.s32 $0x2700, s2;
	(pc) =	sbr.rel .LBB1_1-.Ltmp0, $4  }
0x8: {  	s23 =	simm.s32 $0x0;
	s1 =	rddreg [dreg:$0x2];
	s6 =	sshrl.u32 s4, $0xC  }
0x9: {  	_ =	strace $0x8000004A;
	s4 =	simm.s32 $0x1;
	s7 =	smul.u32 $0xB, s6  }
0xa: {  	s5 =	sadd.s32 $0x800, s5;
	s13 =	smov.u32 s2;
	[sflag:s4] =	ssyncpa.u1 $0x0  }
0xb: {  	[sflag:s31] =	ssyncpa.u1 $0x0;
	s6 =	sadd.s32 $0xB, s7;
	s7 =	sadd.s32 $0xC, s7  }
.LBB1_11:
0xc: {  	s20 =	sand.u32 $0x1FFFFFF, s11;
	p0 =	sgt.s32 s10, $0xA;
	s21 =	smov.u32 s10  }
0xd: {  	s22 =	smulhi.u32 $0x1A36E2F, s20;
	s21 =	simm.s32 @!p0 $0xA  }
0xe: {  	s17 =	sadd.s32 s17, s21  }
0xf: {  	s27 =	sshrl.u32 s22, $0x6;
	s28 =	sadd.s32 $0xFFFFFFF6, s17  }
0x10: {  	s17 =	ssub.s32 $0xB, s17;
	s21 =	smul.u32 $0x2710, s27;
	p0 =	sgt.s32 s28, $0x0  }
0x11: {  	s29 =	smul.u32 $0x27100, s10;
	s17 =	simm.s32 @p0 $0x0  }
0x12: {  	s20 =	ssub.s32 s20, s21;
	s17 =	smul.u32 s17, s18  }
0x13: {  	s31 =	sadd.s32 s3, s29;
	s30 =	sshll.u32 s20, $0x4  }
0x14: {  	s19 =	sor.u32 $0x8000, s19;
	s17 =	sand.u32 $0x3FFFFF80, s17;
	s18 =	sadd.s32 s30, s31  }
0x15: {  	[hbm4b:s18+s8] =	stream.linear.scatter [tilespmem:s19], [sflag:$0x2], s17, $0x38;
	[tilespmem:$0x10000] =	vst v63  }
.LBB1_12:
0x16: {  	p0 =	slt.u32 s14, $0x2  }
0x17: {  	p1 =	sgt.s32 @!p0 s16, $0xA  }
0x18: {  	s17 =	smov.u32 s16;
	s18 =	sshra.s32 @!p0 s16, $0x1F;
	p1 =	por !p1, p0  }
0x19: {  	s19 =	sshra.s32 @!p0 s15, $0x1F;
	s17 =	simm.s32 @p1 $0xA;
	p1 =	sgt.s32 @!p0 s15, $0x2690  }
0x1a: {  	s16 =	sand.u32 @!p0 s18, s16;
	s18 =	smov.u32 s15;
	p1 =	por !p1, p0  }
0x1b: {  	s15 =	sand.u32 @!p0 s19, s15;
	s18 =	simm.s32 @p1 $0x2690  }
0x1c: {  	s19 =	smov.u32 s13;
	s16 =	ssub.s32 @!p0 s17, s16;
	s15 =	ssub.s32 @!p0 s18, s15  }
0x1d: {  	s17 =	sadd.s32 @!p0 $0xFFFFFFF6, s16;
	s16 =	ssub.s32 @!p0 $0xB, s16;
	s15 =	sadd.s32 @!p0 $0xFFFFD970, s15  }
0x1e: {  	p1 =	sgt.s32 @!p0 s17, $0x0;
	p2 =	sgt.s32 @!p0 s15, $0x7F;
	s15 =	sshll.u32 @!p0 s15, $0x7  }
0x1f: {  	p1 =	por !p1, p0;
	s15 =	ssub.s32 @!p0 $0x4000, s15;
	p2 =	por !p2, p0  }
0x20: {  	s17 =	sadd.s32 $0x1, s12;
	s16 =	simm.s32 @!p1 $0x0;
	s15 =	simm.s32 @!p2 $0x0  }
0x21: {  	p1 =	sgt.s32 s17, $0xA;
	s15 =	smul.u32 @!p0 s16, s15;
	s16 =	sadd.s32 $0x1000, s13  }
0x22: {  	s19 =	smov.u32 @p1 s16  }
0x23: {  	s17 =	simm.s32 @p1 $0x0;
	p1 =	sgt.s32 s19, $0x270F  }
0x24: {  	s19 =	smov.u32 @p1 s2;
	p1 =	sne.s32 s14, s7  }
.Ltmp1:
0x25: {  	s9 =	sadd.s32 $0x4000, s9;
	s18 =	simm.s32 @!p0 $0x2;
	(pc) =	sbr.rel @!p1 .LBB1_13-.Ltmp1, $4  }
0x26: {  	s16 =	smov.u32 s10;
	s10 =	smov.u32 s12;
	s15 =	sand.u32 @!p0 $0x3FFFFF80, s15  }
0x27: {  	s12 =	smov.u32 s17;
	_ =	swait.ge @!p0 [sflag:s18], s15;
	s20 =	ssub.s32 @!p0 $0x0, s15  }
0x28: {  	s15 =	smov.u32 s11;
	s14 =	sadd.s32 $0x1, s14;
	[sflag:s18] =	ssyncset.done @!p0 $0x0  }
0x29: {  	s11 =	smov.u32 s13;
	s13 =	smov.u32 s19;
	[sflag:s18] =	ssyncadd.s32 @!p0 s20  }
.LBB1_1:
0x2a: {  	p0 =	sge.u32 s14, s6  }
0x2b: {  	p1 =	sgt.s32 @!p0 s13, $0x2690  }
0x2c: {  	s17 =	smov.u32 s13;
	s19 =	smov.u32 s12;
	p1 =	por !p1, p0  }
0x2d: {  	s18 =	sshra.s32 @!p0 s13, $0x1F;
	s17 =	simm.s32 @p1 $0x2690;
	p1 =	sgt.s32 @!p0 s12, $0xF  }
0x2e: {  	s20 =	sshra.s32 @!p0 s12, $0x1F;
	s18 =	sand.u32 @!p0 s18, s13;
	p1 =	por !p1, p0  }
0x2f: {  	s17 =	ssub.s32 @!p0 s17, s18;
	s18 =	sand.u32 @!p0 s20, s12;
	s19 =	simm.s32 @p1 $0xF  }
0x30: {  	s20 =	sshll.u32 @!p0 s12, $0x4;
	s17 =	sadd.s32 @!p0 $0xFFFFD970, s17;
	s18 =	ssub.s32 @!p0 s19, s18  }
0x31: {  	p1 =	sgt.s32 @!p0 s17, $0x7F;
	s17 =	sshll.u32 @!p0 s17, $0x7;
	s19 =	sadd.s32 @!p0 $0xFFFFFFF1, s18  }
0x32: {  	s18 =	ssub.s32 @!p0 $0x10, s18;
	s17 =	ssub.s32 @!p0 $0x4000, s17;
	p2 =	sgt.s32 @!p0 s19, $0x0  }
0x33: {  	p1 =	por !p1, p0;
	s19 =	sxor.u32 @!p0 $0xFFFFFFFF, s14;
	p2 =	por !p2, p0  }
0x34: {  	s17 =	simm.s32 @!p1 $0x0;
	s19 =	sshll.u32 @!p0 s19, $0xE;
	s18 =	simm.s32 @!p2 $0x0  }
0x35: {  	s17 =	smul.u32 @!p0 s18, s17;
	s18 =	sand.u32 @!p0 $0x4000, s19;
	s19 =	sshll.u32 @!p0 s13, $0x8  }
0x36: {  	s21 =	simm.s32 @!p0 $0x800;
	s20 =	sand.u32 @!p0 $0xF0, s20;
	s19 =	sadd.s32 @!p0 s5, s19  }
0x37: {  	s17 =	sand.u32 @!p0 $0x3FFFFF80, s17;
	s19 =	sadd.s32 @!p0 s20, s19;
	s20 =	simm.s32 @!p0 $0x80  }
0x38: {  	[tilespmem:s18], [sflag:$0x1] =	stream.strided.gather @!p0 [hbm4b:s19+s20], s17, s21, s20, $0x38;
	[tilespmem:$0x10000] =	vst v63  }
0x39: {  	p0 =	seq.s32 s14, $0x0  }
0x3a: {  	p1 =	sge.u32 @!p0 s14, s7  }
0x3b: {  	p0 =	por p0, p1  }
.Ltmp2:
0x3c: {  	_ = 	snop;
	(pc) =	sbr.rel @p0 .LBB1_12-.Ltmp2, $1  }
0x3d: {  	_ =	sdelay $0x3  }
0x3e: {  	p0 =	sgt.s32 s11, $0x2690;
	s17 =	smov.u32 s11;
	s18 =	sshra.s32 s11, $0x1F  }
0x3f: {  	s19 =	ssub.s32 $0x0, s10;
	s17 =	simm.s32 @!p0 $0x2690;
	s18 =	sand.u32 s18, s11  }
0x40: {  	s20 =	sshra.s32 s10, $0x1F;
	s21 =	smov.u32 s10;
	s18 =	ssub.s32 s17, s18  }
0x41: {  	p0 =	sgt.s32 s10, $0xF;
	s17 =	sand.u32 s19, s20;
	s18 =	sadd.s32 $0xFFFFD970, s18  }
0x42: {  	s21 =	simm.s32 @!p0 $0xF;
	p0 =	sgt.s32 s18, $0x7F;
	s18 =	sshll.u32 s18, $0x7  }
0x43: {  	s20 =	sadd.s32 $0x80, s11;
	s19 =	sadd.s32 s17, s21;
	s18 =	ssub.s32 $0x4000, s18  }
0x44: {  	s21 =	sadd.s32 $0x1, s10;
	s18 =	simm.s32 @p0 $0x0;
	p0 =	slt.s32 s20, $0x2710  }
0x45: {  	s30 =	sadd.s32 $0xFFFFFFF1, s19;
	s20 =	simm.s32 @!p0 $0x2710;
	p0 =	slt.s32 s21, $0xB  }
0x46: {  	s19 =	ssub.s32 $0x10, s19;
	s20 =	ssub.s32 s20, s11;
	s21 =	simm.s32 @!p0 $0xB  }
0x47: {  	p1 =	sgt.s32 s30, $0x0;
	s21 =	ssub.s32 s21, s10;
	p0 =	slt.s32 s20, $0x1  }
0x48: {  	s19 =	simm.s32 @p1 $0x0;
	p1 =	slt.s32 @!p0 s21, $0x1  }
0x49: {  	s19 =	smul.u32 s19, s18;
	p0 =	por p0, p1  }
.Ltmp3:
0x4a: {  	_ = 	snop;
	(pc) =	sbr.rel @p0 .LBB1_11-.Ltmp3, $4  }
0x4b: {  	s19 =	sand.u32 $0x3FFFFF80, s19  }
0x4c: {  	_ =	swait.ge [sflag:s4], s19  }
0x4d: {  	s31 =	sshll.u32 s14, $0xE;
	s22 =	ssub.s32 $0x0, s19;
	[sflag:s4] =	ssyncset.done $0x0  }
0x4e: {  	s19 =	sand.u32 $0x4000, s31;
	[sflag:s4] =	ssyncadd.s32 s22  }
0x4f: {  	s22 =	sshll.u32 s9, $0x2  }
0x50: {  	s22 =	sand.u32 $0x10000, s22  }
0x51: {  	s22 =	sshrl.u32 s22, $0x2  }
0x52: {  	s24 =	simm.s32 $0x0;
	s25 =	simm.s32 $0x0;
	s22 =	sadd.s32 $0x8040, s22  }
.LBB1_4:
0x53: {  	s27 =	sshll.u32 s25, $0x7  }
0x54: {  	p1 =	sne.s32 s21, $0x1;
	s27 =	sadd.s32 s27, s19  }
.Ltmp4:
0x55: {  	v0 =	vmov s27;
	(pc) =	sbr.rel @!p1 .LBB1_5-.Ltmp4, $3  }
0x56: {  	_ =	sdelay $0x1  }
0x57: {  	s26 =	sand.u32 $0x3F80, s24;
	s28 =	sand.u32 $0x380, s23  }
0x58: {  	p0 =	por $0x0, $0x0;
	s26 =	sadd.s32 s26, s22;
	s27 =	sadd.s32 $0xFFFFFFFF, s21  }
0x59: {  	_ =	sdelay $0x3  }
0x5a: {  	v6 =	vld.idx.msk [tilespmem:v0+s28+$0x70 ss:$0x1], $0xffff  }
0x5b: {  	v7 =	vld.idx.msk [tilespmem:v0+s28+$0x0 ss:$0x1], $0xffff  }
0x5c: {  	v1 =	vld.idx.msk [tilespmem:v0+s28+$0x10 ss:$0x1], $0xffff;
	p1 =	sne.s32 s27, $0x1  }
.Ltmp5:
0x5d: {  	v2 =	vld.idx.msk [tilespmem:v0+s28+$0x20 ss:$0x1], $0xffff;
	(pc) =	sbr.rel @!p1 .LBB1_7-.Ltmp5, $4  }
0x5e: {  	v3 =	vld.idx.msk [tilespmem:v0+s28+$0x30 ss:$0x1], $0xffff  }
0x5f: {  	v4 =	vld.idx.msk [tilespmem:v0+s28+$0x40 ss:$0x1], $0xffff  }
0x60: {  	v5 =	vld.idx.msk [tilespmem:v0+s28+$0x50 ss:$0x1], $0xffff;
	s30 =	simm.s32 $0x80;
	s31 =	sadd.s32 $0xFFFFFFFF, s27;
	[tilespmem:s26+$0x30] =	vst v6  }
0x61: {  	p0 =	por $0x1, $0x1;
	s27 =	smov.u32 s26;
	s29 =	sand.u32 $0x380, s30;
	[tilespmem:s26+$0xFFFFFFC0] =	vst v7;
	v6 =	vld.idx.msk [tilespmem:v0+s28+$0x60 ss:$0x1], $0xffff  }
.LBB1_8:
0x62: {  	p1 =	sne.s32 s31, $0x1;
	v7 =	vld.idx.msk [tilespmem:v0+s29+$0x70 ss:$0x1], $0xffff;
	[tilespmem:s27+$0xFFFFFFD0] =	vst v1  }
0x63: {  	v8 =	vld.idx.msk [tilespmem:v0+s29+$0x0 ss:$0x1], $0xffff;
	[tilespmem:s27+$0xFFFFFFE0] =	vst v2  }
0x64: {  	v1 =	vld.idx.msk [tilespmem:v0+s29+$0x10 ss:$0x1], $0xffff;
	[tilespmem:s27+$0xFFFFFFF0] =	vst v3  }
.Ltmp6:
0x65: {  	v2 =	vld.idx.msk [tilespmem:v0+s29+$0x20 ss:$0x1], $0xffff;
	[tilespmem:s27+$0x0] =	vst v4;
	(pc) =	sbr.rel @p1 .LBB1_8-.Ltmp6, $4  }
0x66: {  	v3 =	vld.idx.msk [tilespmem:v0+s29+$0x30 ss:$0x1], $0xffff;
	[tilespmem:s27+$0x10] =	vst v5  }
0x67: {  	v4 =	vld.idx.msk [tilespmem:v0+s29+$0x40 ss:$0x1], $0xffff;
	[tilespmem:s27+$0x20] =	vst v6;
	s27 =	sadd.s32 $0x4000, s27  }
0x68: {  	s30 =	sadd.s32 $0x80, s30;
	v5 =	vld.idx.msk [tilespmem:v0+s29+$0x50 ss:$0x1], $0xffff;
	[tilespmem:s27+$0x30] =	vst v7  }
0x69: {  	s31 =	sadd.s32 $0xFFFFFFFF, s31;
	[tilespmem:s27+$0xFFFFFFC0] =	vst v8;
	v6 =	vld.idx.msk [tilespmem:v0+s29+$0x60 ss:$0x1], $0xffff;
	s29 =	sand.u32 $0x380, s30  }
0x6a: {  	s28 =	smov.u32 s29  }
.LBB1_10:
0x6b: {  	_ =	sdelay $0x2  }
0x6c: {  	[tilespmem:s27+$0xFFFFFFD0] =	vst @p0 v1  }
0x6d: {  	v56 =	vld.idx.msk [tilespmem:v0+s28+$0x70 ss:$0x1], $0xffff;
	[tilespmem:s27+$0xFFFFFFE0] =	vst @p0 v2  }
0x6e: {  	v57 =	vld.idx.msk [tilespmem:v0+s28+$0x0 ss:$0x1], $0xffff;
	[tilespmem:s27+$0xFFFFFFF0] =	vst @p0 v3  }
0x6f: {  	v58 =	vld.idx.msk [tilespmem:v0+s28+$0x10 ss:$0x1], $0xffff;
	[tilespmem:s27+$0x0] =	vst @p0 v4  }
0x70: {  	v59 =	vld.idx.msk [tilespmem:v0+s28+$0x20 ss:$0x1], $0xffff;
	s29 =	sadd.s32 @p0 $0x4000, s27;
	[tilespmem:s27+$0x10] =	vst @p0 v5  }
0x71: {  	v60 =	vld.idx.msk [tilespmem:v0+s28+$0x30 ss:$0x1], $0xffff;
	s26 =	smov.u32 @p0 s29;
	[tilespmem:s27+$0x20] =	vst @p0 v6  }
0x72: {  	v61 =	vld.idx.msk [tilespmem:v0+s28+$0x40 ss:$0x1], $0xffff;
	[tilespmem:s26+$0x30] =	vst v56  }
0x73: {  	v62 =	vld.idx.msk [tilespmem:v0+s28+$0x50 ss:$0x1], $0xffff;
	s25 =	sadd.s32 $0x1, s25;
	[tilespmem:s26+$0xFFFFFFC0] =	vst v57  }
0x74: {  	v63 =	vld.idx.msk [tilespmem:v0+s28+$0x60 ss:$0x1], $0xffff;
	p0 =	sne.s32 s25, s20;
	[tilespmem:s26+$0xFFFFFFD0] =	vst v58  }
.Ltmp7:
0x75: {  	[tilespmem:s26+$0xFFFFFFE0] =	vst v59;
	(pc) =	sbr.rel @p0 .LBB1_4-.Ltmp7, $4  }
.Ltmp8:
0x76: {  	[tilespmem:s26+$0xFFFFFFF0] =	vst v60;
	(pc) =	sbr.rel @!p0 .LBB1_11-.Ltmp8, $4  }
0x77: {  	[tilespmem:s26+$0x0] =	vst v61  }
0x78: {  	[tilespmem:s26+$0x10] =	vst v62  }
0x79: {  	s24 =	sadd.s32 $0x80, s24;
	[tilespmem:s26+$0x20] =	vst v63  }
0x7a: {  	_ = 	snop  }
.LBB1_5:
.Ltmp9:
0x7b: {  	(pc) =	sbr.rel .LBB1_10-.Ltmp9, $2  }
0x7c: {  	_ =	sdelay $0x2  }
0x7d: {  	s27 =	smov.u32 s26  }
.LBB1_7:
.Ltmp10:
0x7e: {  	(pc) =	sbr.rel .LBB1_10-.Ltmp10, $2  }
0x7f: {  	_ =	sdelay $0x2  }
0x80: {  	s28 =	smov.u32 s29;
	s27 =	smov.u32 s26  }
.LBB1_13:
0x81: {  	_ =	sfence.sel $0x180000  }
0x82: {  	s2 =	simm.s32 $0x1;
	[bflag:$0x0] =	sbarrier.arrive $0xFFFF  }
0x83: {  	s31 =	simm.s32 $0x2;
	[sflag:s2] =	ssyncpa.u1 $0x1  }
0x84: {  	[sflag:s31] =	ssyncpa.u1 $0x1  }
0x85: {  	p0 =	sne.s32 s0, $0x0;
	_ =	strace $0x9000004A  }
0x86: {  	s0 =	sadd.s32 @!p0 $0x100000, s1;
	[bflag:$0x2] =	sbarrier.arrive $0xFFFF  }
0x87: {  	[sflag:s0] =	ssyncadd.tile.s32 @!p0 $0x1;
	_ =	shalt  }
.Lfunc_end1:
_tile_overlayer_lowered:
.L_overlay_start_2:
0x88: {  	(tag) =	ssettag $0x2  }
0x89: {  	s0 =	rddreg [dreg:$0x0];
	s2 =	stileid.u32  }
0x8a: {  	s1 =	rddreg [dreg:$0x1];
	p0 =	sne.s32 s2, $0x0  }
0x8b: {  	s3 =	rddreg [dreg:$0x2];
	[bflag:$0x3] =	sbarrier.arrive $0xFFFF;
	s2 =	simm.s32 @!p0 $0x1C01  }
0x8c: {  	[timem:s3], [sflag:s2] =	dma.local @!p0 [hbm:s0], s1  }
0x8d: {  	s0 =	simm.s32 @!p0 $0x1  }
0x8e: {  	_ =	swait.ge @!p0 [sflag:s0], s1  }
0x8f: {  	s1 =	ssub.s32 @!p0 $0x0, s1;
	[sflag:s0] =	ssyncset.done @!p0 $0x0  }
0x90: {  	[sflag:s0] =	ssyncadd.s32 @!p0 s1  }
0x91: {  	[bflag:$0x3] =	sbarrier.arrive $0xFFFF  }
0x92: {  	_ =	shalt  }

</sc_bundles>
